<compile_context>
chip_gen: v7x
topology: tpu7x:2x2x1
jax: 0.10.2.dev20260603
libtpu: 0.0.44.dev20260713+nightly
codegen_flags: <defaults>
</compile_context>

<pallas_src>
import functools

import jax
import jax.numpy as jnp
from jax import lax
from jax.experimental import pallas as pl
from jax.experimental.pallas import tpu as pltpu
from jax.experimental.pallas import tpu_sc as plsc

N = 10000
E = 320000
D_IN = 128
F1, F2, F3 = 128, 64, 32
BNN = 16

NC, NS = 2, 16
CH = 128
K0, K1 = 80, 80
C0TOT = NS * K0
CHT = NS * (K0 + K1)
EP = CHT * CH
NP = 10112
RPT = NP // NS

_ZCH = [(0, 128), (128, 128), (256, 128), (384, 128), (512, RPT - 512)]


def _make_scatter(F, nbuf, slabs0, slabs1, dtype=jnp.bfloat16, gather=True,
                  resident=False):
    SLM = max(slabs0 + slabs1)
    LW = 32 if dtype == jnp.bfloat16 else 16
    mesh = plsc.VectorSubcoreMesh(core_axis_name="c", subcore_axis_name="s")
    sems = [pltpu.SemaphoreType.DMA] * (2 * nbuf)
    bufs_t = [pltpu.VMEM((CH, F), dtype)] * nbuf
    tab_t = [pltpu.VMEM_SHARED((NP, F), dtype)] if resident else []

    @functools.partial(
        pl.kernel,
        out_type=jax.ShapeDtypeStruct((NC, NP, F), dtype),
        mesh=mesh,
        compiler_params=pltpu.CompilerParams(use_tc_tiling_on_sc=False),
        scratch_types=[
            pltpu.VMEM((SLM, CH), jnp.int32),
            pltpu.VMEM((SLM, CH), jnp.int32),
            pltpu.VMEM_SHARED((NP, F), dtype),
        ] + tab_t + bufs_t + sems,
    )
    def k(h_hbm, src_hbm, dst_hbm, out_hbm, src_v, dst_v, acc_sh, *rest):
        if resident:
            tab_sh, rest = rest[0], rest[1:]
        bufs = rest[:nbuf]
        sg = rest[nbuf:2 * nbuf]
        ss = rest[2 * nbuf:]
        gsrc = tab_sh if resident else h_hbm
        c = lax.axis_index("c")
        s = lax.axis_index("s")
        fill = 1.0 if not gather else 0.0
        zb = bufs[1] if not gather else bufs[0]

        def zbody(i, carry):
            for j in range(F // LW):
                bufs[0][i, pl.ds(j * LW, LW)] = jnp.full((LW,), fill, dtype)
                if zb is not bufs[0]:
                    zb[i, pl.ds(j * LW, LW)] = jnp.zeros((LW,), dtype)
            return carry

        lax.fori_loop(0, CH, zbody, 0)
        base = s * RPT
        for off, sz in _ZCH:
            pltpu.sync_copy(zb.at[pl.ds(0, sz)],
                            acc_sh.at[pl.ds(base + off, sz)])
        if resident:
            NLAST = N - (NS - 1) * RPT

            @pl.when(s < NS - 1)
            def _stage_full():
                pltpu.sync_copy(h_hbm.at[pl.ds(base, RPT)],
                                tab_sh.at[pl.ds(base, RPT)])

            @pl.when(s == NS - 1)
            def _stage_last():
                pltpu.sync_copy(h_hbm.at[pl.ds((NS - 1) * RPT, NLAST)],
                                tab_sh.at[pl.ds((NS - 1) * RPT, NLAST)])
        plsc.subcore_barrier()

        def run_slab(cstart, SL):
            pltpu.sync_copy(src_hbm.at[pl.ds(cstart, SL)],
                            src_v.at[pl.ds(0, SL)])
            pltpu.sync_copy(dst_hbm.at[pl.ds(cstart, SL)],
                            dst_v.at[pl.ds(0, SL)])

            if gather:
                for u in range(nbuf):
                    pltpu.async_copy(gsrc.at[src_v.at[u]], bufs[u], sg[u])

                def body(t, carry):
                    for u in range(nbuf):
                        j = nbuf * t + u
                        pltpu.make_async_copy(
                            gsrc.at[src_v.at[j]], bufs[u], sg[u]).wait()
                        pltpu.async_copy(bufs[u], acc_sh.at[dst_v.at[j]],
                                         ss[u], add=True)

                    @pl.when(t < SL // nbuf - 1)
                    def _prefetch():
                        for u in range(nbuf):
                            jn = nbuf * t + nbuf + u
                            pltpu.make_async_copy(
                                bufs[u], acc_sh.at[dst_v.at[0]], ss[u]).wait()
                            pltpu.async_copy(gsrc.at[src_v.at[jn]],
                                             bufs[u], sg[u])
                    return carry

                lax.fori_loop(0, SL // nbuf, body, 0)
            else:
                def body(t, carry):
                    for u in range(nbuf):
                        j = nbuf * t + u

                        @pl.when(t > 0)
                        def _drain():
                            pltpu.make_async_copy(
                                bufs[0], acc_sh.at[dst_v.at[0]], ss[u]).wait()

                        pltpu.async_copy(bufs[0], acc_sh.at[dst_v.at[j]],
                                         ss[u], add=True)
                    return carry

                lax.fori_loop(0, SL // nbuf, body, 0)

            for u in range(nbuf):
                pltpu.make_async_copy(bufs[0], acc_sh.at[dst_v.at[0]],
                                      ss[u]).wait()

        @pl.when(c == 0)
        def _core0():
            off = 0
            for SL in slabs0:
                run_slab(s * K0 + off, SL)
                off += SL

        @pl.when(c == 1)
        def _core1():
            off = 0
            for SL in slabs1:
                run_slab(C0TOT + s * K1 + off, SL)
                off += SL

        plsc.subcore_barrier()
        pltpu.sync_copy(acc_sh.at[pl.ds(base, RPT)],
                        out_hbm.at[c, pl.ds(base, RPT)])

    return k


_scatter16 = _make_scatter(16, 4, [K0], [K1], dtype=jnp.float32, gather=False)
_scatter128 = _make_scatter(F1, 2, [K0], [K1], resident=True)
_scatter64 = _make_scatter(F2, 4, [K0], [K1], resident=True)
_scatter32 = _make_scatter(F3, 4, [K0], [K1], resident=True)

_R = 2000


def _prologue(parts16, x, W1):
    def body(p_ref, x_ref, w_ref, dinv_ref, h1p_ref):
        deg = p_ref[0] + p_ref[1] + 1.0
        dinv = lax.rsqrt(deg)
        dinv_ref[...] = dinv
        h = jnp.dot(x_ref[...], w_ref[...], preferred_element_type=jnp.float32)
        h1p_ref[...] = (h * dinv[:, :1]).astype(jnp.bfloat16)

    return pl.pallas_call(
        body,
        grid=(N // _R,),
        in_specs=[
            pl.BlockSpec((2, _R, 16), lambda i: (0, i, 0)),
            pl.BlockSpec((_R, D_IN), lambda i: (i, 0)),
            pl.BlockSpec((D_IN, F1), lambda i: (0, 0)),
        ],
        out_specs=[
            pl.BlockSpec((_R, 16), lambda i: (i, 0)),
            pl.BlockSpec((_R, F1), lambda i: (i, 0)),
        ],
        out_shape=[
            jax.ShapeDtypeStruct((N, 16), jnp.float32),
            jax.ShapeDtypeStruct((N, F1), jnp.bfloat16),
        ],
    )(parts16, x, W1)


def _epilogue(parts, hp, dinv16, b, Wn):
    F = hp.shape[1]
    Fn = Wn.shape[1]

    def body(p_ref, hp_ref, dinv_ref, b_ref, w_ref, o_ref):
        d = dinv_ref[...][:, :1]
        ssum = (p_ref[0].astype(jnp.float32) + p_ref[1].astype(jnp.float32)
                + hp_ref[...].astype(jnp.float32))
        z = d * ssum + b_ref[...]
        h = jnp.maximum(z, 0.0)
        o = d * jnp.dot(h, w_ref[...], preferred_element_type=jnp.float32)
        o_ref[...] = o.astype(jnp.bfloat16)

    return pl.pallas_call(
        body,
        grid=(N // _R,),
        in_specs=[
            pl.BlockSpec((2, _R, F), lambda i: (0, i, 0)),
            pl.BlockSpec((_R, F), lambda i: (i, 0)),
            pl.BlockSpec((_R, 16), lambda i: (i, 0)),
            pl.BlockSpec((1, F), lambda i: (0, 0)),
            pl.BlockSpec((F, Fn), lambda i: (0, 0)),
        ],
        out_specs=pl.BlockSpec((_R, Fn), lambda i: (i, 0)),
        out_shape=jax.ShapeDtypeStruct((N, Fn), jnp.bfloat16),
    )(parts, hp, dinv16, b, Wn)


def _final(parts, h3p, dinv16, b3, Watt, fcW, fcb, sW, sb):
    def body(p_ref, hp_ref, dinv_ref, b_ref, watt_ref, fcw_ref, fcb_ref,
             sw_ref, sb_ref, o_ref):
        d = dinv_ref[...][:, :1]
        h3 = d * (p_ref[0].astype(jnp.float32) + p_ref[1].astype(jnp.float32)
                  + hp_ref[...].astype(jnp.float32)) + b_ref[...]
        gc = jnp.dot(jnp.mean(h3, axis=0, keepdims=True), watt_ref[...])
        tg = jnp.tanh(gc)
        sig = 1.0 / (1.0 + jnp.exp(-jnp.sum(h3 * tg, axis=1, keepdims=True)))
        rep = jnp.sum(h3 * sig, axis=0, keepdims=True)
        s2 = jnp.maximum(
            jnp.dot(rep, fcw_ref[...], preferred_element_type=jnp.float32)
            + fcb_ref[...], 0.0)
        o = 1.0 / (1.0 + jnp.exp(
            -(jnp.dot(s2, sw_ref[...], preferred_element_type=jnp.float32)
              + sb_ref[...])))
        o_ref[...] = o

    return pl.pallas_call(
        body,
        out_shape=jax.ShapeDtypeStruct((1, 1), jnp.float32),
    )(parts, h3p, dinv16, b3, Watt, fcW, fcb, sW, sb)


def kernel(features_1, edge_index_1, W1, b1, W2, b2, W3, b3, Watt, fcW, fcb, sW, sb):
    ei = edge_index_1.astype(jnp.int32)
    src, dst = ei[0], ei[1]
    pad = EP - E
    srcp = jnp.concatenate([src, jnp.zeros((pad,), jnp.int32)]).reshape(CHT, CH)
    dstp = jnp.concatenate([dst, jnp.full((pad,), N, jnp.int32)]).reshape(CHT, CH)

    dummy16 = jnp.zeros((N, 16), jnp.float32)
    degp = _scatter16(dummy16, srcp, dstp)[:, :N]

    dinv16, h1p = _prologue(degp, features_1, W1)
    s1 = _scatter128(h1p, srcp, dstp)[:, :N]
    h2p = _epilogue(s1, h1p, dinv16, b1.reshape(1, F1), W2)
    s2 = _scatter64(h2p, srcp, dstp)[:, :N]
    h3p = _epilogue(s2, h2p, dinv16, b2.reshape(1, F2), W3)
    s3 = _scatter32(h3p, srcp, dstp)[:, :N]
    return _final(s3, h3p, dinv16, b3.reshape(1, F3), Watt, fcW,
                  fcb.reshape(1, BNN), sW, sb.reshape(1, 1))

# --- scband reference (transcript-rebuilt; emitter-appended) ---
"""Pipeline reference for scband-hyb-gnn-8546984919551 (READ-ONLY COPY).

The authoritative reference and input builder live on the scoring server;
editing this copy changes nothing except your own understanding.
"""

import jax, jax.numpy as jnp
import numpy as np

N = 10000
E = 320000
D_IN = 128
F1, F2, F3 = 128, 64, 32
BNN = 16


def setup_inputs(seed: int = 0) -> dict:
    key = jax.random.key(seed)
    ks = jax.random.split(key, 14)
    s = 0.05
    return {
        "features_1": jax.random.normal(ks[0], (N, D_IN), dtype=jnp.float32),
        "edge_index_1": jax.random.randint(ks[1], (2, E), 0, N),
        "W1": jax.random.normal(ks[2], (D_IN, F1), dtype=jnp.float32) * s,
        "b1": jnp.zeros((F1,), dtype=jnp.float32),
        "W2": jax.random.normal(ks[3], (F1, F2), dtype=jnp.float32) * s,
        "b2": jnp.zeros((F2,), dtype=jnp.float32),
        "W3": jax.random.normal(ks[4], (F2, F3), dtype=jnp.float32) * s,
        "b3": jnp.zeros((F3,), dtype=jnp.float32),
        "Watt": jax.random.normal(ks[5], (F3, F3), dtype=jnp.float32) * s,
        "fcW": jax.random.normal(ks[6], (F3, BNN), dtype=jnp.float32) * s,
        "fcb": jnp.zeros((BNN,), dtype=jnp.float32),
        "sW": jax.random.normal(ks[7], (BNN, 1), dtype=jnp.float32) * s,
        "sb": jnp.zeros((1,), dtype=jnp.float32),
    }


def _gcn_layer(x, edge_index, W, b):
    n = x.shape[0]
    src = edge_index[0]
    dst = edge_index[1]
    sl = jnp.arange(n, dtype=src.dtype)
    src = jnp.concatenate([src, sl])
    dst = jnp.concatenate([dst, sl])
    deg = jax.ops.segment_sum(jnp.ones(src.shape[0], dtype=jnp.float32), dst, num_segments=n)
    dinv = jnp.where(deg > 0, deg ** -0.5, 0.0)
    norm = dinv[src] * dinv[dst]
    h = x @ W
    msg = jnp.take(h, src, axis=0) * norm[:, None]
    out = jax.ops.segment_sum(msg, dst, num_segments=n)
    return out + b


def _attention(x, Watt):
    # SimGNN AttentionModule: global context -> sigmoid scores -> weighted sum
    global_context = jnp.mean(x @ Watt, axis=0)
    tg = jnp.tanh(global_context)
    sigmoid_scores = jax.nn.sigmoid(x @ tg[:, None])  # [N, 1]
    representation = x.T @ sigmoid_scores  # [F3, 1]
    return representation


def reference(features_1, edge_index_1, W1, b1, W2, b2, W3, b3, Watt, fcW, fcb, sW, sb):
    # convolutional_pass (eval mode: dropout is identity)
    h = jax.nn.relu(_gcn_layer(features_1, edge_index_1, W1, b1))
    h = jax.nn.relu(_gcn_layer(h, edge_index_1, W2, b2))
    h = _gcn_layer(h, edge_index_1, W3, b3)
    # histogram == False branch
    pooled = _attention(h, Watt)  # [F3, 1]
    scores = pooled.T  # [1, F3]
    scores = jax.nn.relu(scores @ fcW + fcb)
    score = jax.nn.sigmoid(scores @ sW + sb)
    return score

if __name__ == "__main__":
    import jax
    _d = setup_inputs()
    print(jax.jit(kernel)(*tuple(_d.values())))

</pallas_src>

<mosaic_0001>
#map = affine_map<(d0, d1) -> (0, 0)>
#map1 = affine_map<(d0, d1) -> (0, 0, 0)>
module attributes {stable_mosaic.version = 14 : i64} {
  func.func @k(%arg0: i32, %arg1: i32, %arg2: memref<10000x128xbf16, #tpu.memory_space<hbm>>, %arg3: memref<2560x128xi32, #tpu.memory_space<hbm>>, %arg4: memref<2560x128xi32, #tpu.memory_space<hbm>>, %arg5: memref<2x10112x128xbf16, #tpu.memory_space<hbm>>, %arg6: memref<80x128xi32, #tpu.memory_space<vmem>>, %arg7: memref<80x128xi32, #tpu.memory_space<vmem>>, %arg8: memref<10112x128xbf16, #tpu.memory_space<vmem_shared>>, %arg9: memref<10112x128xbf16, #tpu.memory_space<vmem_shared>>, %arg10: memref<128x128xbf16, #tpu.memory_space<vmem>>, %arg11: memref<128x128xbf16, #tpu.memory_space<vmem>>, %arg12: memref<!tpu.dma_semaphore, #tpu.memory_space<semaphore_mem>>, %arg13: memref<!tpu.dma_semaphore, #tpu.memory_space<semaphore_mem>>, %arg14: memref<!tpu.dma_semaphore, #tpu.memory_space<semaphore_mem>>, %arg15: memref<!tpu.dma_semaphore, #tpu.memory_space<semaphore_mem>>) attributes {dimension_semantics = [#tpu.dimension_semantics<core_parallel>, #tpu.dimension_semantics<subcore_parallel>], iteration_bounds = array<i64: 2, 16>, scalar_prefetch = 0 : i64, scratch_operands = 10 : i64, tpu.core_type = #tpu.core_type<sc_vector_subcore>, window_params = [{transform_indices = #map}, {transform_indices = #map}, {transform_indices = #map}, {transform_indices = #map1}]} {
    %scan3A = arith.constant 0 : i32
    %scan3A_0 = arith.constant 0 : i32
    %scan3A_1 = arith.constant 128 : i32
    %scan3A_2 = arith.addi %scan3A_0, %scan3A_1 : i32
    %scan3A_3 = arith.constant 1 : i32
    scf.for %scan3A_32 = %scan3A_0 to %scan3A_2 step %scan3A_3  : i32 {
      %broadcast_in_dim3A = arith.constant 0.000000e+00 : bf16
      %broadcast_in_dim3A_33 = vector.broadcast %broadcast_in_dim3A : bf16 to vector<32xbf16>
      %swap3A = arith.index_cast %scan3A_32 : i32 to index
      %swap3A_34 = arith.constant 0 : index
      %swap3A_35 = tpu.vector_load %arg10[%swap3A, %swap3A_34] {strides = array<i32>} : memref<128x128xbf16, #tpu.memory_space<vmem>>, vector<1x32xbf16>,
      %swap3A_36 = vector.shape_cast %swap3A_35 : vector<1x32xbf16> to vector<32xbf16>
      %swap3A_37 = vector.shape_cast %broadcast_in_dim3A_33 : vector<32xbf16> to vector<1x32xbf16>
      tpu.vector_store %arg10[%swap3A, %swap3A_34], %swap3A_37 {strides = array<i32>} : memref<128x128xbf16, #tpu.memory_space<vmem>>, vector<1x32xbf16>,
      %broadcast_in_dim3A_38 = arith.constant 0.000000e+00 : bf16
      %broadcast_in_dim3A_39 = vector.broadcast %broadcast_in_dim3A_38 : bf16 to vector<32xbf16>
      %swap3A_40 = arith.index_cast %scan3A_32 : i32 to index
      %swap3A_41 = arith.constant 32 : index
      %swap3A_42 = tpu.vector_load %arg10[%swap3A_40, %swap3A_41] {strides = array<i32>} : memref<128x128xbf16, #tpu.memory_space<vmem>>, vector<1x32xbf16>,
      %swap3A_43 = vector.shape_cast %swap3A_42 : vector<1x32xbf16> to vector<32xbf16>
      %swap3A_44 = vector.shape_cast %broadcast_in_dim3A_39 : vector<32xbf16> to vector<1x32xbf16>
      tpu.vector_store %arg10[%swap3A_40, %swap3A_41], %swap3A_44 {strides = array<i32>} : memref<128x128xbf16, #tpu.memory_space<vmem>>, vector<1x32xbf16>,
      %broadcast_in_dim3A_45 = arith.constant 0.000000e+00 : bf16
      %broadcast_in_dim3A_46 = vector.broadcast %broadcast_in_dim3A_45 : bf16 to vector<32xbf16>
      %swap3A_47 = arith.index_cast %scan3A_32 : i32 to index
      %swap3A_48 = arith.constant 64 : index
      %swap3A_49 = tpu.vector_load %arg10[%swap3A_47, %swap3A_48] {strides = array<i32>} : memref<128x128xbf16, #tpu.memory_space<vmem>>, vector<1x32xbf16>,
      %swap3A_50 = vector.shape_cast %swap3A_49 : vector<1x32xbf16> to vector<32xbf16>
      %swap3A_51 = vector.shape_cast %broadcast_in_dim3A_46 : vector<32xbf16> to vector<1x32xbf16>
      tpu.vector_store %arg10[%swap3A_47, %swap3A_48], %swap3A_51 {strides = array<i32>} : memref<128x128xbf16, #tpu.memory_space<vmem>>, vector<1x32xbf16>,
      %broadcast_in_dim3A_52 = arith.constant 0.000000e+00 : bf16
      %broadcast_in_dim3A_53 = vector.broadcast %broadcast_in_dim3A_52 : bf16 to vector<32xbf16>
      %swap3A_54 = arith.index_cast %scan3A_32 : i32 to index
      %swap3A_55 = arith.constant 96 : index
      %swap3A_56 = tpu.vector_load %arg10[%swap3A_54, %swap3A_55] {strides = array<i32>} : memref<128x128xbf16, #tpu.memory_space<vmem>>, vector<1x32xbf16>,
      %swap3A_57 = vector.shape_cast %swap3A_56 : vector<1x32xbf16> to vector<32xbf16>
      %swap3A_58 = vector.shape_cast %broadcast_in_dim3A_53 : vector<32xbf16> to vector<1x32xbf16>
      tpu.vector_store %arg10[%swap3A_54, %swap3A_55], %swap3A_58 {strides = array<i32>} : memref<128x128xbf16, #tpu.memory_space<vmem>>, vector<1x32xbf16>,
    }
    %scan3A_4 = arith.constant 128 : i32
    %mul3A = arith.constant 632 : i32
    %mul3A_5 = arith.muli %arg1, %mul3A : i32
    %add3A = arith.constant 0 : i32
    %add3A_6 = arith.addi %mul3A_5, %add3A : i32
    "tpu.region"() ({
      %run_scoped3A = tpu.sem_alloc : memref<!tpu.dma_semaphore, #tpu.memory_space<semaphore_mem>>
      %dma_start3A = arith.constant 0 : i32
      %dma_start3A_32 = arith.constant 0 : i32
      %dma_start3A_33 = tpu.memref_slice %arg10[%dma_start3A, %dma_start3A_32] : memref<128x128xbf16, #tpu.memory_space<vmem>> -> memref<128x128xbf16, #tpu.memory_space<vmem>>
      %dma_start3A_34 = arith.constant 0 : i32
      %dma_start3A_35 = tpu.memref_slice %arg8[%add3A_6, %dma_start3A_34] : memref<10112x128xbf16, #tpu.memory_space<vmem_shared>> -> memref<128x128xbf16, #tpu.memory_space<vmem_shared>>
      %dma_start3A_36 = arith.constant 0 : i32
      %dma_start3A_37 = tpu.memref_slice %arg8[%add3A_6, %dma_start3A_36] : memref<10112x128xbf16, #tpu.memory_space<vmem_shared>> -> memref<128x128xbf16, #tpu.memory_space<vmem_shared>>
      %dma_start3A_38 = arith.constant 0 : i32
      %dma_start3A_39 = arith.constant 0 : i32
      %dma_start3A_40 = tpu.memref_slice %arg10[%dma_start3A_38, %dma_start3A_39] : memref<128x128xbf16, #tpu.memory_space<vmem>> -> memref<128x128xbf16, #tpu.memory_space<vmem>>
      tpu.enqueue_dma source(%dma_start3A_40 : memref<128x128xbf16, #tpu.memory_space<vmem>>) target(%dma_start3A_37 : memref<128x128xbf16, #tpu.memory_space<vmem_shared>>) target_semaphore(%run_scoped3A : memref<!tpu.dma_semaphore, #tpu.memory_space<semaphore_mem>>)
      %dma_wait3A = arith.constant 0 : i32
      %dma_wait3A_41 = arith.constant 0 : i32
      %dma_wait3A_42 = tpu.memref_slice %arg10[%dma_wait3A, %dma_wait3A_41] : memref<128x128xbf16, #tpu.memory_space<vmem>> -> memref<128x128xbf16, #tpu.memory_space<vmem>>
      %dma_wait3A_43 = arith.constant 0 : i32
      %dma_wait3A_44 = tpu.memref_slice %arg8[%add3A_6, %dma_wait3A_43] : memref<10112x128xbf16, #tpu.memory_space<vmem_shared>> -> memref<128x128xbf16, #tpu.memory_space<vmem_shared>>
      %dma_wait3A_45 = arith.constant 0 : i32
      %dma_wait3A_46 = tpu.memref_slice %arg8[%add3A_6, %dma_wait3A_45] : memref<10112x128xbf16, #tpu.memory_space<vmem_shared>> -> memref<128x128xbf16, #tpu.memory_space<vmem_shared>>
      %dma_wait3A_47 = arith.constant 0 : i32
      %dma_wait3A_48 = arith.constant 0 : i32
      %dma_wait3A_49 = tpu.memref_slice %arg10[%dma_wait3A_47, %dma_wait3A_48] : memref<128x128xbf16, #tpu.memory_space<vmem>> -> memref<128x128xbf16, #tpu.memory_space<vmem>>
      tpu.wait_dma2 semaphore(%run_scoped3A : memref<!tpu.dma_semaphore, #tpu.memory_space<semaphore_mem>>) src(%dma_wait3A_49 : memref<128x128xbf16, #tpu.memory_space<vmem>>) dst(%dma_wait3A_46 : memref<128x128xbf16, #tpu.memory_space<vmem_shared>>)
      tpu.yield
    }) : () -> ()
    %add3A_7 = arith.constant 128 : i32
    %add3A_8 = arith.addi %mul3A_5, %add3A_7 : i32
    "tpu.region"() ({
      %run_scoped3A = tpu.sem_alloc : memref<!tpu.dma_semaphore, #tpu.memory_space<semaphore_mem>>
      %dma_start3A = arith.constant 0 : i32
      %dma_start3A_32 = arith.constant 0 : i32
      %dma_start3A_33 = tpu.memref_slice %arg10[%dma_start3A, %dma_start3A_32] : memref<128x128xbf16, #tpu.memory_space<vmem>> -> memref<128x128xbf16, #tpu.memory_space<vmem>>
      %dma_start3A_34 = arith.constant 0 : i32
      %dma_start3A_35 = tpu.memref_slice %arg8[%add3A_8, %dma_start3A_34] : memref<10112x128xbf16, #tpu.memory_space<vmem_shared>> -> memref<128x128xbf16, #tpu.memory_space<vmem_shared>>
      %dma_start3A_36 = arith.constant 0 : i32
      %dma_start3A_37 = tpu.memref_slice %arg8[%add3A_8, %dma_start3A_36] : memref<10112x128xbf16, #tpu.memory_space<vmem_shared>> -> memref<128x128xbf16, #tpu.memory_space<vmem_shared>>
      %dma_start3A_38 = arith.constant 0 : i32
      %dma_start3A_39 = arith.constant 0 : i32
      %dma_start3A_40 = tpu.memref_slice %arg10[%dma_start3A_38, %dma_start3A_39] : memref<128x128xbf16, #tpu.memory_space<vmem>> -> memref<128x128xbf16, #tpu.memory_space<vmem>>
      tpu.enqueue_dma source(%dma_start3A_40 : memref<128x128xbf16, #tpu.memory_space<vmem>>) target(%dma_start3A_37 : memref<128x128xbf16, #tpu.memory_space<vmem_shared>>) target_semaphore(%run_scoped3A : memref<!tpu.dma_semaphore, #tpu.memory_space<semaphore_mem>>)
      %dma_wait3A = arith.constant 0 : i32
      %dma_wait3A_41 = arith.constant 0 : i32
      %dma_wait3A_42 = tpu.memref_slice %arg10[%dma_wait3A, %dma_wait3A_41] : memref<128x128xbf16, #tpu.memory_space<vmem>> -> memref<128x128xbf16, #tpu.memory_space<vmem>>
      %dma_wait3A_43 = arith.constant 0 : i32
      %dma_wait3A_44 = tpu.memref_slice %arg8[%add3A_8, %dma_wait3A_43] : memref<10112x128xbf16, #tpu.memory_space<vmem_shared>> -> memref<128x128xbf16, #tpu.memory_space<vmem_shared>>
      %dma_wait3A_45 = arith.constant 0 : i32
      %dma_wait3A_46 = tpu.memref_slice %arg8[%add3A_8, %dma_wait3A_45] : memref<10112x128xbf16, #tpu.memory_space<vmem_shared>> -> memref<128x128xbf16, #tpu.memory_space<vmem_shared>>
      %dma_wait3A_47 = arith.constant 0 : i32
      %dma_wait3A_48 = arith.constant 0 : i32
      %dma_wait3A_49 = tpu.memref_slice %arg10[%dma_wait3A_47, %dma_wait3A_48] : memref<128x128xbf16, #tpu.memory_space<vmem>> -> memref<128x128xbf16, #tpu.memory_space<vmem>>
      tpu.wait_dma2 semaphore(%run_scoped3A : memref<!tpu.dma_semaphore, #tpu.memory_space<semaphore_mem>>) src(%dma_wait3A_49 : memref<128x128xbf16, #tpu.memory_space<vmem>>) dst(%dma_wait3A_46 : memref<128x128xbf16, #tpu.memory_space<vmem_shared>>)
      tpu.yield
    }) : () -> ()
    %add3A_9 = arith.constant 256 : i32
    %add3A_10 = arith.addi %mul3A_5, %add3A_9 : i32
    "tpu.region"() ({
      %run_scoped3A = tpu.sem_alloc : memref<!tpu.dma_semaphore, #tpu.memory_space<semaphore_mem>>
      %dma_start3A = arith.constant 0 : i32
      %dma_start3A_32 = arith.constant 0 : i32
      %dma_start3A_33 = tpu.memref_slice %arg10[%dma_start3A, %dma_start3A_32] : memref<128x128xbf16, #tpu.memory_space<vmem>> -> memref<128x128xbf16, #tpu.memory_space<vmem>>
      %dma_start3A_34 = arith.constant 0 : i32
      %dma_start3A_35 = tpu.memref_slice %arg8[%add3A_10, %dma_start3A_34] : memref<10112x128xbf16, #tpu.memory_space<vmem_shared>> -> memref<128x128xbf16, #tpu.memory_space<vmem_shared>>
      %dma_start3A_36 = arith.constant 0 : i32
      %dma_start3A_37 = tpu.memref_slice %arg8[%add3A_10, %dma_start3A_36] : memref<10112x128xbf16, #tpu.memory_space<vmem_shared>> -> memref<128x128xbf16, #tpu.memory_space<vmem_shared>>
      %dma_start3A_38 = arith.constant 0 : i32
      %dma_start3A_39 = arith.constant 0 : i32
      %dma_start3A_40 = tpu.memref_slice %arg10[%dma_start3A_38, %dma_start3A_39] : memref<128x128xbf16, #tpu.memory_space<vmem>> -> memref<128x128xbf16, #tpu.memory_space<vmem>>
      tpu.enqueue_dma source(%dma_start3A_40 : memref<128x128xbf16, #tpu.memory_space<vmem>>) target(%dma_start3A_37 : memref<128x128xbf16, #tpu.memory_space<vmem_shared>>) target_semaphore(%run_scoped3A : memref<!tpu.dma_semaphore, #tpu.memory_space<semaphore_mem>>)
      %dma_wait3A = arith.constant 0 : i32
      %dma_wait3A_41 = arith.constant 0 : i32
      %dma_wait3A_42 = tpu.memref_slice %arg10[%dma_wait3A, %dma_wait3A_41] : memref<128x128xbf16, #tpu.memory_space<vmem>> -> memref<128x128xbf16, #tpu.memory_space<vmem>>
      %dma_wait3A_43 = arith.constant 0 : i32
      %dma_wait3A_44 = tpu.memref_slice %arg8[%add3A_10, %dma_wait3A_43] : memref<10112x128xbf16, #tpu.memory_space<vmem_shared>> -> memref<128x128xbf16, #tpu.memory_space<vmem_shared>>
      %dma_wait3A_45 = arith.constant 0 : i32
      %dma_wait3A_46 = tpu.memref_slice %arg8[%add3A_10, %dma_wait3A_45] : memref<10112x128xbf16, #tpu.memory_space<vmem_shared>> -> memref<128x128xbf16, #tpu.memory_space<vmem_shared>>
      %dma_wait3A_47 = arith.constant 0 : i32
      %dma_wait3A_48 = arith.constant 0 : i32
      %dma_wait3A_49 = tpu.memref_slice %arg10[%dma_wait3A_47, %dma_wait3A_48] : memref<128x128xbf16, #tpu.memory_space<vmem>> -> memref<128x128xbf16, #tpu.memory_space<vmem>>
      tpu.wait_dma2 semaphore(%run_scoped3A : memref<!tpu.dma_semaphore, #tpu.memory_space<semaphore_mem>>) src(%dma_wait3A_49 : memref<128x128xbf16, #tpu.memory_space<vmem>>) dst(%dma_wait3A_46 : memref<128x128xbf16, #tpu.memory_space<vmem_shared>>)
      tpu.yield
    }) : () -> ()
    %add3A_11 = arith.constant 384 : i32
    %add3A_12 = arith.addi %mul3A_5, %add3A_11 : i32
    "tpu.region"() ({
      %run_scoped3A = tpu.sem_alloc : memref<!tpu.dma_semaphore, #tpu.memory_space<semaphore_mem>>
      %dma_start3A = arith.constant 0 : i32
      %dma_start3A_32 = arith.constant 0 : i32
      %dma_start3A_33 = tpu.memref_slice %arg10[%dma_start3A, %dma_start3A_32] : memref<128x128xbf16, #tpu.memory_space<vmem>> -> memref<128x128xbf16, #tpu.memory_space<vmem>>
      %dma_start3A_34 = arith.constant 0 : i32
      %dma_start3A_35 = tpu.memref_slice %arg8[%add3A_12, %dma_start3A_34] : memref<10112x128xbf16, #tpu.memory_space<vmem_shared>> -> memref<128x128xbf16, #tpu.memory_space<vmem_shared>>
      %dma_start3A_36 = arith.constant 0 : i32
      %dma_start3A_37 = tpu.memref_slice %arg8[%add3A_12, %dma_start3A_36] : memref<10112x128xbf16, #tpu.memory_space<vmem_shared>> -> memref<128x128xbf16, #tpu.memory_space<vmem_shared>>
      %dma_start3A_38 = arith.constant 0 : i32
      %dma_start3A_39 = arith.constant 0 : i32
      %dma_start3A_40 = tpu.memref_slice %arg10[%dma_start3A_38, %dma_start3A_39] : memref<128x128xbf16, #tpu.memory_space<vmem>> -> memref<128x128xbf16, #tpu.memory_space<vmem>>
      tpu.enqueue_dma source(%dma_start3A_40 : memref<128x128xbf16, #tpu.memory_space<vmem>>) target(%dma_start3A_37 : memref<128x128xbf16, #tpu.memory_space<vmem_shared>>) target_semaphore(%run_scoped3A : memref<!tpu.dma_semaphore, #tpu.memory_space<semaphore_mem>>)
      %dma_wait3A = arith.constant 0 : i32
      %dma_wait3A_41 = arith.constant 0 : i32
      %dma_wait3A_42 = tpu.memref_slice %arg10[%dma_wait3A, %dma_wait3A_41] : memref<128x128xbf16, #tpu.memory_space<vmem>> -> memref<128x128xbf16, #tpu.memory_space<vmem>>
      %dma_wait3A_43 = arith.constant 0 : i32
      %dma_wait3A_44 = tpu.memref_slice %arg8[%add3A_12, %dma_wait3A_43] : memref<10112x128xbf16, #tpu.memory_space<vmem_shared>> -> memref<128x128xbf16, #tpu.memory_space<vmem_shared>>
      %dma_wait3A_45 = arith.constant 0 : i32
      %dma_wait3A_46 = tpu.memref_slice %arg8[%add3A_12, %dma_wait3A_45] : memref<10112x128xbf16, #tpu.memory_space<vmem_shared>> -> memref<128x128xbf16, #tpu.memory_space<vmem_shared>>
      %dma_wait3A_47 = arith.constant 0 : i32
      %dma_wait3A_48 = arith.constant 0 : i32
      %dma_wait3A_49 = tpu.memref_slice %arg10[%dma_wait3A_47, %dma_wait3A_48] : memref<128x128xbf16, #tpu.memory_space<vmem>> -> memref<128x128xbf16, #tpu.memory_space<vmem>>
      tpu.wait_dma2 semaphore(%run_scoped3A : memref<!tpu.dma_semaphore, #tpu.memory_space<semaphore_mem>>) src(%dma_wait3A_49 : memref<128x128xbf16, #tpu.memory_space<vmem>>) dst(%dma_wait3A_46 : memref<128x128xbf16, #tpu.memory_space<vmem_shared>>)
      tpu.yield
    }) : () -> ()
    %add3A_13 = arith.constant 512 : i32
    %add3A_14 = arith.addi %mul3A_5, %add3A_13 : i32
    "tpu.region"() ({
      %run_scoped3A = tpu.sem_alloc : memref<!tpu.dma_semaphore, #tpu.memory_space<semaphore_mem>>
      %dma_start3A = arith.constant 0 : i32
      %dma_start3A_32 = arith.constant 0 : i32
      %dma_start3A_33 = tpu.memref_slice %arg10[%dma_start3A, %dma_start3A_32] : memref<128x128xbf16, #tpu.memory_space<vmem>> -> memref<120x128xbf16, #tpu.memory_space<vmem>>
      %dma_start3A_34 = arith.constant 0 : i32
      %dma_start3A_35 = tpu.memref_slice %arg8[%add3A_14, %dma_start3A_34] : memref<10112x128xbf16, #tpu.memory_space<vmem_shared>> -> memref<120x128xbf16, #tpu.memory_space<vmem_shared>>
      %dma_start3A_36 = arith.constant 0 : i32
      %dma_start3A_37 = tpu.memref_slice %arg8[%add3A_14, %dma_start3A_36] : memref<10112x128xbf16, #tpu.memory_space<vmem_shared>> -> memref<120x128xbf16, #tpu.memory_space<vmem_shared>>
      %dma_start3A_38 = arith.constant 0 : i32
      %dma_start3A_39 = arith.constant 0 : i32
      %dma_start3A_40 = tpu.memref_slice %arg10[%dma_start3A_38, %dma_start3A_39] : memref<128x128xbf16, #tpu.memory_space<vmem>> -> memref<120x128xbf16, #tpu.memory_space<vmem>>
      tpu.enqueue_dma source(%dma_start3A_40 : memref<120x128xbf16, #tpu.memory_space<vmem>>) target(%dma_start3A_37 : memref<120x128xbf16, #tpu.memory_space<vmem_shared>>) target_semaphore(%run_scoped3A : memref<!tpu.dma_semaphore, #tpu.memory_space<semaphore_mem>>)
      %dma_wait3A = arith.constant 0 : i32
      %dma_wait3A_41 = arith.constant 0 : i32
      %dma_wait3A_42 = tpu.memref_slice %arg10[%dma_wait3A, %dma_wait3A_41] : memref<128x128xbf16, #tpu.memory_space<vmem>> -> memref<120x128xbf16, #tpu.memory_space<vmem>>
      %dma_wait3A_43 = arith.constant 0 : i32
      %dma_wait3A_44 = tpu.memref_slice %arg8[%add3A_14, %dma_wait3A_43] : memref<10112x128xbf16, #tpu.memory_space<vmem_shared>> -> memref<120x128xbf16, #tpu.memory_space<vmem_shared>>
      %dma_wait3A_45 = arith.constant 0 : i32
      %dma_wait3A_46 = tpu.memref_slice %arg8[%add3A_14, %dma_wait3A_45] : memref<10112x128xbf16, #tpu.memory_space<vmem_shared>> -> memref<120x128xbf16, #tpu.memory_space<vmem_shared>>
      %dma_wait3A_47 = arith.constant 0 : i32
      %dma_wait3A_48 = arith.constant 0 : i32
      %dma_wait3A_49 = tpu.memref_slice %arg10[%dma_wait3A_47, %dma_wait3A_48] : memref<128x128xbf16, #tpu.memory_space<vmem>> -> memref<120x128xbf16, #tpu.memory_space<vmem>>
      tpu.wait_dma2 semaphore(%run_scoped3A : memref<!tpu.dma_semaphore, #tpu.memory_space<semaphore_mem>>) src(%dma_wait3A_49 : memref<120x128xbf16, #tpu.memory_space<vmem>>) dst(%dma_wait3A_46 : memref<120x128xbf16, #tpu.memory_space<vmem_shared>>)
      tpu.yield
    }) : () -> ()
    %lt3A = arith.constant 15 : i32
    %lt3A_15 = arith.cmpi slt, %arg1, %lt3A : i32
    %convert_element_type3A = arith.extui %lt3A_15 : i1 to i32
    %cond3A = arith.constant 0 : i32
    %cond3A_16 = arith.cmpi ne, %convert_element_type3A, %cond3A : i32
    scf.if %cond3A_16 {
      "tpu.region"() ({
        %run_scoped3A = tpu.sem_alloc : memref<!tpu.dma_semaphore, #tpu.memory_space<semaphore_mem>>
        %dma_start3A = arith.constant 0 : i32
        %dma_start3A_32 = tpu.memref_slice %arg9[%mul3A_5, %dma_start3A] : memref<10112x128xbf16, #tpu.memory_space<vmem_shared>> -> memref<632x128xbf16, #tpu.memory_space<vmem_shared>>
        %dma_start3A_33 = arith.constant 0 : i32
        %dma_start3A_34 = tpu.memref_slice %arg2[%mul3A_5, %dma_start3A_33] : memref<10000x128xbf16, #tpu.memory_space<hbm>> -> memref<632x128xbf16, #tpu.memory_space<hbm>>
        tpu.enqueue_dma source(%dma_start3A_34 : memref<632x128xbf16, #tpu.memory_space<hbm>>) target(%dma_start3A_32 : memref<632x128xbf16, #tpu.memory_space<vmem_shared>>) target_semaphore(%run_scoped3A : memref<!tpu.dma_semaphore, #tpu.memory_space<semaphore_mem>>)
        %dma_wait3A = arith.constant 0 : i32
        %dma_wait3A_35 = tpu.memref_slice %arg9[%mul3A_5, %dma_wait3A] : memref<10112x128xbf16, #tpu.memory_space<vmem_shared>> -> memref<632x128xbf16, #tpu.memory_space<vmem_shared>>
        %dma_wait3A_36 = arith.constant 0 : i32
        %dma_wait3A_37 = tpu.memref_slice %arg2[%mul3A_5, %dma_wait3A_36] : memref<10000x128xbf16, #tpu.memory_space<hbm>> -> memref<632x128xbf16, #tpu.memory_space<hbm>>
        tpu.wait_dma2 semaphore(%run_scoped3A : memref<!tpu.dma_semaphore, #tpu.memory_space<semaphore_mem>>) src(%dma_wait3A_37 : memref<632x128xbf16, #tpu.memory_space<hbm>>) dst(%dma_wait3A_35 : memref<632x128xbf16, #tpu.memory_space<vmem_shared>>)
        tpu.yield
      }) : () -> ()
    } else {
    }
    %eq3A = arith.constant 15 : i32
    %eq3A_17 = arith.cmpi eq, %arg1, %eq3A : i32
    %convert_element_type3A_18 = arith.extui %eq3A_17 : i1 to i32
    %cond3A_19 = arith.constant 0 : i32
    %cond3A_20 = arith.cmpi ne, %convert_element_type3A_18, %cond3A_19 : i32
    scf.if %cond3A_20 {
      "tpu.region"() ({
        %run_scoped3A = tpu.sem_alloc : memref<!tpu.dma_semaphore, #tpu.memory_space<semaphore_mem>>
        %dma_start3A = arith.constant 9480 : i32
        %dma_start3A_32 = arith.constant 0 : i32
        %dma_start3A_33 = tpu.memref_slice %arg9[%dma_start3A, %dma_start3A_32] : memref<10112x128xbf16, #tpu.memory_space<vmem_shared>> -> memref<520x128xbf16, #tpu.memory_space<vmem_shared>>
        %dma_start3A_34 = arith.constant 9480 : i32
        %dma_start3A_35 = arith.constant 0 : i32
        %dma_start3A_36 = tpu.memref_slice %arg2[%dma_start3A_34, %dma_start3A_35] : memref<10000x128xbf16, #tpu.memory_space<hbm>> -> memref<520x128xbf16, #tpu.memory_space<hbm>>
        tpu.enqueue_dma source(%dma_start3A_36 : memref<520x128xbf16, #tpu.memory_space<hbm>>) target(%dma_start3A_33 : memref<520x128xbf16, #tpu.memory_space<vmem_shared>>) target_semaphore(%run_scoped3A : memref<!tpu.dma_semaphore, #tpu.memory_space<semaphore_mem>>)
        %dma_wait3A = arith.constant 9480 : i32
        %dma_wait3A_37 = arith.constant 0 : i32
        %dma_wait3A_38 = tpu.memref_slice %arg9[%dma_wait3A, %dma_wait3A_37] : memref<10112x128xbf16, #tpu.memory_space<vmem_shared>> -> memref<520x128xbf16, #tpu.memory_space<vmem_shared>>
        %dma_wait3A_39 = arith.constant 9480 : i32
        %dma_wait3A_40 = arith.constant 0 : i32
        %dma_wait3A_41 = tpu.memref_slice %arg2[%dma_wait3A_39, %dma_wait3A_40] : memref<10000x128xbf16, #tpu.memory_space<hbm>> -> memref<520x128xbf16, #tpu.memory_space<hbm>>
        tpu.wait_dma2 semaphore(%run_scoped3A : memref<!tpu.dma_semaphore, #tpu.memory_space<semaphore_mem>>) src(%dma_wait3A_41 : memref<520x128xbf16, #tpu.memory_space<hbm>>) dst(%dma_wait3A_38 : memref<520x128xbf16, #tpu.memory_space<vmem_shared>>)
        tpu.yield
      }) : () -> ()
    } else {
    }
    %barrier3A = arith.constant 0 : index
    tpu.barrier barrier_id(%barrier3A)
    %eq3A_21 = arith.constant 0 : i32
    %eq3A_22 = arith.cmpi eq, %arg0, %eq3A_21 : i32
    %convert_element_type3A_23 = arith.extui %eq3A_22 : i1 to i32
    %cond3A_24 = arith.constant 0 : i32
    %cond3A_25 = arith.cmpi ne, %convert_element_type3A_23, %cond3A_24 : i32
    scf.if %cond3A_25 {
      %mul3A_32 = arith.constant 80 : i32
      %mul3A_33 = arith.muli %arg1, %mul3A_32 : i32
      %add3A_34 = arith.constant 0 : i32
      %add3A_35 = arith.addi %mul3A_33, %add3A_34 : i32
      "tpu.region"() ({
        %run_scoped3A = tpu.sem_alloc : memref<!tpu.dma_semaphore, #tpu.memory_space<semaphore_mem>>
        %dma_start3A_68 = arith.constant 0 : i32
        %dma_start3A_69 = arith.constant 0 : i32
        %dma_start3A_70 = tpu.memref_slice %arg6[%dma_start3A_68, %dma_start3A_69] : memref<80x128xi32, #tpu.memory_space<vmem>> -> memref<80x128xi32, #tpu.memory_space<vmem>>
        %dma_start3A_71 = arith.constant 0 : i32
        %dma_start3A_72 = tpu.memref_slice %arg3[%add3A_35, %dma_start3A_71] : memref<2560x128xi32, #tpu.memory_space<hbm>> -> memref<80x128xi32, #tpu.memory_space<hbm>>
        %dma_start3A_73 = arith.constant 0 : i32
        %dma_start3A_74 = arith.constant 0 : i32
        %dma_start3A_75 = tpu.memref_slice %arg6[%dma_start3A_73, %dma_start3A_74] : memref<80x128xi32, #tpu.memory_space<vmem>> -> memref<80x128xi32, #tpu.memory_space<vmem>>
        %dma_start3A_76 = arith.constant 0 : i32
        %dma_start3A_77 = tpu.memref_slice %arg3[%add3A_35, %dma_start3A_76] : memref<2560x128xi32, #tpu.memory_space<hbm>> -> memref<80x128xi32, #tpu.memory_space<hbm>>
        tpu.enqueue_dma source(%dma_start3A_77 : memref<80x128xi32, #tpu.memory_space<hbm>>) target(%dma_start3A_75 : memref<80x128xi32, #tpu.memory_space<vmem>>) target_semaphore(%run_scoped3A : memref<!tpu.dma_semaphore, #tpu.memory_space<semaphore_mem>>)
        %dma_wait3A_78 = arith.constant 0 : i32
        %dma_wait3A_79 = arith.constant 0 : i32
        %dma_wait3A_80 = tpu.memref_slice %arg6[%dma_wait3A_78, %dma_wait3A_79] : memref<80x128xi32, #tpu.memory_space<vmem>> -> memref<80x128xi32, #tpu.memory_space<vmem>>
        %dma_wait3A_81 = arith.constant 0 : i32
        %dma_wait3A_82 = tpu.memref_slice %arg3[%add3A_35, %dma_wait3A_81] : memref<2560x128xi32, #tpu.memory_space<hbm>> -> memref<80x128xi32, #tpu.memory_space<hbm>>
        %dma_wait3A_83 = arith.constant 0 : i32
        %dma_wait3A_84 = arith.constant 0 : i32
        %dma_wait3A_85 = tpu.memref_slice %arg6[%dma_wait3A_83, %dma_wait3A_84] : memref<80x128xi32, #tpu.memory_space<vmem>> -> memref<80x128xi32, #tpu.memory_space<vmem>>
        %dma_wait3A_86 = arith.constant 0 : i32
        %dma_wait3A_87 = tpu.memref_slice %arg3[%add3A_35, %dma_wait3A_86] : memref<2560x128xi32, #tpu.memory_space<hbm>> -> memref<80x128xi32, #tpu.memory_space<hbm>>
        tpu.wait_dma2 semaphore(%run_scoped3A : memref<!tpu.dma_semaphore, #tpu.memory_space<semaphore_mem>>) src(%dma_wait3A_87 : memref<80x128xi32, #tpu.memory_space<hbm>>) dst(%dma_wait3A_85 : memref<80x128xi32, #tpu.memory_space<vmem>>)
        tpu.yield
      }) : () -> ()
      "tpu.region"() ({
        %run_scoped3A = tpu.sem_alloc : memref<!tpu.dma_semaphore, #tpu.memory_space<semaphore_mem>>
        %dma_start3A_68 = arith.constant 0 : i32
        %dma_start3A_69 = arith.constant 0 : i32
        %dma_start3A_70 = tpu.memref_slice %arg7[%dma_start3A_68, %dma_start3A_69] : memref<80x128xi32, #tpu.memory_space<vmem>> -> memref<80x128xi32, #tpu.memory_space<vmem>>
        %dma_start3A_71 = arith.constant 0 : i32
        %dma_start3A_72 = tpu.memref_slice %arg4[%add3A_35, %dma_start3A_71] : memref<2560x128xi32, #tpu.memory_space<hbm>> -> memref<80x128xi32, #tpu.memory_space<hbm>>
        %dma_start3A_73 = arith.constant 0 : i32
        %dma_start3A_74 = arith.constant 0 : i32
        %dma_start3A_75 = tpu.memref_slice %arg7[%dma_start3A_73, %dma_start3A_74] : memref<80x128xi32, #tpu.memory_space<vmem>> -> memref<80x128xi32, #tpu.memory_space<vmem>>
        %dma_start3A_76 = arith.constant 0 : i32
        %dma_start3A_77 = tpu.memref_slice %arg4[%add3A_35, %dma_start3A_76] : memref<2560x128xi32, #tpu.memory_space<hbm>> -> memref<80x128xi32, #tpu.memory_space<hbm>>
        tpu.enqueue_dma source(%dma_start3A_77 : memref<80x128xi32, #tpu.memory_space<hbm>>) target(%dma_start3A_75 : memref<80x128xi32, #tpu.memory_space<vmem>>) target_semaphore(%run_scoped3A : memref<!tpu.dma_semaphore, #tpu.memory_space<semaphore_mem>>)
        %dma_wait3A_78 = arith.constant 0 : i32
        %dma_wait3A_79 = arith.constant 0 : i32
        %dma_wait3A_80 = tpu.memref_slice %arg7[%dma_wait3A_78, %dma_wait3A_79] : memref<80x128xi32, #tpu.memory_space<vmem>> -> memref<80x128xi32, #tpu.memory_space<vmem>>
        %dma_wait3A_81 = arith.constant 0 : i32
        %dma_wait3A_82 = tpu.memref_slice %arg4[%add3A_35, %dma_wait3A_81] : memref<2560x128xi32, #tpu.memory_space<hbm>> -> memref<80x128xi32, #tpu.memory_space<hbm>>
        %dma_wait3A_83 = arith.constant 0 : i32
        %dma_wait3A_84 = arith.constant 0 : i32
        %dma_wait3A_85 = tpu.memref_slice %arg7[%dma_wait3A_83, %dma_wait3A_84] : memref<80x128xi32, #tpu.memory_space<vmem>> -> memref<80x128xi32, #tpu.memory_space<vmem>>
        %dma_wait3A_86 = arith.constant 0 : i32
        %dma_wait3A_87 = tpu.memref_slice %arg4[%add3A_35, %dma_wait3A_86] : memref<2560x128xi32, #tpu.memory_space<hbm>> -> memref<80x128xi32, #tpu.memory_space<hbm>>
        tpu.wait_dma2 semaphore(%run_scoped3A : memref<!tpu.dma_semaphore, #tpu.memory_space<semaphore_mem>>) src(%dma_wait3A_87 : memref<80x128xi32, #tpu.memory_space<hbm>>) dst(%dma_wait3A_85 : memref<80x128xi32, #tpu.memory_space<vmem>>)
        tpu.yield
      }) : () -> ()
      %dma_start3A = arith.constant 0 : i32
      %dma_start3A_36 = arith.constant 0 : i32
      %dma_start3A_37 = tpu.memref_slice %arg6[%dma_start3A, %dma_start3A_36] : memref<80x128xi32, #tpu.memory_space<vmem>> -> memref<1x128xi32, #tpu.memory_space<vmem>>
      %dma_start3A_38 = tpu.memref_squeeze %dma_start3A_37 : memref<1x128xi32, #tpu.memory_space<vmem>> -> memref<128xi32, #tpu.memory_space<vmem>>
      %dma_start3A_39 = arith.constant 0 : i32
      %dma_start3A_40 = arith.constant 0 : i32
      %dma_start3A_41 = tpu.memref_slice %arg9[%dma_start3A_39, %dma_start3A_40] : memref<10112x128xbf16, #tpu.memory_space<vmem_shared>> -> memref<10112x128xbf16, #tpu.memory_space<vmem_shared>>
      tpu.enqueue_indirect_dma source(%dma_start3A_41 : memref<10112x128xbf16, #tpu.memory_space<vmem_shared>>) target(%arg10 : memref<128x128xbf16, #tpu.memory_space<vmem>>) offsets(%dma_start3A_38 : memref<128xi32, #tpu.memory_space<vmem>>) semaphore(%arg12 : memref<!tpu.dma_semaphore, #tpu.memory_space<semaphore_mem>>)
      %dma_start3A_42 = arith.constant 1 : i32
      %dma_start3A_43 = arith.constant 0 : i32
      %dma_start3A_44 = tpu.memref_slice %arg6[%dma_start3A_42, %dma_start3A_43] : memref<80x128xi32, #tpu.memory_space<vmem>> -> memref<1x128xi32, #tpu.memory_space<vmem>>
      %dma_start3A_45 = tpu.memref_squeeze %dma_start3A_44 : memref<1x128xi32, #tpu.memory_space<vmem>> -> memref<128xi32, #tpu.memory_space<vmem>>
      %dma_start3A_46 = arith.constant 0 : i32
      %dma_start3A_47 = arith.constant 0 : i32
      %dma_start3A_48 = tpu.memref_slice %arg9[%dma_start3A_46, %dma_start3A_47] : memref<10112x128xbf16, #tpu.memory_space<vmem_shared>> -> memref<10112x128xbf16, #tpu.memory_space<vmem_shared>>
      tpu.enqueue_indirect_dma source(%dma_start3A_48 : memref<10112x128xbf16, #tpu.memory_space<vmem_shared>>) target(%arg11 : memref<128x128xbf16, #tpu.memory_space<vmem>>) offsets(%dma_start3A_45 : memref<128xi32, #tpu.memory_space<vmem>>) semaphore(%arg13 : memref<!tpu.dma_semaphore, #tpu.memory_space<semaphore_mem>>)
      %scan3A_49 = arith.constant 0 : i32
      %scan3A_50 = arith.constant 0 : i32
      %scan3A_51 = arith.constant 40 : i32
      %scan3A_52 = arith.addi %scan3A_50, %scan3A_51 : i32
      %scan3A_53 = arith.constant 1 : i32
      scf.for %scan3A_68 = %scan3A_50 to %scan3A_52 step %scan3A_53  : i32 {
        %mul3A_69 = arith.constant 2 : i32
        %mul3A_70 = arith.muli %mul3A_69, %scan3A_68 : i32
        %add3A_71 = arith.constant 0 : i32
        %add3A_72 = arith.addi %mul3A_70, %add3A_71 : i32
        %dma_wait3A_73 = arith.constant 0 : i32
        %dma_wait3A_74 = tpu.memref_slice %arg6[%add3A_72, %dma_wait3A_73] : memref<80x128xi32, #tpu.memory_space<vmem>> -> memref<1x128xi32, #tpu.memory_space<vmem>>
        %dma_wait3A_75 = tpu.memref_squeeze %dma_wait3A_74 : memref<1x128xi32, #tpu.memory_space<vmem>> -> memref<128xi32, #tpu.memory_space<vmem>>
        %dma_wait3A_76 = arith.constant 0 : i32
        %dma_wait3A_77 = arith.constant 0 : i32
        %dma_wait3A_78 = tpu.memref_slice %arg9[%dma_wait3A_76, %dma_wait3A_77] : memref<10112x128xbf16, #tpu.memory_space<vmem_shared>> -> memref<10112x128xbf16, #tpu.memory_space<vmem_shared>>
        tpu.wait_indirect_dma semaphore(%arg12 : memref<!tpu.dma_semaphore, #tpu.memory_space<semaphore_mem>>) src(%dma_wait3A_78 : memref<10112x128xbf16, #tpu.memory_space<vmem_shared>>) dst(%arg10 : memref<128x128xbf16, #tpu.memory_space<vmem>>)
        %dma_start3A_79 = arith.constant 0 : i32
        %dma_start3A_80 = tpu.memref_slice %arg7[%add3A_72, %dma_start3A_79] : memref<80x128xi32, #tpu.memory_space<vmem>> -> memref<1x128xi32, #tpu.memory_space<vmem>>
        %dma_start3A_81 = tpu.memref_squeeze %dma_start3A_80 : memref<1x128xi32, #tpu.memory_space<vmem>> -> memref<128xi32, #tpu.memory_space<vmem>>
        %dma_start3A_82 = arith.constant 0 : i32
        %dma_start3A_83 = arith.constant 0 : i32
        %dma_start3A_84 = tpu.memref_slice %arg8[%dma_start3A_82, %dma_start3A_83] : memref<10112x128xbf16, #tpu.memory_space<vmem_shared>> -> memref<10112x128xbf16, #tpu.memory_space<vmem_shared>>
        tpu.enqueue_indirect_dma source(%arg10 : memref<128x128xbf16, #tpu.memory_space<vmem>>) target(%dma_start3A_84 : memref<10112x128xbf16, #tpu.memory_space<vmem_shared>>) offsets(%dma_start3A_81 : memref<128xi32, #tpu.memory_space<vmem>>) semaphore(%arg14 : memref<!tpu.dma_semaphore, #tpu.memory_space<semaphore_mem>>) {add = true}
        %mul3A_85 = arith.constant 2 : i32
        %mul3A_86 = arith.muli %mul3A_85, %scan3A_68 : i32
        %add3A_87 = arith.constant 1 : i32
        %add3A_88 = arith.addi %mul3A_86, %add3A_87 : i32
        %dma_wait3A_89 = arith.constant 0 : i32
        %dma_wait3A_90 = tpu.memref_slice %arg6[%add3A_88, %dma_wait3A_89] : memref<80x128xi32, #tpu.memory_space<vmem>> -> memref<1x128xi32, #tpu.memory_space<vmem>>
        %dma_wait3A_91 = tpu.memref_squeeze %dma_wait3A_90 : memref<1x128xi32, #tpu.memory_space<vmem>> -> memref<128xi32, #tpu.memory_space<vmem>>
        %dma_wait3A_92 = arith.constant 0 : i32
        %dma_wait3A_93 = arith.constant 0 : i32
        %dma_wait3A_94 = tpu.memref_slice %arg9[%dma_wait3A_92, %dma_wait3A_93] : memref<10112x128xbf16, #tpu.memory_space<vmem_shared>> -> memref<10112x128xbf16, #tpu.memory_space<vmem_shared>>
        tpu.wait_indirect_dma semaphore(%arg13 : memref<!tpu.dma_semaphore, #tpu.memory_space<semaphore_mem>>) src(%dma_wait3A_94 : memref<10112x128xbf16, #tpu.memory_space<vmem_shared>>) dst(%arg11 : memref<128x128xbf16, #tpu.memory_space<vmem>>)
        %dma_start3A_95 = arith.constant 0 : i32
        %dma_start3A_96 = tpu.memref_slice %arg7[%add3A_88, %dma_start3A_95] : memref<80x128xi32, #tpu.memory_space<vmem>> -> memref<1x128xi32, #tpu.memory_space<vmem>>
        %dma_start3A_97 = tpu.memref_squeeze %dma_start3A_96 : memref<1x128xi32, #tpu.memory_space<vmem>> -> memref<128xi32, #tpu.memory_space<vmem>>
        %dma_start3A_98 = arith.constant 0 : i32
        %dma_start3A_99 = arith.constant 0 : i32
        %dma_start3A_100 = tpu.memref_slice %arg8[%dma_start3A_98, %dma_start3A_99] : memref<10112x128xbf16, #tpu.memory_space<vmem_shared>> -> memref<10112x128xbf16, #tpu.memory_space<vmem_shared>>
        tpu.enqueue_indirect_dma source(%arg11 : memref<128x128xbf16, #tpu.memory_space<vmem>>) target(%dma_start3A_100 : memref<10112x128xbf16, #tpu.memory_space<vmem_shared>>) offsets(%dma_start3A_97 : memref<128xi32, #tpu.memory_space<vmem>>) semaphore(%arg15 : memref<!tpu.dma_semaphore, #tpu.memory_space<semaphore_mem>>) {add = true}
        %lt3A_101 = arith.constant 39 : i32
        %lt3A_102 = arith.cmpi slt, %scan3A_68, %lt3A_101 : i32
        %convert_element_type3A_103 = arith.extui %lt3A_102 : i1 to i32
        %cond3A_104 = arith.constant 0 : i32
        %cond3A_105 = arith.cmpi ne, %convert_element_type3A_103, %cond3A_104 : i32
        scf.if %cond3A_105 {
          %mul3A_106 = arith.constant 2 : i32
          %mul3A_107 = arith.muli %mul3A_106, %scan3A_68 : i32
          %add3A_108 = arith.constant 2 : i32
          %add3A_109 = arith.addi %mul3A_107, %add3A_108 : i32
          %add3A_110 = arith.constant 0 : i32
          %add3A_111 = arith.addi %add3A_109, %add3A_110 : i32
          %dma_wait3A_112 = arith.constant 0 : i32
          %dma_wait3A_113 = arith.constant 0 : i32
          %dma_wait3A_114 = tpu.memref_slice %arg7[%dma_wait3A_112, %dma_wait3A_113] : memref<80x128xi32, #tpu.memory_space<vmem>> -> memref<1x128xi32, #tpu.memory_space<vmem>>
          %dma_wait3A_115 = tpu.memref_squeeze %dma_wait3A_114 : memref<1x128xi32, #tpu.memory_space<vmem>> -> memref<128xi32, #tpu.memory_space<vmem>>
          %dma_wait3A_116 = arith.constant 0 : i32
          %dma_wait3A_117 = arith.constant 0 : i32
          %dma_wait3A_118 = tpu.memref_slice %arg8[%dma_wait3A_116, %dma_wait3A_117] : memref<10112x128xbf16, #tpu.memory_space<vmem_shared>> -> memref<10112x128xbf16, #tpu.memory_space<vmem_shared>>
          tpu.wait_indirect_dma semaphore(%arg14 : memref<!tpu.dma_semaphore, #tpu.memory_space<semaphore_mem>>) src(%arg10 : memref<128x128xbf16, #tpu.memory_space<vmem>>) dst(%dma_wait3A_118 : memref<10112x128xbf16, #tpu.memory_space<vmem_shared>>)
          %dma_start3A_119 = arith.constant 0 : i32
          %dma_start3A_120 = tpu.memref_slice %arg6[%add3A_111, %dma_start3A_119] : memref<80x128xi32, #tpu.memory_space<vmem>> -> memref<1x128xi32, #tpu.memory_space<vmem>>
          %dma_start3A_121 = tpu.memref_squeeze %dma_start3A_120 : memref<1x128xi32, #tpu.memory_space<vmem>> -> memref<128xi32, #tpu.memory_space<vmem>>
          %dma_start3A_122 = arith.constant 0 : i32
          %dma_start3A_123 = arith.constant 0 : i32
          %dma_start3A_124 = tpu.memref_slice %arg9[%dma_start3A_122, %dma_start3A_123] : memref<10112x128xbf16, #tpu.memory_space<vmem_shared>> -> memref<10112x128xbf16, #tpu.memory_space<vmem_shared>>
          tpu.enqueue_indirect_dma source(%dma_start3A_124 : memref<10112x128xbf16, #tpu.memory_space<vmem_shared>>) target(%arg10 : memref<128x128xbf16, #tpu.memory_space<vmem>>) offsets(%dma_start3A_121 : memref<128xi32, #tpu.memory_space<vmem>>) semaphore(%arg12 : memref<!tpu.dma_semaphore, #tpu.memory_space<semaphore_mem>>)
          %mul3A_125 = arith.constant 2 : i32
          %mul3A_126 = arith.muli %mul3A_125, %scan3A_68 : i32
          %add3A_127 = arith.constant 2 : i32
          %add3A_128 = arith.addi %mul3A_126, %add3A_127 : i32
          %add3A_129 = arith.constant 1 : i32
          %add3A_130 = arith.addi %add3A_128, %add3A_129 : i32
          %dma_wait3A_131 = arith.constant 0 : i32
          %dma_wait3A_132 = arith.constant 0 : i32
          %dma_wait3A_133 = tpu.memref_slice %arg7[%dma_wait3A_131, %dma_wait3A_132] : memref<80x128xi32, #tpu.memory_space<vmem>> -> memref<1x128xi32, #tpu.memory_space<vmem>>
          %dma_wait3A_134 = tpu.memref_squeeze %dma_wait3A_133 : memref<1x128xi32, #tpu.memory_space<vmem>> -> memref<128xi32, #tpu.memory_space<vmem>>
          %dma_wait3A_135 = arith.constant 0 : i32
          %dma_wait3A_136 = arith.constant 0 : i32
          %dma_wait3A_137 = tpu.memref_slice %arg8[%dma_wait3A_135, %dma_wait3A_136] : memref<10112x128xbf16, #tpu.memory_space<vmem_shared>> -> memref<10112x128xbf16, #tpu.memory_space<vmem_shared>>
          tpu.wait_indirect_dma semaphore(%arg15 : memref<!tpu.dma_semaphore, #tpu.memory_space<semaphore_mem>>) src(%arg11 : memref<128x128xbf16, #tpu.memory_space<vmem>>) dst(%dma_wait3A_137 : memref<10112x128xbf16, #tpu.memory_space<vmem_shared>>)
          %dma_start3A_138 = arith.constant 0 : i32
          %dma_start3A_139 = tpu.memref_slice %arg6[%add3A_130, %dma_start3A_138] : memref<80x128xi32, #tpu.memory_space<vmem>> -> memref<1x128xi32, #tpu.memory_space<vmem>>
          %dma_start3A_140 = tpu.memref_squeeze %dma_start3A_139 : memref<1x128xi32, #tpu.memory_space<vmem>> -> memref<128xi32, #tpu.memory_space<vmem>>
          %dma_start3A_141 = arith.constant 0 : i32
          %dma_start3A_142 = arith.constant 0 : i32
          %dma_start3A_143 = tpu.memref_slice %arg9[%dma_start3A_141, %dma_start3A_142] : memref<10112x128xbf16, #tpu.memory_space<vmem_shared>> -> memref<10112x128xbf16, #tpu.memory_space<vmem_shared>>
          tpu.enqueue_indirect_dma source(%dma_start3A_143 : memref<10112x128xbf16, #tpu.memory_space<vmem_shared>>) target(%arg11 : memref<128x128xbf16, #tpu.memory_space<vmem>>) offsets(%dma_start3A_140 : memref<128xi32, #tpu.memory_space<vmem>>) semaphore(%arg13 : memref<!tpu.dma_semaphore, #tpu.memory_space<semaphore_mem>>)
        } else {
        }
      }
      %scan3A_54 = arith.constant 40 : i32
      %dma_wait3A = arith.constant 0 : i32
      %dma_wait3A_55 = arith.constant 0 : i32
      %dma_wait3A_56 = tpu.memref_slice %arg7[%dma_wait3A, %dma_wait3A_55] : memref<80x128xi32, #tpu.memory_space<vmem>> -> memref<1x128xi32, #tpu.memory_space<vmem>>
      %dma_wait3A_57 = tpu.memref_squeeze %dma_wait3A_56 : memref<1x128xi32, #tpu.memory_space<vmem>> -> memref<128xi32, #tpu.memory_space<vmem>>
      %dma_wait3A_58 = arith.constant 0 : i32
      %dma_wait3A_59 = arith.constant 0 : i32
      %dma_wait3A_60 = tpu.memref_slice %arg8[%dma_wait3A_58, %dma_wait3A_59] : memref<10112x128xbf16, #tpu.memory_space<vmem_shared>> -> memref<10112x128xbf16, #tpu.memory_space<vmem_shared>>
      tpu.wait_indirect_dma semaphore(%arg14 : memref<!tpu.dma_semaphore, #tpu.memory_space<semaphore_mem>>) src(%arg10 : memref<128x128xbf16, #tpu.memory_space<vmem>>) dst(%dma_wait3A_60 : memref<10112x128xbf16, #tpu.memory_space<vmem_shared>>)
      %dma_wait3A_61 = arith.constant 0 : i32
      %dma_wait3A_62 = arith.constant 0 : i32
      %dma_wait3A_63 = tpu.memref_slice %arg7[%dma_wait3A_61, %dma_wait3A_62] : memref<80x128xi32, #tpu.memory_space<vmem>> -> memref<1x128xi32, #tpu.memory_space<vmem>>
      %dma_wait3A_64 = tpu.memref_squeeze %dma_wait3A_63 : memref<1x128xi32, #tpu.memory_space<vmem>> -> memref<128xi32, #tpu.memory_space<vmem>>
      %dma_wait3A_65 = arith.constant 0 : i32
      %dma_wait3A_66 = arith.constant 0 : i32
      %dma_wait3A_67 = tpu.memref_slice %arg8[%dma_wait3A_65, %dma_wait3A_66] : memref<10112x128xbf16, #tpu.memory_space<vmem_shared>> -> memref<10112x128xbf16, #tpu.memory_space<vmem_shared>>
      tpu.wait_indirect_dma semaphore(%arg15 : memref<!tpu.dma_semaphore, #tpu.memory_space<semaphore_mem>>) src(%arg10 : memref<128x128xbf16, #tpu.memory_space<vmem>>) dst(%dma_wait3A_67 : memref<10112x128xbf16, #tpu.memory_space<vmem_shared>>)
    } else {
    }
    %eq3A_26 = arith.constant 1 : i32
    %eq3A_27 = arith.cmpi eq, %arg0, %eq3A_26 : i32
    %convert_element_type3A_28 = arith.extui %eq3A_27 : i1 to i32
    %cond3A_29 = arith.constant 0 : i32
    %cond3A_30 = arith.cmpi ne, %convert_element_type3A_28, %cond3A_29 : i32
    scf.if %cond3A_30 {
      %mul3A_32 = arith.constant 80 : i32
      %mul3A_33 = arith.muli %arg1, %mul3A_32 : i32
      %add3A_34 = arith.constant 1280 : i32
      %add3A_35 = arith.addi %add3A_34, %mul3A_33 : i32
      %add3A_36 = arith.constant 0 : i32
      %add3A_37 = arith.addi %add3A_35, %add3A_36 : i32
      "tpu.region"() ({
        %run_scoped3A = tpu.sem_alloc : memref<!tpu.dma_semaphore, #tpu.memory_space<semaphore_mem>>
        %dma_start3A_70 = arith.constant 0 : i32
        %dma_start3A_71 = arith.constant 0 : i32
        %dma_start3A_72 = tpu.memref_slice %arg6[%dma_start3A_70, %dma_start3A_71] : memref<80x128xi32, #tpu.memory_space<vmem>> -> memref<80x128xi32, #tpu.memory_space<vmem>>
        %dma_start3A_73 = arith.constant 0 : i32
        %dma_start3A_74 = tpu.memref_slice %arg3[%add3A_37, %dma_start3A_73] : memref<2560x128xi32, #tpu.memory_space<hbm>> -> memref<80x128xi32, #tpu.memory_space<hbm>>
        %dma_start3A_75 = arith.constant 0 : i32
        %dma_start3A_76 = arith.constant 0 : i32
        %dma_start3A_77 = tpu.memref_slice %arg6[%dma_start3A_75, %dma_start3A_76] : memref<80x128xi32, #tpu.memory_space<vmem>> -> memref<80x128xi32, #tpu.memory_space<vmem>>
        %dma_start3A_78 = arith.constant 0 : i32
        %dma_start3A_79 = tpu.memref_slice %arg3[%add3A_37, %dma_start3A_78] : memref<2560x128xi32, #tpu.memory_space<hbm>> -> memref<80x128xi32, #tpu.memory_space<hbm>>
        tpu.enqueue_dma source(%dma_start3A_79 : memref<80x128xi32, #tpu.memory_space<hbm>>) target(%dma_start3A_77 : memref<80x128xi32, #tpu.memory_space<vmem>>) target_semaphore(%run_scoped3A : memref<!tpu.dma_semaphore, #tpu.memory_space<semaphore_mem>>)
        %dma_wait3A_80 = arith.constant 0 : i32
        %dma_wait3A_81 = arith.constant 0 : i32
        %dma_wait3A_82 = tpu.memref_slice %arg6[%dma_wait3A_80, %dma_wait3A_81] : memref<80x128xi32, #tpu.memory_space<vmem>> -> memref<80x128xi32, #tpu.memory_space<vmem>>
        %dma_wait3A_83 = arith.constant 0 : i32
        %dma_wait3A_84 = tpu.memref_slice %arg3[%add3A_37, %dma_wait3A_83] : memref<2560x128xi32, #tpu.memory_space<hbm>> -> memref<80x128xi32, #tpu.memory_space<hbm>>
        %dma_wait3A_85 = arith.constant 0 : i32
        %dma_wait3A_86 = arith.constant 0 : i32
        %dma_wait3A_87 = tpu.memref_slice %arg6[%dma_wait3A_85, %dma_wait3A_86] : memref<80x128xi32, #tpu.memory_space<vmem>> -> memref<80x128xi32, #tpu.memory_space<vmem>>
        %dma_wait3A_88 = arith.constant 0 : i32
        %dma_wait3A_89 = tpu.memref_slice %arg3[%add3A_37, %dma_wait3A_88] : memref<2560x128xi32, #tpu.memory_space<hbm>> -> memref<80x128xi32, #tpu.memory_space<hbm>>
        tpu.wait_dma2 semaphore(%run_scoped3A : memref<!tpu.dma_semaphore, #tpu.memory_space<semaphore_mem>>) src(%dma_wait3A_89 : memref<80x128xi32, #tpu.memory_space<hbm>>) dst(%dma_wait3A_87 : memref<80x128xi32, #tpu.memory_space<vmem>>)
        tpu.yield
      }) : () -> ()
      "tpu.region"() ({
        %run_scoped3A = tpu.sem_alloc : memref<!tpu.dma_semaphore, #tpu.memory_space<semaphore_mem>>
        %dma_start3A_70 = arith.constant 0 : i32
        %dma_start3A_71 = arith.constant 0 : i32
        %dma_start3A_72 = tpu.memref_slice %arg7[%dma_start3A_70, %dma_start3A_71] : memref<80x128xi32, #tpu.memory_space<vmem>> -> memref<80x128xi32, #tpu.memory_space<vmem>>
        %dma_start3A_73 = arith.constant 0 : i32
        %dma_start3A_74 = tpu.memref_slice %arg4[%add3A_37, %dma_start3A_73] : memref<2560x128xi32, #tpu.memory_space<hbm>> -> memref<80x128xi32, #tpu.memory_space<hbm>>
        %dma_start3A_75 = arith.constant 0 : i32
        %dma_start3A_76 = arith.constant 0 : i32
        %dma_start3A_77 = tpu.memref_slice %arg7[%dma_start3A_75, %dma_start3A_76] : memref<80x128xi32, #tpu.memory_space<vmem>> -> memref<80x128xi32, #tpu.memory_space<vmem>>
        %dma_start3A_78 = arith.constant 0 : i32
        %dma_start3A_79 = tpu.memref_slice %arg4[%add3A_37, %dma_start3A_78] : memref<2560x128xi32, #tpu.memory_space<hbm>> -> memref<80x128xi32, #tpu.memory_space<hbm>>
        tpu.enqueue_dma source(%dma_start3A_79 : memref<80x128xi32, #tpu.memory_space<hbm>>) target(%dma_start3A_77 : memref<80x128xi32, #tpu.memory_space<vmem>>) target_semaphore(%run_scoped3A : memref<!tpu.dma_semaphore, #tpu.memory_space<semaphore_mem>>)
        %dma_wait3A_80 = arith.constant 0 : i32
        %dma_wait3A_81 = arith.constant 0 : i32
        %dma_wait3A_82 = tpu.memref_slice %arg7[%dma_wait3A_80, %dma_wait3A_81] : memref<80x128xi32, #tpu.memory_space<vmem>> -> memref<80x128xi32, #tpu.memory_space<vmem>>
        %dma_wait3A_83 = arith.constant 0 : i32
        %dma_wait3A_84 = tpu.memref_slice %arg4[%add3A_37, %dma_wait3A_83] : memref<2560x128xi32, #tpu.memory_space<hbm>> -> memref<80x128xi32, #tpu.memory_space<hbm>>
        %dma_wait3A_85 = arith.constant 0 : i32
        %dma_wait3A_86 = arith.constant 0 : i32
        %dma_wait3A_87 = tpu.memref_slice %arg7[%dma_wait3A_85, %dma_wait3A_86] : memref<80x128xi32, #tpu.memory_space<vmem>> -> memref<80x128xi32, #tpu.memory_space<vmem>>
        %dma_wait3A_88 = arith.constant 0 : i32
        %dma_wait3A_89 = tpu.memref_slice %arg4[%add3A_37, %dma_wait3A_88] : memref<2560x128xi32, #tpu.memory_space<hbm>> -> memref<80x128xi32, #tpu.memory_space<hbm>>
        tpu.wait_dma2 semaphore(%run_scoped3A : memref<!tpu.dma_semaphore, #tpu.memory_space<semaphore_mem>>) src(%dma_wait3A_89 : memref<80x128xi32, #tpu.memory_space<hbm>>) dst(%dma_wait3A_87 : memref<80x128xi32, #tpu.memory_space<vmem>>)
        tpu.yield
      }) : () -> ()
      %dma_start3A = arith.constant 0 : i32
      %dma_start3A_38 = arith.constant 0 : i32
      %dma_start3A_39 = tpu.memref_slice %arg6[%dma_start3A, %dma_start3A_38] : memref<80x128xi32, #tpu.memory_space<vmem>> -> memref<1x128xi32, #tpu.memory_space<vmem>>
      %dma_start3A_40 = tpu.memref_squeeze %dma_start3A_39 : memref<1x128xi32, #tpu.memory_space<vmem>> -> memref<128xi32, #tpu.memory_space<vmem>>
      %dma_start3A_41 = arith.constant 0 : i32
      %dma_start3A_42 = arith.constant 0 : i32
      %dma_start3A_43 = tpu.memref_slice %arg9[%dma_start3A_41, %dma_start3A_42] : memref<10112x128xbf16, #tpu.memory_space<vmem_shared>> -> memref<10112x128xbf16, #tpu.memory_space<vmem_shared>>
      tpu.enqueue_indirect_dma source(%dma_start3A_43 : memref<10112x128xbf16, #tpu.memory_space<vmem_shared>>) target(%arg10 : memref<128x128xbf16, #tpu.memory_space<vmem>>) offsets(%dma_start3A_40 : memref<128xi32, #tpu.memory_space<vmem>>) semaphore(%arg12 : memref<!tpu.dma_semaphore, #tpu.memory_space<semaphore_mem>>)
      %dma_start3A_44 = arith.constant 1 : i32
      %dma_start3A_45 = arith.constant 0 : i32
      %dma_start3A_46 = tpu.memref_slice %arg6[%dma_start3A_44, %dma_start3A_45] : memref<80x128xi32, #tpu.memory_space<vmem>> -> memref<1x128xi32, #tpu.memory_space<vmem>>
      %dma_start3A_47 = tpu.memref_squeeze %dma_start3A_46 : memref<1x128xi32, #tpu.memory_space<vmem>> -> memref<128xi32, #tpu.memory_space<vmem>>
      %dma_start3A_48 = arith.constant 0 : i32
      %dma_start3A_49 = arith.constant 0 : i32
      %dma_start3A_50 = tpu.memref_slice %arg9[%dma_start3A_48, %dma_start3A_49] : memref<10112x128xbf16, #tpu.memory_space<vmem_shared>> -> memref<10112x128xbf16, #tpu.memory_space<vmem_shared>>
      tpu.enqueue_indirect_dma source(%dma_start3A_50 : memref<10112x128xbf16, #tpu.memory_space<vmem_shared>>) target(%arg11 : memref<128x128xbf16, #tpu.memory_space<vmem>>) offsets(%dma_start3A_47 : memref<128xi32, #tpu.memory_space<vmem>>) semaphore(%arg13 : memref<!tpu.dma_semaphore, #tpu.memory_space<semaphore_mem>>)
      %scan3A_51 = arith.constant 0 : i32
      %scan3A_52 = arith.constant 0 : i32
      %scan3A_53 = arith.constant 40 : i32
      %scan3A_54 = arith.addi %scan3A_52, %scan3A_53 : i32
      %scan3A_55 = arith.constant 1 : i32
      scf.for %scan3A_70 = %scan3A_52 to %scan3A_54 step %scan3A_55  : i32 {
        %mul3A_71 = arith.constant 2 : i32
        %mul3A_72 = arith.muli %mul3A_71, %scan3A_70 : i32
        %add3A_73 = arith.constant 0 : i32
        %add3A_74 = arith.addi %mul3A_72, %add3A_73 : i32
        %dma_wait3A_75 = arith.constant 0 : i32
        %dma_wait3A_76 = tpu.memref_slice %arg6[%add3A_74, %dma_wait3A_75] : memref<80x128xi32, #tpu.memory_space<vmem>> -> memref<1x128xi32, #tpu.memory_space<vmem>>
        %dma_wait3A_77 = tpu.memref_squeeze %dma_wait3A_76 : memref<1x128xi32, #tpu.memory_space<vmem>> -> memref<128xi32, #tpu.memory_space<vmem>>
        %dma_wait3A_78 = arith.constant 0 : i32
        %dma_wait3A_79 = arith.constant 0 : i32
        %dma_wait3A_80 = tpu.memref_slice %arg9[%dma_wait3A_78, %dma_wait3A_79] : memref<10112x128xbf16, #tpu.memory_space<vmem_shared>> -> memref<10112x128xbf16, #tpu.memory_space<vmem_shared>>
        tpu.wait_indirect_dma semaphore(%arg12 : memref<!tpu.dma_semaphore, #tpu.memory_space<semaphore_mem>>) src(%dma_wait3A_80 : memref<10112x128xbf16, #tpu.memory_space<vmem_shared>>) dst(%arg10 : memref<128x128xbf16, #tpu.memory_space<vmem>>)
        %dma_start3A_81 = arith.constant 0 : i32
        %dma_start3A_82 = tpu.memref_slice %arg7[%add3A_74, %dma_start3A_81] : memref<80x128xi32, #tpu.memory_space<vmem>> -> memref<1x128xi32, #tpu.memory_space<vmem>>
        %dma_start3A_83 = tpu.memref_squeeze %dma_start3A_82 : memref<1x128xi32, #tpu.memory_space<vmem>> -> memref<128xi32, #tpu.memory_space<vmem>>
        %dma_start3A_84 = arith.constant 0 : i32
        %dma_start3A_85 = arith.constant 0 : i32
        %dma_start3A_86 = tpu.memref_slice %arg8[%dma_start3A_84, %dma_start3A_85] : memref<10112x128xbf16, #tpu.memory_space<vmem_shared>> -> memref<10112x128xbf16, #tpu.memory_space<vmem_shared>>
        tpu.enqueue_indirect_dma source(%arg10 : memref<128x128xbf16, #tpu.memory_space<vmem>>) target(%dma_start3A_86 : memref<10112x128xbf16, #tpu.memory_space<vmem_shared>>) offsets(%dma_start3A_83 : memref<128xi32, #tpu.memory_space<vmem>>) semaphore(%arg14 : memref<!tpu.dma_semaphore, #tpu.memory_space<semaphore_mem>>) {add = true}
        %mul3A_87 = arith.constant 2 : i32
        %mul3A_88 = arith.muli %mul3A_87, %scan3A_70 : i32
        %add3A_89 = arith.constant 1 : i32
        %add3A_90 = arith.addi %mul3A_88, %add3A_89 : i32
        %dma_wait3A_91 = arith.constant 0 : i32
        %dma_wait3A_92 = tpu.memref_slice %arg6[%add3A_90, %dma_wait3A_91] : memref<80x128xi32, #tpu.memory_space<vmem>> -> memref<1x128xi32, #tpu.memory_space<vmem>>
        %dma_wait3A_93 = tpu.memref_squeeze %dma_wait3A_92 : memref<1x128xi32, #tpu.memory_space<vmem>> -> memref<128xi32, #tpu.memory_space<vmem>>
        %dma_wait3A_94 = arith.constant 0 : i32
        %dma_wait3A_95 = arith.constant 0 : i32
        %dma_wait3A_96 = tpu.memref_slice %arg9[%dma_wait3A_94, %dma_wait3A_95] : memref<10112x128xbf16, #tpu.memory_space<vmem_shared>> -> memref<10112x128xbf16, #tpu.memory_space<vmem_shared>>
        tpu.wait_indirect_dma semaphore(%arg13 : memref<!tpu.dma_semaphore, #tpu.memory_space<semaphore_mem>>) src(%dma_wait3A_96 : memref<10112x128xbf16, #tpu.memory_space<vmem_shared>>) dst(%arg11 : memref<128x128xbf16, #tpu.memory_space<vmem>>)
        %dma_start3A_97 = arith.constant 0 : i32
        %dma_start3A_98 = tpu.memref_slice %arg7[%add3A_90, %dma_start3A_97] : memref<80x128xi32, #tpu.memory_space<vmem>> -> memref<1x128xi32, #tpu.memory_space<vmem>>
        %dma_start3A_99 = tpu.memref_squeeze %dma_start3A_98 : memref<1x128xi32, #tpu.memory_space<vmem>> -> memref<128xi32, #tpu.memory_space<vmem>>
        %dma_start3A_100 = arith.constant 0 : i32
        %dma_start3A_101 = arith.constant 0 : i32
        %dma_start3A_102 = tpu.memref_slice %arg8[%dma_start3A_100, %dma_start3A_101] : memref<10112x128xbf16, #tpu.memory_space<vmem_shared>> -> memref<10112x128xbf16, #tpu.memory_space<vmem_shared>>
        tpu.enqueue_indirect_dma source(%arg11 : memref<128x128xbf16, #tpu.memory_space<vmem>>) target(%dma_start3A_102 : memref<10112x128xbf16, #tpu.memory_space<vmem_shared>>) offsets(%dma_start3A_99 : memref<128xi32, #tpu.memory_space<vmem>>) semaphore(%arg15 : memref<!tpu.dma_semaphore, #tpu.memory_space<semaphore_mem>>) {add = true}
        %lt3A_103 = arith.constant 39 : i32
        %lt3A_104 = arith.cmpi slt, %scan3A_70, %lt3A_103 : i32
        %convert_element_type3A_105 = arith.extui %lt3A_104 : i1 to i32
        %cond3A_106 = arith.constant 0 : i32
        %cond3A_107 = arith.cmpi ne, %convert_element_type3A_105, %cond3A_106 : i32
        scf.if %cond3A_107 {
          %mul3A_108 = arith.constant 2 : i32
          %mul3A_109 = arith.muli %mul3A_108, %scan3A_70 : i32
          %add3A_110 = arith.constant 2 : i32
          %add3A_111 = arith.addi %mul3A_109, %add3A_110 : i32
          %add3A_112 = arith.constant 0 : i32
          %add3A_113 = arith.addi %add3A_111, %add3A_112 : i32
          %dma_wait3A_114 = arith.constant 0 : i32
          %dma_wait3A_115 = arith.constant 0 : i32
          %dma_wait3A_116 = tpu.memref_slice %arg7[%dma_wait3A_114, %dma_wait3A_115] : memref<80x128xi32, #tpu.memory_space<vmem>> -> memref<1x128xi32, #tpu.memory_space<vmem>>
          %dma_wait3A_117 = tpu.memref_squeeze %dma_wait3A_116 : memref<1x128xi32, #tpu.memory_space<vmem>> -> memref<128xi32, #tpu.memory_space<vmem>>
          %dma_wait3A_118 = arith.constant 0 : i32
          %dma_wait3A_119 = arith.constant 0 : i32
          %dma_wait3A_120 = tpu.memref_slice %arg8[%dma_wait3A_118, %dma_wait3A_119] : memref<10112x128xbf16, #tpu.memory_space<vmem_shared>> -> memref<10112x128xbf16, #tpu.memory_space<vmem_shared>>
          tpu.wait_indirect_dma semaphore(%arg14 : memref<!tpu.dma_semaphore, #tpu.memory_space<semaphore_mem>>) src(%arg10 : memref<128x128xbf16, #tpu.memory_space<vmem>>) dst(%dma_wait3A_120 : memref<10112x128xbf16, #tpu.memory_space<vmem_shared>>)
          %dma_start3A_121 = arith.constant 0 : i32
          %dma_start3A_122 = tpu.memref_slice %arg6[%add3A_113, %dma_start3A_121] : memref<80x128xi32, #tpu.memory_space<vmem>> -> memref<1x128xi32, #tpu.memory_space<vmem>>
          %dma_start3A_123 = tpu.memref_squeeze %dma_start3A_122 : memref<1x128xi32, #tpu.memory_space<vmem>> -> memref<128xi32, #tpu.memory_space<vmem>>
          %dma_start3A_124 = arith.constant 0 : i32
          %dma_start3A_125 = arith.constant 0 : i32
          %dma_start3A_126 = tpu.memref_slice %arg9[%dma_start3A_124, %dma_start3A_125] : memref<10112x128xbf16, #tpu.memory_space<vmem_shared>> -> memref<10112x128xbf16, #tpu.memory_space<vmem_shared>>
          tpu.enqueue_indirect_dma source(%dma_start3A_126 : memref<10112x128xbf16, #tpu.memory_space<vmem_shared>>) target(%arg10 : memref<128x128xbf16, #tpu.memory_space<vmem>>) offsets(%dma_start3A_123 : memref<128xi32, #tpu.memory_space<vmem>>) semaphore(%arg12 : memref<!tpu.dma_semaphore, #tpu.memory_space<semaphore_mem>>)
          %mul3A_127 = arith.constant 2 : i32
          %mul3A_128 = arith.muli %mul3A_127, %scan3A_70 : i32
          %add3A_129 = arith.constant 2 : i32
          %add3A_130 = arith.addi %mul3A_128, %add3A_129 : i32
          %add3A_131 = arith.constant 1 : i32
          %add3A_132 = arith.addi %add3A_130, %add3A_131 : i32
          %dma_wait3A_133 = arith.constant 0 : i32
          %dma_wait3A_134 = arith.constant 0 : i32
          %dma_wait3A_135 = tpu.memref_slice %arg7[%dma_wait3A_133, %dma_wait3A_134] : memref<80x128xi32, #tpu.memory_space<vmem>> -> memref<1x128xi32, #tpu.memory_space<vmem>>
          %dma_wait3A_136 = tpu.memref_squeeze %dma_wait3A_135 : memref<1x128xi32, #tpu.memory_space<vmem>> -> memref<128xi32, #tpu.memory_space<vmem>>
          %dma_wait3A_137 = arith.constant 0 : i32
          %dma_wait3A_138 = arith.constant 0 : i32
          %dma_wait3A_139 = tpu.memref_slice %arg8[%dma_wait3A_137, %dma_wait3A_138] : memref<10112x128xbf16, #tpu.memory_space<vmem_shared>> -> memref<10112x128xbf16, #tpu.memory_space<vmem_shared>>
          tpu.wait_indirect_dma semaphore(%arg15 : memref<!tpu.dma_semaphore, #tpu.memory_space<semaphore_mem>>) src(%arg11 : memref<128x128xbf16, #tpu.memory_space<vmem>>) dst(%dma_wait3A_139 : memref<10112x128xbf16, #tpu.memory_space<vmem_shared>>)
          %dma_start3A_140 = arith.constant 0 : i32
          %dma_start3A_141 = tpu.memref_slice %arg6[%add3A_132, %dma_start3A_140] : memref<80x128xi32, #tpu.memory_space<vmem>> -> memref<1x128xi32, #tpu.memory_space<vmem>>
          %dma_start3A_142 = tpu.memref_squeeze %dma_start3A_141 : memref<1x128xi32, #tpu.memory_space<vmem>> -> memref<128xi32, #tpu.memory_space<vmem>>
          %dma_start3A_143 = arith.constant 0 : i32
          %dma_start3A_144 = arith.constant 0 : i32
          %dma_start3A_145 = tpu.memref_slice %arg9[%dma_start3A_143, %dma_start3A_144] : memref<10112x128xbf16, #tpu.memory_space<vmem_shared>> -> memref<10112x128xbf16, #tpu.memory_space<vmem_shared>>
          tpu.enqueue_indirect_dma source(%dma_start3A_145 : memref<10112x128xbf16, #tpu.memory_space<vmem_shared>>) target(%arg11 : memref<128x128xbf16, #tpu.memory_space<vmem>>) offsets(%dma_start3A_142 : memref<128xi32, #tpu.memory_space<vmem>>) semaphore(%arg13 : memref<!tpu.dma_semaphore, #tpu.memory_space<semaphore_mem>>)
        } else {
        }
      }
      %scan3A_56 = arith.constant 40 : i32
      %dma_wait3A = arith.constant 0 : i32
      %dma_wait3A_57 = arith.constant 0 : i32
      %dma_wait3A_58 = tpu.memref_slice %arg7[%dma_wait3A, %dma_wait3A_57] : memref<80x128xi32, #tpu.memory_space<vmem>> -> memref<1x128xi32, #tpu.memory_space<vmem>>
      %dma_wait3A_59 = tpu.memref_squeeze %dma_wait3A_58 : memref<1x128xi32, #tpu.memory_space<vmem>> -> memref<128xi32, #tpu.memory_space<vmem>>
      %dma_wait3A_60 = arith.constant 0 : i32
      %dma_wait3A_61 = arith.constant 0 : i32
      %dma_wait3A_62 = tpu.memref_slice %arg8[%dma_wait3A_60, %dma_wait3A_61] : memref<10112x128xbf16, #tpu.memory_space<vmem_shared>> -> memref<10112x128xbf16, #tpu.memory_space<vmem_shared>>
      tpu.wait_indirect_dma semaphore(%arg14 : memref<!tpu.dma_semaphore, #tpu.memory_space<semaphore_mem>>) src(%arg10 : memref<128x128xbf16, #tpu.memory_space<vmem>>) dst(%dma_wait3A_62 : memref<10112x128xbf16, #tpu.memory_space<vmem_shared>>)
      %dma_wait3A_63 = arith.constant 0 : i32
      %dma_wait3A_64 = arith.constant 0 : i32
      %dma_wait3A_65 = tpu.memref_slice %arg7[%dma_wait3A_63, %dma_wait3A_64] : memref<80x128xi32, #tpu.memory_space<vmem>> -> memref<1x128xi32, #tpu.memory_space<vmem>>
      %dma_wait3A_66 = tpu.memref_squeeze %dma_wait3A_65 : memref<1x128xi32, #tpu.memory_space<vmem>> -> memref<128xi32, #tpu.memory_space<vmem>>
      %dma_wait3A_67 = arith.constant 0 : i32
      %dma_wait3A_68 = arith.constant 0 : i32
      %dma_wait3A_69 = tpu.memref_slice %arg8[%dma_wait3A_67, %dma_wait3A_68] : memref<10112x128xbf16, #tpu.memory_space<vmem_shared>> -> memref<10112x128xbf16, #tpu.memory_space<vmem_shared>>
      tpu.wait_indirect_dma semaphore(%arg15 : memref<!tpu.dma_semaphore, #tpu.memory_space<semaphore_mem>>) src(%arg10 : memref<128x128xbf16, #tpu.memory_space<vmem>>) dst(%dma_wait3A_69 : memref<10112x128xbf16, #tpu.memory_space<vmem_shared>>)
    } else {
    }
    %barrier3A_31 = arith.constant 0 : index
    tpu.barrier barrier_id(%barrier3A_31)
    "tpu.region"() ({
      %run_scoped3A = tpu.sem_alloc : memref<!tpu.dma_semaphore, #tpu.memory_space<semaphore_mem>>
      %dma_start3A = arith.constant 0 : i32
      %dma_start3A_32 = tpu.memref_slice %arg5[%arg0, %mul3A_5, %dma_start3A] : memref<2x10112x128xbf16, #tpu.memory_space<hbm>> -> memref<1x632x128xbf16, #tpu.memory_space<hbm>>
      %dma_start3A_33 = tpu.memref_squeeze %dma_start3A_32 : memref<1x632x128xbf16, #tpu.memory_space<hbm>> -> memref<632x128xbf16, #tpu.memory_space<hbm>>
      %dma_start3A_34 = arith.constant 0 : i32
      %dma_start3A_35 = tpu.memref_slice %arg8[%mul3A_5, %dma_start3A_34] : memref<10112x128xbf16, #tpu.memory_space<vmem_shared>> -> memref<632x128xbf16, #tpu.memory_space<vmem_shared>>
      tpu.enqueue_dma source(%dma_start3A_35 : memref<632x128xbf16, #tpu.memory_space<vmem_shared>>) target(%dma_start3A_33 : memref<632x128xbf16, #tpu.memory_space<hbm>>) target_semaphore(%run_scoped3A : memref<!tpu.dma_semaphore, #tpu.memory_space<semaphore_mem>>)
      %dma_wait3A = arith.constant 0 : i32
      %dma_wait3A_36 = tpu.memref_slice %arg5[%arg0, %mul3A_5, %dma_wait3A] : memref<2x10112x128xbf16, #tpu.memory_space<hbm>> -> memref<1x632x128xbf16, #tpu.memory_space<hbm>>
      %dma_wait3A_37 = tpu.memref_squeeze %dma_wait3A_36 : memref<1x632x128xbf16, #tpu.memory_space<hbm>> -> memref<632x128xbf16, #tpu.memory_space<hbm>>
      %dma_wait3A_38 = arith.constant 0 : i32
      %dma_wait3A_39 = tpu.memref_slice %arg8[%mul3A_5, %dma_wait3A_38] : memref<10112x128xbf16, #tpu.memory_space<vmem_shared>> -> memref<632x128xbf16, #tpu.memory_space<vmem_shared>>
      tpu.wait_dma2 semaphore(%run_scoped3A : memref<!tpu.dma_semaphore, #tpu.memory_space<semaphore_mem>>) src(%dma_wait3A_39 : memref<632x128xbf16, #tpu.memory_space<vmem_shared>>) dst(%dma_wait3A_37 : memref<632x128xbf16, #tpu.memory_space<hbm>>)
      tpu.yield
    }) : () -> ()
    return
  }
}

#map = affine_map<(d0, d1) -> (0, 0)>
#map1 = affine_map<(d0, d1) -> (0, 0, 0)>
module attributes {stable_mosaic.version = 14 : i64} {
  func.func @k(%arg0: i32, %arg1: i32, %arg2: memref<10000x32xbf16, #tpu.memory_space<hbm>>, %arg3: memref<2560x128xi32, #tpu.memory_space<hbm>>, %arg4: memref<2560x128xi32, #tpu.memory_space<hbm>>, %arg5: memref<2x10112x32xbf16, #tpu.memory_space<hbm>>, %arg6: memref<80x128xi32, #tpu.memory_space<vmem>>, %arg7: memref<80x128xi32, #tpu.memory_space<vmem>>, %arg8: memref<10112x32xbf16, #tpu.memory_space<vmem_shared>>, %arg9: memref<10112x32xbf16, #tpu.memory_space<vmem_shared>>, %arg10: memref<128x32xbf16, #tpu.memory_space<vmem>>, %arg11: memref<128x32xbf16, #tpu.memory_space<vmem>>, %arg12: memref<128x32xbf16, #tpu.memory_space<vmem>>, %arg13: memref<128x32xbf16, #tpu.memory_space<vmem>>, %arg14: memref<!tpu.dma_semaphore, #tpu.memory_space<semaphore_mem>>, %arg15: memref<!tpu.dma_semaphore, #tpu.memory_space<semaphore_mem>>, %arg16: memref<!tpu.dma_semaphore, #tpu.memory_space<semaphore_mem>>, %arg17: memref<!tpu.dma_semaphore, #tpu.memory_space<semaphore_mem>>, %arg18: memref<!tpu.dma_semaphore, #tpu.memory_space<semaphore_mem>>, %arg19: memref<!tpu.dma_semaphore, #tpu.memory_space<semaphore_mem>>, %arg20: memref<!tpu.dma_semaphore, #tpu.memory_space<semaphore_mem>>, %arg21: memref<!tpu.dma_semaphore, #tpu.memory_space<semaphore_mem>>) attributes {dimension_semantics = [#tpu.dimension_semantics<core_parallel>, #tpu.dimension_semantics<subcore_parallel>], iteration_bounds = array<i64: 2, 16>, scalar_prefetch = 0 : i64, scratch_operands = 16 : i64, tpu.core_type = #tpu.core_type<sc_vector_subcore>, window_params = [{transform_indices = #map}, {transform_indices = #map}, {transform_indices = #map}, {transform_indices = #map1}]} {
    %scan3A = arith.constant 0 : i32
    %scan3A_0 = arith.constant 0 : i32
    %scan3A_1 = arith.constant 128 : i32
    %scan3A_2 = arith.addi %scan3A_0, %scan3A_1 : i32
    %scan3A_3 = arith.constant 1 : i32
    scf.for %scan3A_32 = %scan3A_0 to %scan3A_2 step %scan3A_3  : i32 {
      %broadcast_in_dim3A = arith.constant 0.000000e+00 : bf16
      %broadcast_in_dim3A_33 = vector.broadcast %broadcast_in_dim3A : bf16 to vector<32xbf16>
      %swap3A = arith.index_cast %scan3A_32 : i32 to index
      %swap3A_34 = arith.constant 0 : index
      %swap3A_35 = tpu.vector_load %arg10[%swap3A, %swap3A_34] {strides = array<i32>} : memref<128x32xbf16, #tpu.memory_space<vmem>>, vector<1x32xbf16>,
      %swap3A_36 = vector.shape_cast %swap3A_35 : vector<1x32xbf16> to vector<32xbf16>
      %swap3A_37 = vector.shape_cast %broadcast_in_dim3A_33 : vector<32xbf16> to vector<1x32xbf16>
      tpu.vector_store %arg10[%swap3A, %swap3A_34], %swap3A_37 {strides = array<i32>} : memref<128x32xbf16, #tpu.memory_space<vmem>>, vector<1x32xbf16>,
    }
    %scan3A_4 = arith.constant 128 : i32
    %mul3A = arith.constant 632 : i32
    %mul3A_5 = arith.muli %arg1, %mul3A : i32
    %add3A = arith.constant 0 : i32
    %add3A_6 = arith.addi %mul3A_5, %add3A : i32
    "tpu.region"() ({
      %run_scoped3A = tpu.sem_alloc : memref<!tpu.dma_semaphore, #tpu.memory_space<semaphore_mem>>
      %dma_start3A = arith.constant 0 : i32
      %dma_start3A_32 = arith.constant 0 : i32
      %dma_start3A_33 = tpu.memref_slice %arg10[%dma_start3A, %dma_start3A_32] : memref<128x32xbf16, #tpu.memory_space<vmem>> -> memref<128x32xbf16, #tpu.memory_space<vmem>>
      %dma_start3A_34 = arith.constant 0 : i32
      %dma_start3A_35 = tpu.memref_slice %arg8[%add3A_6, %dma_start3A_34] : memref<10112x32xbf16, #tpu.memory_space<vmem_shared>> -> memref<128x32xbf16, #tpu.memory_space<vmem_shared>>
      %dma_start3A_36 = arith.constant 0 : i32
      %dma_start3A_37 = tpu.memref_slice %arg8[%add3A_6, %dma_start3A_36] : memref<10112x32xbf16, #tpu.memory_space<vmem_shared>> -> memref<128x32xbf16, #tpu.memory_space<vmem_shared>>
      %dma_start3A_38 = arith.constant 0 : i32
      %dma_start3A_39 = arith.constant 0 : i32
      %dma_start3A_40 = tpu.memref_slice %arg10[%dma_start3A_38, %dma_start3A_39] : memref<128x32xbf16, #tpu.memory_space<vmem>> -> memref<128x32xbf16, #tpu.memory_space<vmem>>
      tpu.enqueue_dma source(%dma_start3A_40 : memref<128x32xbf16, #tpu.memory_space<vmem>>) target(%dma_start3A_37 : memref<128x32xbf16, #tpu.memory_space<vmem_shared>>) target_semaphore(%run_scoped3A : memref<!tpu.dma_semaphore, #tpu.memory_space<semaphore_mem>>)
      %dma_wait3A = arith.constant 0 : i32
      %dma_wait3A_41 = arith.constant 0 : i32
      %dma_wait3A_42 = tpu.memref_slice %arg10[%dma_wait3A, %dma_wait3A_41] : memref<128x32xbf16, #tpu.memory_space<vmem>> -> memref<128x32xbf16, #tpu.memory_space<vmem>>
      %dma_wait3A_43 = arith.constant 0 : i32
      %dma_wait3A_44 = tpu.memref_slice %arg8[%add3A_6, %dma_wait3A_43] : memref<10112x32xbf16, #tpu.memory_space<vmem_shared>> -> memref<128x32xbf16, #tpu.memory_space<vmem_shared>>
      %dma_wait3A_45 = arith.constant 0 : i32
      %dma_wait3A_46 = tpu.memref_slice %arg8[%add3A_6, %dma_wait3A_45] : memref<10112x32xbf16, #tpu.memory_space<vmem_shared>> -> memref<128x32xbf16, #tpu.memory_space<vmem_shared>>
      %dma_wait3A_47 = arith.constant 0 : i32
      %dma_wait3A_48 = arith.constant 0 : i32
      %dma_wait3A_49 = tpu.memref_slice %arg10[%dma_wait3A_47, %dma_wait3A_48] : memref<128x32xbf16, #tpu.memory_space<vmem>> -> memref<128x32xbf16, #tpu.memory_space<vmem>>
      tpu.wait_dma2 semaphore(%run_scoped3A : memref<!tpu.dma_semaphore, #tpu.memory_space<semaphore_mem>>) src(%dma_wait3A_49 : memref<128x32xbf16, #tpu.memory_space<vmem>>) dst(%dma_wait3A_46 : memref<128x32xbf16, #tpu.memory_space<vmem_shared>>)
      tpu.yield
    }) : () -> ()
    %add3A_7 = arith.constant 128 : i32
    %add3A_8 = arith.addi %mul3A_5, %add3A_7 : i32
    "tpu.region"() ({
      %run_scoped3A = tpu.sem_alloc : memref<!tpu.dma_semaphore, #tpu.memory_space<semaphore_mem>>
      %dma_start3A = arith.constant 0 : i32
      %dma_start3A_32 = arith.constant 0 : i32
      %dma_start3A_33 = tpu.memref_slice %arg10[%dma_start3A, %dma_start3A_32] : memref<128x32xbf16, #tpu.memory_space<vmem>> -> memref<128x32xbf16, #tpu.memory_space<vmem>>
      %dma_start3A_34 = arith.constant 0 : i32
      %dma_start3A_35 = tpu.memref_slice %arg8[%add3A_8, %dma_start3A_34] : memref<10112x32xbf16, #tpu.memory_space<vmem_shared>> -> memref<128x32xbf16, #tpu.memory_space<vmem_shared>>
      %dma_start3A_36 = arith.constant 0 : i32
      %dma_start3A_37 = tpu.memref_slice %arg8[%add3A_8, %dma_start3A_36] : memref<10112x32xbf16, #tpu.memory_space<vmem_shared>> -> memref<128x32xbf16, #tpu.memory_space<vmem_shared>>
      %dma_start3A_38 = arith.constant 0 : i32
      %dma_start3A_39 = arith.constant 0 : i32
      %dma_start3A_40 = tpu.memref_slice %arg10[%dma_start3A_38, %dma_start3A_39] : memref<128x32xbf16, #tpu.memory_space<vmem>> -> memref<128x32xbf16, #tpu.memory_space<vmem>>
      tpu.enqueue_dma source(%dma_start3A_40 : memref<128x32xbf16, #tpu.memory_space<vmem>>) target(%dma_start3A_37 : memref<128x32xbf16, #tpu.memory_space<vmem_shared>>) target_semaphore(%run_scoped3A : memref<!tpu.dma_semaphore, #tpu.memory_space<semaphore_mem>>)
      %dma_wait3A = arith.constant 0 : i32
      %dma_wait3A_41 = arith.constant 0 : i32
      %dma_wait3A_42 = tpu.memref_slice %arg10[%dma_wait3A, %dma_wait3A_41] : memref<128x32xbf16, #tpu.memory_space<vmem>> -> memref<128x32xbf16, #tpu.memory_space<vmem>>
      %dma_wait3A_43 = arith.constant 0 : i32
      %dma_wait3A_44 = tpu.memref_slice %arg8[%add3A_8, %dma_wait3A_43] : memref<10112x32xbf16, #tpu.memory_space<vmem_shared>> -> memref<128x32xbf16, #tpu.memory_space<vmem_shared>>
      %dma_wait3A_45 = arith.constant 0 : i32
      %dma_wait3A_46 = tpu.memref_slice %arg8[%add3A_8, %dma_wait3A_45] : memref<10112x32xbf16, #tpu.memory_space<vmem_shared>> -> memref<128x32xbf16, #tpu.memory_space<vmem_shared>>
      %dma_wait3A_47 = arith.constant 0 : i32
      %dma_wait3A_48 = arith.constant 0 : i32
      %dma_wait3A_49 = tpu.memref_slice %arg10[%dma_wait3A_47, %dma_wait3A_48] : memref<128x32xbf16, #tpu.memory_space<vmem>> -> memref<128x32xbf16, #tpu.memory_space<vmem>>
      tpu.wait_dma2 semaphore(%run_scoped3A : memref<!tpu.dma_semaphore, #tpu.memory_space<semaphore_mem>>) src(%dma_wait3A_49 : memref<128x32xbf16, #tpu.memory_space<vmem>>) dst(%dma_wait3A_46 : memref<128x32xbf16, #tpu.memory_space<vmem_shared>>)
      tpu.yield
    }) : () -> ()
    %add3A_9 = arith.constant 256 : i32
    %add3A_10 = arith.addi %mul3A_5, %add3A_9 : i32
    "tpu.region"() ({
      %run_scoped3A = tpu.sem_alloc : memref<!tpu.dma_semaphore, #tpu.memory_space<semaphore_mem>>
      %dma_start3A = arith.constant 0 : i32
      %dma_start3A_32 = arith.constant 0 : i32
      %dma_start3A_33 = tpu.memref_slice %arg10[%dma_start3A, %dma_start3A_32] : memref<128x32xbf16, #tpu.memory_space<vmem>> -> memref<128x32xbf16, #tpu.memory_space<vmem>>
      %dma_start3A_34 = arith.constant 0 : i32
      %dma_start3A_35 = tpu.memref_slice %arg8[%add3A_10, %dma_start3A_34] : memref<10112x32xbf16, #tpu.memory_space<vmem_shared>> -> memref<128x32xbf16, #tpu.memory_space<vmem_shared>>
      %dma_start3A_36 = arith.constant 0 : i32
      %dma_start3A_37 = tpu.memref_slice %arg8[%add3A_10, %dma_start3A_36] : memref<10112x32xbf16, #tpu.memory_space<vmem_shared>> -> memref<128x32xbf16, #tpu.memory_space<vmem_shared>>
      %dma_start3A_38 = arith.constant 0 : i32
      %dma_start3A_39 = arith.constant 0 : i32
      %dma_start3A_40 = tpu.memref_slice %arg10[%dma_start3A_38, %dma_start3A_39] : memref<128x32xbf16, #tpu.memory_space<vmem>> -> memref<128x32xbf16, #tpu.memory_space<vmem>>
      tpu.enqueue_dma source(%dma_start3A_40 : memref<128x32xbf16, #tpu.memory_space<vmem>>) target(%dma_start3A_37 : memref<128x32xbf16, #tpu.memory_space<vmem_shared>>) target_semaphore(%run_scoped3A : memref<!tpu.dma_semaphore, #tpu.memory_space<semaphore_mem>>)
      %dma_wait3A = arith.constant 0 : i32
      %dma_wait3A_41 = arith.constant 0 : i32
      %dma_wait3A_42 = tpu.memref_slice %arg10[%dma_wait3A, %dma_wait3A_41] : memref<128x32xbf16, #tpu.memory_space<vmem>> -> memref<128x32xbf16, #tpu.memory_space<vmem>>
      %dma_wait3A_43 = arith.constant 0 : i32
      %dma_wait3A_44 = tpu.memref_slice %arg8[%add3A_10, %dma_wait3A_43] : memref<10112x32xbf16, #tpu.memory_space<vmem_shared>> -> memref<128x32xbf16, #tpu.memory_space<vmem_shared>>
      %dma_wait3A_45 = arith.constant 0 : i32
      %dma_wait3A_46 = tpu.memref_slice %arg8[%add3A_10, %dma_wait3A_45] : memref<10112x32xbf16, #tpu.memory_space<vmem_shared>> -> memref<128x32xbf16, #tpu.memory_space<vmem_shared>>
      %dma_wait3A_47 = arith.constant 0 : i32
      %dma_wait3A_48 = arith.constant 0 : i32
      %dma_wait3A_49 = tpu.memref_slice %arg10[%dma_wait3A_47, %dma_wait3A_48] : memref<128x32xbf16, #tpu.memory_space<vmem>> -> memref<128x32xbf16, #tpu.memory_space<vmem>>
      tpu.wait_dma2 semaphore(%run_scoped3A : memref<!tpu.dma_semaphore, #tpu.memory_space<semaphore_mem>>) src(%dma_wait3A_49 : memref<128x32xbf16, #tpu.memory_space<vmem>>) dst(%dma_wait3A_46 : memref<128x32xbf16, #tpu.memory_space<vmem_shared>>)
      tpu.yield
    }) : () -> ()
    %add3A_11 = arith.constant 384 : i32
    %add3A_12 = arith.addi %mul3A_5, %add3A_11 : i32
    "tpu.region"() ({
      %run_scoped3A = tpu.sem_alloc : memref<!tpu.dma_semaphore, #tpu.memory_space<semaphore_mem>>
      %dma_start3A = arith.constant 0 : i32
      %dma_start3A_32 = arith.constant 0 : i32
      %dma_start3A_33 = tpu.memref_slice %arg10[%dma_start3A, %dma_start3A_32] : memref<128x32xbf16, #tpu.memory_space<vmem>> -> memref<128x32xbf16, #tpu.memory_space<vmem>>
      %dma_start3A_34 = arith.constant 0 : i32
      %dma_start3A_35 = tpu.memref_slice %arg8[%add3A_12, %dma_start3A_34] : memref<10112x32xbf16, #tpu.memory_space<vmem_shared>> -> memref<128x32xbf16, #tpu.memory_space<vmem_shared>>
      %dma_start3A_36 = arith.constant 0 : i32
      %dma_start3A_37 = tpu.memref_slice %arg8[%add3A_12, %dma_start3A_36] : memref<10112x32xbf16, #tpu.memory_space<vmem_shared>> -> memref<128x32xbf16, #tpu.memory_space<vmem_shared>>
      %dma_start3A_38 = arith.constant 0 : i32
      %dma_start3A_39 = arith.constant 0 : i32
      %dma_start3A_40 = tpu.memref_slice %arg10[%dma_start3A_38, %dma_start3A_39] : memref<128x32xbf16, #tpu.memory_space<vmem>> -> memref<128x32xbf16, #tpu.memory_space<vmem>>
      tpu.enqueue_dma source(%dma_start3A_40 : memref<128x32xbf16, #tpu.memory_space<vmem>>) target(%dma_start3A_37 : memref<128x32xbf16, #tpu.memory_space<vmem_shared>>) target_semaphore(%run_scoped3A : memref<!tpu.dma_semaphore, #tpu.memory_space<semaphore_mem>>)
      %dma_wait3A = arith.constant 0 : i32
      %dma_wait3A_41 = arith.constant 0 : i32
      %dma_wait3A_42 = tpu.memref_slice %arg10[%dma_wait3A, %dma_wait3A_41] : memref<128x32xbf16, #tpu.memory_space<vmem>> -> memref<128x32xbf16, #tpu.memory_space<vmem>>
      %dma_wait3A_43 = arith.constant 0 : i32
      %dma_wait3A_44 = tpu.memref_slice %arg8[%add3A_12, %dma_wait3A_43] : memref<10112x32xbf16, #tpu.memory_space<vmem_shared>> -> memref<128x32xbf16, #tpu.memory_space<vmem_shared>>
      %dma_wait3A_45 = arith.constant 0 : i32
      %dma_wait3A_46 = tpu.memref_slice %arg8[%add3A_12, %dma_wait3A_45] : memref<10112x32xbf16, #tpu.memory_space<vmem_shared>> -> memref<128x32xbf16, #tpu.memory_space<vmem_shared>>
      %dma_wait3A_47 = arith.constant 0 : i32
      %dma_wait3A_48 = arith.constant 0 : i32
      %dma_wait3A_49 = tpu.memref_slice %arg10[%dma_wait3A_47, %dma_wait3A_48] : memref<128x32xbf16, #tpu.memory_space<vmem>> -> memref<128x32xbf16, #tpu.memory_space<vmem>>
      tpu.wait_dma2 semaphore(%run_scoped3A : memref<!tpu.dma_semaphore, #tpu.memory_space<semaphore_mem>>) src(%dma_wait3A_49 : memref<128x32xbf16, #tpu.memory_space<vmem>>) dst(%dma_wait3A_46 : memref<128x32xbf16, #tpu.memory_space<vmem_shared>>)
      tpu.yield
    }) : () -> ()
    %add3A_13 = arith.constant 512 : i32
    %add3A_14 = arith.addi %mul3A_5, %add3A_13 : i32
    "tpu.region"() ({
      %run_scoped3A = tpu.sem_alloc : memref<!tpu.dma_semaphore, #tpu.memory_space<semaphore_mem>>
      %dma_start3A = arith.constant 0 : i32
      %dma_start3A_32 = arith.constant 0 : i32
      %dma_start3A_33 = tpu.memref_slice %arg10[%dma_start3A, %dma_start3A_32] : memref<128x32xbf16, #tpu.memory_space<vmem>> -> memref<120x32xbf16, #tpu.memory_space<vmem>>
      %dma_start3A_34 = arith.constant 0 : i32
      %dma_start3A_35 = tpu.memref_slice %arg8[%add3A_14, %dma_start3A_34] : memref<10112x32xbf16, #tpu.memory_space<vmem_shared>> -> memref<120x32xbf16, #tpu.memory_space<vmem_shared>>
      %dma_start3A_36 = arith.constant 0 : i32
      %dma_start3A_37 = tpu.memref_slice %arg8[%add3A_14, %dma_start3A_36] : memref<10112x32xbf16, #tpu.memory_space<vmem_shared>> -> memref<120x32xbf16, #tpu.memory_space<vmem_shared>>
      %dma_start3A_38 = arith.constant 0 : i32
      %dma_start3A_39 = arith.constant 0 : i32
      %dma_start3A_40 = tpu.memref_slice %arg10[%dma_start3A_38, %dma_start3A_39] : memref<128x32xbf16, #tpu.memory_space<vmem>> -> memref<120x32xbf16, #tpu.memory_space<vmem>>
      tpu.enqueue_dma source(%dma_start3A_40 : memref<120x32xbf16, #tpu.memory_space<vmem>>) target(%dma_start3A_37 : memref<120x32xbf16, #tpu.memory_space<vmem_shared>>) target_semaphore(%run_scoped3A : memref<!tpu.dma_semaphore, #tpu.memory_space<semaphore_mem>>)
      %dma_wait3A = arith.constant 0 : i32
      %dma_wait3A_41 = arith.constant 0 : i32
      %dma_wait3A_42 = tpu.memref_slice %arg10[%dma_wait3A, %dma_wait3A_41] : memref<128x32xbf16, #tpu.memory_space<vmem>> -> memref<120x32xbf16, #tpu.memory_space<vmem>>
      %dma_wait3A_43 = arith.constant 0 : i32
      %dma_wait3A_44 = tpu.memref_slice %arg8[%add3A_14, %dma_wait3A_43] : memref<10112x32xbf16, #tpu.memory_space<vmem_shared>> -> memref<120x32xbf16, #tpu.memory_space<vmem_shared>>
      %dma_wait3A_45 = arith.constant 0 : i32
      %dma_wait3A_46 = tpu.memref_slice %arg8[%add3A_14, %dma_wait3A_45] : memref<10112x32xbf16, #tpu.memory_space<vmem_shared>> -> memref<120x32xbf16, #tpu.memory_space<vmem_shared>>
      %dma_wait3A_47 = arith.constant 0 : i32
      %dma_wait3A_48 = arith.constant 0 : i32
      %dma_wait3A_49 = tpu.memref_slice %arg10[%dma_wait3A_47, %dma_wait3A_48] : memref<128x32xbf16, #tpu.memory_space<vmem>> -> memref<120x32xbf16, #tpu.memory_space<vmem>>
      tpu.wait_dma2 semaphore(%run_scoped3A : memref<!tpu.dma_semaphore, #tpu.memory_space<semaphore_mem>>) src(%dma_wait3A_49 : memref<120x32xbf16, #tpu.memory_space<vmem>>) dst(%dma_wait3A_46 : memref<120x32xbf16, #tpu.memory_space<vmem_shared>>)
      tpu.yield
    }) : () -> ()
    %lt3A = arith.constant 15 : i32
    %lt3A_15 = arith.cmpi slt, %arg1, %lt3A : i32
    %convert_element_type3A = arith.extui %lt3A_15 : i1 to i32
    %cond3A = arith.constant 0 : i32
    %cond3A_16 = arith.cmpi ne, %convert_element_type3A, %cond3A : i32
    scf.if %cond3A_16 {
      "tpu.region"() ({
        %run_scoped3A = tpu.sem_alloc : memref<!tpu.dma_semaphore, #tpu.memory_space<semaphore_mem>>
        %dma_start3A = arith.constant 0 : i32
        %dma_start3A_32 = tpu.memref_slice %arg9[%mul3A_5, %dma_start3A] : memref<10112x32xbf16, #tpu.memory_space<vmem_shared>> -> memref<632x32xbf16, #tpu.memory_space<vmem_shared>>
        %dma_start3A_33 = arith.constant 0 : i32
        %dma_start3A_34 = tpu.memref_slice %arg2[%mul3A_5, %dma_start3A_33] : memref<10000x32xbf16, #tpu.memory_space<hbm>> -> memref<632x32xbf16, #tpu.memory_space<hbm>>
        tpu.enqueue_dma source(%dma_start3A_34 : memref<632x32xbf16, #tpu.memory_space<hbm>>) target(%dma_start3A_32 : memref<632x32xbf16, #tpu.memory_space<vmem_shared>>) target_semaphore(%run_scoped3A : memref<!tpu.dma_semaphore, #tpu.memory_space<semaphore_mem>>)
        %dma_wait3A = arith.constant 0 : i32
        %dma_wait3A_35 = tpu.memref_slice %arg9[%mul3A_5, %dma_wait3A] : memref<10112x32xbf16, #tpu.memory_space<vmem_shared>> -> memref<632x32xbf16, #tpu.memory_space<vmem_shared>>
        %dma_wait3A_36 = arith.constant 0 : i32
        %dma_wait3A_37 = tpu.memref_slice %arg2[%mul3A_5, %dma_wait3A_36] : memref<10000x32xbf16, #tpu.memory_space<hbm>> -> memref<632x32xbf16, #tpu.memory_space<hbm>>
        tpu.wait_dma2 semaphore(%run_scoped3A : memref<!tpu.dma_semaphore, #tpu.memory_space<semaphore_mem>>) src(%dma_wait3A_37 : memref<632x32xbf16, #tpu.memory_space<hbm>>) dst(%dma_wait3A_35 : memref<632x32xbf16, #tpu.memory_space<vmem_shared>>)
        tpu.yield
      }) : () -> ()
    } else {
    }
    %eq3A = arith.constant 15 : i32
    %eq3A_17 = arith.cmpi eq, %arg1, %eq3A : i32
    %convert_element_type3A_18 = arith.extui %eq3A_17 : i1 to i32
    %cond3A_19 = arith.constant 0 : i32
    %cond3A_20 = arith.cmpi ne, %convert_element_type3A_18, %cond3A_19 : i32
    scf.if %cond3A_20 {
      "tpu.region"() ({
        %run_scoped3A = tpu.sem_alloc : memref<!tpu.dma_semaphore, #tpu.memory_space<semaphore_mem>>
        %dma_start3A = arith.constant 9480 : i32
        %dma_start3A_32 = arith.constant 0 : i32
        %dma_start3A_33 = tpu.memref_slice %arg9[%dma_start3A, %dma_start3A_32] : memref<10112x32xbf16, #tpu.memory_space<vmem_shared>> -> memref<520x32xbf16, #tpu.memory_space<vmem_shared>>
        %dma_start3A_34 = arith.constant 9480 : i32
        %dma_start3A_35 = arith.constant 0 : i32
        %dma_start3A_36 = tpu.memref_slice %arg2[%dma_start3A_34, %dma_start3A_35] : memref<10000x32xbf16, #tpu.memory_space<hbm>> -> memref<520x32xbf16, #tpu.memory_space<hbm>>
        tpu.enqueue_dma source(%dma_start3A_36 : memref<520x32xbf16, #tpu.memory_space<hbm>>) target(%dma_start3A_33 : memref<520x32xbf16, #tpu.memory_space<vmem_shared>>) target_semaphore(%run_scoped3A : memref<!tpu.dma_semaphore, #tpu.memory_space<semaphore_mem>>)
        %dma_wait3A = arith.constant 9480 : i32
        %dma_wait3A_37 = arith.constant 0 : i32
        %dma_wait3A_38 = tpu.memref_slice %arg9[%dma_wait3A, %dma_wait3A_37] : memref<10112x32xbf16, #tpu.memory_space<vmem_shared>> -> memref<520x32xbf16, #tpu.memory_space<vmem_shared>>
        %dma_wait3A_39 = arith.constant 9480 : i32
        %dma_wait3A_40 = arith.constant 0 : i32
        %dma_wait3A_41 = tpu.memref_slice %arg2[%dma_wait3A_39, %dma_wait3A_40] : memref<10000x32xbf16, #tpu.memory_space<hbm>> -> memref<520x32xbf16, #tpu.memory_space<hbm>>
        tpu.wait_dma2 semaphore(%run_scoped3A : memref<!tpu.dma_semaphore, #tpu.memory_space<semaphore_mem>>) src(%dma_wait3A_41 : memref<520x32xbf16, #tpu.memory_space<hbm>>) dst(%dma_wait3A_38 : memref<520x32xbf16, #tpu.memory_space<vmem_shared>>)
        tpu.yield
      }) : () -> ()
    } else {
    }
    %barrier3A = arith.constant 0 : index
    tpu.barrier barrier_id(%barrier3A)
    %eq3A_21 = arith.constant 0 : i32
    %eq3A_22 = arith.cmpi eq, %arg0, %eq3A_21 : i32
    %convert_element_type3A_23 = arith.extui %eq3A_22 : i1 to i32
    %cond3A_24 = arith.constant 0 : i32
    %cond3A_25 = arith.cmpi ne, %convert_element_type3A_23, %cond3A_24 : i32
    scf.if %cond3A_25 {
      %mul3A_32 = arith.constant 80 : i32
      %mul3A_33 = arith.muli %arg1, %mul3A_32 : i32
      %add3A_34 = arith.constant 0 : i32
      %add3A_35 = arith.addi %mul3A_33, %add3A_34 : i32
      "tpu.region"() ({
        %run_scoped3A = tpu.sem_alloc : memref<!tpu.dma_semaphore, #tpu.memory_space<semaphore_mem>>
        %dma_start3A_96 = arith.constant 0 : i32
        %dma_start3A_97 = arith.constant 0 : i32
        %dma_start3A_98 = tpu.memref_slice %arg6[%dma_start3A_96, %dma_start3A_97] : memref<80x128xi32, #tpu.memory_space<vmem>> -> memref<80x128xi32, #tpu.memory_space<vmem>>
        %dma_start3A_99 = arith.constant 0 : i32
        %dma_start3A_100 = tpu.memref_slice %arg3[%add3A_35, %dma_start3A_99] : memref<2560x128xi32, #tpu.memory_space<hbm>> -> memref<80x128xi32, #tpu.memory_space<hbm>>
        %dma_start3A_101 = arith.constant 0 : i32
        %dma_start3A_102 = arith.constant 0 : i32
        %dma_start3A_103 = tpu.memref_slice %arg6[%dma_start3A_101, %dma_start3A_102] : memref<80x128xi32, #tpu.memory_space<vmem>> -> memref<80x128xi32, #tpu.memory_space<vmem>>
        %dma_start3A_104 = arith.constant 0 : i32
        %dma_start3A_105 = tpu.memref_slice %arg3[%add3A_35, %dma_start3A_104] : memref<2560x128xi32, #tpu.memory_space<hbm>> -> memref<80x128xi32, #tpu.memory_space<hbm>>
        tpu.enqueue_dma source(%dma_start3A_105 : memref<80x128xi32, #tpu.memory_space<hbm>>) target(%dma_start3A_103 : memref<80x128xi32, #tpu.memory_space<vmem>>) target_semaphore(%run_scoped3A : memref<!tpu.dma_semaphore, #tpu.memory_space<semaphore_mem>>)
        %dma_wait3A_106 = arith.constant 0 : i32
        %dma_wait3A_107 = arith.constant 0 : i32
        %dma_wait3A_108 = tpu.memref_slice %arg6[%dma_wait3A_106, %dma_wait3A_107] : memref<80x128xi32, #tpu.memory_space<vmem>> -> memref<80x128xi32, #tpu.memory_space<vmem>>
        %dma_wait3A_109 = arith.constant 0 : i32
        %dma_wait3A_110 = tpu.memref_slice %arg3[%add3A_35, %dma_wait3A_109] : memref<2560x128xi32, #tpu.memory_space<hbm>> -> memref<80x128xi32, #tpu.memory_space<hbm>>
        %dma_wait3A_111 = arith.constant 0 : i32
        %dma_wait3A_112 = arith.constant 0 : i32
        %dma_wait3A_113 = tpu.memref_slice %arg6[%dma_wait3A_111, %dma_wait3A_112] : memref<80x128xi32, #tpu.memory_space<vmem>> -> memref<80x128xi32, #tpu.memory_space<vmem>>
        %dma_wait3A_114 = arith.constant 0 : i32
        %dma_wait3A_115 = tpu.memref_slice %arg3[%add3A_35, %dma_wait3A_114] : memref<2560x128xi32, #tpu.memory_space<hbm>> -> memref<80x128xi32, #tpu.memory_space<hbm>>
        tpu.wait_dma2 semaphore(%run_scoped3A : memref<!tpu.dma_semaphore, #tpu.memory_space<semaphore_mem>>) src(%dma_wait3A_115 : memref<80x128xi32, #tpu.memory_space<hbm>>) dst(%dma_wait3A_113 : memref<80x128xi32, #tpu.memory_space<vmem>>)
        tpu.yield
      }) : () -> ()
      "tpu.region"() ({
        %run_scoped3A = tpu.sem_alloc : memref<!tpu.dma_semaphore, #tpu.memory_space<semaphore_mem>>
        %dma_start3A_96 = arith.constant 0 : i32
        %dma_start3A_97 = arith.constant 0 : i32
        %dma_start3A_98 = tpu.memref_slice %arg7[%dma_start3A_96, %dma_start3A_97] : memref<80x128xi32, #tpu.memory_space<vmem>> -> memref<80x128xi32, #tpu.memory_space<vmem>>
        %dma_start3A_99 = arith.constant 0 : i32
        %dma_start3A_100 = tpu.memref_slice %arg4[%add3A_35, %dma_start3A_99] : memref<2560x128xi32, #tpu.memory_space<hbm>> -> memref<80x128xi32, #tpu.memory_space<hbm>>
        %dma_start3A_101 = arith.constant 0 : i32
        %dma_start3A_102 = arith.constant 0 : i32
        %dma_start3A_103 = tpu.memref_slice %arg7[%dma_start3A_101, %dma_start3A_102] : memref<80x128xi32, #tpu.memory_space<vmem>> -> memref<80x128xi32, #tpu.memory_space<vmem>>
        %dma_start3A_104 = arith.constant 0 : i32
        %dma_start3A_105 = tpu.memref_slice %arg4[%add3A_35, %dma_start3A_104] : memref<2560x128xi32, #tpu.memory_space<hbm>> -> memref<80x128xi32, #tpu.memory_space<hbm>>
        tpu.enqueue_dma source(%dma_start3A_105 : memref<80x128xi32, #tpu.memory_space<hbm>>) target(%dma_start3A_103 : memref<80x128xi32, #tpu.memory_space<vmem>>) target_semaphore(%run_scoped3A : memref<!tpu.dma_semaphore, #tpu.memory_space<semaphore_mem>>)
        %dma_wait3A_106 = arith.constant 0 : i32
        %dma_wait3A_107 = arith.constant 0 : i32
        %dma_wait3A_108 = tpu.memref_slice %arg7[%dma_wait3A_106, %dma_wait3A_107] : memref<80x128xi32, #tpu.memory_space<vmem>> -> memref<80x128xi32, #tpu.memory_space<vmem>>
        %dma_wait3A_109 = arith.constant 0 : i32
        %dma_wait3A_110 = tpu.memref_slice %arg4[%add3A_35, %dma_wait3A_109] : memref<2560x128xi32, #tpu.memory_space<hbm>> -> memref<80x128xi32, #tpu.memory_space<hbm>>
        %dma_wait3A_111 = arith.constant 0 : i32
        %dma_wait3A_112 = arith.constant 0 : i32
        %dma_wait3A_113 = tpu.memref_slice %arg7[%dma_wait3A_111, %dma_wait3A_112] : memref<80x128xi32, #tpu.memory_space<vmem>> -> memref<80x128xi32, #tpu.memory_space<vmem>>
        %dma_wait3A_114 = arith.constant 0 : i32
        %dma_wait3A_115 = tpu.memref_slice %arg4[%add3A_35, %dma_wait3A_114] : memref<2560x128xi32, #tpu.memory_space<hbm>> -> memref<80x128xi32, #tpu.memory_space<hbm>>
        tpu.wait_dma2 semaphore(%run_scoped3A : memref<!tpu.dma_semaphore, #tpu.memory_space<semaphore_mem>>) src(%dma_wait3A_115 : memref<80x128xi32, #tpu.memory_space<hbm>>) dst(%dma_wait3A_113 : memref<80x128xi32, #tpu.memory_space<vmem>>)
        tpu.yield
      }) : () -> ()
      %dma_start3A = arith.constant 0 : i32
      %dma_start3A_36 = arith.constant 0 : i32
      %dma_start3A_37 = tpu.memref_slice %arg6[%dma_start3A, %dma_start3A_36] : memref<80x128xi32, #tpu.memory_space<vmem>> -> memref<1x128xi32, #tpu.memory_space<vmem>>
      %dma_start3A_38 = tpu.memref_squeeze %dma_start3A_37 : memref<1x128xi32, #tpu.memory_space<vmem>> -> memref<128xi32, #tpu.memory_space<vmem>>
      %dma_start3A_39 = arith.constant 0 : i32
      %dma_start3A_40 = arith.constant 0 : i32
      %dma_start3A_41 = tpu.memref_slice %arg9[%dma_start3A_39, %dma_start3A_40] : memref<10112x32xbf16, #tpu.memory_space<vmem_shared>> -> memref<10112x32xbf16, #tpu.memory_space<vmem_shared>>
      tpu.enqueue_indirect_dma source(%dma_start3A_41 : memref<10112x32xbf16, #tpu.memory_space<vmem_shared>>) target(%arg10 : memref<128x32xbf16, #tpu.memory_space<vmem>>) offsets(%dma_start3A_38 : memref<128xi32, #tpu.memory_space<vmem>>) semaphore(%arg14 : memref<!tpu.dma_semaphore, #tpu.memory_space<semaphore_mem>>)
      %dma_start3A_42 = arith.constant 1 : i32
      %dma_start3A_43 = arith.constant 0 : i32
      %dma_start3A_44 = tpu.memref_slice %arg6[%dma_start3A_42, %dma_start3A_43] : memref<80x128xi32, #tpu.memory_space<vmem>> -> memref<1x128xi32, #tpu.memory_space<vmem>>
      %dma_start3A_45 = tpu.memref_squeeze %dma_start3A_44 : memref<1x128xi32, #tpu.memory_space<vmem>> -> memref<128xi32, #tpu.memory_space<vmem>>
      %dma_start3A_46 = arith.constant 0 : i32
      %dma_start3A_47 = arith.constant 0 : i32
      %dma_start3A_48 = tpu.memref_slice %arg9[%dma_start3A_46, %dma_start3A_47] : memref<10112x32xbf16, #tpu.memory_space<vmem_shared>> -> memref<10112x32xbf16, #tpu.memory_space<vmem_shared>>
      tpu.enqueue_indirect_dma source(%dma_start3A_48 : memref<10112x32xbf16, #tpu.memory_space<vmem_shared>>) target(%arg11 : memref<128x32xbf16, #tpu.memory_space<vmem>>) offsets(%dma_start3A_45 : memref<128xi32, #tpu.memory_space<vmem>>) semaphore(%arg15 : memref<!tpu.dma_semaphore, #tpu.memory_space<semaphore_mem>>)
      %dma_start3A_49 = arith.constant 2 : i32
      %dma_start3A_50 = arith.constant 0 : i32
      %dma_start3A_51 = tpu.memref_slice %arg6[%dma_start3A_49, %dma_start3A_50] : memref<80x128xi32, #tpu.memory_space<vmem>> -> memref<1x128xi32, #tpu.memory_space<vmem>>
      %dma_start3A_52 = tpu.memref_squeeze %dma_start3A_51 : memref<1x128xi32, #tpu.memory_space<vmem>> -> memref<128xi32, #tpu.memory_space<vmem>>
      %dma_start3A_53 = arith.constant 0 : i32
      %dma_start3A_54 = arith.constant 0 : i32
      %dma_start3A_55 = tpu.memref_slice %arg9[%dma_start3A_53, %dma_start3A_54] : memref<10112x32xbf16, #tpu.memory_space<vmem_shared>> -> memref<10112x32xbf16, #tpu.memory_space<vmem_shared>>
      tpu.enqueue_indirect_dma source(%dma_start3A_55 : memref<10112x32xbf16, #tpu.memory_space<vmem_shared>>) target(%arg12 : memref<128x32xbf16, #tpu.memory_space<vmem>>) offsets(%dma_start3A_52 : memref<128xi32, #tpu.memory_space<vmem>>) semaphore(%arg16 : memref<!tpu.dma_semaphore, #tpu.memory_space<semaphore_mem>>)
      %dma_start3A_56 = arith.constant 3 : i32
      %dma_start3A_57 = arith.constant 0 : i32
      %dma_start3A_58 = tpu.memref_slice %arg6[%dma_start3A_56, %dma_start3A_57] : memref<80x128xi32, #tpu.memory_space<vmem>> -> memref<1x128xi32, #tpu.memory_space<vmem>>
      %dma_start3A_59 = tpu.memref_squeeze %dma_start3A_58 : memref<1x128xi32, #tpu.memory_space<vmem>> -> memref<128xi32, #tpu.memory_space<vmem>>
      %dma_start3A_60 = arith.constant 0 : i32
      %dma_start3A_61 = arith.constant 0 : i32
      %dma_start3A_62 = tpu.memref_slice %arg9[%dma_start3A_60, %dma_start3A_61] : memref<10112x32xbf16, #tpu.memory_space<vmem_shared>> -> memref<10112x32xbf16, #tpu.memory_space<vmem_shared>>
      tpu.enqueue_indirect_dma source(%dma_start3A_62 : memref<10112x32xbf16, #tpu.memory_space<vmem_shared>>) target(%arg13 : memref<128x32xbf16, #tpu.memory_space<vmem>>) offsets(%dma_start3A_59 : memref<128xi32, #tpu.memory_space<vmem>>) semaphore(%arg17 : memref<!tpu.dma_semaphore, #tpu.memory_space<semaphore_mem>>)
      %scan3A_63 = arith.constant 0 : i32
      %scan3A_64 = arith.constant 0 : i32
      %scan3A_65 = arith.constant 20 : i32
      %scan3A_66 = arith.addi %scan3A_64, %scan3A_65 : i32
      %scan3A_67 = arith.constant 1 : i32
      scf.for %scan3A_96 = %scan3A_64 to %scan3A_66 step %scan3A_67  : i32 {
        %mul3A_97 = arith.constant 4 : i32
        %mul3A_98 = arith.muli %mul3A_97, %scan3A_96 : i32
        %add3A_99 = arith.constant 0 : i32
        %add3A_100 = arith.addi %mul3A_98, %add3A_99 : i32
        %dma_wait3A_101 = arith.constant 0 : i32
        %dma_wait3A_102 = tpu.memref_slice %arg6[%add3A_100, %dma_wait3A_101] : memref<80x128xi32, #tpu.memory_space<vmem>> -> memref<1x128xi32, #tpu.memory_space<vmem>>
        %dma_wait3A_103 = tpu.memref_squeeze %dma_wait3A_102 : memref<1x128xi32, #tpu.memory_space<vmem>> -> memref<128xi32, #tpu.memory_space<vmem>>
        %dma_wait3A_104 = arith.constant 0 : i32
        %dma_wait3A_105 = arith.constant 0 : i32
        %dma_wait3A_106 = tpu.memref_slice %arg9[%dma_wait3A_104, %dma_wait3A_105] : memref<10112x32xbf16, #tpu.memory_space<vmem_shared>> -> memref<10112x32xbf16, #tpu.memory_space<vmem_shared>>
        tpu.wait_indirect_dma semaphore(%arg14 : memref<!tpu.dma_semaphore, #tpu.memory_space<semaphore_mem>>) src(%dma_wait3A_106 : memref<10112x32xbf16, #tpu.memory_space<vmem_shared>>) dst(%arg10 : memref<128x32xbf16, #tpu.memory_space<vmem>>)
        %dma_start3A_107 = arith.constant 0 : i32
        %dma_start3A_108 = tpu.memref_slice %arg7[%add3A_100, %dma_start3A_107] : memref<80x128xi32, #tpu.memory_space<vmem>> -> memref<1x128xi32, #tpu.memory_space<vmem>>
        %dma_start3A_109 = tpu.memref_squeeze %dma_start3A_108 : memref<1x128xi32, #tpu.memory_space<vmem>> -> memref<128xi32, #tpu.memory_space<vmem>>
        %dma_start3A_110 = arith.constant 0 : i32
        %dma_start3A_111 = arith.constant 0 : i32
        %dma_start3A_112 = tpu.memref_slice %arg8[%dma_start3A_110, %dma_start3A_111] : memref<10112x32xbf16, #tpu.memory_space<vmem_shared>> -> memref<10112x32xbf16, #tpu.memory_space<vmem_shared>>
        tpu.enqueue_indirect_dma source(%arg10 : memref<128x32xbf16, #tpu.memory_space<vmem>>) target(%dma_start3A_112 : memref<10112x32xbf16, #tpu.memory_space<vmem_shared>>) offsets(%dma_start3A_109 : memref<128xi32, #tpu.memory_space<vmem>>) semaphore(%arg18 : memref<!tpu.dma_semaphore, #tpu.memory_space<semaphore_mem>>) {add = true}
        %mul3A_113 = arith.constant 4 : i32
        %mul3A_114 = arith.muli %mul3A_113, %scan3A_96 : i32
        %add3A_115 = arith.constant 1 : i32
        %add3A_116 = arith.addi %mul3A_114, %add3A_115 : i32
        %dma_wait3A_117 = arith.constant 0 : i32
        %dma_wait3A_118 = tpu.memref_slice %arg6[%add3A_116, %dma_wait3A_117] : memref<80x128xi32, #tpu.memory_space<vmem>> -> memref<1x128xi32, #tpu.memory_space<vmem>>
        %dma_wait3A_119 = tpu.memref_squeeze %dma_wait3A_118 : memref<1x128xi32, #tpu.memory_space<vmem>> -> memref<128xi32, #tpu.memory_space<vmem>>
        %dma_wait3A_120 = arith.constant 0 : i32
        %dma_wait3A_121 = arith.constant 0 : i32
        %dma_wait3A_122 = tpu.memref_slice %arg9[%dma_wait3A_120, %dma_wait3A_121] : memref<10112x32xbf16, #tpu.memory_space<vmem_shared>> -> memref<10112x32xbf16, #tpu.memory_space<vmem_shared>>
        tpu.wait_indirect_dma semaphore(%arg15 : memref<!tpu.dma_semaphore, #tpu.memory_space<semaphore_mem>>) src(%dma_wait3A_122 : memref<10112x32xbf16, #tpu.memory_space<vmem_shared>>) dst(%arg11 : memref<128x32xbf16, #tpu.memory_space<vmem>>)
        %dma_start3A_123 = arith.constant 0 : i32
        %dma_start3A_124 = tpu.memref_slice %arg7[%add3A_116, %dma_start3A_123] : memref<80x128xi32, #tpu.memory_space<vmem>> -> memref<1x128xi32, #tpu.memory_space<vmem>>
        %dma_start3A_125 = tpu.memref_squeeze %dma_start3A_124 : memref<1x128xi32, #tpu.memory_space<vmem>> -> memref<128xi32, #tpu.memory_space<vmem>>
        %dma_start3A_126 = arith.constant 0 : i32
        %dma_start3A_127 = arith.constant 0 : i32
        %dma_start3A_128 = tpu.memref_slice %arg8[%dma_start3A_126, %dma_start3A_127] : memref<10112x32xbf16, #tpu.memory_space<vmem_shared>> -> memref<10112x32xbf16, #tpu.memory_space<vmem_shared>>
        tpu.enqueue_indirect_dma source(%arg11 : memref<128x32xbf16, #tpu.memory_space<vmem>>) target(%dma_start3A_128 : memref<10112x32xbf16, #tpu.memory_space<vmem_shared>>) offsets(%dma_start3A_125 : memref<128xi32, #tpu.memory_space<vmem>>) semaphore(%arg19 : memref<!tpu.dma_semaphore, #tpu.memory_space<semaphore_mem>>) {add = true}
        %mul3A_129 = arith.constant 4 : i32
        %mul3A_130 = arith.muli %mul3A_129, %scan3A_96 : i32
        %add3A_131 = arith.constant 2 : i32
        %add3A_132 = arith.addi %mul3A_130, %add3A_131 : i32
        %dma_wait3A_133 = arith.constant 0 : i32
        %dma_wait3A_134 = tpu.memref_slice %arg6[%add3A_132, %dma_wait3A_133] : memref<80x128xi32, #tpu.memory_space<vmem>> -> memref<1x128xi32, #tpu.memory_space<vmem>>
        %dma_wait3A_135 = tpu.memref_squeeze %dma_wait3A_134 : memref<1x128xi32, #tpu.memory_space<vmem>> -> memref<128xi32, #tpu.memory_space<vmem>>
        %dma_wait3A_136 = arith.constant 0 : i32
        %dma_wait3A_137 = arith.constant 0 : i32
        %dma_wait3A_138 = tpu.memref_slice %arg9[%dma_wait3A_136, %dma_wait3A_137] : memref<10112x32xbf16, #tpu.memory_space<vmem_shared>> -> memref<10112x32xbf16, #tpu.memory_space<vmem_shared>>
        tpu.wait_indirect_dma semaphore(%arg16 : memref<!tpu.dma_semaphore, #tpu.memory_space<semaphore_mem>>) src(%dma_wait3A_138 : memref<10112x32xbf16, #tpu.memory_space<vmem_shared>>) dst(%arg12 : memref<128x32xbf16, #tpu.memory_space<vmem>>)
        %dma_start3A_139 = arith.constant 0 : i32
        %dma_start3A_140 = tpu.memref_slice %arg7[%add3A_132, %dma_start3A_139] : memref<80x128xi32, #tpu.memory_space<vmem>> -> memref<1x128xi32, #tpu.memory_space<vmem>>
        %dma_start3A_141 = tpu.memref_squeeze %dma_start3A_140 : memref<1x128xi32, #tpu.memory_space<vmem>> -> memref<128xi32, #tpu.memory_space<vmem>>
        %dma_start3A_142 = arith.constant 0 : i32
        %dma_start3A_143 = arith.constant 0 : i32
        %dma_start3A_144 = tpu.memref_slice %arg8[%dma_start3A_142, %dma_start3A_143] : memref<10112x32xbf16, #tpu.memory_space<vmem_shared>> -> memref<10112x32xbf16, #tpu.memory_space<vmem_shared>>
        tpu.enqueue_indirect_dma source(%arg12 : memref<128x32xbf16, #tpu.memory_space<vmem>>) target(%dma_start3A_144 : memref<10112x32xbf16, #tpu.memory_space<vmem_shared>>) offsets(%dma_start3A_141 : memref<128xi32, #tpu.memory_space<vmem>>) semaphore(%arg20 : memref<!tpu.dma_semaphore, #tpu.memory_space<semaphore_mem>>) {add = true}
        %mul3A_145 = arith.constant 4 : i32
        %mul3A_146 = arith.muli %mul3A_145, %scan3A_96 : i32
        %add3A_147 = arith.constant 3 : i32
        %add3A_148 = arith.addi %mul3A_146, %add3A_147 : i32
        %dma_wait3A_149 = arith.constant 0 : i32
        %dma_wait3A_150 = tpu.memref_slice %arg6[%add3A_148, %dma_wait3A_149] : memref<80x128xi32, #tpu.memory_space<vmem>> -> memref<1x128xi32, #tpu.memory_space<vmem>>
        %dma_wait3A_151 = tpu.memref_squeeze %dma_wait3A_150 : memref<1x128xi32, #tpu.memory_space<vmem>> -> memref<128xi32, #tpu.memory_space<vmem>>
        %dma_wait3A_152 = arith.constant 0 : i32
        %dma_wait3A_153 = arith.constant 0 : i32
        %dma_wait3A_154 = tpu.memref_slice %arg9[%dma_wait3A_152, %dma_wait3A_153] : memref<10112x32xbf16, #tpu.memory_space<vmem_shared>> -> memref<10112x32xbf16, #tpu.memory_space<vmem_shared>>
        tpu.wait_indirect_dma semaphore(%arg17 : memref<!tpu.dma_semaphore, #tpu.memory_space<semaphore_mem>>) src(%dma_wait3A_154 : memref<10112x32xbf16, #tpu.memory_space<vmem_shared>>) dst(%arg13 : memref<128x32xbf16, #tpu.memory_space<vmem>>)
        %dma_start3A_155 = arith.constant 0 : i32
        %dma_start3A_156 = tpu.memref_slice %arg7[%add3A_148, %dma_start3A_155] : memref<80x128xi32, #tpu.memory_space<vmem>> -> memref<1x128xi32, #tpu.memory_space<vmem>>
        %dma_start3A_157 = tpu.memref_squeeze %dma_start3A_156 : memref<1x128xi32, #tpu.memory_space<vmem>> -> memref<128xi32, #tpu.memory_space<vmem>>
        %dma_start3A_158 = arith.constant 0 : i32
        %dma_start3A_159 = arith.constant 0 : i32
        %dma_start3A_160 = tpu.memref_slice %arg8[%dma_start3A_158, %dma_start3A_159] : memref<10112x32xbf16, #tpu.memory_space<vmem_shared>> -> memref<10112x32xbf16, #tpu.memory_space<vmem_shared>>
        tpu.enqueue_indirect_dma source(%arg13 : memref<128x32xbf16, #tpu.memory_space<vmem>>) target(%dma_start3A_160 : memref<10112x32xbf16, #tpu.memory_space<vmem_shared>>) offsets(%dma_start3A_157 : memref<128xi32, #tpu.memory_space<vmem>>) semaphore(%arg21 : memref<!tpu.dma_semaphore, #tpu.memory_space<semaphore_mem>>) {add = true}
        %lt3A_161 = arith.constant 19 : i32
        %lt3A_162 = arith.cmpi slt, %scan3A_96, %lt3A_161 : i32
        %convert_element_type3A_163 = arith.extui %lt3A_162 : i1 to i32
        %cond3A_164 = arith.constant 0 : i32
        %cond3A_165 = arith.cmpi ne, %convert_element_type3A_163, %cond3A_164 : i32
        scf.if %cond3A_165 {
          %mul3A_166 = arith.constant 4 : i32
          %mul3A_167 = arith.muli %mul3A_166, %scan3A_96 : i32
          %add3A_168 = arith.constant 4 : i32
          %add3A_169 = arith.addi %mul3A_167, %add3A_168 : i32
          %add3A_170 = arith.constant 0 : i32
          %add3A_171 = arith.addi %add3A_169, %add3A_170 : i32
          %dma_wait3A_172 = arith.constant 0 : i32
          %dma_wait3A_173 = arith.constant 0 : i32
          %dma_wait3A_174 = tpu.memref_slice %arg7[%dma_wait3A_172, %dma_wait3A_173] : memref<80x128xi32, #tpu.memory_space<vmem>> -> memref<1x128xi32, #tpu.memory_space<vmem>>
          %dma_wait3A_175 = tpu.memref_squeeze %dma_wait3A_174 : memref<1x128xi32, #tpu.memory_space<vmem>> -> memref<128xi32, #tpu.memory_space<vmem>>
          %dma_wait3A_176 = arith.constant 0 : i32
          %dma_wait3A_177 = arith.constant 0 : i32
          %dma_wait3A_178 = tpu.memref_slice %arg8[%dma_wait3A_176, %dma_wait3A_177] : memref<10112x32xbf16, #tpu.memory_space<vmem_shared>> -> memref<10112x32xbf16, #tpu.memory_space<vmem_shared>>
          tpu.wait_indirect_dma semaphore(%arg18 : memref<!tpu.dma_semaphore, #tpu.memory_space<semaphore_mem>>) src(%arg10 : memref<128x32xbf16, #tpu.memory_space<vmem>>) dst(%dma_wait3A_178 : memref<10112x32xbf16, #tpu.memory_space<vmem_shared>>)
          %dma_start3A_179 = arith.constant 0 : i32
          %dma_start3A_180 = tpu.memref_slice %arg6[%add3A_171, %dma_start3A_179] : memref<80x128xi32, #tpu.memory_space<vmem>> -> memref<1x128xi32, #tpu.memory_space<vmem>>
          %dma_start3A_181 = tpu.memref_squeeze %dma_start3A_180 : memref<1x128xi32, #tpu.memory_space<vmem>> -> memref<128xi32, #tpu.memory_space<vmem>>
          %dma_start3A_182 = arith.constant 0 : i32
          %dma_start3A_183 = arith.constant 0 : i32
          %dma_start3A_184 = tpu.memref_slice %arg9[%dma_start3A_182, %dma_start3A_183] : memref<10112x32xbf16, #tpu.memory_space<vmem_shared>> -> memref<10112x32xbf16, #tpu.memory_space<vmem_shared>>
          tpu.enqueue_indirect_dma source(%dma_start3A_184 : memref<10112x32xbf16, #tpu.memory_space<vmem_shared>>) target(%arg10 : memref<128x32xbf16, #tpu.memory_space<vmem>>) offsets(%dma_start3A_181 : memref<128xi32, #tpu.memory_space<vmem>>) semaphore(%arg14 : memref<!tpu.dma_semaphore, #tpu.memory_space<semaphore_mem>>)
          %mul3A_185 = arith.constant 4 : i32
          %mul3A_186 = arith.muli %mul3A_185, %scan3A_96 : i32
          %add3A_187 = arith.constant 4 : i32
          %add3A_188 = arith.addi %mul3A_186, %add3A_187 : i32
          %add3A_189 = arith.constant 1 : i32
          %add3A_190 = arith.addi %add3A_188, %add3A_189 : i32
          %dma_wait3A_191 = arith.constant 0 : i32
          %dma_wait3A_192 = arith.constant 0 : i32
          %dma_wait3A_193 = tpu.memref_slice %arg7[%dma_wait3A_191, %dma_wait3A_192] : memref<80x128xi32, #tpu.memory_space<vmem>> -> memref<1x128xi32, #tpu.memory_space<vmem>>
          %dma_wait3A_194 = tpu.memref_squeeze %dma_wait3A_193 : memref<1x128xi32, #tpu.memory_space<vmem>> -> memref<128xi32, #tpu.memory_space<vmem>>
          %dma_wait3A_195 = arith.constant 0 : i32
          %dma_wait3A_196 = arith.constant 0 : i32
          %dma_wait3A_197 = tpu.memref_slice %arg8[%dma_wait3A_195, %dma_wait3A_196] : memref<10112x32xbf16, #tpu.memory_space<vmem_shared>> -> memref<10112x32xbf16, #tpu.memory_space<vmem_shared>>
          tpu.wait_indirect_dma semaphore(%arg19 : memref<!tpu.dma_semaphore, #tpu.memory_space<semaphore_mem>>) src(%arg11 : memref<128x32xbf16, #tpu.memory_space<vmem>>) dst(%dma_wait3A_197 : memref<10112x32xbf16, #tpu.memory_space<vmem_shared>>)
          %dma_start3A_198 = arith.constant 0 : i32
          %dma_start3A_199 = tpu.memref_slice %arg6[%add3A_190, %dma_start3A_198] : memref<80x128xi32, #tpu.memory_space<vmem>> -> memref<1x128xi32, #tpu.memory_space<vmem>>
          %dma_start3A_200 = tpu.memref_squeeze %dma_start3A_199 : memref<1x128xi32, #tpu.memory_space<vmem>> -> memref<128xi32, #tpu.memory_space<vmem>>
          %dma_start3A_201 = arith.constant 0 : i32
          %dma_start3A_202 = arith.constant 0 : i32
          %dma_start3A_203 = tpu.memref_slice %arg9[%dma_start3A_201, %dma_start3A_202] : memref<10112x32xbf16, #tpu.memory_space<vmem_shared>> -> memref<10112x32xbf16, #tpu.memory_space<vmem_shared>>
          tpu.enqueue_indirect_dma source(%dma_start3A_203 : memref<10112x32xbf16, #tpu.memory_space<vmem_shared>>) target(%arg11 : memref<128x32xbf16, #tpu.memory_space<vmem>>) offsets(%dma_start3A_200 : memref<128xi32, #tpu.memory_space<vmem>>) semaphore(%arg15 : memref<!tpu.dma_semaphore, #tpu.memory_space<semaphore_mem>>)
          %mul3A_204 = arith.constant 4 : i32
          %mul3A_205 = arith.muli %mul3A_204, %scan3A_96 : i32
          %add3A_206 = arith.constant 4 : i32
          %add3A_207 = arith.addi %mul3A_205, %add3A_206 : i32
          %add3A_208 = arith.constant 2 : i32
          %add3A_209 = arith.addi %add3A_207, %add3A_208 : i32
          %dma_wait3A_210 = arith.constant 0 : i32
          %dma_wait3A_211 = arith.constant 0 : i32
          %dma_wait3A_212 = tpu.memref_slice %arg7[%dma_wait3A_210, %dma_wait3A_211] : memref<80x128xi32, #tpu.memory_space<vmem>> -> memref<1x128xi32, #tpu.memory_space<vmem>>
          %dma_wait3A_213 = tpu.memref_squeeze %dma_wait3A_212 : memref<1x128xi32, #tpu.memory_space<vmem>> -> memref<128xi32, #tpu.memory_space<vmem>>
          %dma_wait3A_214 = arith.constant 0 : i32
          %dma_wait3A_215 = arith.constant 0 : i32
          %dma_wait3A_216 = tpu.memref_slice %arg8[%dma_wait3A_214, %dma_wait3A_215] : memref<10112x32xbf16, #tpu.memory_space<vmem_shared>> -> memref<10112x32xbf16, #tpu.memory_space<vmem_shared>>
          tpu.wait_indirect_dma semaphore(%arg20 : memref<!tpu.dma_semaphore, #tpu.memory_space<semaphore_mem>>) src(%arg12 : memref<128x32xbf16, #tpu.memory_space<vmem>>) dst(%dma_wait3A_216 : memref<10112x32xbf16, #tpu.memory_space<vmem_shared>>)
          %dma_start3A_217 = arith.constant 0 : i32
          %dma_start3A_218 = tpu.memref_slice %arg6[%add3A_209, %dma_start3A_217] : memref<80x128xi32, #tpu.memory_space<vmem>> -> memref<1x128xi32, #tpu.memory_space<vmem>>
          %dma_start3A_219 = tpu.memref_squeeze %dma_start3A_218 : memref<1x128xi32, #tpu.memory_space<vmem>> -> memref<128xi32, #tpu.memory_space<vmem>>
          %dma_start3A_220 = arith.constant 0 : i32
          %dma_start3A_221 = arith.constant 0 : i32
          %dma_start3A_222 = tpu.memref_slice %arg9[%dma_start3A_220, %dma_start3A_221] : memref<10112x32xbf16, #tpu.memory_space<vmem_shared>> -> memref<10112x32xbf16, #tpu.memory_space<vmem_shared>>
          tpu.enqueue_indirect_dma source(%dma_start3A_222 : memref<10112x32xbf16, #tpu.memory_space<vmem_shared>>) target(%arg12 : memref<128x32xbf16, #tpu.memory_space<vmem>>) offsets(%dma_start3A_219 : memref<128xi32, #tpu.memory_space<vmem>>) semaphore(%arg16 : memref<!tpu.dma_semaphore, #tpu.memory_space<semaphore_mem>>)
          %mul3A_223 = arith.constant 4 : i32
          %mul3A_224 = arith.muli %mul3A_223, %scan3A_96 : i32
          %add3A_225 = arith.constant 4 : i32
          %add3A_226 = arith.addi %mul3A_224, %add3A_225 : i32
          %add3A_227 = arith.constant 3 : i32
          %add3A_228 = arith.addi %add3A_226, %add3A_227 : i32
          %dma_wait3A_229 = arith.constant 0 : i32
          %dma_wait3A_230 = arith.constant 0 : i32
          %dma_wait3A_231 = tpu.memref_slice %arg7[%dma_wait3A_229, %dma_wait3A_230] : memref<80x128xi32, #tpu.memory_space<vmem>> -> memref<1x128xi32, #tpu.memory_space<vmem>>
          %dma_wait3A_232 = tpu.memref_squeeze %dma_wait3A_231 : memref<1x128xi32, #tpu.memory_space<vmem>> -> memref<128xi32, #tpu.memory_space<vmem>>
          %dma_wait3A_233 = arith.constant 0 : i32
          %dma_wait3A_234 = arith.constant 0 : i32
          %dma_wait3A_235 = tpu.memref_slice %arg8[%dma_wait3A_233, %dma_wait3A_234] : memref<10112x32xbf16, #tpu.memory_space<vmem_shared>> -> memref<10112x32xbf16, #tpu.memory_space<vmem_shared>>
          tpu.wait_indirect_dma semaphore(%arg21 : memref<!tpu.dma_semaphore, #tpu.memory_space<semaphore_mem>>) src(%arg13 : memref<128x32xbf16, #tpu.memory_space<vmem>>) dst(%dma_wait3A_235 : memref<10112x32xbf16, #tpu.memory_space<vmem_shared>>)
          %dma_start3A_236 = arith.constant 0 : i32
          %dma_start3A_237 = tpu.memref_slice %arg6[%add3A_228, %dma_start3A_236] : memref<80x128xi32, #tpu.memory_space<vmem>> -> memref<1x128xi32, #tpu.memory_space<vmem>>
          %dma_start3A_238 = tpu.memref_squeeze %dma_start3A_237 : memref<1x128xi32, #tpu.memory_space<vmem>> -> memref<128xi32, #tpu.memory_space<vmem>>
          %dma_start3A_239 = arith.constant 0 : i32
          %dma_start3A_240 = arith.constant 0 : i32
          %dma_start3A_241 = tpu.memref_slice %arg9[%dma_start3A_239, %dma_start3A_240] : memref<10112x32xbf16, #tpu.memory_space<vmem_shared>> -> memref<10112x32xbf16, #tpu.memory_space<vmem_shared>>
          tpu.enqueue_indirect_dma source(%dma_start3A_241 : memref<10112x32xbf16, #tpu.memory_space<vmem_shared>>) target(%arg13 : memref<128x32xbf16, #tpu.memory_space<vmem>>) offsets(%dma_start3A_238 : memref<128xi32, #tpu.memory_space<vmem>>) semaphore(%arg17 : memref<!tpu.dma_semaphore, #tpu.memory_space<semaphore_mem>>)
        } else {
        }
      }
      %scan3A_68 = arith.constant 20 : i32
      %dma_wait3A = arith.constant 0 : i32
      %dma_wait3A_69 = arith.constant 0 : i32
      %dma_wait3A_70 = tpu.memref_slice %arg7[%dma_wait3A, %dma_wait3A_69] : memref<80x128xi32, #tpu.memory_space<vmem>> -> memref<1x128xi32, #tpu.memory_space<vmem>>
      %dma_wait3A_71 = tpu.memref_squeeze %dma_wait3A_70 : memref<1x128xi32, #tpu.memory_space<vmem>> -> memref<128xi32, #tpu.memory_space<vmem>>
      %dma_wait3A_72 = arith.constant 0 : i32
      %dma_wait3A_73 = arith.constant 0 : i32
      %dma_wait3A_74 = tpu.memref_slice %arg8[%dma_wait3A_72, %dma_wait3A_73] : memref<10112x32xbf16, #tpu.memory_space<vmem_shared>> -> memref<10112x32xbf16, #tpu.memory_space<vmem_shared>>
      tpu.wait_indirect_dma semaphore(%arg18 : memref<!tpu.dma_semaphore, #tpu.memory_space<semaphore_mem>>) src(%arg10 : memref<128x32xbf16, #tpu.memory_space<vmem>>) dst(%dma_wait3A_74 : memref<10112x32xbf16, #tpu.memory_space<vmem_shared>>)
      %dma_wait3A_75 = arith.constant 0 : i32
      %dma_wait3A_76 = arith.constant 0 : i32
      %dma_wait3A_77 = tpu.memref_slice %arg7[%dma_wait3A_75, %dma_wait3A_76] : memref<80x128xi32, #tpu.memory_space<vmem>> -> memref<1x128xi32, #tpu.memory_space<vmem>>
      %dma_wait3A_78 = tpu.memref_squeeze %dma_wait3A_77 : memref<1x128xi32, #tpu.memory_space<vmem>> -> memref<128xi32, #tpu.memory_space<vmem>>
      %dma_wait3A_79 = arith.constant 0 : i32
      %dma_wait3A_80 = arith.constant 0 : i32
      %dma_wait3A_81 = tpu.memref_slice %arg8[%dma_wait3A_79, %dma_wait3A_80] : memref<10112x32xbf16, #tpu.memory_space<vmem_shared>> -> memref<10112x32xbf16, #tpu.memory_space<vmem_shared>>
      tpu.wait_indirect_dma semaphore(%arg19 : memref<!tpu.dma_semaphore, #tpu.memory_space<semaphore_mem>>) src(%arg10 : memref<128x32xbf16, #tpu.memory_space<vmem>>) dst(%dma_wait3A_81 : memref<10112x32xbf16, #tpu.memory_space<vmem_shared>>)
      %dma_wait3A_82 = arith.constant 0 : i32
      %dma_wait3A_83 = arith.constant 0 : i32
      %dma_wait3A_84 = tpu.memref_slice %arg7[%dma_wait3A_82, %dma_wait3A_83] : memref<80x128xi32, #tpu.memory_space<vmem>> -> memref<1x128xi32, #tpu.memory_space<vmem>>
      %dma_wait3A_85 = tpu.memref_squeeze %dma_wait3A_84 : memref<1x128xi32, #tpu.memory_space<vmem>> -> memref<128xi32, #tpu.memory_space<vmem>>
      %dma_wait3A_86 = arith.constant 0 : i32
      %dma_wait3A_87 = arith.constant 0 : i32
      %dma_wait3A_88 = tpu.memref_slice %arg8[%dma_wait3A_86, %dma_wait3A_87] : memref<10112x32xbf16, #tpu.memory_space<vmem_shared>> -> memref<10112x32xbf16, #tpu.memory_space<vmem_shared>>
      tpu.wait_indirect_dma semaphore(%arg20 : memref<!tpu.dma_semaphore, #tpu.memory_space<semaphore_mem>>) src(%arg10 : memref<128x32xbf16, #tpu.memory_space<vmem>>) dst(%dma_wait3A_88 : memref<10112x32xbf16, #tpu.memory_space<vmem_shared>>)
      %dma_wait3A_89 = arith.constant 0 : i32
      %dma_wait3A_90 = arith.constant 0 : i32
      %dma_wait3A_91 = tpu.memref_slice %arg7[%dma_wait3A_89, %dma_wait3A_90] : memref<80x128xi32, #tpu.memory_space<vmem>> -> memref<1x128xi32, #tpu.memory_space<vmem>>
      %dma_wait3A_92 = tpu.memref_squeeze %dma_wait3A_91 : memref<1x128xi32, #tpu.memory_space<vmem>> -> memref<128xi32, #tpu.memory_space<vmem>>
      %dma_wait3A_93 = arith.constant 0 : i32
      %dma_wait3A_94 = arith.constant 0 : i32
      %dma_wait3A_95 = tpu.memref_slice %arg8[%dma_wait3A_93, %dma_wait3A_94] : memref<10112x32xbf16, #tpu.memory_space<vmem_shared>> -> memref<10112x32xbf16, #tpu.memory_space<vmem_shared>>
      tpu.wait_indirect_dma semaphore(%arg21 : memref<!tpu.dma_semaphore, #tpu.memory_space<semaphore_mem>>) src(%arg10 : memref<128x32xbf16, #tpu.memory_space<vmem>>) dst(%dma_wait3A_95 : memref<10112x32xbf16, #tpu.memory_space<vmem_shared>>)
    } else {
    }
    %eq3A_26 = arith.constant 1 : i32
    %eq3A_27 = arith.cmpi eq, %arg0, %eq3A_26 : i32
    %convert_element_type3A_28 = arith.extui %eq3A_27 : i1 to i32
    %cond3A_29 = arith.constant 0 : i32
    %cond3A_30 = arith.cmpi ne, %convert_element_type3A_28, %cond3A_29 : i32
    scf.if %cond3A_30 {
      %mul3A_32 = arith.constant 80 : i32
      %mul3A_33 = arith.muli %arg1, %mul3A_32 : i32
      %add3A_34 = arith.constant 1280 : i32
      %add3A_35 = arith.addi %add3A_34, %mul3A_33 : i32
      %add3A_36 = arith.constant 0 : i32
      %add3A_37 = arith.addi %add3A_35, %add3A_36 : i32
      "tpu.region"() ({
        %run_scoped3A = tpu.sem_alloc : memref<!tpu.dma_semaphore, #tpu.memory_space<semaphore_mem>>
        %dma_start3A_98 = arith.constant 0 : i32
        %dma_start3A_99 = arith.constant 0 : i32
        %dma_start3A_100 = tpu.memref_slice %arg6[%dma_start3A_98, %dma_start3A_99] : memref<80x128xi32, #tpu.memory_space<vmem>> -> memref<80x128xi32, #tpu.memory_space<vmem>>
        %dma_start3A_101 = arith.constant 0 : i32
        %dma_start3A_102 = tpu.memref_slice %arg3[%add3A_37, %dma_start3A_101] : memref<2560x128xi32, #tpu.memory_space<hbm>> -> memref<80x128xi32, #tpu.memory_space<hbm>>
        %dma_start3A_103 = arith.constant 0 : i32
        %dma_start3A_104 = arith.constant 0 : i32
        %dma_start3A_105 = tpu.memref_slice %arg6[%dma_start3A_103, %dma_start3A_104] : memref<80x128xi32, #tpu.memory_space<vmem>> -> memref<80x128xi32, #tpu.memory_space<vmem>>
        %dma_start3A_106 = arith.constant 0 : i32
        %dma_start3A_107 = tpu.memref_slice %arg3[%add3A_37, %dma_start3A_106] : memref<2560x128xi32, #tpu.memory_space<hbm>> -> memref<80x128xi32, #tpu.memory_space<hbm>>
        tpu.enqueue_dma source(%dma_start3A_107 : memref<80x128xi32, #tpu.memory_space<hbm>>) target(%dma_start3A_105 : memref<80x128xi32, #tpu.memory_space<vmem>>) target_semaphore(%run_scoped3A : memref<!tpu.dma_semaphore, #tpu.memory_space<semaphore_mem>>)
        %dma_wait3A_108 = arith.constant 0 : i32
        %dma_wait3A_109 = arith.constant 0 : i32
        %dma_wait3A_110 = tpu.memref_slice %arg6[%dma_wait3A_108, %dma_wait3A_109] : memref<80x128xi32, #tpu.memory_space<vmem>> -> memref<80x128xi32, #tpu.memory_space<vmem>>
        %dma_wait3A_111 = arith.constant 0 : i32
        %dma_wait3A_112 = tpu.memref_slice %arg3[%add3A_37, %dma_wait3A_111] : memref<2560x128xi32, #tpu.memory_space<hbm>> -> memref<80x128xi32, #tpu.memory_space<hbm>>
        %dma_wait3A_113 = arith.constant 0 : i32
        %dma_wait3A_114 = arith.constant 0 : i32
        %dma_wait3A_115 = tpu.memref_slice %arg6[%dma_wait3A_113, %dma_wait3A_114] : memref<80x128xi32, #tpu.memory_space<vmem>> -> memref<80x128xi32, #tpu.memory_space<vmem>>
        %dma_wait3A_116 = arith.constant 0 : i32
        %dma_wait3A_117 = tpu.memref_slice %arg3[%add3A_37, %dma_wait3A_116] : memref<2560x128xi32, #tpu.memory_space<hbm>> -> memref<80x128xi32, #tpu.memory_space<hbm>>
        tpu.wait_dma2 semaphore(%run_scoped3A : memref<!tpu.dma_semaphore, #tpu.memory_space<semaphore_mem>>) src(%dma_wait3A_117 : memref<80x128xi32, #tpu.memory_space<hbm>>) dst(%dma_wait3A_115 : memref<80x128xi32, #tpu.memory_space<vmem>>)
        tpu.yield
      }) : () -> ()
      "tpu.region"() ({
        %run_scoped3A = tpu.sem_alloc : memref<!tpu.dma_semaphore, #tpu.memory_space<semaphore_mem>>
        %dma_start3A_98 = arith.constant 0 : i32
        %dma_start3A_99 = arith.constant 0 : i32
        %dma_start3A_100 = tpu.memref_slice %arg7[%dma_start3A_98, %dma_start3A_99] : memref<80x128xi32, #tpu.memory_space<vmem>> -> memref<80x128xi32, #tpu.memory_space<vmem>>
        %dma_start3A_101 = arith.constant 0 : i32
        %dma_start3A_102 = tpu.memref_slice %arg4[%add3A_37, %dma_start3A_101] : memref<2560x128xi32, #tpu.memory_space<hbm>> -> memref<80x128xi32, #tpu.memory_space<hbm>>
        %dma_start3A_103 = arith.constant 0 : i32
        %dma_start3A_104 = arith.constant 0 : i32
        %dma_start3A_105 = tpu.memref_slice %arg7[%dma_start3A_103, %dma_start3A_104] : memref<80x128xi32, #tpu.memory_space<vmem>> -> memref<80x128xi32, #tpu.memory_space<vmem>>
        %dma_start3A_106 = arith.constant 0 : i32
        %dma_start3A_107 = tpu.memref_slice %arg4[%add3A_37, %dma_start3A_106] : memref<2560x128xi32, #tpu.memory_space<hbm>> -> memref<80x128xi32, #tpu.memory_space<hbm>>
        tpu.enqueue_dma source(%dma_start3A_107 : memref<80x128xi32, #tpu.memory_space<hbm>>) target(%dma_start3A_105 : memref<80x128xi32, #tpu.memory_space<vmem>>) target_semaphore(%run_scoped3A : memref<!tpu.dma_semaphore, #tpu.memory_space<semaphore_mem>>)
        %dma_wait3A_108 = arith.constant 0 : i32
        %dma_wait3A_109 = arith.constant 0 : i32
        %dma_wait3A_110 = tpu.memref_slice %arg7[%dma_wait3A_108, %dma_wait3A_109] : memref<80x128xi32, #tpu.memory_space<vmem>> -> memref<80x128xi32, #tpu.memory_space<vmem>>
        %dma_wait3A_111 = arith.constant 0 : i32
        %dma_wait3A_112 = tpu.memref_slice %arg4[%add3A_37, %dma_wait3A_111] : memref<2560x128xi32, #tpu.memory_space<hbm>> -> memref<80x128xi32, #tpu.memory_space<hbm>>
        %dma_wait3A_113 = arith.constant 0 : i32
        %dma_wait3A_114 = arith.constant 0 : i32
        %dma_wait3A_115 = tpu.memref_slice %arg7[%dma_wait3A_113, %dma_wait3A_114] : memref<80x128xi32, #tpu.memory_space<vmem>> -> memref<80x128xi32, #tpu.memory_space<vmem>>
        %dma_wait3A_116 = arith.constant 0 : i32
        %dma_wait3A_117 = tpu.memref_slice %arg4[%add3A_37, %dma_wait3A_116] : memref<2560x128xi32, #tpu.memory_space<hbm>> -> memref<80x128xi32, #tpu.memory_space<hbm>>
        tpu.wait_dma2 semaphore(%run_scoped3A : memref<!tpu.dma_semaphore, #tpu.memory_space<semaphore_mem>>) src(%dma_wait3A_117 : memref<80x128xi32, #tpu.memory_space<hbm>>) dst(%dma_wait3A_115 : memref<80x128xi32, #tpu.memory_space<vmem>>)
        tpu.yield
      }) : () -> ()
      %dma_start3A = arith.constant 0 : i32
      %dma_start3A_38 = arith.constant 0 : i32
      %dma_start3A_39 = tpu.memref_slice %arg6[%dma_start3A, %dma_start3A_38] : memref<80x128xi32, #tpu.memory_space<vmem>> -> memref<1x128xi32, #tpu.memory_space<vmem>>
      %dma_start3A_40 = tpu.memref_squeeze %dma_start3A_39 : memref<1x128xi32, #tpu.memory_space<vmem>> -> memref<128xi32, #tpu.memory_space<vmem>>
      %dma_start3A_41 = arith.constant 0 : i32
      %dma_start3A_42 = arith.constant 0 : i32
      %dma_start3A_43 = tpu.memref_slice %arg9[%dma_start3A_41, %dma_start3A_42] : memref<10112x32xbf16, #tpu.memory_space<vmem_shared>> -> memref<10112x32xbf16, #tpu.memory_space<vmem_shared>>
      tpu.enqueue_indirect_dma source(%dma_start3A_43 : memref<10112x32xbf16, #tpu.memory_space<vmem_shared>>) target(%arg10 : memref<128x32xbf16, #tpu.memory_space<vmem>>) offsets(%dma_start3A_40 : memref<128xi32, #tpu.memory_space<vmem>>) semaphore(%arg14 : memref<!tpu.dma_semaphore, #tpu.memory_space<semaphore_mem>>)
      %dma_start3A_44 = arith.constant 1 : i32
      %dma_start3A_45 = arith.constant 0 : i32
      %dma_start3A_46 = tpu.memref_slice %arg6[%dma_start3A_44, %dma_start3A_45] : memref<80x128xi32, #tpu.memory_space<vmem>> -> memref<1x128xi32, #tpu.memory_space<vmem>>
      %dma_start3A_47 = tpu.memref_squeeze %dma_start3A_46 : memref<1x128xi32, #tpu.memory_space<vmem>> -> memref<128xi32, #tpu.memory_space<vmem>>
      %dma_start3A_48 = arith.constant 0 : i32
      %dma_start3A_49 = arith.constant 0 : i32
      %dma_start3A_50 = tpu.memref_slice %arg9[%dma_start3A_48, %dma_start3A_49] : memref<10112x32xbf16, #tpu.memory_space<vmem_shared>> -> memref<10112x32xbf16, #tpu.memory_space<vmem_shared>>
      tpu.enqueue_indirect_dma source(%dma_start3A_50 : memref<10112x32xbf16, #tpu.memory_space<vmem_shared>>) target(%arg11 : memref<128x32xbf16, #tpu.memory_space<vmem>>) offsets(%dma_start3A_47 : memref<128xi32, #tpu.memory_space<vmem>>) semaphore(%arg15 : memref<!tpu.dma_semaphore, #tpu.memory_space<semaphore_mem>>)
      %dma_start3A_51 = arith.constant 2 : i32
      %dma_start3A_52 = arith.constant 0 : i32
      %dma_start3A_53 = tpu.memref_slice %arg6[%dma_start3A_51, %dma_start3A_52] : memref<80x128xi32, #tpu.memory_space<vmem>> -> memref<1x128xi32, #tpu.memory_space<vmem>>
      %dma_start3A_54 = tpu.memref_squeeze %dma_start3A_53 : memref<1x128xi32, #tpu.memory_space<vmem>> -> memref<128xi32, #tpu.memory_space<vmem>>
      %dma_start3A_55 = arith.constant 0 : i32
      %dma_start3A_56 = arith.constant 0 : i32
      %dma_start3A_57 = tpu.memref_slice %arg9[%dma_start3A_55, %dma_start3A_56] : memref<10112x32xbf16, #tpu.memory_space<vmem_shared>> -> memref<10112x32xbf16, #tpu.memory_space<vmem_shared>>
      tpu.enqueue_indirect_dma source(%dma_start3A_57 : memref<10112x32xbf16, #tpu.memory_space<vmem_shared>>) target(%arg12 : memref<128x32xbf16, #tpu.memory_space<vmem>>) offsets(%dma_start3A_54 : memref<128xi32, #tpu.memory_space<vmem>>) semaphore(%arg16 : memref<!tpu.dma_semaphore, #tpu.memory_space<semaphore_mem>>)
      %dma_start3A_58 = arith.constant 3 : i32
      %dma_start3A_59 = arith.constant 0 : i32
      %dma_start3A_60 = tpu.memref_slice %arg6[%dma_start3A_58, %dma_start3A_59] : memref<80x128xi32, #tpu.memory_space<vmem>> -> memref<1x128xi32, #tpu.memory_space<vmem>>
      %dma_start3A_61 = tpu.memref_squeeze %dma_start3A_60 : memref<1x128xi32, #tpu.memory_space<vmem>> -> memref<128xi32, #tpu.memory_space<vmem>>
      %dma_start3A_62 = arith.constant 0 : i32
      %dma_start3A_63 = arith.constant 0 : i32
      %dma_start3A_64 = tpu.memref_slice %arg9[%dma_start3A_62, %dma_start3A_63] : memref<10112x32xbf16, #tpu.memory_space<vmem_shared>> -> memref<10112x32xbf16, #tpu.memory_space<vmem_shared>>
      tpu.enqueue_indirect_dma source(%dma_start3A_64 : memref<10112x32xbf16, #tpu.memory_space<vmem_shared>>) target(%arg13 : memref<128x32xbf16, #tpu.memory_space<vmem>>) offsets(%dma_start3A_61 : memref<128xi32, #tpu.memory_space<vmem>>) semaphore(%arg17 : memref<!tpu.dma_semaphore, #tpu.memory_space<semaphore_mem>>)
      %scan3A_65 = arith.constant 0 : i32
      %scan3A_66 = arith.constant 0 : i32
      %scan3A_67 = arith.constant 20 : i32
      %scan3A_68 = arith.addi %scan3A_66, %scan3A_67 : i32
      %scan3A_69 = arith.constant 1 : i32
      scf.for %scan3A_98 = %scan3A_66 to %scan3A_68 step %scan3A_69  : i32 {
        %mul3A_99 = arith.constant 4 : i32
        %mul3A_100 = arith.muli %mul3A_99, %scan3A_98 : i32
        %add3A_101 = arith.constant 0 : i32
        %add3A_102 = arith.addi %mul3A_100, %add3A_101 : i32
        %dma_wait3A_103 = arith.constant 0 : i32
        %dma_wait3A_104 = tpu.memref_slice %arg6[%add3A_102, %dma_wait3A_103] : memref<80x128xi32, #tpu.memory_space<vmem>> -> memref<1x128xi32, #tpu.memory_space<vmem>>
        %dma_wait3A_105 = tpu.memref_squeeze %dma_wait3A_104 : memref<1x128xi32, #tpu.memory_space<vmem>> -> memref<128xi32, #tpu.memory_space<vmem>>
        %dma_wait3A_106 = arith.constant 0 : i32
        %dma_wait3A_107 = arith.constant 0 : i32
        %dma_wait3A_108 = tpu.memref_slice %arg9[%dma_wait3A_106, %dma_wait3A_107] : memref<10112x32xbf16, #tpu.memory_space<vmem_shared>> -> memref<10112x32xbf16, #tpu.memory_space<vmem_shared>>
        tpu.wait_indirect_dma semaphore(%arg14 : memref<!tpu.dma_semaphore, #tpu.memory_space<semaphore_mem>>) src(%dma_wait3A_108 : memref<10112x32xbf16, #tpu.memory_space<vmem_shared>>) dst(%arg10 : memref<128x32xbf16, #tpu.memory_space<vmem>>)
        %dma_start3A_109 = arith.constant 0 : i32
        %dma_start3A_110 = tpu.memref_slice %arg7[%add3A_102, %dma_start3A_109] : memref<80x128xi32, #tpu.memory_space<vmem>> -> memref<1x128xi32, #tpu.memory_space<vmem>>
        %dma_start3A_111 = tpu.memref_squeeze %dma_start3A_110 : memref<1x128xi32, #tpu.memory_space<vmem>> -> memref<128xi32, #tpu.memory_space<vmem>>
        %dma_start3A_112 = arith.constant 0 : i32
        %dma_start3A_113 = arith.constant 0 : i32
        %dma_start3A_114 = tpu.memref_slice %arg8[%dma_start3A_112, %dma_start3A_113] : memref<10112x32xbf16, #tpu.memory_space<vmem_shared>> -> memref<10112x32xbf16, #tpu.memory_space<vmem_shared>>
        tpu.enqueue_indirect_dma source(%arg10 : memref<128x32xbf16, #tpu.memory_space<vmem>>) target(%dma_start3A_114 : memref<10112x32xbf16, #tpu.memory_space<vmem_shared>>) offsets(%dma_start3A_111 : memref<128xi32, #tpu.memory_space<vmem>>) semaphore(%arg18 : memref<!tpu.dma_semaphore, #tpu.memory_space<semaphore_mem>>) {add = true}
        %mul3A_115 = arith.constant 4 : i32
        %mul3A_116 = arith.muli %mul3A_115, %scan3A_98 : i32
        %add3A_117 = arith.constant 1 : i32
        %add3A_118 = arith.addi %mul3A_116, %add3A_117 : i32
        %dma_wait3A_119 = arith.constant 0 : i32
        %dma_wait3A_120 = tpu.memref_slice %arg6[%add3A_118, %dma_wait3A_119] : memref<80x128xi32, #tpu.memory_space<vmem>> -> memref<1x128xi32, #tpu.memory_space<vmem>>
        %dma_wait3A_121 = tpu.memref_squeeze %dma_wait3A_120 : memref<1x128xi32, #tpu.memory_space<vmem>> -> memref<128xi32, #tpu.memory_space<vmem>>
        %dma_wait3A_122 = arith.constant 0 : i32
        %dma_wait3A_123 = arith.constant 0 : i32
        %dma_wait3A_124 = tpu.memref_slice %arg9[%dma_wait3A_122, %dma_wait3A_123] : memref<10112x32xbf16, #tpu.memory_space<vmem_shared>> -> memref<10112x32xbf16, #tpu.memory_space<vmem_shared>>
        tpu.wait_indirect_dma semaphore(%arg15 : memref<!tpu.dma_semaphore, #tpu.memory_space<semaphore_mem>>) src(%dma_wait3A_124 : memref<10112x32xbf16, #tpu.memory_space<vmem_shared>>) dst(%arg11 : memref<128x32xbf16, #tpu.memory_space<vmem>>)
        %dma_start3A_125 = arith.constant 0 : i32
        %dma_start3A_126 = tpu.memref_slice %arg7[%add3A_118, %dma_start3A_125] : memref<80x128xi32, #tpu.memory_space<vmem>> -> memref<1x128xi32, #tpu.memory_space<vmem>>
        %dma_start3A_127 = tpu.memref_squeeze %dma_start3A_126 : memref<1x128xi32, #tpu.memory_space<vmem>> -> memref<128xi32, #tpu.memory_space<vmem>>
        %dma_start3A_128 = arith.constant 0 : i32
        %dma_start3A_129 = arith.constant 0 : i32
        %dma_start3A_130 = tpu.memref_slice %arg8[%dma_start3A_128, %dma_start3A_129] : memref<10112x32xbf16, #tpu.memory_space<vmem_shared>> -> memref<10112x32xbf16, #tpu.memory_space<vmem_shared>>
        tpu.enqueue_indirect_dma source(%arg11 : memref<128x32xbf16, #tpu.memory_space<vmem>>) target(%dma_start3A_130 : memref<10112x32xbf16, #tpu.memory_space<vmem_shared>>) offsets(%dma_start3A_127 : memref<128xi32, #tpu.memory_space<vmem>>) semaphore(%arg19 : memref<!tpu.dma_semaphore, #tpu.memory_space<semaphore_mem>>) {add = true}
        %mul3A_131 = arith.constant 4 : i32
        %mul3A_132 = arith.muli %mul3A_131, %scan3A_98 : i32
        %add3A_133 = arith.constant 2 : i32
        %add3A_134 = arith.addi %mul3A_132, %add3A_133 : i32
        %dma_wait3A_135 = arith.constant 0 : i32
        %dma_wait3A_136 = tpu.memref_slice %arg6[%add3A_134, %dma_wait3A_135] : memref<80x128xi32, #tpu.memory_space<vmem>> -> memref<1x128xi32, #tpu.memory_space<vmem>>
        %dma_wait3A_137 = tpu.memref_squeeze %dma_wait3A_136 : memref<1x128xi32, #tpu.memory_space<vmem>> -> memref<128xi32, #tpu.memory_space<vmem>>
        %dma_wait3A_138 = arith.constant 0 : i32
        %dma_wait3A_139 = arith.constant 0 : i32
        %dma_wait3A_140 = tpu.memref_slice %arg9[%dma_wait3A_138, %dma_wait3A_139] : memref<10112x32xbf16, #tpu.memory_space<vmem_shared>> -> memref<10112x32xbf16, #tpu.memory_space<vmem_shared>>
        tpu.wait_indirect_dma semaphore(%arg16 : memref<!tpu.dma_semaphore, #tpu.memory_space<semaphore_mem>>) src(%dma_wait3A_140 : memref<10112x32xbf16, #tpu.memory_space<vmem_shared>>) dst(%arg12 : memref<128x32xbf16, #tpu.memory_space<vmem>>)
        %dma_start3A_141 = arith.constant 0 : i32
        %dma_start3A_142 = tpu.memref_slice %arg7[%add3A_134, %dma_start3A_141] : memref<80x128xi32, #tpu.memory_space<vmem>> -> memref<1x128xi32, #tpu.memory_space<vmem>>
        %dma_start3A_143 = tpu.memref_squeeze %dma_start3A_142 : memref<1x128xi32, #tpu.memory_space<vmem>> -> memref<128xi32, #tpu.memory_space<vmem>>
        %dma_start3A_144 = arith.constant 0 : i32
        %dma_start3A_145 = arith.constant 0 : i32
        %dma_start3A_146 = tpu.memref_slice %arg8[%dma_start3A_144, %dma_start3A_145] : memref<10112x32xbf16, #tpu.memory_space<vmem_shared>> -> memref<10112x32xbf16, #tpu.memory_space<vmem_shared>>
        tpu.enqueue_indirect_dma source(%arg12 : memref<128x32xbf16, #tpu.memory_space<vmem>>) target(%dma_start3A_146 : memref<10112x32xbf16, #tpu.memory_space<vmem_shared>>) offsets(%dma_start3A_143 : memref<128xi32, #tpu.memory_space<vmem>>) semaphore(%arg20 : memref<!tpu.dma_semaphore, #tpu.memory_space<semaphore_mem>>) {add = true}
        %mul3A_147 = arith.constant 4 : i32
        %mul3A_148 = arith.muli %mul3A_147, %scan3A_98 : i32
        %add3A_149 = arith.constant 3 : i32
        %add3A_150 = arith.addi %mul3A_148, %add3A_149 : i32
        %dma_wait3A_151 = arith.constant 0 : i32
        %dma_wait3A_152 = tpu.memref_slice %arg6[%add3A_150, %dma_wait3A_151] : memref<80x128xi32, #tpu.memory_space<vmem>> -> memref<1x128xi32, #tpu.memory_space<vmem>>
        %dma_wait3A_153 = tpu.memref_squeeze %dma_wait3A_152 : memref<1x128xi32, #tpu.memory_space<vmem>> -> memref<128xi32, #tpu.memory_space<vmem>>
        %dma_wait3A_154 = arith.constant 0 : i32
        %dma_wait3A_155 = arith.constant 0 : i32
        %dma_wait3A_156 = tpu.memref_slice %arg9[%dma_wait3A_154, %dma_wait3A_155] : memref<10112x32xbf16, #tpu.memory_space<vmem_shared>> -> memref<10112x32xbf16, #tpu.memory_space<vmem_shared>>
        tpu.wait_indirect_dma semaphore(%arg17 : memref<!tpu.dma_semaphore, #tpu.memory_space<semaphore_mem>>) src(%dma_wait3A_156 : memref<10112x32xbf16, #tpu.memory_space<vmem_shared>>) dst(%arg13 : memref<128x32xbf16, #tpu.memory_space<vmem>>)
        %dma_start3A_157 = arith.constant 0 : i32
        %dma_start3A_158 = tpu.memref_slice %arg7[%add3A_150, %dma_start3A_157] : memref<80x128xi32, #tpu.memory_space<vmem>> -> memref<1x128xi32, #tpu.memory_space<vmem>>
        %dma_start3A_159 = tpu.memref_squeeze %dma_start3A_158 : memref<1x128xi32, #tpu.memory_space<vmem>> -> memref<128xi32, #tpu.memory_space<vmem>>
        %dma_start3A_160 = arith.constant 0 : i32
        %dma_start3A_161 = arith.constant 0 : i32
        %dma_start3A_162 = tpu.memref_slice %arg8[%dma_start3A_160, %dma_start3A_161] : memref<10112x32xbf16, #tpu.memory_space<vmem_shared>> -> memref<10112x32xbf16, #tpu.memory_space<vmem_shared>>
        tpu.enqueue_indirect_dma source(%arg13 : memref<128x32xbf16, #tpu.memory_space<vmem>>) target(%dma_start3A_162 : memref<10112x32xbf16, #tpu.memory_space<vmem_shared>>) offsets(%dma_start3A_159 : memref<128xi32, #tpu.memory_space<vmem>>) semaphore(%arg21 : memref<!tpu.dma_semaphore, #tpu.memory_space<semaphore_mem>>) {add = true}
        %lt3A_163 = arith.constant 19 : i32
        %lt3A_164 = arith.cmpi slt, %scan3A_98, %lt3A_163 : i32
        %convert_element_type3A_165 = arith.extui %lt3A_164 : i1 to i32
        %cond3A_166 = arith.constant 0 : i32
        %cond3A_167 = arith.cmpi ne, %convert_element_type3A_165, %cond3A_166 : i32
        scf.if %cond3A_167 {
          %mul3A_168 = arith.constant 4 : i32
          %mul3A_169 = arith.muli %mul3A_168, %scan3A_98 : i32
          %add3A_170 = arith.constant 4 : i32
          %add3A_171 = arith.addi %mul3A_169, %add3A_170 : i32
          %add3A_172 = arith.constant 0 : i32
          %add3A_173 = arith.addi %add3A_171, %add3A_172 : i32
          %dma_wait3A_174 = arith.constant 0 : i32
          %dma_wait3A_175 = arith.constant 0 : i32
          %dma_wait3A_176 = tpu.memref_slice %arg7[%dma_wait3A_174, %dma_wait3A_175] : memref<80x128xi32, #tpu.memory_space<vmem>> -> memref<1x128xi32, #tpu.memory_space<vmem>>
          %dma_wait3A_177 = tpu.memref_squeeze %dma_wait3A_176 : memref<1x128xi32, #tpu.memory_space<vmem>> -> memref<128xi32, #tpu.memory_space<vmem>>
          %dma_wait3A_178 = arith.constant 0 : i32
          %dma_wait3A_179 = arith.constant 0 : i32
          %dma_wait3A_180 = tpu.memref_slice %arg8[%dma_wait3A_178, %dma_wait3A_179] : memref<10112x32xbf16, #tpu.memory_space<vmem_shared>> -> memref<10112x32xbf16, #tpu.memory_space<vmem_shared>>
          tpu.wait_indirect_dma semaphore(%arg18 : memref<!tpu.dma_semaphore, #tpu.memory_space<semaphore_mem>>) src(%arg10 : memref<128x32xbf16, #tpu.memory_space<vmem>>) dst(%dma_wait3A_180 : memref<10112x32xbf16, #tpu.memory_space<vmem_shared>>)
          %dma_start3A_181 = arith.constant 0 : i32
          %dma_start3A_182 = tpu.memref_slice %arg6[%add3A_173, %dma_start3A_181] : memref<80x128xi32, #tpu.memory_space<vmem>> -> memref<1x128xi32, #tpu.memory_space<vmem>>
          %dma_start3A_183 = tpu.memref_squeeze %dma_start3A_182 : memref<1x128xi32, #tpu.memory_space<vmem>> -> memref<128xi32, #tpu.memory_space<vmem>>
          %dma_start3A_184 = arith.constant 0 : i32
          %dma_start3A_185 = arith.constant 0 : i32
          %dma_start3A_186 = tpu.memref_slice %arg9[%dma_start3A_184, %dma_start3A_185] : memref<10112x32xbf16, #tpu.memory_space<vmem_shared>> -> memref<10112x32xbf16, #tpu.memory_space<vmem_shared>>
          tpu.enqueue_indirect_dma source(%dma_start3A_186 : memref<10112x32xbf16, #tpu.memory_space<vmem_shared>>) target(%arg10 : memref<128x32xbf16, #tpu.memory_space<vmem>>) offsets(%dma_start3A_183 : memref<128xi32, #tpu.memory_space<vmem>>) semaphore(%arg14 : memref<!tpu.dma_semaphore, #tpu.memory_space<semaphore_mem>>)
          %mul3A_187 = arith.constant 4 : i32
          %mul3A_188 = arith.muli %mul3A_187, %scan3A_98 : i32
          %add3A_189 = arith.constant 4 : i32
          %add3A_190 = arith.addi %mul3A_188, %add3A_189 : i32
          %add3A_191 = arith.constant 1 : i32
          %add3A_192 = arith.addi %add3A_190, %add3A_191 : i32
          %dma_wait3A_193 = arith.constant 0 : i32
          %dma_wait3A_194 = arith.constant 0 : i32
          %dma_wait3A_195 = tpu.memref_slice %arg7[%dma_wait3A_193, %dma_wait3A_194] : memref<80x128xi32, #tpu.memory_space<vmem>> -> memref<1x128xi32, #tpu.memory_space<vmem>>
          %dma_wait3A_196 = tpu.memref_squeeze %dma_wait3A_195 : memref<1x128xi32, #tpu.memory_space<vmem>> -> memref<128xi32, #tpu.memory_space<vmem>>
          %dma_wait3A_197 = arith.constant 0 : i32
          %dma_wait3A_198 = arith.constant 0 : i32
          %dma_wait3A_199 = tpu.memref_slice %arg8[%dma_wait3A_197, %dma_wait3A_198] : memref<10112x32xbf16, #tpu.memory_space<vmem_shared>> -> memref<10112x32xbf16, #tpu.memory_space<vmem_shared>>
          tpu.wait_indirect_dma semaphore(%arg19 : memref<!tpu.dma_semaphore, #tpu.memory_space<semaphore_mem>>) src(%arg11 : memref<128x32xbf16, #tpu.memory_space<vmem>>) dst(%dma_wait3A_199 : memref<10112x32xbf16, #tpu.memory_space<vmem_shared>>)
          %dma_start3A_200 = arith.constant 0 : i32
          %dma_start3A_201 = tpu.memref_slice %arg6[%add3A_192, %dma_start3A_200] : memref<80x128xi32, #tpu.memory_space<vmem>> -> memref<1x128xi32, #tpu.memory_space<vmem>>
          %dma_start3A_202 = tpu.memref_squeeze %dma_start3A_201 : memref<1x128xi32, #tpu.memory_space<vmem>> -> memref<128xi32, #tpu.memory_space<vmem>>
          %dma_start3A_203 = arith.constant 0 : i32
          %dma_start3A_204 = arith.constant 0 : i32
          %dma_start3A_205 = tpu.memref_slice %arg9[%dma_start3A_203, %dma_start3A_204] : memref<10112x32xbf16, #tpu.memory_space<vmem_shared>> -> memref<10112x32xbf16, #tpu.memory_space<vmem_shared>>
          tpu.enqueue_indirect_dma source(%dma_start3A_205 : memref<10112x32xbf16, #tpu.memory_space<vmem_shared>>) target(%arg11 : memref<128x32xbf16, #tpu.memory_space<vmem>>) offsets(%dma_start3A_202 : memref<128xi32, #tpu.memory_space<vmem>>) semaphore(%arg15 : memref<!tpu.dma_semaphore, #tpu.memory_space<semaphore_mem>>)
          %mul3A_206 = arith.constant 4 : i32
          %mul3A_207 = arith.muli %mul3A_206, %scan3A_98 : i32
          %add3A_208 = arith.constant 4 : i32
          %add3A_209 = arith.addi %mul3A_207, %add3A_208 : i32
          %add3A_210 = arith.constant 2 : i32
          %add3A_211 = arith.addi %add3A_209, %add3A_210 : i32
          %dma_wait3A_212 = arith.constant 0 : i32
          %dma_wait3A_213 = arith.constant 0 : i32
          %dma_wait3A_214 = tpu.memref_slice %arg7[%dma_wait3A_212, %dma_wait3A_213] : memref<80x128xi32, #tpu.memory_space<vmem>> -> memref<1x128xi32, #tpu.memory_space<vmem>>
          %dma_wait3A_215 = tpu.memref_squeeze %dma_wait3A_214 : memref<1x128xi32, #tpu.memory_space<vmem>> -> memref<128xi32, #tpu.memory_space<vmem>>
          %dma_wait3A_216 = arith.constant 0 : i32
          %dma_wait3A_217 = arith.constant 0 : i32
          %dma_wait3A_218 = tpu.memref_slice %arg8[%dma_wait3A_216, %dma_wait3A_217] : memref<10112x32xbf16, #tpu.memory_space<vmem_shared>> -> memref<10112x32xbf16, #tpu.memory_space<vmem_shared>>
          tpu.wait_indirect_dma semaphore(%arg20 : memref<!tpu.dma_semaphore, #tpu.memory_space<semaphore_mem>>) src(%arg12 : memref<128x32xbf16, #tpu.memory_space<vmem>>) dst(%dma_wait3A_218 : memref<10112x32xbf16, #tpu.memory_space<vmem_shared>>)
          %dma_start3A_219 = arith.constant 0 : i32
          %dma_start3A_220 = tpu.memref_slice %arg6[%add3A_211, %dma_start3A_219] : memref<80x128xi32, #tpu.memory_space<vmem>> -> memref<1x128xi32, #tpu.memory_space<vmem>>
          %dma_start3A_221 = tpu.memref_squeeze %dma_start3A_220 : memref<1x128xi32, #tpu.memory_space<vmem>> -> memref<128xi32, #tpu.memory_space<vmem>>
          %dma_start3A_222 = arith.constant 0 : i32
          %dma_start3A_223 = arith.constant 0 : i32
          %dma_start3A_224 = tpu.memref_slice %arg9[%dma_start3A_222, %dma_start3A_223] : memref<10112x32xbf16, #tpu.memory_space<vmem_shared>> -> memref<10112x32xbf16, #tpu.memory_space<vmem_shared>>
          tpu.enqueue_indirect_dma source(%dma_start3A_224 : memref<10112x32xbf16, #tpu.memory_space<vmem_shared>>) target(%arg12 : memref<128x32xbf16, #tpu.memory_space<vmem>>) offsets(%dma_start3A_221 : memref<128xi32, #tpu.memory_space<vmem>>) semaphore(%arg16 : memref<!tpu.dma_semaphore, #tpu.memory_space<semaphore_mem>>)
          %mul3A_225 = arith.constant 4 : i32
          %mul3A_226 = arith.muli %mul3A_225, %scan3A_98 : i32
          %add3A_227 = arith.constant 4 : i32
          %add3A_228 = arith.addi %mul3A_226, %add3A_227 : i32
          %add3A_229 = arith.constant 3 : i32
          %add3A_230 = arith.addi %add3A_228, %add3A_229 : i32
          %dma_wait3A_231 = arith.constant 0 : i32
          %dma_wait3A_232 = arith.constant 0 : i32
          %dma_wait3A_233 = tpu.memref_slice %arg7[%dma_wait3A_231, %dma_wait3A_232] : memref<80x128xi32, #tpu.memory_space<vmem>> -> memref<1x128xi32, #tpu.memory_space<vmem>>
          %dma_wait3A_234 = tpu.memref_squeeze %dma_wait3A_233 : memref<1x128xi32, #tpu.memory_space<vmem>> -> memref<128xi32, #tpu.memory_space<vmem>>
          %dma_wait3A_235 = arith.constant 0 : i32
          %dma_wait3A_236 = arith.constant 0 : i32
          %dma_wait3A_237 = tpu.memref_slice %arg8[%dma_wait3A_235, %dma_wait3A_236] : memref<10112x32xbf16, #tpu.memory_space<vmem_shared>> -> memref<10112x32xbf16, #tpu.memory_space<vmem_shared>>
          tpu.wait_indirect_dma semaphore(%arg21 : memref<!tpu.dma_semaphore, #tpu.memory_space<semaphore_mem>>) src(%arg13 : memref<128x32xbf16, #tpu.memory_space<vmem>>) dst(%dma_wait3A_237 : memref<10112x32xbf16, #tpu.memory_space<vmem_shared>>)
          %dma_start3A_238 = arith.constant 0 : i32
          %dma_start3A_239 = tpu.memref_slice %arg6[%add3A_230, %dma_start3A_238] : memref<80x128xi32, #tpu.memory_space<vmem>> -> memref<1x128xi32, #tpu.memory_space<vmem>>
          %dma_start3A_240 = tpu.memref_squeeze %dma_start3A_239 : memref<1x128xi32, #tpu.memory_space<vmem>> -> memref<128xi32, #tpu.memory_space<vmem>>
          %dma_start3A_241 = arith.constant 0 : i32
          %dma_start3A_242 = arith.constant 0 : i32
          %dma_start3A_243 = tpu.memref_slice %arg9[%dma_start3A_241, %dma_start3A_242] : memref<10112x32xbf16, #tpu.memory_space<vmem_shared>> -> memref<10112x32xbf16, #tpu.memory_space<vmem_shared>>
          tpu.enqueue_indirect_dma source(%dma_start3A_243 : memref<10112x32xbf16, #tpu.memory_space<vmem_shared>>) target(%arg13 : memref<128x32xbf16, #tpu.memory_space<vmem>>) offsets(%dma_start3A_240 : memref<128xi32, #tpu.memory_space<vmem>>) semaphore(%arg17 : memref<!tpu.dma_semaphore, #tpu.memory_space<semaphore_mem>>)
        } else {
        }
      }
      %scan3A_70 = arith.constant 20 : i32
      %dma_wait3A = arith.constant 0 : i32
      %dma_wait3A_71 = arith.constant 0 : i32
      %dma_wait3A_72 = tpu.memref_slice %arg7[%dma_wait3A, %dma_wait3A_71] : memref<80x128xi32, #tpu.memory_space<vmem>> -> memref<1x128xi32, #tpu.memory_space<vmem>>
      %dma_wait3A_73 = tpu.memref_squeeze %dma_wait3A_72 : memref<1x128xi32, #tpu.memory_space<vmem>> -> memref<128xi32, #tpu.memory_space<vmem>>
      %dma_wait3A_74 = arith.constant 0 : i32
      %dma_wait3A_75 = arith.constant 0 : i32
      %dma_wait3A_76 = tpu.memref_slice %arg8[%dma_wait3A_74, %dma_wait3A_75] : memref<10112x32xbf16, #tpu.memory_space<vmem_shared>> -> memref<10112x32xbf16, #tpu.memory_space<vmem_shared>>
      tpu.wait_indirect_dma semaphore(%arg18 : memref<!tpu.dma_semaphore, #tpu.memory_space<semaphore_mem>>) src(%arg10 : memref<128x32xbf16, #tpu.memory_space<vmem>>) dst(%dma_wait3A_76 : memref<10112x32xbf16, #tpu.memory_space<vmem_shared>>)
      %dma_wait3A_77 = arith.constant 0 : i32
      %dma_wait3A_78 = arith.constant 0 : i32
      %dma_wait3A_79 = tpu.memref_slice %arg7[%dma_wait3A_77, %dma_wait3A_78] : memref<80x128xi32, #tpu.memory_space<vmem>> -> memref<1x128xi32, #tpu.memory_space<vmem>>
      %dma_wait3A_80 = tpu.memref_squeeze %dma_wait3A_79 : memref<1x128xi32, #tpu.memory_space<vmem>> -> memref<128xi32, #tpu.memory_space<vmem>>
      %dma_wait3A_81 = arith.constant 0 : i32
      %dma_wait3A_82 = arith.constant 0 : i32
      %dma_wait3A_83 = tpu.memref_slice %arg8[%dma_wait3A_81, %dma_wait3A_82] : memref<10112x32xbf16, #tpu.memory_space<vmem_shared>> -> memref<10112x32xbf16, #tpu.memory_space<vmem_shared>>
      tpu.wait_indirect_dma semaphore(%arg19 : memref<!tpu.dma_semaphore, #tpu.memory_space<semaphore_mem>>) src(%arg10 : memref<128x32xbf16, #tpu.memory_space<vmem>>) dst(%dma_wait3A_83 : memref<10112x32xbf16, #tpu.memory_space<vmem_shared>>)
      %dma_wait3A_84 = arith.constant 0 : i32
      %dma_wait3A_85 = arith.constant 0 : i32
      %dma_wait3A_86 = tpu.memref_slice %arg7[%dma_wait3A_84, %dma_wait3A_85] : memref<80x128xi32, #tpu.memory_space<vmem>> -> memref<1x128xi32, #tpu.memory_space<vmem>>
      %dma_wait3A_87 = tpu.memref_squeeze %dma_wait3A_86 : memref<1x128xi32, #tpu.memory_space<vmem>> -> memref<128xi32, #tpu.memory_space<vmem>>
      %dma_wait3A_88 = arith.constant 0 : i32
      %dma_wait3A_89 = arith.constant 0 : i32
      %dma_wait3A_90 = tpu.memref_slice %arg8[%dma_wait3A_88, %dma_wait3A_89] : memref<10112x32xbf16, #tpu.memory_space<vmem_shared>> -> memref<10112x32xbf16, #tpu.memory_space<vmem_shared>>
      tpu.wait_indirect_dma semaphore(%arg20 : memref<!tpu.dma_semaphore, #tpu.memory_space<semaphore_mem>>) src(%arg10 : memref<128x32xbf16, #tpu.memory_space<vmem>>) dst(%dma_wait3A_90 : memref<10112x32xbf16, #tpu.memory_space<vmem_shared>>)
      %dma_wait3A_91 = arith.constant 0 : i32
      %dma_wait3A_92 = arith.constant 0 : i32
      %dma_wait3A_93 = tpu.memref_slice %arg7[%dma_wait3A_91, %dma_wait3A_92] : memref<80x128xi32, #tpu.memory_space<vmem>> -> memref<1x128xi32, #tpu.memory_space<vmem>>
      %dma_wait3A_94 = tpu.memref_squeeze %dma_wait3A_93 : memref<1x128xi32, #tpu.memory_space<vmem>> -> memref<128xi32, #tpu.memory_space<vmem>>
      %dma_wait3A_95 = arith.constant 0 : i32
      %dma_wait3A_96 = arith.constant 0 : i32
      %dma_wait3A_97 = tpu.memref_slice %arg8[%dma_wait3A_95, %dma_wait3A_96] : memref<10112x32xbf16, #tpu.memory_space<vmem_shared>> -> memref<10112x32xbf16, #tpu.memory_space<vmem_shared>>
      tpu.wait_indirect_dma semaphore(%arg21 : memref<!tpu.dma_semaphore, #tpu.memory_space<semaphore_mem>>) src(%arg10 : memref<128x32xbf16, #tpu.memory_space<vmem>>) dst(%dma_wait3A_97 : memref<10112x32xbf16, #tpu.memory_space<vmem_shared>>)
    } else {
    }
    %barrier3A_31 = arith.constant 0 : index
    tpu.barrier barrier_id(%barrier3A_31)
    "tpu.region"() ({
      %run_scoped3A = tpu.sem_alloc : memref<!tpu.dma_semaphore, #tpu.memory_space<semaphore_mem>>
      %dma_start3A = arith.constant 0 : i32
      %dma_start3A_32 = tpu.memref_slice %arg5[%arg0, %mul3A_5, %dma_start3A] : memref<2x10112x32xbf16, #tpu.memory_space<hbm>> -> memref<1x632x32xbf16, #tpu.memory_space<hbm>>
      %dma_start3A_33 = tpu.memref_squeeze %dma_start3A_32 : memref<1x632x32xbf16, #tpu.memory_space<hbm>> -> memref<632x32xbf16, #tpu.memory_space<hbm>>
      %dma_start3A_34 = arith.constant 0 : i32
      %dma_start3A_35 = tpu.memref_slice %arg8[%mul3A_5, %dma_start3A_34] : memref<10112x32xbf16, #tpu.memory_space<vmem_shared>> -> memref<632x32xbf16, #tpu.memory_space<vmem_shared>>
      tpu.enqueue_dma source(%dma_start3A_35 : memref<632x32xbf16, #tpu.memory_space<vmem_shared>>) target(%dma_start3A_33 : memref<632x32xbf16, #tpu.memory_space<hbm>>) target_semaphore(%run_scoped3A : memref<!tpu.dma_semaphore, #tpu.memory_space<semaphore_mem>>)
      %dma_wait3A = arith.constant 0 : i32
      %dma_wait3A_36 = tpu.memref_slice %arg5[%arg0, %mul3A_5, %dma_wait3A] : memref<2x10112x32xbf16, #tpu.memory_space<hbm>> -> memref<1x632x32xbf16, #tpu.memory_space<hbm>>
      %dma_wait3A_37 = tpu.memref_squeeze %dma_wait3A_36 : memref<1x632x32xbf16, #tpu.memory_space<hbm>> -> memref<632x32xbf16, #tpu.memory_space<hbm>>
      %dma_wait3A_38 = arith.constant 0 : i32
      %dma_wait3A_39 = tpu.memref_slice %arg8[%mul3A_5, %dma_wait3A_38] : memref<10112x32xbf16, #tpu.memory_space<vmem_shared>> -> memref<632x32xbf16, #tpu.memory_space<vmem_shared>>
      tpu.wait_dma2 semaphore(%run_scoped3A : memref<!tpu.dma_semaphore, #tpu.memory_space<semaphore_mem>>) src(%dma_wait3A_39 : memref<632x32xbf16, #tpu.memory_space<vmem_shared>>) dst(%dma_wait3A_37 : memref<632x32xbf16, #tpu.memory_space<hbm>>)
      tpu.yield
    }) : () -> ()
    return
  }
}

#map = affine_map<(d0, d1) -> (0, 0)>
#map1 = affine_map<(d0, d1) -> (0, 0, 0)>
module attributes {stable_mosaic.version = 14 : i64} {
  func.func @k(%arg0: i32, %arg1: i32, %arg2: memref<10000x16xf32, #tpu.memory_space<hbm>>, %arg3: memref<2560x128xi32, #tpu.memory_space<hbm>>, %arg4: memref<2560x128xi32, #tpu.memory_space<hbm>>, %arg5: memref<2x10112x16xf32, #tpu.memory_space<hbm>>, %arg6: memref<80x128xi32, #tpu.memory_space<vmem>>, %arg7: memref<80x128xi32, #tpu.memory_space<vmem>>, %arg8: memref<10112x16xf32, #tpu.memory_space<vmem_shared>>, %arg9: memref<128x16xf32, #tpu.memory_space<vmem>>, %arg10: memref<128x16xf32, #tpu.memory_space<vmem>>, %arg11: memref<128x16xf32, #tpu.memory_space<vmem>>, %arg12: memref<128x16xf32, #tpu.memory_space<vmem>>, %arg13: memref<!tpu.dma_semaphore, #tpu.memory_space<semaphore_mem>>, %arg14: memref<!tpu.dma_semaphore, #tpu.memory_space<semaphore_mem>>, %arg15: memref<!tpu.dma_semaphore, #tpu.memory_space<semaphore_mem>>, %arg16: memref<!tpu.dma_semaphore, #tpu.memory_space<semaphore_mem>>, %arg17: memref<!tpu.dma_semaphore, #tpu.memory_space<semaphore_mem>>, %arg18: memref<!tpu.dma_semaphore, #tpu.memory_space<semaphore_mem>>, %arg19: memref<!tpu.dma_semaphore, #tpu.memory_space<semaphore_mem>>, %arg20: memref<!tpu.dma_semaphore, #tpu.memory_space<semaphore_mem>>) attributes {dimension_semantics = [#tpu.dimension_semantics<core_parallel>, #tpu.dimension_semantics<subcore_parallel>], iteration_bounds = array<i64: 2, 16>, scalar_prefetch = 0 : i64, scratch_operands = 15 : i64, tpu.core_type = #tpu.core_type<sc_vector_subcore>, window_params = [{transform_indices = #map}, {transform_indices = #map}, {transform_indices = #map}, {transform_indices = #map1}]} {
    %scan3A = arith.constant 0 : i32
    %scan3A_0 = arith.constant 0 : i32
    %scan3A_1 = arith.constant 128 : i32
    %scan3A_2 = arith.addi %scan3A_0, %scan3A_1 : i32
    %scan3A_3 = arith.constant 1 : i32
    scf.for %scan3A_23 = %scan3A_0 to %scan3A_2 step %scan3A_3  : i32 {
      %broadcast_in_dim3A = arith.constant 1.000000e+00 : f32
      %broadcast_in_dim3A_24 = vector.broadcast %broadcast_in_dim3A : f32 to vector<16xf32>
      %swap3A = arith.index_cast %scan3A_23 : i32 to index
      %swap3A_25 = arith.constant 0 : index
      %swap3A_26 = tpu.vector_load %arg9[%swap3A, %swap3A_25] {strides = array<i32>} : memref<128x16xf32, #tpu.memory_space<vmem>>, vector<1x16xf32>,
      %swap3A_27 = vector.shape_cast %swap3A_26 : vector<1x16xf32> to vector<16xf32>
      %swap3A_28 = vector.shape_cast %broadcast_in_dim3A_24 : vector<16xf32> to vector<1x16xf32>
      tpu.vector_store %arg9[%swap3A, %swap3A_25], %swap3A_28 {strides = array<i32>} : memref<128x16xf32, #tpu.memory_space<vmem>>, vector<1x16xf32>,
      %broadcast_in_dim3A_29 = arith.constant 0.000000e+00 : f32
      %broadcast_in_dim3A_30 = vector.broadcast %broadcast_in_dim3A_29 : f32 to vector<16xf32>
      %swap3A_31 = arith.index_cast %scan3A_23 : i32 to index
      %swap3A_32 = arith.constant 0 : index
      %swap3A_33 = tpu.vector_load %arg10[%swap3A_31, %swap3A_32] {strides = array<i32>} : memref<128x16xf32, #tpu.memory_space<vmem>>, vector<1x16xf32>,
      %swap3A_34 = vector.shape_cast %swap3A_33 : vector<1x16xf32> to vector<16xf32>
      %swap3A_35 = vector.shape_cast %broadcast_in_dim3A_30 : vector<16xf32> to vector<1x16xf32>
      tpu.vector_store %arg10[%swap3A_31, %swap3A_32], %swap3A_35 {strides = array<i32>} : memref<128x16xf32, #tpu.memory_space<vmem>>, vector<1x16xf32>,
    }
    %scan3A_4 = arith.constant 128 : i32
    %mul3A = arith.constant 632 : i32
    %mul3A_5 = arith.muli %arg1, %mul3A : i32
    %add3A = arith.constant 0 : i32
    %add3A_6 = arith.addi %mul3A_5, %add3A : i32
    "tpu.region"() ({
      %run_scoped3A = tpu.sem_alloc : memref<!tpu.dma_semaphore, #tpu.memory_space<semaphore_mem>>
      %dma_start3A = arith.constant 0 : i32
      %dma_start3A_23 = arith.constant 0 : i32
      %dma_start3A_24 = tpu.memref_slice %arg10[%dma_start3A, %dma_start3A_23] : memref<128x16xf32, #tpu.memory_space<vmem>> -> memref<128x16xf32, #tpu.memory_space<vmem>>
      %dma_start3A_25 = arith.constant 0 : i32
      %dma_start3A_26 = tpu.memref_slice %arg8[%add3A_6, %dma_start3A_25] : memref<10112x16xf32, #tpu.memory_space<vmem_shared>> -> memref<128x16xf32, #tpu.memory_space<vmem_shared>>
      %dma_start3A_27 = arith.constant 0 : i32
      %dma_start3A_28 = tpu.memref_slice %arg8[%add3A_6, %dma_start3A_27] : memref<10112x16xf32, #tpu.memory_space<vmem_shared>> -> memref<128x16xf32, #tpu.memory_space<vmem_shared>>
      %dma_start3A_29 = arith.constant 0 : i32
      %dma_start3A_30 = arith.constant 0 : i32
      %dma_start3A_31 = tpu.memref_slice %arg10[%dma_start3A_29, %dma_start3A_30] : memref<128x16xf32, #tpu.memory_space<vmem>> -> memref<128x16xf32, #tpu.memory_space<vmem>>
      tpu.enqueue_dma source(%dma_start3A_31 : memref<128x16xf32, #tpu.memory_space<vmem>>) target(%dma_start3A_28 : memref<128x16xf32, #tpu.memory_space<vmem_shared>>) target_semaphore(%run_scoped3A : memref<!tpu.dma_semaphore, #tpu.memory_space<semaphore_mem>>)
      %dma_wait3A = arith.constant 0 : i32
      %dma_wait3A_32 = arith.constant 0 : i32
      %dma_wait3A_33 = tpu.memref_slice %arg10[%dma_wait3A, %dma_wait3A_32] : memref<128x16xf32, #tpu.memory_space<vmem>> -> memref<128x16xf32, #tpu.memory_space<vmem>>
      %dma_wait3A_34 = arith.constant 0 : i32
      %dma_wait3A_35 = tpu.memref_slice %arg8[%add3A_6, %dma_wait3A_34] : memref<10112x16xf32, #tpu.memory_space<vmem_shared>> -> memref<128x16xf32, #tpu.memory_space<vmem_shared>>
      %dma_wait3A_36 = arith.constant 0 : i32
      %dma_wait3A_37 = tpu.memref_slice %arg8[%add3A_6, %dma_wait3A_36] : memref<10112x16xf32, #tpu.memory_space<vmem_shared>> -> memref<128x16xf32, #tpu.memory_space<vmem_shared>>
      %dma_wait3A_38 = arith.constant 0 : i32
      %dma_wait3A_39 = arith.constant 0 : i32
      %dma_wait3A_40 = tpu.memref_slice %arg10[%dma_wait3A_38, %dma_wait3A_39] : memref<128x16xf32, #tpu.memory_space<vmem>> -> memref<128x16xf32, #tpu.memory_space<vmem>>
      tpu.wait_dma2 semaphore(%run_scoped3A : memref<!tpu.dma_semaphore, #tpu.memory_space<semaphore_mem>>) src(%dma_wait3A_40 : memref<128x16xf32, #tpu.memory_space<vmem>>) dst(%dma_wait3A_37 : memref<128x16xf32, #tpu.memory_space<vmem_shared>>)
      tpu.yield
    }) : () -> ()
    %add3A_7 = arith.constant 128 : i32
    %add3A_8 = arith.addi %mul3A_5, %add3A_7 : i32
    "tpu.region"() ({
      %run_scoped3A = tpu.sem_alloc : memref<!tpu.dma_semaphore, #tpu.memory_space<semaphore_mem>>
      %dma_start3A = arith.constant 0 : i32
      %dma_start3A_23 = arith.constant 0 : i32
      %dma_start3A_24 = tpu.memref_slice %arg10[%dma_start3A, %dma_start3A_23] : memref<128x16xf32, #tpu.memory_space<vmem>> -> memref<128x16xf32, #tpu.memory_space<vmem>>
      %dma_start3A_25 = arith.constant 0 : i32
      %dma_start3A_26 = tpu.memref_slice %arg8[%add3A_8, %dma_start3A_25] : memref<10112x16xf32, #tpu.memory_space<vmem_shared>> -> memref<128x16xf32, #tpu.memory_space<vmem_shared>>
      %dma_start3A_27 = arith.constant 0 : i32
      %dma_start3A_28 = tpu.memref_slice %arg8[%add3A_8, %dma_start3A_27] : memref<10112x16xf32, #tpu.memory_space<vmem_shared>> -> memref<128x16xf32, #tpu.memory_space<vmem_shared>>
      %dma_start3A_29 = arith.constant 0 : i32
      %dma_start3A_30 = arith.constant 0 : i32
      %dma_start3A_31 = tpu.memref_slice %arg10[%dma_start3A_29, %dma_start3A_30] : memref<128x16xf32, #tpu.memory_space<vmem>> -> memref<128x16xf32, #tpu.memory_space<vmem>>
      tpu.enqueue_dma source(%dma_start3A_31 : memref<128x16xf32, #tpu.memory_space<vmem>>) target(%dma_start3A_28 : memref<128x16xf32, #tpu.memory_space<vmem_shared>>) target_semaphore(%run_scoped3A : memref<!tpu.dma_semaphore, #tpu.memory_space<semaphore_mem>>)
      %dma_wait3A = arith.constant 0 : i32
      %dma_wait3A_32 = arith.constant 0 : i32
      %dma_wait3A_33 = tpu.memref_slice %arg10[%dma_wait3A, %dma_wait3A_32] : memref<128x16xf32, #tpu.memory_space<vmem>> -> memref<128x16xf32, #tpu.memory_space<vmem>>
      %dma_wait3A_34 = arith.constant 0 : i32
      %dma_wait3A_35 = tpu.memref_slice %arg8[%add3A_8, %dma_wait3A_34] : memref<10112x16xf32, #tpu.memory_space<vmem_shared>> -> memref<128x16xf32, #tpu.memory_space<vmem_shared>>
      %dma_wait3A_36 = arith.constant 0 : i32
      %dma_wait3A_37 = tpu.memref_slice %arg8[%add3A_8, %dma_wait3A_36] : memref<10112x16xf32, #tpu.memory_space<vmem_shared>> -> memref<128x16xf32, #tpu.memory_space<vmem_shared>>
      %dma_wait3A_38 = arith.constant 0 : i32
      %dma_wait3A_39 = arith.constant 0 : i32
      %dma_wait3A_40 = tpu.memref_slice %arg10[%dma_wait3A_38, %dma_wait3A_39] : memref<128x16xf32, #tpu.memory_space<vmem>> -> memref<128x16xf32, #tpu.memory_space<vmem>>
      tpu.wait_dma2 semaphore(%run_scoped3A : memref<!tpu.dma_semaphore, #tpu.memory_space<semaphore_mem>>) src(%dma_wait3A_40 : memref<128x16xf32, #tpu.memory_space<vmem>>) dst(%dma_wait3A_37 : memref<128x16xf32, #tpu.memory_space<vmem_shared>>)
      tpu.yield
    }) : () -> ()
    %add3A_9 = arith.constant 256 : i32
    %add3A_10 = arith.addi %mul3A_5, %add3A_9 : i32
    "tpu.region"() ({
      %run_scoped3A = tpu.sem_alloc : memref<!tpu.dma_semaphore, #tpu.memory_space<semaphore_mem>>
      %dma_start3A = arith.constant 0 : i32
      %dma_start3A_23 = arith.constant 0 : i32
      %dma_start3A_24 = tpu.memref_slice %arg10[%dma_start3A, %dma_start3A_23] : memref<128x16xf32, #tpu.memory_space<vmem>> -> memref<128x16xf32, #tpu.memory_space<vmem>>
      %dma_start3A_25 = arith.constant 0 : i32
      %dma_start3A_26 = tpu.memref_slice %arg8[%add3A_10, %dma_start3A_25] : memref<10112x16xf32, #tpu.memory_space<vmem_shared>> -> memref<128x16xf32, #tpu.memory_space<vmem_shared>>
      %dma_start3A_27 = arith.constant 0 : i32
      %dma_start3A_28 = tpu.memref_slice %arg8[%add3A_10, %dma_start3A_27] : memref<10112x16xf32, #tpu.memory_space<vmem_shared>> -> memref<128x16xf32, #tpu.memory_space<vmem_shared>>
      %dma_start3A_29 = arith.constant 0 : i32
      %dma_start3A_30 = arith.constant 0 : i32
      %dma_start3A_31 = tpu.memref_slice %arg10[%dma_start3A_29, %dma_start3A_30] : memref<128x16xf32, #tpu.memory_space<vmem>> -> memref<128x16xf32, #tpu.memory_space<vmem>>
      tpu.enqueue_dma source(%dma_start3A_31 : memref<128x16xf32, #tpu.memory_space<vmem>>) target(%dma_start3A_28 : memref<128x16xf32, #tpu.memory_space<vmem_shared>>) target_semaphore(%run_scoped3A : memref<!tpu.dma_semaphore, #tpu.memory_space<semaphore_mem>>)
      %dma_wait3A = arith.constant 0 : i32
      %dma_wait3A_32 = arith.constant 0 : i32
      %dma_wait3A_33 = tpu.memref_slice %arg10[%dma_wait3A, %dma_wait3A_32] : memref<128x16xf32, #tpu.memory_space<vmem>> -> memref<128x16xf32, #tpu.memory_space<vmem>>
      %dma_wait3A_34 = arith.constant 0 : i32
      %dma_wait3A_35 = tpu.memref_slice %arg8[%add3A_10, %dma_wait3A_34] : memref<10112x16xf32, #tpu.memory_space<vmem_shared>> -> memref<128x16xf32, #tpu.memory_space<vmem_shared>>
      %dma_wait3A_36 = arith.constant 0 : i32
      %dma_wait3A_37 = tpu.memref_slice %arg8[%add3A_10, %dma_wait3A_36] : memref<10112x16xf32, #tpu.memory_space<vmem_shared>> -> memref<128x16xf32, #tpu.memory_space<vmem_shared>>
      %dma_wait3A_38 = arith.constant 0 : i32
      %dma_wait3A_39 = arith.constant 0 : i32
      %dma_wait3A_40 = tpu.memref_slice %arg10[%dma_wait3A_38, %dma_wait3A_39] : memref<128x16xf32, #tpu.memory_space<vmem>> -> memref<128x16xf32, #tpu.memory_space<vmem>>
      tpu.wait_dma2 semaphore(%run_scoped3A : memref<!tpu.dma_semaphore, #tpu.memory_space<semaphore_mem>>) src(%dma_wait3A_40 : memref<128x16xf32, #tpu.memory_space<vmem>>) dst(%dma_wait3A_37 : memref<128x16xf32, #tpu.memory_space<vmem_shared>>)
      tpu.yield
    }) : () -> ()
    %add3A_11 = arith.constant 384 : i32
    %add3A_12 = arith.addi %mul3A_5, %add3A_11 : i32
    "tpu.region"() ({
      %run_scoped3A = tpu.sem_alloc : memref<!tpu.dma_semaphore, #tpu.memory_space<semaphore_mem>>
      %dma_start3A = arith.constant 0 : i32
      %dma_start3A_23 = arith.constant 0 : i32
      %dma_start3A_24 = tpu.memref_slice %arg10[%dma_start3A, %dma_start3A_23] : memref<128x16xf32, #tpu.memory_space<vmem>> -> memref<128x16xf32, #tpu.memory_space<vmem>>
      %dma_start3A_25 = arith.constant 0 : i32
      %dma_start3A_26 = tpu.memref_slice %arg8[%add3A_12, %dma_start3A_25] : memref<10112x16xf32, #tpu.memory_space<vmem_shared>> -> memref<128x16xf32, #tpu.memory_space<vmem_shared>>
      %dma_start3A_27 = arith.constant 0 : i32
      %dma_start3A_28 = tpu.memref_slice %arg8[%add3A_12, %dma_start3A_27] : memref<10112x16xf32, #tpu.memory_space<vmem_shared>> -> memref<128x16xf32, #tpu.memory_space<vmem_shared>>
      %dma_start3A_29 = arith.constant 0 : i32
      %dma_start3A_30 = arith.constant 0 : i32
      %dma_start3A_31 = tpu.memref_slice %arg10[%dma_start3A_29, %dma_start3A_30] : memref<128x16xf32, #tpu.memory_space<vmem>> -> memref<128x16xf32, #tpu.memory_space<vmem>>
      tpu.enqueue_dma source(%dma_start3A_31 : memref<128x16xf32, #tpu.memory_space<vmem>>) target(%dma_start3A_28 : memref<128x16xf32, #tpu.memory_space<vmem_shared>>) target_semaphore(%run_scoped3A : memref<!tpu.dma_semaphore, #tpu.memory_space<semaphore_mem>>)
      %dma_wait3A = arith.constant 0 : i32
      %dma_wait3A_32 = arith.constant 0 : i32
      %dma_wait3A_33 = tpu.memref_slice %arg10[%dma_wait3A, %dma_wait3A_32] : memref<128x16xf32, #tpu.memory_space<vmem>> -> memref<128x16xf32, #tpu.memory_space<vmem>>
      %dma_wait3A_34 = arith.constant 0 : i32
      %dma_wait3A_35 = tpu.memref_slice %arg8[%add3A_12, %dma_wait3A_34] : memref<10112x16xf32, #tpu.memory_space<vmem_shared>> -> memref<128x16xf32, #tpu.memory_space<vmem_shared>>
      %dma_wait3A_36 = arith.constant 0 : i32
      %dma_wait3A_37 = tpu.memref_slice %arg8[%add3A_12, %dma_wait3A_36] : memref<10112x16xf32, #tpu.memory_space<vmem_shared>> -> memref<128x16xf32, #tpu.memory_space<vmem_shared>>
      %dma_wait3A_38 = arith.constant 0 : i32
      %dma_wait3A_39 = arith.constant 0 : i32
      %dma_wait3A_40 = tpu.memref_slice %arg10[%dma_wait3A_38, %dma_wait3A_39] : memref<128x16xf32, #tpu.memory_space<vmem>> -> memref<128x16xf32, #tpu.memory_space<vmem>>
      tpu.wait_dma2 semaphore(%run_scoped3A : memref<!tpu.dma_semaphore, #tpu.memory_space<semaphore_mem>>) src(%dma_wait3A_40 : memref<128x16xf32, #tpu.memory_space<vmem>>) dst(%dma_wait3A_37 : memref<128x16xf32, #tpu.memory_space<vmem_shared>>)
      tpu.yield
    }) : () -> ()
    %add3A_13 = arith.constant 512 : i32
    %add3A_14 = arith.addi %mul3A_5, %add3A_13 : i32
    "tpu.region"() ({
      %run_scoped3A = tpu.sem_alloc : memref<!tpu.dma_semaphore, #tpu.memory_space<semaphore_mem>>
      %dma_start3A = arith.constant 0 : i32
      %dma_start3A_23 = arith.constant 0 : i32
      %dma_start3A_24 = tpu.memref_slice %arg10[%dma_start3A, %dma_start3A_23] : memref<128x16xf32, #tpu.memory_space<vmem>> -> memref<120x16xf32, #tpu.memory_space<vmem>>
      %dma_start3A_25 = arith.constant 0 : i32
      %dma_start3A_26 = tpu.memref_slice %arg8[%add3A_14, %dma_start3A_25] : memref<10112x16xf32, #tpu.memory_space<vmem_shared>> -> memref<120x16xf32, #tpu.memory_space<vmem_shared>>
      %dma_start3A_27 = arith.constant 0 : i32
      %dma_start3A_28 = tpu.memref_slice %arg8[%add3A_14, %dma_start3A_27] : memref<10112x16xf32, #tpu.memory_space<vmem_shared>> -> memref<120x16xf32, #tpu.memory_space<vmem_shared>>
      %dma_start3A_29 = arith.constant 0 : i32
      %dma_start3A_30 = arith.constant 0 : i32
      %dma_start3A_31 = tpu.memref_slice %arg10[%dma_start3A_29, %dma_start3A_30] : memref<128x16xf32, #tpu.memory_space<vmem>> -> memref<120x16xf32, #tpu.memory_space<vmem>>
      tpu.enqueue_dma source(%dma_start3A_31 : memref<120x16xf32, #tpu.memory_space<vmem>>) target(%dma_start3A_28 : memref<120x16xf32, #tpu.memory_space<vmem_shared>>) target_semaphore(%run_scoped3A : memref<!tpu.dma_semaphore, #tpu.memory_space<semaphore_mem>>)
      %dma_wait3A = arith.constant 0 : i32
      %dma_wait3A_32 = arith.constant 0 : i32
      %dma_wait3A_33 = tpu.memref_slice %arg10[%dma_wait3A, %dma_wait3A_32] : memref<128x16xf32, #tpu.memory_space<vmem>> -> memref<120x16xf32, #tpu.memory_space<vmem>>
      %dma_wait3A_34 = arith.constant 0 : i32
      %dma_wait3A_35 = tpu.memref_slice %arg8[%add3A_14, %dma_wait3A_34] : memref<10112x16xf32, #tpu.memory_space<vmem_shared>> -> memref<120x16xf32, #tpu.memory_space<vmem_shared>>
      %dma_wait3A_36 = arith.constant 0 : i32
      %dma_wait3A_37 = tpu.memref_slice %arg8[%add3A_14, %dma_wait3A_36] : memref<10112x16xf32, #tpu.memory_space<vmem_shared>> -> memref<120x16xf32, #tpu.memory_space<vmem_shared>>
      %dma_wait3A_38 = arith.constant 0 : i32
      %dma_wait3A_39 = arith.constant 0 : i32
      %dma_wait3A_40 = tpu.memref_slice %arg10[%dma_wait3A_38, %dma_wait3A_39] : memref<128x16xf32, #tpu.memory_space<vmem>> -> memref<120x16xf32, #tpu.memory_space<vmem>>
      tpu.wait_dma2 semaphore(%run_scoped3A : memref<!tpu.dma_semaphore, #tpu.memory_space<semaphore_mem>>) src(%dma_wait3A_40 : memref<120x16xf32, #tpu.memory_space<vmem>>) dst(%dma_wait3A_37 : memref<120x16xf32, #tpu.memory_space<vmem_shared>>)
      tpu.yield
    }) : () -> ()
    %barrier3A = arith.constant 0 : index
    tpu.barrier barrier_id(%barrier3A)
    %eq3A = arith.constant 0 : i32
    %eq3A_15 = arith.cmpi eq, %arg0, %eq3A : i32
    %convert_element_type3A = arith.extui %eq3A_15 : i1 to i32
    %cond3A = arith.constant 0 : i32
    %cond3A_16 = arith.cmpi ne, %convert_element_type3A, %cond3A : i32
    scf.if %cond3A_16 {
      %mul3A_23 = arith.constant 80 : i32
      %mul3A_24 = arith.muli %arg1, %mul3A_23 : i32
      %add3A_25 = arith.constant 0 : i32
      %add3A_26 = arith.addi %mul3A_24, %add3A_25 : i32
      "tpu.region"() ({
        %run_scoped3A = tpu.sem_alloc : memref<!tpu.dma_semaphore, #tpu.memory_space<semaphore_mem>>
        %dma_start3A = arith.constant 0 : i32
        %dma_start3A_60 = arith.constant 0 : i32
        %dma_start3A_61 = tpu.memref_slice %arg6[%dma_start3A, %dma_start3A_60] : memref<80x128xi32, #tpu.memory_space<vmem>> -> memref<80x128xi32, #tpu.memory_space<vmem>>
        %dma_start3A_62 = arith.constant 0 : i32
        %dma_start3A_63 = tpu.memref_slice %arg3[%add3A_26, %dma_start3A_62] : memref<2560x128xi32, #tpu.memory_space<hbm>> -> memref<80x128xi32, #tpu.memory_space<hbm>>
        %dma_start3A_64 = arith.constant 0 : i32
        %dma_start3A_65 = arith.constant 0 : i32
        %dma_start3A_66 = tpu.memref_slice %arg6[%dma_start3A_64, %dma_start3A_65] : memref<80x128xi32, #tpu.memory_space<vmem>> -> memref<80x128xi32, #tpu.memory_space<vmem>>
        %dma_start3A_67 = arith.constant 0 : i32
        %dma_start3A_68 = tpu.memref_slice %arg3[%add3A_26, %dma_start3A_67] : memref<2560x128xi32, #tpu.memory_space<hbm>> -> memref<80x128xi32, #tpu.memory_space<hbm>>
        tpu.enqueue_dma source(%dma_start3A_68 : memref<80x128xi32, #tpu.memory_space<hbm>>) target(%dma_start3A_66 : memref<80x128xi32, #tpu.memory_space<vmem>>) target_semaphore(%run_scoped3A : memref<!tpu.dma_semaphore, #tpu.memory_space<semaphore_mem>>)
        %dma_wait3A_69 = arith.constant 0 : i32
        %dma_wait3A_70 = arith.constant 0 : i32
        %dma_wait3A_71 = tpu.memref_slice %arg6[%dma_wait3A_69, %dma_wait3A_70] : memref<80x128xi32, #tpu.memory_space<vmem>> -> memref<80x128xi32, #tpu.memory_space<vmem>>
        %dma_wait3A_72 = arith.constant 0 : i32
        %dma_wait3A_73 = tpu.memref_slice %arg3[%add3A_26, %dma_wait3A_72] : memref<2560x128xi32, #tpu.memory_space<hbm>> -> memref<80x128xi32, #tpu.memory_space<hbm>>
        %dma_wait3A_74 = arith.constant 0 : i32
        %dma_wait3A_75 = arith.constant 0 : i32
        %dma_wait3A_76 = tpu.memref_slice %arg6[%dma_wait3A_74, %dma_wait3A_75] : memref<80x128xi32, #tpu.memory_space<vmem>> -> memref<80x128xi32, #tpu.memory_space<vmem>>
        %dma_wait3A_77 = arith.constant 0 : i32
        %dma_wait3A_78 = tpu.memref_slice %arg3[%add3A_26, %dma_wait3A_77] : memref<2560x128xi32, #tpu.memory_space<hbm>> -> memref<80x128xi32, #tpu.memory_space<hbm>>
        tpu.wait_dma2 semaphore(%run_scoped3A : memref<!tpu.dma_semaphore, #tpu.memory_space<semaphore_mem>>) src(%dma_wait3A_78 : memref<80x128xi32, #tpu.memory_space<hbm>>) dst(%dma_wait3A_76 : memref<80x128xi32, #tpu.memory_space<vmem>>)
        tpu.yield
      }) : () -> ()
      "tpu.region"() ({
        %run_scoped3A = tpu.sem_alloc : memref<!tpu.dma_semaphore, #tpu.memory_space<semaphore_mem>>
        %dma_start3A = arith.constant 0 : i32
        %dma_start3A_60 = arith.constant 0 : i32
        %dma_start3A_61 = tpu.memref_slice %arg7[%dma_start3A, %dma_start3A_60] : memref<80x128xi32, #tpu.memory_space<vmem>> -> memref<80x128xi32, #tpu.memory_space<vmem>>
        %dma_start3A_62 = arith.constant 0 : i32
        %dma_start3A_63 = tpu.memref_slice %arg4[%add3A_26, %dma_start3A_62] : memref<2560x128xi32, #tpu.memory_space<hbm>> -> memref<80x128xi32, #tpu.memory_space<hbm>>
        %dma_start3A_64 = arith.constant 0 : i32
        %dma_start3A_65 = arith.constant 0 : i32
        %dma_start3A_66 = tpu.memref_slice %arg7[%dma_start3A_64, %dma_start3A_65] : memref<80x128xi32, #tpu.memory_space<vmem>> -> memref<80x128xi32, #tpu.memory_space<vmem>>
        %dma_start3A_67 = arith.constant 0 : i32
        %dma_start3A_68 = tpu.memref_slice %arg4[%add3A_26, %dma_start3A_67] : memref<2560x128xi32, #tpu.memory_space<hbm>> -> memref<80x128xi32, #tpu.memory_space<hbm>>
        tpu.enqueue_dma source(%dma_start3A_68 : memref<80x128xi32, #tpu.memory_space<hbm>>) target(%dma_start3A_66 : memref<80x128xi32, #tpu.memory_space<vmem>>) target_semaphore(%run_scoped3A : memref<!tpu.dma_semaphore, #tpu.memory_space<semaphore_mem>>)
        %dma_wait3A_69 = arith.constant 0 : i32
        %dma_wait3A_70 = arith.constant 0 : i32
        %dma_wait3A_71 = tpu.memref_slice %arg7[%dma_wait3A_69, %dma_wait3A_70] : memref<80x128xi32, #tpu.memory_space<vmem>> -> memref<80x128xi32, #tpu.memory_space<vmem>>
        %dma_wait3A_72 = arith.constant 0 : i32
        %dma_wait3A_73 = tpu.memref_slice %arg4[%add3A_26, %dma_wait3A_72] : memref<2560x128xi32, #tpu.memory_space<hbm>> -> memref<80x128xi32, #tpu.memory_space<hbm>>
        %dma_wait3A_74 = arith.constant 0 : i32
        %dma_wait3A_75 = arith.constant 0 : i32
        %dma_wait3A_76 = tpu.memref_slice %arg7[%dma_wait3A_74, %dma_wait3A_75] : memref<80x128xi32, #tpu.memory_space<vmem>> -> memref<80x128xi32, #tpu.memory_space<vmem>>
        %dma_wait3A_77 = arith.constant 0 : i32
        %dma_wait3A_78 = tpu.memref_slice %arg4[%add3A_26, %dma_wait3A_77] : memref<2560x128xi32, #tpu.memory_space<hbm>> -> memref<80x128xi32, #tpu.memory_space<hbm>>
        tpu.wait_dma2 semaphore(%run_scoped3A : memref<!tpu.dma_semaphore, #tpu.memory_space<semaphore_mem>>) src(%dma_wait3A_78 : memref<80x128xi32, #tpu.memory_space<hbm>>) dst(%dma_wait3A_76 : memref<80x128xi32, #tpu.memory_space<vmem>>)
        tpu.yield
      }) : () -> ()
      %scan3A_27 = arith.constant 0 : i32
      %scan3A_28 = arith.constant 0 : i32
      %scan3A_29 = arith.constant 20 : i32
      %scan3A_30 = arith.addi %scan3A_28, %scan3A_29 : i32
      %scan3A_31 = arith.constant 1 : i32
      scf.for %scan3A_60 = %scan3A_28 to %scan3A_30 step %scan3A_31  : i32 {
        %mul3A_61 = arith.constant 4 : i32
        %mul3A_62 = arith.muli %mul3A_61, %scan3A_60 : i32
        %add3A_63 = arith.constant 0 : i32
        %add3A_64 = arith.addi %mul3A_62, %add3A_63 : i32
        %gt3A = arith.constant 0 : i32
        %gt3A_65 = arith.cmpi sgt, %scan3A_60, %gt3A : i32
        %convert_element_type3A_66 = arith.extui %gt3A_65 : i1 to i32
        %cond3A_67 = arith.constant 0 : i32
        %cond3A_68 = arith.cmpi ne, %convert_element_type3A_66, %cond3A_67 : i32
        scf.if %cond3A_68 {
          %dma_wait3A_119 = arith.constant 0 : i32
          %dma_wait3A_120 = arith.constant 0 : i32
          %dma_wait3A_121 = tpu.memref_slice %arg7[%dma_wait3A_119, %dma_wait3A_120] : memref<80x128xi32, #tpu.memory_space<vmem>> -> memref<1x128xi32, #tpu.memory_space<vmem>>
          %dma_wait3A_122 = tpu.memref_squeeze %dma_wait3A_121 : memref<1x128xi32, #tpu.memory_space<vmem>> -> memref<128xi32, #tpu.memory_space<vmem>>
          %dma_wait3A_123 = arith.constant 0 : i32
          %dma_wait3A_124 = arith.constant 0 : i32
          %dma_wait3A_125 = tpu.memref_slice %arg8[%dma_wait3A_123, %dma_wait3A_124] : memref<10112x16xf32, #tpu.memory_space<vmem_shared>> -> memref<10112x16xf32, #tpu.memory_space<vmem_shared>>
          tpu.wait_indirect_dma semaphore(%arg17 : memref<!tpu.dma_semaphore, #tpu.memory_space<semaphore_mem>>) src(%arg9 : memref<128x16xf32, #tpu.memory_space<vmem>>) dst(%dma_wait3A_125 : memref<10112x16xf32, #tpu.memory_space<vmem_shared>>)
        } else {
        }
        %dma_start3A = arith.constant 0 : i32
        %dma_start3A_69 = tpu.memref_slice %arg7[%add3A_64, %dma_start3A] : memref<80x128xi32, #tpu.memory_space<vmem>> -> memref<1x128xi32, #tpu.memory_space<vmem>>
        %dma_start3A_70 = tpu.memref_squeeze %dma_start3A_69 : memref<1x128xi32, #tpu.memory_space<vmem>> -> memref<128xi32, #tpu.memory_space<vmem>>
        %dma_start3A_71 = arith.constant 0 : i32
        %dma_start3A_72 = arith.constant 0 : i32
        %dma_start3A_73 = tpu.memref_slice %arg8[%dma_start3A_71, %dma_start3A_72] : memref<10112x16xf32, #tpu.memory_space<vmem_shared>> -> memref<10112x16xf32, #tpu.memory_space<vmem_shared>>
        tpu.enqueue_indirect_dma source(%arg9 : memref<128x16xf32, #tpu.memory_space<vmem>>) target(%dma_start3A_73 : memref<10112x16xf32, #tpu.memory_space<vmem_shared>>) offsets(%dma_start3A_70 : memref<128xi32, #tpu.memory_space<vmem>>) semaphore(%arg17 : memref<!tpu.dma_semaphore, #tpu.memory_space<semaphore_mem>>) {add = true}
        %mul3A_74 = arith.constant 4 : i32
        %mul3A_75 = arith.muli %mul3A_74, %scan3A_60 : i32
        %add3A_76 = arith.constant 1 : i32
        %add3A_77 = arith.addi %mul3A_75, %add3A_76 : i32
        %gt3A_78 = arith.constant 0 : i32
        %gt3A_79 = arith.cmpi sgt, %scan3A_60, %gt3A_78 : i32
        %convert_element_type3A_80 = arith.extui %gt3A_79 : i1 to i32
        %cond3A_81 = arith.constant 0 : i32
        %cond3A_82 = arith.cmpi ne, %convert_element_type3A_80, %cond3A_81 : i32
        scf.if %cond3A_82 {
          %dma_wait3A_119 = arith.constant 0 : i32
          %dma_wait3A_120 = arith.constant 0 : i32
          %dma_wait3A_121 = tpu.memref_slice %arg7[%dma_wait3A_119, %dma_wait3A_120] : memref<80x128xi32, #tpu.memory_space<vmem>> -> memref<1x128xi32, #tpu.memory_space<vmem>>
          %dma_wait3A_122 = tpu.memref_squeeze %dma_wait3A_121 : memref<1x128xi32, #tpu.memory_space<vmem>> -> memref<128xi32, #tpu.memory_space<vmem>>
          %dma_wait3A_123 = arith.constant 0 : i32
          %dma_wait3A_124 = arith.constant 0 : i32
          %dma_wait3A_125 = tpu.memref_slice %arg8[%dma_wait3A_123, %dma_wait3A_124] : memref<10112x16xf32, #tpu.memory_space<vmem_shared>> -> memref<10112x16xf32, #tpu.memory_space<vmem_shared>>
          tpu.wait_indirect_dma semaphore(%arg18 : memref<!tpu.dma_semaphore, #tpu.memory_space<semaphore_mem>>) src(%arg9 : memref<128x16xf32, #tpu.memory_space<vmem>>) dst(%dma_wait3A_125 : memref<10112x16xf32, #tpu.memory_space<vmem_shared>>)
        } else {
        }
        %dma_start3A_83 = arith.constant 0 : i32
        %dma_start3A_84 = tpu.memref_slice %arg7[%add3A_77, %dma_start3A_83] : memref<80x128xi32, #tpu.memory_space<vmem>> -> memref<1x128xi32, #tpu.memory_space<vmem>>
        %dma_start3A_85 = tpu.memref_squeeze %dma_start3A_84 : memref<1x128xi32, #tpu.memory_space<vmem>> -> memref<128xi32, #tpu.memory_space<vmem>>
        %dma_start3A_86 = arith.constant 0 : i32
        %dma_start3A_87 = arith.constant 0 : i32
        %dma_start3A_88 = tpu.memref_slice %arg8[%dma_start3A_86, %dma_start3A_87] : memref<10112x16xf32, #tpu.memory_space<vmem_shared>> -> memref<10112x16xf32, #tpu.memory_space<vmem_shared>>
        tpu.enqueue_indirect_dma source(%arg9 : memref<128x16xf32, #tpu.memory_space<vmem>>) target(%dma_start3A_88 : memref<10112x16xf32, #tpu.memory_space<vmem_shared>>) offsets(%dma_start3A_85 : memref<128xi32, #tpu.memory_space<vmem>>) semaphore(%arg18 : memref<!tpu.dma_semaphore, #tpu.memory_space<semaphore_mem>>) {add = true}
        %mul3A_89 = arith.constant 4 : i32
        %mul3A_90 = arith.muli %mul3A_89, %scan3A_60 : i32
        %add3A_91 = arith.constant 2 : i32
        %add3A_92 = arith.addi %mul3A_90, %add3A_91 : i32
        %gt3A_93 = arith.constant 0 : i32
        %gt3A_94 = arith.cmpi sgt, %scan3A_60, %gt3A_93 : i32
        %convert_element_type3A_95 = arith.extui %gt3A_94 : i1 to i32
        %cond3A_96 = arith.constant 0 : i32
        %cond3A_97 = arith.cmpi ne, %convert_element_type3A_95, %cond3A_96 : i32
        scf.if %cond3A_97 {
          %dma_wait3A_119 = arith.constant 0 : i32
          %dma_wait3A_120 = arith.constant 0 : i32
          %dma_wait3A_121 = tpu.memref_slice %arg7[%dma_wait3A_119, %dma_wait3A_120] : memref<80x128xi32, #tpu.memory_space<vmem>> -> memref<1x128xi32, #tpu.memory_space<vmem>>
          %dma_wait3A_122 = tpu.memref_squeeze %dma_wait3A_121 : memref<1x128xi32, #tpu.memory_space<vmem>> -> memref<128xi32, #tpu.memory_space<vmem>>
          %dma_wait3A_123 = arith.constant 0 : i32
          %dma_wait3A_124 = arith.constant 0 : i32
          %dma_wait3A_125 = tpu.memref_slice %arg8[%dma_wait3A_123, %dma_wait3A_124] : memref<10112x16xf32, #tpu.memory_space<vmem_shared>> -> memref<10112x16xf32, #tpu.memory_space<vmem_shared>>
          tpu.wait_indirect_dma semaphore(%arg19 : memref<!tpu.dma_semaphore, #tpu.memory_space<semaphore_mem>>) src(%arg9 : memref<128x16xf32, #tpu.memory_space<vmem>>) dst(%dma_wait3A_125 : memref<10112x16xf32, #tpu.memory_space<vmem_shared>>)
        } else {
        }
        %dma_start3A_98 = arith.constant 0 : i32
        %dma_start3A_99 = tpu.memref_slice %arg7[%add3A_92, %dma_start3A_98] : memref<80x128xi32, #tpu.memory_space<vmem>> -> memref<1x128xi32, #tpu.memory_space<vmem>>
        %dma_start3A_100 = tpu.memref_squeeze %dma_start3A_99 : memref<1x128xi32, #tpu.memory_space<vmem>> -> memref<128xi32, #tpu.memory_space<vmem>>
        %dma_start3A_101 = arith.constant 0 : i32
        %dma_start3A_102 = arith.constant 0 : i32
        %dma_start3A_103 = tpu.memref_slice %arg8[%dma_start3A_101, %dma_start3A_102] : memref<10112x16xf32, #tpu.memory_space<vmem_shared>> -> memref<10112x16xf32, #tpu.memory_space<vmem_shared>>
        tpu.enqueue_indirect_dma source(%arg9 : memref<128x16xf32, #tpu.memory_space<vmem>>) target(%dma_start3A_103 : memref<10112x16xf32, #tpu.memory_space<vmem_shared>>) offsets(%dma_start3A_100 : memref<128xi32, #tpu.memory_space<vmem>>) semaphore(%arg19 : memref<!tpu.dma_semaphore, #tpu.memory_space<semaphore_mem>>) {add = true}
        %mul3A_104 = arith.constant 4 : i32
        %mul3A_105 = arith.muli %mul3A_104, %scan3A_60 : i32
        %add3A_106 = arith.constant 3 : i32
        %add3A_107 = arith.addi %mul3A_105, %add3A_106 : i32
        %gt3A_108 = arith.constant 0 : i32
        %gt3A_109 = arith.cmpi sgt, %scan3A_60, %gt3A_108 : i32
        %convert_element_type3A_110 = arith.extui %gt3A_109 : i1 to i32
        %cond3A_111 = arith.constant 0 : i32
        %cond3A_112 = arith.cmpi ne, %convert_element_type3A_110, %cond3A_111 : i32
        scf.if %cond3A_112 {
          %dma_wait3A_119 = arith.constant 0 : i32
          %dma_wait3A_120 = arith.constant 0 : i32
          %dma_wait3A_121 = tpu.memref_slice %arg7[%dma_wait3A_119, %dma_wait3A_120] : memref<80x128xi32, #tpu.memory_space<vmem>> -> memref<1x128xi32, #tpu.memory_space<vmem>>
          %dma_wait3A_122 = tpu.memref_squeeze %dma_wait3A_121 : memref<1x128xi32, #tpu.memory_space<vmem>> -> memref<128xi32, #tpu.memory_space<vmem>>
          %dma_wait3A_123 = arith.constant 0 : i32
          %dma_wait3A_124 = arith.constant 0 : i32
          %dma_wait3A_125 = tpu.memref_slice %arg8[%dma_wait3A_123, %dma_wait3A_124] : memref<10112x16xf32, #tpu.memory_space<vmem_shared>> -> memref<10112x16xf32, #tpu.memory_space<vmem_shared>>
          tpu.wait_indirect_dma semaphore(%arg20 : memref<!tpu.dma_semaphore, #tpu.memory_space<semaphore_mem>>) src(%arg9 : memref<128x16xf32, #tpu.memory_space<vmem>>) dst(%dma_wait3A_125 : memref<10112x16xf32, #tpu.memory_space<vmem_shared>>)
        } else {
        }
        %dma_start3A_113 = arith.constant 0 : i32
        %dma_start3A_114 = tpu.memref_slice %arg7[%add3A_107, %dma_start3A_113] : memref<80x128xi32, #tpu.memory_space<vmem>> -> memref<1x128xi32, #tpu.memory_space<vmem>>
        %dma_start3A_115 = tpu.memref_squeeze %dma_start3A_114 : memref<1x128xi32, #tpu.memory_space<vmem>> -> memref<128xi32, #tpu.memory_space<vmem>>
        %dma_start3A_116 = arith.constant 0 : i32
        %dma_start3A_117 = arith.constant 0 : i32
        %dma_start3A_118 = tpu.memref_slice %arg8[%dma_start3A_116, %dma_start3A_117] : memref<10112x16xf32, #tpu.memory_space<vmem_shared>> -> memref<10112x16xf32, #tpu.memory_space<vmem_shared>>
        tpu.enqueue_indirect_dma source(%arg9 : memref<128x16xf32, #tpu.memory_space<vmem>>) target(%dma_start3A_118 : memref<10112x16xf32, #tpu.memory_space<vmem_shared>>) offsets(%dma_start3A_115 : memref<128xi32, #tpu.memory_space<vmem>>) semaphore(%arg20 : memref<!tpu.dma_semaphore, #tpu.memory_space<semaphore_mem>>) {add = true}
      }
      %scan3A_32 = arith.constant 20 : i32
      %dma_wait3A = arith.constant 0 : i32
      %dma_wait3A_33 = arith.constant 0 : i32
      %dma_wait3A_34 = tpu.memref_slice %arg7[%dma_wait3A, %dma_wait3A_33] : memref<80x128xi32, #tpu.memory_space<vmem>> -> memref<1x128xi32, #tpu.memory_space<vmem>>
      %dma_wait3A_35 = tpu.memref_squeeze %dma_wait3A_34 : memref<1x128xi32, #tpu.memory_space<vmem>> -> memref<128xi32, #tpu.memory_space<vmem>>
      %dma_wait3A_36 = arith.constant 0 : i32
      %dma_wait3A_37 = arith.constant 0 : i32
      %dma_wait3A_38 = tpu.memref_slice %arg8[%dma_wait3A_36, %dma_wait3A_37] : memref<10112x16xf32, #tpu.memory_space<vmem_shared>> -> memref<10112x16xf32, #tpu.memory_space<vmem_shared>>
      tpu.wait_indirect_dma semaphore(%arg17 : memref<!tpu.dma_semaphore, #tpu.memory_space<semaphore_mem>>) src(%arg9 : memref<128x16xf32, #tpu.memory_space<vmem>>) dst(%dma_wait3A_38 : memref<10112x16xf32, #tpu.memory_space<vmem_shared>>)
      %dma_wait3A_39 = arith.constant 0 : i32
      %dma_wait3A_40 = arith.constant 0 : i32
      %dma_wait3A_41 = tpu.memref_slice %arg7[%dma_wait3A_39, %dma_wait3A_40] : memref<80x128xi32, #tpu.memory_space<vmem>> -> memref<1x128xi32, #tpu.memory_space<vmem>>
      %dma_wait3A_42 = tpu.memref_squeeze %dma_wait3A_41 : memref<1x128xi32, #tpu.memory_space<vmem>> -> memref<128xi32, #tpu.memory_space<vmem>>
      %dma_wait3A_43 = arith.constant 0 : i32
      %dma_wait3A_44 = arith.constant 0 : i32
      %dma_wait3A_45 = tpu.memref_slice %arg8[%dma_wait3A_43, %dma_wait3A_44] : memref<10112x16xf32, #tpu.memory_space<vmem_shared>> -> memref<10112x16xf32, #tpu.memory_space<vmem_shared>>
      tpu.wait_indirect_dma semaphore(%arg18 : memref<!tpu.dma_semaphore, #tpu.memory_space<semaphore_mem>>) src(%arg9 : memref<128x16xf32, #tpu.memory_space<vmem>>) dst(%dma_wait3A_45 : memref<10112x16xf32, #tpu.memory_space<vmem_shared>>)
      %dma_wait3A_46 = arith.constant 0 : i32
      %dma_wait3A_47 = arith.constant 0 : i32
      %dma_wait3A_48 = tpu.memref_slice %arg7[%dma_wait3A_46, %dma_wait3A_47] : memref<80x128xi32, #tpu.memory_space<vmem>> -> memref<1x128xi32, #tpu.memory_space<vmem>>
      %dma_wait3A_49 = tpu.memref_squeeze %dma_wait3A_48 : memref<1x128xi32, #tpu.memory_space<vmem>> -> memref<128xi32, #tpu.memory_space<vmem>>
      %dma_wait3A_50 = arith.constant 0 : i32
      %dma_wait3A_51 = arith.constant 0 : i32
      %dma_wait3A_52 = tpu.memref_slice %arg8[%dma_wait3A_50, %dma_wait3A_51] : memref<10112x16xf32, #tpu.memory_space<vmem_shared>> -> memref<10112x16xf32, #tpu.memory_space<vmem_shared>>
      tpu.wait_indirect_dma semaphore(%arg19 : memref<!tpu.dma_semaphore, #tpu.memory_space<semaphore_mem>>) src(%arg9 : memref<128x16xf32, #tpu.memory_space<vmem>>) dst(%dma_wait3A_52 : memref<10112x16xf32, #tpu.memory_space<vmem_shared>>)
      %dma_wait3A_53 = arith.constant 0 : i32
      %dma_wait3A_54 = arith.constant 0 : i32
      %dma_wait3A_55 = tpu.memref_slice %arg7[%dma_wait3A_53, %dma_wait3A_54] : memref<80x128xi32, #tpu.memory_space<vmem>> -> memref<1x128xi32, #tpu.memory_space<vmem>>
      %dma_wait3A_56 = tpu.memref_squeeze %dma_wait3A_55 : memref<1x128xi32, #tpu.memory_space<vmem>> -> memref<128xi32, #tpu.memory_space<vmem>>
      %dma_wait3A_57 = arith.constant 0 : i32
      %dma_wait3A_58 = arith.constant 0 : i32
      %dma_wait3A_59 = tpu.memref_slice %arg8[%dma_wait3A_57, %dma_wait3A_58] : memref<10112x16xf32, #tpu.memory_space<vmem_shared>> -> memref<10112x16xf32, #tpu.memory_space<vmem_shared>>
      tpu.wait_indirect_dma semaphore(%arg20 : memref<!tpu.dma_semaphore, #tpu.memory_space<semaphore_mem>>) src(%arg9 : memref<128x16xf32, #tpu.memory_space<vmem>>) dst(%dma_wait3A_59 : memref<10112x16xf32, #tpu.memory_space<vmem_shared>>)
    } else {
    }
    %eq3A_17 = arith.constant 1 : i32
    %eq3A_18 = arith.cmpi eq, %arg0, %eq3A_17 : i32
    %convert_element_type3A_19 = arith.extui %eq3A_18 : i1 to i32
    %cond3A_20 = arith.constant 0 : i32
    %cond3A_21 = arith.cmpi ne, %convert_element_type3A_19, %cond3A_20 : i32
    scf.if %cond3A_21 {
      %mul3A_23 = arith.constant 80 : i32
      %mul3A_24 = arith.muli %arg1, %mul3A_23 : i32
      %add3A_25 = arith.constant 1280 : i32
      %add3A_26 = arith.addi %add3A_25, %mul3A_24 : i32
      %add3A_27 = arith.constant 0 : i32
      %add3A_28 = arith.addi %add3A_26, %add3A_27 : i32
      "tpu.region"() ({
        %run_scoped3A = tpu.sem_alloc : memref<!tpu.dma_semaphore, #tpu.memory_space<semaphore_mem>>
        %dma_start3A = arith.constant 0 : i32
        %dma_start3A_62 = arith.constant 0 : i32
        %dma_start3A_63 = tpu.memref_slice %arg6[%dma_start3A, %dma_start3A_62] : memref<80x128xi32, #tpu.memory_space<vmem>> -> memref<80x128xi32, #tpu.memory_space<vmem>>
        %dma_start3A_64 = arith.constant 0 : i32
        %dma_start3A_65 = tpu.memref_slice %arg3[%add3A_28, %dma_start3A_64] : memref<2560x128xi32, #tpu.memory_space<hbm>> -> memref<80x128xi32, #tpu.memory_space<hbm>>
        %dma_start3A_66 = arith.constant 0 : i32
        %dma_start3A_67 = arith.constant 0 : i32
        %dma_start3A_68 = tpu.memref_slice %arg6[%dma_start3A_66, %dma_start3A_67] : memref<80x128xi32, #tpu.memory_space<vmem>> -> memref<80x128xi32, #tpu.memory_space<vmem>>
        %dma_start3A_69 = arith.constant 0 : i32
        %dma_start3A_70 = tpu.memref_slice %arg3[%add3A_28, %dma_start3A_69] : memref<2560x128xi32, #tpu.memory_space<hbm>> -> memref<80x128xi32, #tpu.memory_space<hbm>>
        tpu.enqueue_dma source(%dma_start3A_70 : memref<80x128xi32, #tpu.memory_space<hbm>>) target(%dma_start3A_68 : memref<80x128xi32, #tpu.memory_space<vmem>>) target_semaphore(%run_scoped3A : memref<!tpu.dma_semaphore, #tpu.memory_space<semaphore_mem>>)
        %dma_wait3A_71 = arith.constant 0 : i32
        %dma_wait3A_72 = arith.constant 0 : i32
        %dma_wait3A_73 = tpu.memref_slice %arg6[%dma_wait3A_71, %dma_wait3A_72] : memref<80x128xi32, #tpu.memory_space<vmem>> -> memref<80x128xi32, #tpu.memory_space<vmem>>
        %dma_wait3A_74 = arith.constant 0 : i32
        %dma_wait3A_75 = tpu.memref_slice %arg3[%add3A_28, %dma_wait3A_74] : memref<2560x128xi32, #tpu.memory_space<hbm>> -> memref<80x128xi32, #tpu.memory_space<hbm>>
        %dma_wait3A_76 = arith.constant 0 : i32
        %dma_wait3A_77 = arith.constant 0 : i32
        %dma_wait3A_78 = tpu.memref_slice %arg6[%dma_wait3A_76, %dma_wait3A_77] : memref<80x128xi32, #tpu.memory_space<vmem>> -> memref<80x128xi32, #tpu.memory_space<vmem>>
        %dma_wait3A_79 = arith.constant 0 : i32
        %dma_wait3A_80 = tpu.memref_slice %arg3[%add3A_28, %dma_wait3A_79] : memref<2560x128xi32, #tpu.memory_space<hbm>> -> memref<80x128xi32, #tpu.memory_space<hbm>>
        tpu.wait_dma2 semaphore(%run_scoped3A : memref<!tpu.dma_semaphore, #tpu.memory_space<semaphore_mem>>) src(%dma_wait3A_80 : memref<80x128xi32, #tpu.memory_space<hbm>>) dst(%dma_wait3A_78 : memref<80x128xi32, #tpu.memory_space<vmem>>)
        tpu.yield
      }) : () -> ()
      "tpu.region"() ({
        %run_scoped3A = tpu.sem_alloc : memref<!tpu.dma_semaphore, #tpu.memory_space<semaphore_mem>>
        %dma_start3A = arith.constant 0 : i32
        %dma_start3A_62 = arith.constant 0 : i32
        %dma_start3A_63 = tpu.memref_slice %arg7[%dma_start3A, %dma_start3A_62] : memref<80x128xi32, #tpu.memory_space<vmem>> -> memref<80x128xi32, #tpu.memory_space<vmem>>
        %dma_start3A_64 = arith.constant 0 : i32
        %dma_start3A_65 = tpu.memref_slice %arg4[%add3A_28, %dma_start3A_64] : memref<2560x128xi32, #tpu.memory_space<hbm>> -> memref<80x128xi32, #tpu.memory_space<hbm>>
        %dma_start3A_66 = arith.constant 0 : i32
        %dma_start3A_67 = arith.constant 0 : i32
        %dma_start3A_68 = tpu.memref_slice %arg7[%dma_start3A_66, %dma_start3A_67] : memref<80x128xi32, #tpu.memory_space<vmem>> -> memref<80x128xi32, #tpu.memory_space<vmem>>
        %dma_start3A_69 = arith.constant 0 : i32
        %dma_start3A_70 = tpu.memref_slice %arg4[%add3A_28, %dma_start3A_69] : memref<2560x128xi32, #tpu.memory_space<hbm>> -> memref<80x128xi32, #tpu.memory_space<hbm>>
        tpu.enqueue_dma source(%dma_start3A_70 : memref<80x128xi32, #tpu.memory_space<hbm>>) target(%dma_start3A_68 : memref<80x128xi32, #tpu.memory_space<vmem>>) target_semaphore(%run_scoped3A : memref<!tpu.dma_semaphore, #tpu.memory_space<semaphore_mem>>)
        %dma_wait3A_71 = arith.constant 0 : i32
        %dma_wait3A_72 = arith.constant 0 : i32
        %dma_wait3A_73 = tpu.memref_slice %arg7[%dma_wait3A_71, %dma_wait3A_72] : memref<80x128xi32, #tpu.memory_space<vmem>> -> memref<80x128xi32, #tpu.memory_space<vmem>>
        %dma_wait3A_74 = arith.constant 0 : i32
        %dma_wait3A_75 = tpu.memref_slice %arg4[%add3A_28, %dma_wait3A_74] : memref<2560x128xi32, #tpu.memory_space<hbm>> -> memref<80x128xi32, #tpu.memory_space<hbm>>
        %dma_wait3A_76 = arith.constant 0 : i32
        %dma_wait3A_77 = arith.constant 0 : i32
        %dma_wait3A_78 = tpu.memref_slice %arg7[%dma_wait3A_76, %dma_wait3A_77] : memref<80x128xi32, #tpu.memory_space<vmem>> -> memref<80x128xi32, #tpu.memory_space<vmem>>
        %dma_wait3A_79 = arith.constant 0 : i32
        %dma_wait3A_80 = tpu.memref_slice %arg4[%add3A_28, %dma_wait3A_79] : memref<2560x128xi32, #tpu.memory_space<hbm>> -> memref<80x128xi32, #tpu.memory_space<hbm>>
        tpu.wait_dma2 semaphore(%run_scoped3A : memref<!tpu.dma_semaphore, #tpu.memory_space<semaphore_mem>>) src(%dma_wait3A_80 : memref<80x128xi32, #tpu.memory_space<hbm>>) dst(%dma_wait3A_78 : memref<80x128xi32, #tpu.memory_space<vmem>>)
        tpu.yield
      }) : () -> ()
      %scan3A_29 = arith.constant 0 : i32
      %scan3A_30 = arith.constant 0 : i32
      %scan3A_31 = arith.constant 20 : i32
      %scan3A_32 = arith.addi %scan3A_30, %scan3A_31 : i32
      %scan3A_33 = arith.constant 1 : i32
      scf.for %scan3A_62 = %scan3A_30 to %scan3A_32 step %scan3A_33  : i32 {
        %mul3A_63 = arith.constant 4 : i32
        %mul3A_64 = arith.muli %mul3A_63, %scan3A_62 : i32
        %add3A_65 = arith.constant 0 : i32
        %add3A_66 = arith.addi %mul3A_64, %add3A_65 : i32
        %gt3A = arith.constant 0 : i32
        %gt3A_67 = arith.cmpi sgt, %scan3A_62, %gt3A : i32
        %convert_element_type3A_68 = arith.extui %gt3A_67 : i1 to i32
        %cond3A_69 = arith.constant 0 : i32
        %cond3A_70 = arith.cmpi ne, %convert_element_type3A_68, %cond3A_69 : i32
        scf.if %cond3A_70 {
          %dma_wait3A_121 = arith.constant 0 : i32
          %dma_wait3A_122 = arith.constant 0 : i32
          %dma_wait3A_123 = tpu.memref_slice %arg7[%dma_wait3A_121, %dma_wait3A_122] : memref<80x128xi32, #tpu.memory_space<vmem>> -> memref<1x128xi32, #tpu.memory_space<vmem>>
          %dma_wait3A_124 = tpu.memref_squeeze %dma_wait3A_123 : memref<1x128xi32, #tpu.memory_space<vmem>> -> memref<128xi32, #tpu.memory_space<vmem>>
          %dma_wait3A_125 = arith.constant 0 : i32
          %dma_wait3A_126 = arith.constant 0 : i32
          %dma_wait3A_127 = tpu.memref_slice %arg8[%dma_wait3A_125, %dma_wait3A_126] : memref<10112x16xf32, #tpu.memory_space<vmem_shared>> -> memref<10112x16xf32, #tpu.memory_space<vmem_shared>>
          tpu.wait_indirect_dma semaphore(%arg17 : memref<!tpu.dma_semaphore, #tpu.memory_space<semaphore_mem>>) src(%arg9 : memref<128x16xf32, #tpu.memory_space<vmem>>) dst(%dma_wait3A_127 : memref<10112x16xf32, #tpu.memory_space<vmem_shared>>)
        } else {
        }
        %dma_start3A = arith.constant 0 : i32
        %dma_start3A_71 = tpu.memref_slice %arg7[%add3A_66, %dma_start3A] : memref<80x128xi32, #tpu.memory_space<vmem>> -> memref<1x128xi32, #tpu.memory_space<vmem>>
        %dma_start3A_72 = tpu.memref_squeeze %dma_start3A_71 : memref<1x128xi32, #tpu.memory_space<vmem>> -> memref<128xi32, #tpu.memory_space<vmem>>
        %dma_start3A_73 = arith.constant 0 : i32
        %dma_start3A_74 = arith.constant 0 : i32
        %dma_start3A_75 = tpu.memref_slice %arg8[%dma_start3A_73, %dma_start3A_74] : memref<10112x16xf32, #tpu.memory_space<vmem_shared>> -> memref<10112x16xf32, #tpu.memory_space<vmem_shared>>
        tpu.enqueue_indirect_dma source(%arg9 : memref<128x16xf32, #tpu.memory_space<vmem>>) target(%dma_start3A_75 : memref<10112x16xf32, #tpu.memory_space<vmem_shared>>) offsets(%dma_start3A_72 : memref<128xi32, #tpu.memory_space<vmem>>) semaphore(%arg17 : memref<!tpu.dma_semaphore, #tpu.memory_space<semaphore_mem>>) {add = true}
        %mul3A_76 = arith.constant 4 : i32
        %mul3A_77 = arith.muli %mul3A_76, %scan3A_62 : i32
        %add3A_78 = arith.constant 1 : i32
        %add3A_79 = arith.addi %mul3A_77, %add3A_78 : i32
        %gt3A_80 = arith.constant 0 : i32
        %gt3A_81 = arith.cmpi sgt, %scan3A_62, %gt3A_80 : i32
        %convert_element_type3A_82 = arith.extui %gt3A_81 : i1 to i32
        %cond3A_83 = arith.constant 0 : i32
        %cond3A_84 = arith.cmpi ne, %convert_element_type3A_82, %cond3A_83 : i32
        scf.if %cond3A_84 {
          %dma_wait3A_121 = arith.constant 0 : i32
          %dma_wait3A_122 = arith.constant 0 : i32
          %dma_wait3A_123 = tpu.memref_slice %arg7[%dma_wait3A_121, %dma_wait3A_122] : memref<80x128xi32, #tpu.memory_space<vmem>> -> memref<1x128xi32, #tpu.memory_space<vmem>>
          %dma_wait3A_124 = tpu.memref_squeeze %dma_wait3A_123 : memref<1x128xi32, #tpu.memory_space<vmem>> -> memref<128xi32, #tpu.memory_space<vmem>>
          %dma_wait3A_125 = arith.constant 0 : i32
          %dma_wait3A_126 = arith.constant 0 : i32
          %dma_wait3A_127 = tpu.memref_slice %arg8[%dma_wait3A_125, %dma_wait3A_126] : memref<10112x16xf32, #tpu.memory_space<vmem_shared>> -> memref<10112x16xf32, #tpu.memory_space<vmem_shared>>
          tpu.wait_indirect_dma semaphore(%arg18 : memref<!tpu.dma_semaphore, #tpu.memory_space<semaphore_mem>>) src(%arg9 : memref<128x16xf32, #tpu.memory_space<vmem>>) dst(%dma_wait3A_127 : memref<10112x16xf32, #tpu.memory_space<vmem_shared>>)
        } else {
        }
        %dma_start3A_85 = arith.constant 0 : i32
        %dma_start3A_86 = tpu.memref_slice %arg7[%add3A_79, %dma_start3A_85] : memref<80x128xi32, #tpu.memory_space<vmem>> -> memref<1x128xi32, #tpu.memory_space<vmem>>
        %dma_start3A_87 = tpu.memref_squeeze %dma_start3A_86 : memref<1x128xi32, #tpu.memory_space<vmem>> -> memref<128xi32, #tpu.memory_space<vmem>>
        %dma_start3A_88 = arith.constant 0 : i32
        %dma_start3A_89 = arith.constant 0 : i32
        %dma_start3A_90 = tpu.memref_slice %arg8[%dma_start3A_88, %dma_start3A_89] : memref<10112x16xf32, #tpu.memory_space<vmem_shared>> -> memref<10112x16xf32, #tpu.memory_space<vmem_shared>>
        tpu.enqueue_indirect_dma source(%arg9 : memref<128x16xf32, #tpu.memory_space<vmem>>) target(%dma_start3A_90 : memref<10112x16xf32, #tpu.memory_space<vmem_shared>>) offsets(%dma_start3A_87 : memref<128xi32, #tpu.memory_space<vmem>>) semaphore(%arg18 : memref<!tpu.dma_semaphore, #tpu.memory_space<semaphore_mem>>) {add = true}
        %mul3A_91 = arith.constant 4 : i32
        %mul3A_92 = arith.muli %mul3A_91, %scan3A_62 : i32
        %add3A_93 = arith.constant 2 : i32
        %add3A_94 = arith.addi %mul3A_92, %add3A_93 : i32
        %gt3A_95 = arith.constant 0 : i32
        %gt3A_96 = arith.cmpi sgt, %scan3A_62, %gt3A_95 : i32
        %convert_element_type3A_97 = arith.extui %gt3A_96 : i1 to i32
        %cond3A_98 = arith.constant 0 : i32
        %cond3A_99 = arith.cmpi ne, %convert_element_type3A_97, %cond3A_98 : i32
        scf.if %cond3A_99 {
          %dma_wait3A_121 = arith.constant 0 : i32
          %dma_wait3A_122 = arith.constant 0 : i32
          %dma_wait3A_123 = tpu.memref_slice %arg7[%dma_wait3A_121, %dma_wait3A_122] : memref<80x128xi32, #tpu.memory_space<vmem>> -> memref<1x128xi32, #tpu.memory_space<vmem>>
          %dma_wait3A_124 = tpu.memref_squeeze %dma_wait3A_123 : memref<1x128xi32, #tpu.memory_space<vmem>> -> memref<128xi32, #tpu.memory_space<vmem>>
          %dma_wait3A_125 = arith.constant 0 : i32
          %dma_wait3A_126 = arith.constant 0 : i32
          %dma_wait3A_127 = tpu.memref_slice %arg8[%dma_wait3A_125, %dma_wait3A_126] : memref<10112x16xf32, #tpu.memory_space<vmem_shared>> -> memref<10112x16xf32, #tpu.memory_space<vmem_shared>>
          tpu.wait_indirect_dma semaphore(%arg19 : memref<!tpu.dma_semaphore, #tpu.memory_space<semaphore_mem>>) src(%arg9 : memref<128x16xf32, #tpu.memory_space<vmem>>) dst(%dma_wait3A_127 : memref<10112x16xf32, #tpu.memory_space<vmem_shared>>)
        } else {
        }
        %dma_start3A_100 = arith.constant 0 : i32
        %dma_start3A_101 = tpu.memref_slice %arg7[%add3A_94, %dma_start3A_100] : memref<80x128xi32, #tpu.memory_space<vmem>> -> memref<1x128xi32, #tpu.memory_space<vmem>>
        %dma_start3A_102 = tpu.memref_squeeze %dma_start3A_101 : memref<1x128xi32, #tpu.memory_space<vmem>> -> memref<128xi32, #tpu.memory_space<vmem>>
        %dma_start3A_103 = arith.constant 0 : i32
        %dma_start3A_104 = arith.constant 0 : i32
        %dma_start3A_105 = tpu.memref_slice %arg8[%dma_start3A_103, %dma_start3A_104] : memref<10112x16xf32, #tpu.memory_space<vmem_shared>> -> memref<10112x16xf32, #tpu.memory_space<vmem_shared>>
        tpu.enqueue_indirect_dma source(%arg9 : memref<128x16xf32, #tpu.memory_space<vmem>>) target(%dma_start3A_105 : memref<10112x16xf32, #tpu.memory_space<vmem_shared>>) offsets(%dma_start3A_102 : memref<128xi32, #tpu.memory_space<vmem>>) semaphore(%arg19 : memref<!tpu.dma_semaphore, #tpu.memory_space<semaphore_mem>>) {add = true}
        %mul3A_106 = arith.constant 4 : i32
        %mul3A_107 = arith.muli %mul3A_106, %scan3A_62 : i32
        %add3A_108 = arith.constant 3 : i32
        %add3A_109 = arith.addi %mul3A_107, %add3A_108 : i32
        %gt3A_110 = arith.constant 0 : i32
        %gt3A_111 = arith.cmpi sgt, %scan3A_62, %gt3A_110 : i32
        %convert_element_type3A_112 = arith.extui %gt3A_111 : i1 to i32
        %cond3A_113 = arith.constant 0 : i32
        %cond3A_114 = arith.cmpi ne, %convert_element_type3A_112, %cond3A_113 : i32
        scf.if %cond3A_114 {
          %dma_wait3A_121 = arith.constant 0 : i32
          %dma_wait3A_122 = arith.constant 0 : i32
          %dma_wait3A_123 = tpu.memref_slice %arg7[%dma_wait3A_121, %dma_wait3A_122] : memref<80x128xi32, #tpu.memory_space<vmem>> -> memref<1x128xi32, #tpu.memory_space<vmem>>
          %dma_wait3A_124 = tpu.memref_squeeze %dma_wait3A_123 : memref<1x128xi32, #tpu.memory_space<vmem>> -> memref<128xi32, #tpu.memory_space<vmem>>
          %dma_wait3A_125 = arith.constant 0 : i32
          %dma_wait3A_126 = arith.constant 0 : i32
          %dma_wait3A_127 = tpu.memref_slice %arg8[%dma_wait3A_125, %dma_wait3A_126] : memref<10112x16xf32, #tpu.memory_space<vmem_shared>> -> memref<10112x16xf32, #tpu.memory_space<vmem_shared>>
          tpu.wait_indirect_dma semaphore(%arg20 : memref<!tpu.dma_semaphore, #tpu.memory_space<semaphore_mem>>) src(%arg9 : memref<128x16xf32, #tpu.memory_space<vmem>>) dst(%dma_wait3A_127 : memref<10112x16xf32, #tpu.memory_space<vmem_shared>>)
        } else {
        }
        %dma_start3A_115 = arith.constant 0 : i32
        %dma_start3A_116 = tpu.memref_slice %arg7[%add3A_109, %dma_start3A_115] : memref<80x128xi32, #tpu.memory_space<vmem>> -> memref<1x128xi32, #tpu.memory_space<vmem>>
        %dma_start3A_117 = tpu.memref_squeeze %dma_start3A_116 : memref<1x128xi32, #tpu.memory_space<vmem>> -> memref<128xi32, #tpu.memory_space<vmem>>
        %dma_start3A_118 = arith.constant 0 : i32
        %dma_start3A_119 = arith.constant 0 : i32
        %dma_start3A_120 = tpu.memref_slice %arg8[%dma_start3A_118, %dma_start3A_119] : memref<10112x16xf32, #tpu.memory_space<vmem_shared>> -> memref<10112x16xf32, #tpu.memory_space<vmem_shared>>
        tpu.enqueue_indirect_dma source(%arg9 : memref<128x16xf32, #tpu.memory_space<vmem>>) target(%dma_start3A_120 : memref<10112x16xf32, #tpu.memory_space<vmem_shared>>) offsets(%dma_start3A_117 : memref<128xi32, #tpu.memory_space<vmem>>) semaphore(%arg20 : memref<!tpu.dma_semaphore, #tpu.memory_space<semaphore_mem>>) {add = true}
      }
      %scan3A_34 = arith.constant 20 : i32
      %dma_wait3A = arith.constant 0 : i32
      %dma_wait3A_35 = arith.constant 0 : i32
      %dma_wait3A_36 = tpu.memref_slice %arg7[%dma_wait3A, %dma_wait3A_35] : memref<80x128xi32, #tpu.memory_space<vmem>> -> memref<1x128xi32, #tpu.memory_space<vmem>>
      %dma_wait3A_37 = tpu.memref_squeeze %dma_wait3A_36 : memref<1x128xi32, #tpu.memory_space<vmem>> -> memref<128xi32, #tpu.memory_space<vmem>>
      %dma_wait3A_38 = arith.constant 0 : i32
      %dma_wait3A_39 = arith.constant 0 : i32
      %dma_wait3A_40 = tpu.memref_slice %arg8[%dma_wait3A_38, %dma_wait3A_39] : memref<10112x16xf32, #tpu.memory_space<vmem_shared>> -> memref<10112x16xf32, #tpu.memory_space<vmem_shared>>
      tpu.wait_indirect_dma semaphore(%arg17 : memref<!tpu.dma_semaphore, #tpu.memory_space<semaphore_mem>>) src(%arg9 : memref<128x16xf32, #tpu.memory_space<vmem>>) dst(%dma_wait3A_40 : memref<10112x16xf32, #tpu.memory_space<vmem_shared>>)
      %dma_wait3A_41 = arith.constant 0 : i32
      %dma_wait3A_42 = arith.constant 0 : i32
      %dma_wait3A_43 = tpu.memref_slice %arg7[%dma_wait3A_41, %dma_wait3A_42] : memref<80x128xi32, #tpu.memory_space<vmem>> -> memref<1x128xi32, #tpu.memory_space<vmem>>
      %dma_wait3A_44 = tpu.memref_squeeze %dma_wait3A_43 : memref<1x128xi32, #tpu.memory_space<vmem>> -> memref<128xi32, #tpu.memory_space<vmem>>
      %dma_wait3A_45 = arith.constant 0 : i32
      %dma_wait3A_46 = arith.constant 0 : i32
      %dma_wait3A_47 = tpu.memref_slice %arg8[%dma_wait3A_45, %dma_wait3A_46] : memref<10112x16xf32, #tpu.memory_space<vmem_shared>> -> memref<10112x16xf32, #tpu.memory_space<vmem_shared>>
      tpu.wait_indirect_dma semaphore(%arg18 : memref<!tpu.dma_semaphore, #tpu.memory_space<semaphore_mem>>) src(%arg9 : memref<128x16xf32, #tpu.memory_space<vmem>>) dst(%dma_wait3A_47 : memref<10112x16xf32, #tpu.memory_space<vmem_shared>>)
      %dma_wait3A_48 = arith.constant 0 : i32
      %dma_wait3A_49 = arith.constant 0 : i32
      %dma_wait3A_50 = tpu.memref_slice %arg7[%dma_wait3A_48, %dma_wait3A_49] : memref<80x128xi32, #tpu.memory_space<vmem>> -> memref<1x128xi32, #tpu.memory_space<vmem>>
      %dma_wait3A_51 = tpu.memref_squeeze %dma_wait3A_50 : memref<1x128xi32, #tpu.memory_space<vmem>> -> memref<128xi32, #tpu.memory_space<vmem>>
      %dma_wait3A_52 = arith.constant 0 : i32
      %dma_wait3A_53 = arith.constant 0 : i32
      %dma_wait3A_54 = tpu.memref_slice %arg8[%dma_wait3A_52, %dma_wait3A_53] : memref<10112x16xf32, #tpu.memory_space<vmem_shared>> -> memref<10112x16xf32, #tpu.memory_space<vmem_shared>>
      tpu.wait_indirect_dma semaphore(%arg19 : memref<!tpu.dma_semaphore, #tpu.memory_space<semaphore_mem>>) src(%arg9 : memref<128x16xf32, #tpu.memory_space<vmem>>) dst(%dma_wait3A_54 : memref<10112x16xf32, #tpu.memory_space<vmem_shared>>)
      %dma_wait3A_55 = arith.constant 0 : i32
      %dma_wait3A_56 = arith.constant 0 : i32
      %dma_wait3A_57 = tpu.memref_slice %arg7[%dma_wait3A_55, %dma_wait3A_56] : memref<80x128xi32, #tpu.memory_space<vmem>> -> memref<1x128xi32, #tpu.memory_space<vmem>>
      %dma_wait3A_58 = tpu.memref_squeeze %dma_wait3A_57 : memref<1x128xi32, #tpu.memory_space<vmem>> -> memref<128xi32, #tpu.memory_space<vmem>>
      %dma_wait3A_59 = arith.constant 0 : i32
      %dma_wait3A_60 = arith.constant 0 : i32
      %dma_wait3A_61 = tpu.memref_slice %arg8[%dma_wait3A_59, %dma_wait3A_60] : memref<10112x16xf32, #tpu.memory_space<vmem_shared>> -> memref<10112x16xf32, #tpu.memory_space<vmem_shared>>
      tpu.wait_indirect_dma semaphore(%arg20 : memref<!tpu.dma_semaphore, #tpu.memory_space<semaphore_mem>>) src(%arg9 : memref<128x16xf32, #tpu.memory_space<vmem>>) dst(%dma_wait3A_61 : memref<10112x16xf32, #tpu.memory_space<vmem_shared>>)
    } else {
    }
    %barrier3A_22 = arith.constant 0 : index
    tpu.barrier barrier_id(%barrier3A_22)
    "tpu.region"() ({
      %run_scoped3A = tpu.sem_alloc : memref<!tpu.dma_semaphore, #tpu.memory_space<semaphore_mem>>
      %dma_start3A = arith.constant 0 : i32
      %dma_start3A_23 = tpu.memref_slice %arg5[%arg0, %mul3A_5, %dma_start3A] : memref<2x10112x16xf32, #tpu.memory_space<hbm>> -> memref<1x632x16xf32, #tpu.memory_space<hbm>>
      %dma_start3A_24 = tpu.memref_squeeze %dma_start3A_23 : memref<1x632x16xf32, #tpu.memory_space<hbm>> -> memref<632x16xf32, #tpu.memory_space<hbm>>
      %dma_start3A_25 = arith.constant 0 : i32
      %dma_start3A_26 = tpu.memref_slice %arg8[%mul3A_5, %dma_start3A_25] : memref<10112x16xf32, #tpu.memory_space<vmem_shared>> -> memref<632x16xf32, #tpu.memory_space<vmem_shared>>
      tpu.enqueue_dma source(%dma_start3A_26 : memref<632x16xf32, #tpu.memory_space<vmem_shared>>) target(%dma_start3A_24 : memref<632x16xf32, #tpu.memory_space<hbm>>) target_semaphore(%run_scoped3A : memref<!tpu.dma_semaphore, #tpu.memory_space<semaphore_mem>>)
      %dma_wait3A = arith.constant 0 : i32
      %dma_wait3A_27 = tpu.memref_slice %arg5[%arg0, %mul3A_5, %dma_wait3A] : memref<2x10112x16xf32, #tpu.memory_space<hbm>> -> memref<1x632x16xf32, #tpu.memory_space<hbm>>
      %dma_wait3A_28 = tpu.memref_squeeze %dma_wait3A_27 : memref<1x632x16xf32, #tpu.memory_space<hbm>> -> memref<632x16xf32, #tpu.memory_space<hbm>>
      %dma_wait3A_29 = arith.constant 0 : i32
      %dma_wait3A_30 = tpu.memref_slice %arg8[%mul3A_5, %dma_wait3A_29] : memref<10112x16xf32, #tpu.memory_space<vmem_shared>> -> memref<632x16xf32, #tpu.memory_space<vmem_shared>>
      tpu.wait_dma2 semaphore(%run_scoped3A : memref<!tpu.dma_semaphore, #tpu.memory_space<semaphore_mem>>) src(%dma_wait3A_30 : memref<632x16xf32, #tpu.memory_space<vmem_shared>>) dst(%dma_wait3A_28 : memref<632x16xf32, #tpu.memory_space<hbm>>)
      tpu.yield
    }) : () -> ()
    return
  }
}

#map = affine_map<(d0, d1) -> (0, 0)>
#map1 = affine_map<(d0, d1) -> (0, 0, 0)>
module attributes {stable_mosaic.version = 14 : i64} {
  func.func @k(%arg0: i32, %arg1: i32, %arg2: memref<10000x64xbf16, #tpu.memory_space<hbm>>, %arg3: memref<2560x128xi32, #tpu.memory_space<hbm>>, %arg4: memref<2560x128xi32, #tpu.memory_space<hbm>>, %arg5: memref<2x10112x64xbf16, #tpu.memory_space<hbm>>, %arg6: memref<80x128xi32, #tpu.memory_space<vmem>>, %arg7: memref<80x128xi32, #tpu.memory_space<vmem>>, %arg8: memref<10112x64xbf16, #tpu.memory_space<vmem_shared>>, %arg9: memref<10112x64xbf16, #tpu.memory_space<vmem_shared>>, %arg10: memref<128x64xbf16, #tpu.memory_space<vmem>>, %arg11: memref<128x64xbf16, #tpu.memory_space<vmem>>, %arg12: memref<128x64xbf16, #tpu.memory_space<vmem>>, %arg13: memref<128x64xbf16, #tpu.memory_space<vmem>>, %arg14: memref<!tpu.dma_semaphore, #tpu.memory_space<semaphore_mem>>, %arg15: memref<!tpu.dma_semaphore, #tpu.memory_space<semaphore_mem>>, %arg16: memref<!tpu.dma_semaphore, #tpu.memory_space<semaphore_mem>>, %arg17: memref<!tpu.dma_semaphore, #tpu.memory_space<semaphore_mem>>, %arg18: memref<!tpu.dma_semaphore, #tpu.memory_space<semaphore_mem>>, %arg19: memref<!tpu.dma_semaphore, #tpu.memory_space<semaphore_mem>>, %arg20: memref<!tpu.dma_semaphore, #tpu.memory_space<semaphore_mem>>, %arg21: memref<!tpu.dma_semaphore, #tpu.memory_space<semaphore_mem>>) attributes {dimension_semantics = [#tpu.dimension_semantics<core_parallel>, #tpu.dimension_semantics<subcore_parallel>], iteration_bounds = array<i64: 2, 16>, scalar_prefetch = 0 : i64, scratch_operands = 16 : i64, tpu.core_type = #tpu.core_type<sc_vector_subcore>, window_params = [{transform_indices = #map}, {transform_indices = #map}, {transform_indices = #map}, {transform_indices = #map1}]} {
    %scan3A = arith.constant 0 : i32
    %scan3A_0 = arith.constant 0 : i32
    %scan3A_1 = arith.constant 128 : i32
    %scan3A_2 = arith.addi %scan3A_0, %scan3A_1 : i32
    %scan3A_3 = arith.constant 1 : i32
    scf.for %scan3A_32 = %scan3A_0 to %scan3A_2 step %scan3A_3  : i32 {
      %broadcast_in_dim3A = arith.constant 0.000000e+00 : bf16
      %broadcast_in_dim3A_33 = vector.broadcast %broadcast_in_dim3A : bf16 to vector<32xbf16>
      %swap3A = arith.index_cast %scan3A_32 : i32 to index
      %swap3A_34 = arith.constant 0 : index
      %swap3A_35 = tpu.vector_load %arg10[%swap3A, %swap3A_34] {strides = array<i32>} : memref<128x64xbf16, #tpu.memory_space<vmem>>, vector<1x32xbf16>,
      %swap3A_36 = vector.shape_cast %swap3A_35 : vector<1x32xbf16> to vector<32xbf16>
      %swap3A_37 = vector.shape_cast %broadcast_in_dim3A_33 : vector<32xbf16> to vector<1x32xbf16>
      tpu.vector_store %arg10[%swap3A, %swap3A_34], %swap3A_37 {strides = array<i32>} : memref<128x64xbf16, #tpu.memory_space<vmem>>, vector<1x32xbf16>,
      %broadcast_in_dim3A_38 = arith.constant 0.000000e+00 : bf16
      %broadcast_in_dim3A_39 = vector.broadcast %broadcast_in_dim3A_38 : bf16 to vector<32xbf16>
      %swap3A_40 = arith.index_cast %scan3A_32 : i32 to index
      %swap3A_41 = arith.constant 32 : index
      %swap3A_42 = tpu.vector_load %arg10[%swap3A_40, %swap3A_41] {strides = array<i32>} : memref<128x64xbf16, #tpu.memory_space<vmem>>, vector<1x32xbf16>,
      %swap3A_43 = vector.shape_cast %swap3A_42 : vector<1x32xbf16> to vector<32xbf16>
      %swap3A_44 = vector.shape_cast %broadcast_in_dim3A_39 : vector<32xbf16> to vector<1x32xbf16>
      tpu.vector_store %arg10[%swap3A_40, %swap3A_41], %swap3A_44 {strides = array<i32>} : memref<128x64xbf16, #tpu.memory_space<vmem>>, vector<1x32xbf16>,
    }
    %scan3A_4 = arith.constant 128 : i32
    %mul3A = arith.constant 632 : i32
    %mul3A_5 = arith.muli %arg1, %mul3A : i32
    %add3A = arith.constant 0 : i32
    %add3A_6 = arith.addi %mul3A_5, %add3A : i32
    "tpu.region"() ({
      %run_scoped3A = tpu.sem_alloc : memref<!tpu.dma_semaphore, #tpu.memory_space<semaphore_mem>>
      %dma_start3A = arith.constant 0 : i32
      %dma_start3A_32 = arith.constant 0 : i32
      %dma_start3A_33 = tpu.memref_slice %arg10[%dma_start3A, %dma_start3A_32] : memref<128x64xbf16, #tpu.memory_space<vmem>> -> memref<128x64xbf16, #tpu.memory_space<vmem>>
      %dma_start3A_34 = arith.constant 0 : i32
      %dma_start3A_35 = tpu.memref_slice %arg8[%add3A_6, %dma_start3A_34] : memref<10112x64xbf16, #tpu.memory_space<vmem_shared>> -> memref<128x64xbf16, #tpu.memory_space<vmem_shared>>
      %dma_start3A_36 = arith.constant 0 : i32
      %dma_start3A_37 = tpu.memref_slice %arg8[%add3A_6, %dma_start3A_36] : memref<10112x64xbf16, #tpu.memory_space<vmem_shared>> -> memref<128x64xbf16, #tpu.memory_space<vmem_shared>>
      %dma_start3A_38 = arith.constant 0 : i32
      %dma_start3A_39 = arith.constant 0 : i32
      %dma_start3A_40 = tpu.memref_slice %arg10[%dma_start3A_38, %dma_start3A_39] : memref<128x64xbf16, #tpu.memory_space<vmem>> -> memref<128x64xbf16, #tpu.memory_space<vmem>>
      tpu.enqueue_dma source(%dma_start3A_40 : memref<128x64xbf16, #tpu.memory_space<vmem>>) target(%dma_start3A_37 : memref<128x64xbf16, #tpu.memory_space<vmem_shared>>) target_semaphore(%run_scoped3A : memref<!tpu.dma_semaphore, #tpu.memory_space<semaphore_mem>>)
      %dma_wait3A = arith.constant 0 : i32
      %dma_wait3A_41 = arith.constant 0 : i32
      %dma_wait3A_42 = tpu.memref_slice %arg10[%dma_wait3A, %dma_wait3A_41] : memref<128x64xbf16, #tpu.memory_space<vmem>> -> memref<128x64xbf16, #tpu.memory_space<vmem>>
      %dma_wait3A_43 = arith.constant 0 : i32
      %dma_wait3A_44 = tpu.memref_slice %arg8[%add3A_6, %dma_wait3A_43] : memref<10112x64xbf16, #tpu.memory_space<vmem_shared>> -> memref<128x64xbf16, #tpu.memory_space<vmem_shared>>
      %dma_wait3A_45 = arith.constant 0 : i32
      %dma_wait3A_46 = tpu.memref_slice %arg8[%add3A_6, %dma_wait3A_45] : memref<10112x64xbf16, #tpu.memory_space<vmem_shared>> -> memref<128x64xbf16, #tpu.memory_space<vmem_shared>>
      %dma_wait3A_47 = arith.constant 0 : i32
      %dma_wait3A_48 = arith.constant 0 : i32
      %dma_wait3A_49 = tpu.memref_slice %arg10[%dma_wait3A_47, %dma_wait3A_48] : memref<128x64xbf16, #tpu.memory_space<vmem>> -> memref<128x64xbf16, #tpu.memory_space<vmem>>
      tpu.wait_dma2 semaphore(%run_scoped3A : memref<!tpu.dma_semaphore, #tpu.memory_space<semaphore_mem>>) src(%dma_wait3A_49 : memref<128x64xbf16, #tpu.memory_space<vmem>>) dst(%dma_wait3A_46 : memref<128x64xbf16, #tpu.memory_space<vmem_shared>>)
      tpu.yield
    }) : () -> ()
    %add3A_7 = arith.constant 128 : i32
    %add3A_8 = arith.addi %mul3A_5, %add3A_7 : i32
    "tpu.region"() ({
      %run_scoped3A = tpu.sem_alloc : memref<!tpu.dma_semaphore, #tpu.memory_space<semaphore_mem>>
      %dma_start3A = arith.constant 0 : i32
      %dma_start3A_32 = arith.constant 0 : i32
      %dma_start3A_33 = tpu.memref_slice %arg10[%dma_start3A, %dma_start3A_32] : memref<128x64xbf16, #tpu.memory_space<vmem>> -> memref<128x64xbf16, #tpu.memory_space<vmem>>
      %dma_start3A_34 = arith.constant 0 : i32
      %dma_start3A_35 = tpu.memref_slice %arg8[%add3A_8, %dma_start3A_34] : memref<10112x64xbf16, #tpu.memory_space<vmem_shared>> -> memref<128x64xbf16, #tpu.memory_space<vmem_shared>>
      %dma_start3A_36 = arith.constant 0 : i32
      %dma_start3A_37 = tpu.memref_slice %arg8[%add3A_8, %dma_start3A_36] : memref<10112x64xbf16, #tpu.memory_space<vmem_shared>> -> memref<128x64xbf16, #tpu.memory_space<vmem_shared>>
      %dma_start3A_38 = arith.constant 0 : i32
      %dma_start3A_39 = arith.constant 0 : i32
      %dma_start3A_40 = tpu.memref_slice %arg10[%dma_start3A_38, %dma_start3A_39] : memref<128x64xbf16, #tpu.memory_space<vmem>> -> memref<128x64xbf16, #tpu.memory_space<vmem>>
      tpu.enqueue_dma source(%dma_start3A_40 : memref<128x64xbf16, #tpu.memory_space<vmem>>) target(%dma_start3A_37 : memref<128x64xbf16, #tpu.memory_space<vmem_shared>>) target_semaphore(%run_scoped3A : memref<!tpu.dma_semaphore, #tpu.memory_space<semaphore_mem>>)
      %dma_wait3A = arith.constant 0 : i32
      %dma_wait3A_41 = arith.constant 0 : i32
      %dma_wait3A_42 = tpu.memref_slice %arg10[%dma_wait3A, %dma_wait3A_41] : memref<128x64xbf16, #tpu.memory_space<vmem>> -> memref<128x64xbf16, #tpu.memory_space<vmem>>
      %dma_wait3A_43 = arith.constant 0 : i32
      %dma_wait3A_44 = tpu.memref_slice %arg8[%add3A_8, %dma_wait3A_43] : memref<10112x64xbf16, #tpu.memory_space<vmem_shared>> -> memref<128x64xbf16, #tpu.memory_space<vmem_shared>>
      %dma_wait3A_45 = arith.constant 0 : i32
      %dma_wait3A_46 = tpu.memref_slice %arg8[%add3A_8, %dma_wait3A_45] : memref<10112x64xbf16, #tpu.memory_space<vmem_shared>> -> memref<128x64xbf16, #tpu.memory_space<vmem_shared>>
      %dma_wait3A_47 = arith.constant 0 : i32
      %dma_wait3A_48 = arith.constant 0 : i32
      %dma_wait3A_49 = tpu.memref_slice %arg10[%dma_wait3A_47, %dma_wait3A_48] : memref<128x64xbf16, #tpu.memory_space<vmem>> -> memref<128x64xbf16, #tpu.memory_space<vmem>>
      tpu.wait_dma2 semaphore(%run_scoped3A : memref<!tpu.dma_semaphore, #tpu.memory_space<semaphore_mem>>) src(%dma_wait3A_49 : memref<128x64xbf16, #tpu.memory_space<vmem>>) dst(%dma_wait3A_46 : memref<128x64xbf16, #tpu.memory_space<vmem_shared>>)
      tpu.yield
    }) : () -> ()
    %add3A_9 = arith.constant 256 : i32
    %add3A_10 = arith.addi %mul3A_5, %add3A_9 : i32
    "tpu.region"() ({
      %run_scoped3A = tpu.sem_alloc : memref<!tpu.dma_semaphore, #tpu.memory_space<semaphore_mem>>
      %dma_start3A = arith.constant 0 : i32
      %dma_start3A_32 = arith.constant 0 : i32
      %dma_start3A_33 = tpu.memref_slice %arg10[%dma_start3A, %dma_start3A_32] : memref<128x64xbf16, #tpu.memory_space<vmem>> -> memref<128x64xbf16, #tpu.memory_space<vmem>>
      %dma_start3A_34 = arith.constant 0 : i32
      %dma_start3A_35 = tpu.memref_slice %arg8[%add3A_10, %dma_start3A_34] : memref<10112x64xbf16, #tpu.memory_space<vmem_shared>> -> memref<128x64xbf16, #tpu.memory_space<vmem_shared>>
      %dma_start3A_36 = arith.constant 0 : i32
      %dma_start3A_37 = tpu.memref_slice %arg8[%add3A_10, %dma_start3A_36] : memref<10112x64xbf16, #tpu.memory_space<vmem_shared>> -> memref<128x64xbf16, #tpu.memory_space<vmem_shared>>
      %dma_start3A_38 = arith.constant 0 : i32
      %dma_start3A_39 = arith.constant 0 : i32
      %dma_start3A_40 = tpu.memref_slice %arg10[%dma_start3A_38, %dma_start3A_39] : memref<128x64xbf16, #tpu.memory_space<vmem>> -> memref<128x64xbf16, #tpu.memory_space<vmem>>
      tpu.enqueue_dma source(%dma_start3A_40 : memref<128x64xbf16, #tpu.memory_space<vmem>>) target(%dma_start3A_37 : memref<128x64xbf16, #tpu.memory_space<vmem_shared>>) target_semaphore(%run_scoped3A : memref<!tpu.dma_semaphore, #tpu.memory_space<semaphore_mem>>)
      %dma_wait3A = arith.constant 0 : i32
      %dma_wait3A_41 = arith.constant 0 : i32
      %dma_wait3A_42 = tpu.memref_slice %arg10[%dma_wait3A, %dma_wait3A_41] : memref<128x64xbf16, #tpu.memory_space<vmem>> -> memref<128x64xbf16, #tpu.memory_space<vmem>>
      %dma_wait3A_43 = arith.constant 0 : i32
      %dma_wait3A_44 = tpu.memref_slice %arg8[%add3A_10, %dma_wait3A_43] : memref<10112x64xbf16, #tpu.memory_space<vmem_shared>> -> memref<128x64xbf16, #tpu.memory_space<vmem_shared>>
      %dma_wait3A_45 = arith.constant 0 : i32
      %dma_wait3A_46 = tpu.memref_slice %arg8[%add3A_10, %dma_wait3A_45] : memref<10112x64xbf16, #tpu.memory_space<vmem_shared>> -> memref<128x64xbf16, #tpu.memory_space<vmem_shared>>
      %dma_wait3A_47 = arith.constant 0 : i32
      %dma_wait3A_48 = arith.constant 0 : i32
      %dma_wait3A_49 = tpu.memref_slice %arg10[%dma_wait3A_47, %dma_wait3A_48] : memref<128x64xbf16, #tpu.memory_space<vmem>> -> memref<128x64xbf16, #tpu.memory_space<vmem>>
      tpu.wait_dma2 semaphore(%run_scoped3A : memref<!tpu.dma_semaphore, #tpu.memory_space<semaphore_mem>>) src(%dma_wait3A_49 : memref<128x64xbf16, #tpu.memory_space<vmem>>) dst(%dma_wait3A_46 : memref<128x64xbf16, #tpu.memory_space<vmem_shared>>)
      tpu.yield
    }) : () -> ()
    %add3A_11 = arith.constant 384 : i32
    %add3A_12 = arith.addi %mul3A_5, %add3A_11 : i32
    "tpu.region"() ({
      %run_scoped3A = tpu.sem_alloc : memref<!tpu.dma_semaphore, #tpu.memory_space<semaphore_mem>>
      %dma_start3A = arith.constant 0 : i32
      %dma_start3A_32 = arith.constant 0 : i32
      %dma_start3A_33 = tpu.memref_slice %arg10[%dma_start3A, %dma_start3A_32] : memref<128x64xbf16, #tpu.memory_space<vmem>> -> memref<128x64xbf16, #tpu.memory_space<vmem>>
      %dma_start3A_34 = arith.constant 0 : i32
      %dma_start3A_35 = tpu.memref_slice %arg8[%add3A_12, %dma_start3A_34] : memref<10112x64xbf16, #tpu.memory_space<vmem_shared>> -> memref<128x64xbf16, #tpu.memory_space<vmem_shared>>
      %dma_start3A_36 = arith.constant 0 : i32
      %dma_start3A_37 = tpu.memref_slice %arg8[%add3A_12, %dma_start3A_36] : memref<10112x64xbf16, #tpu.memory_space<vmem_shared>> -> memref<128x64xbf16, #tpu.memory_space<vmem_shared>>
      %dma_start3A_38 = arith.constant 0 : i32
      %dma_start3A_39 = arith.constant 0 : i32
      %dma_start3A_40 = tpu.memref_slice %arg10[%dma_start3A_38, %dma_start3A_39] : memref<128x64xbf16, #tpu.memory_space<vmem>> -> memref<128x64xbf16, #tpu.memory_space<vmem>>
      tpu.enqueue_dma source(%dma_start3A_40 : memref<128x64xbf16, #tpu.memory_space<vmem>>) target(%dma_start3A_37 : memref<128x64xbf16, #tpu.memory_space<vmem_shared>>) target_semaphore(%run_scoped3A : memref<!tpu.dma_semaphore, #tpu.memory_space<semaphore_mem>>)
      %dma_wait3A = arith.constant 0 : i32
      %dma_wait3A_41 = arith.constant 0 : i32
      %dma_wait3A_42 = tpu.memref_slice %arg10[%dma_wait3A, %dma_wait3A_41] : memref<128x64xbf16, #tpu.memory_space<vmem>> -> memref<128x64xbf16, #tpu.memory_space<vmem>>
      %dma_wait3A_43 = arith.constant 0 : i32
      %dma_wait3A_44 = tpu.memref_slice %arg8[%add3A_12, %dma_wait3A_43] : memref<10112x64xbf16, #tpu.memory_space<vmem_shared>> -> memref<128x64xbf16, #tpu.memory_space<vmem_shared>>
      %dma_wait3A_45 = arith.constant 0 : i32
      %dma_wait3A_46 = tpu.memref_slice %arg8[%add3A_12, %dma_wait3A_45] : memref<10112x64xbf16, #tpu.memory_space<vmem_shared>> -> memref<128x64xbf16, #tpu.memory_space<vmem_shared>>
      %dma_wait3A_47 = arith.constant 0 : i32
      %dma_wait3A_48 = arith.constant 0 : i32
      %dma_wait3A_49 = tpu.memref_slice %arg10[%dma_wait3A_47, %dma_wait3A_48] : memref<128x64xbf16, #tpu.memory_space<vmem>> -> memref<128x64xbf16, #tpu.memory_space<vmem>>
      tpu.wait_dma2 semaphore(%run_scoped3A : memref<!tpu.dma_semaphore, #tpu.memory_space<semaphore_mem>>) src(%dma_wait3A_49 : memref<128x64xbf16, #tpu.memory_space<vmem>>) dst(%dma_wait3A_46 : memref<128x64xbf16, #tpu.memory_space<vmem_shared>>)
      tpu.yield
    }) : () -> ()
    %add3A_13 = arith.constant 512 : i32
    %add3A_14 = arith.addi %mul3A_5, %add3A_13 : i32
    "tpu.region"() ({
      %run_scoped3A = tpu.sem_alloc : memref<!tpu.dma_semaphore, #tpu.memory_space<semaphore_mem>>
      %dma_start3A = arith.constant 0 : i32
      %dma_start3A_32 = arith.constant 0 : i32
      %dma_start3A_33 = tpu.memref_slice %arg10[%dma_start3A, %dma_start3A_32] : memref<128x64xbf16, #tpu.memory_space<vmem>> -> memref<120x64xbf16, #tpu.memory_space<vmem>>
      %dma_start3A_34 = arith.constant 0 : i32
      %dma_start3A_35 = tpu.memref_slice %arg8[%add3A_14, %dma_start3A_34] : memref<10112x64xbf16, #tpu.memory_space<vmem_shared>> -> memref<120x64xbf16, #tpu.memory_space<vmem_shared>>
      %dma_start3A_36 = arith.constant 0 : i32
      %dma_start3A_37 = tpu.memref_slice %arg8[%add3A_14, %dma_start3A_36] : memref<10112x64xbf16, #tpu.memory_space<vmem_shared>> -> memref<120x64xbf16, #tpu.memory_space<vmem_shared>>
      %dma_start3A_38 = arith.constant 0 : i32
      %dma_start3A_39 = arith.constant 0 : i32
      %dma_start3A_40 = tpu.memref_slice %arg10[%dma_start3A_38, %dma_start3A_39] : memref<128x64xbf16, #tpu.memory_space<vmem>> -> memref<120x64xbf16, #tpu.memory_space<vmem>>
      tpu.enqueue_dma source(%dma_start3A_40 : memref<120x64xbf16, #tpu.memory_space<vmem>>) target(%dma_start3A_37 : memref<120x64xbf16, #tpu.memory_space<vmem_shared>>) target_semaphore(%run_scoped3A : memref<!tpu.dma_semaphore, #tpu.memory_space<semaphore_mem>>)
      %dma_wait3A = arith.constant 0 : i32
      %dma_wait3A_41 = arith.constant 0 : i32
      %dma_wait3A_42 = tpu.memref_slice %arg10[%dma_wait3A, %dma_wait3A_41] : memref<128x64xbf16, #tpu.memory_space<vmem>> -> memref<120x64xbf16, #tpu.memory_space<vmem>>
      %dma_wait3A_43 = arith.constant 0 : i32
      %dma_wait3A_44 = tpu.memref_slice %arg8[%add3A_14, %dma_wait3A_43] : memref<10112x64xbf16, #tpu.memory_space<vmem_shared>> -> memref<120x64xbf16, #tpu.memory_space<vmem_shared>>
      %dma_wait3A_45 = arith.constant 0 : i32
      %dma_wait3A_46 = tpu.memref_slice %arg8[%add3A_14, %dma_wait3A_45] : memref<10112x64xbf16, #tpu.memory_space<vmem_shared>> -> memref<120x64xbf16, #tpu.memory_space<vmem_shared>>
      %dma_wait3A_47 = arith.constant 0 : i32
      %dma_wait3A_48 = arith.constant 0 : i32
      %dma_wait3A_49 = tpu.memref_slice %arg10[%dma_wait3A_47, %dma_wait3A_48] : memref<128x64xbf16, #tpu.memory_space<vmem>> -> memref<120x64xbf16, #tpu.memory_space<vmem>>
      tpu.wait_dma2 semaphore(%run_scoped3A : memref<!tpu.dma_semaphore, #tpu.memory_space<semaphore_mem>>) src(%dma_wait3A_49 : memref<120x64xbf16, #tpu.memory_space<vmem>>) dst(%dma_wait3A_46 : memref<120x64xbf16, #tpu.memory_space<vmem_shared>>)
      tpu.yield
    }) : () -> ()
    %lt3A = arith.constant 15 : i32
    %lt3A_15 = arith.cmpi slt, %arg1, %lt3A : i32
    %convert_element_type3A = arith.extui %lt3A_15 : i1 to i32
    %cond3A = arith.constant 0 : i32
    %cond3A_16 = arith.cmpi ne, %convert_element_type3A, %cond3A : i32
    scf.if %cond3A_16 {
      "tpu.region"() ({
        %run_scoped3A = tpu.sem_alloc : memref<!tpu.dma_semaphore, #tpu.memory_space<semaphore_mem>>
        %dma_start3A = arith.constant 0 : i32
        %dma_start3A_32 = tpu.memref_slice %arg9[%mul3A_5, %dma_start3A] : memref<10112x64xbf16, #tpu.memory_space<vmem_shared>> -> memref<632x64xbf16, #tpu.memory_space<vmem_shared>>
        %dma_start3A_33 = arith.constant 0 : i32
        %dma_start3A_34 = tpu.memref_slice %arg2[%mul3A_5, %dma_start3A_33] : memref<10000x64xbf16, #tpu.memory_space<hbm>> -> memref<632x64xbf16, #tpu.memory_space<hbm>>
        tpu.enqueue_dma source(%dma_start3A_34 : memref<632x64xbf16, #tpu.memory_space<hbm>>) target(%dma_start3A_32 : memref<632x64xbf16, #tpu.memory_space<vmem_shared>>) target_semaphore(%run_scoped3A : memref<!tpu.dma_semaphore, #tpu.memory_space<semaphore_mem>>)
        %dma_wait3A = arith.constant 0 : i32
        %dma_wait3A_35 = tpu.memref_slice %arg9[%mul3A_5, %dma_wait3A] : memref<10112x64xbf16, #tpu.memory_space<vmem_shared>> -> memref<632x64xbf16, #tpu.memory_space<vmem_shared>>
        %dma_wait3A_36 = arith.constant 0 : i32
        %dma_wait3A_37 = tpu.memref_slice %arg2[%mul3A_5, %dma_wait3A_36] : memref<10000x64xbf16, #tpu.memory_space<hbm>> -> memref<632x64xbf16, #tpu.memory_space<hbm>>
        tpu.wait_dma2 semaphore(%run_scoped3A : memref<!tpu.dma_semaphore, #tpu.memory_space<semaphore_mem>>) src(%dma_wait3A_37 : memref<632x64xbf16, #tpu.memory_space<hbm>>) dst(%dma_wait3A_35 : memref<632x64xbf16, #tpu.memory_space<vmem_shared>>)
        tpu.yield
      }) : () -> ()
    } else {
    }
    %eq3A = arith.constant 15 : i32
    %eq3A_17 = arith.cmpi eq, %arg1, %eq3A : i32
    %convert_element_type3A_18 = arith.extui %eq3A_17 : i1 to i32
    %cond3A_19 = arith.constant 0 : i32
    %cond3A_20 = arith.cmpi ne, %convert_element_type3A_18, %cond3A_19 : i32
    scf.if %cond3A_20 {
      "tpu.region"() ({
        %run_scoped3A = tpu.sem_alloc : memref<!tpu.dma_semaphore, #tpu.memory_space<semaphore_mem>>
        %dma_start3A = arith.constant 9480 : i32
        %dma_start3A_32 = arith.constant 0 : i32
        %dma_start3A_33 = tpu.memref_slice %arg9[%dma_start3A, %dma_start3A_32] : memref<10112x64xbf16, #tpu.memory_space<vmem_shared>> -> memref<520x64xbf16, #tpu.memory_space<vmem_shared>>
        %dma_start3A_34 = arith.constant 9480 : i32
        %dma_start3A_35 = arith.constant 0 : i32
        %dma_start3A_36 = tpu.memref_slice %arg2[%dma_start3A_34, %dma_start3A_35] : memref<10000x64xbf16, #tpu.memory_space<hbm>> -> memref<520x64xbf16, #tpu.memory_space<hbm>>
        tpu.enqueue_dma source(%dma_start3A_36 : memref<520x64xbf16, #tpu.memory_space<hbm>>) target(%dma_start3A_33 : memref<520x64xbf16, #tpu.memory_space<vmem_shared>>) target_semaphore(%run_scoped3A : memref<!tpu.dma_semaphore, #tpu.memory_space<semaphore_mem>>)
        %dma_wait3A = arith.constant 9480 : i32
        %dma_wait3A_37 = arith.constant 0 : i32
        %dma_wait3A_38 = tpu.memref_slice %arg9[%dma_wait3A, %dma_wait3A_37] : memref<10112x64xbf16, #tpu.memory_space<vmem_shared>> -> memref<520x64xbf16, #tpu.memory_space<vmem_shared>>
        %dma_wait3A_39 = arith.constant 9480 : i32
        %dma_wait3A_40 = arith.constant 0 : i32
        %dma_wait3A_41 = tpu.memref_slice %arg2[%dma_wait3A_39, %dma_wait3A_40] : memref<10000x64xbf16, #tpu.memory_space<hbm>> -> memref<520x64xbf16, #tpu.memory_space<hbm>>
        tpu.wait_dma2 semaphore(%run_scoped3A : memref<!tpu.dma_semaphore, #tpu.memory_space<semaphore_mem>>) src(%dma_wait3A_41 : memref<520x64xbf16, #tpu.memory_space<hbm>>) dst(%dma_wait3A_38 : memref<520x64xbf16, #tpu.memory_space<vmem_shared>>)
        tpu.yield
      }) : () -> ()
    } else {
    }
    %barrier3A = arith.constant 0 : index
    tpu.barrier barrier_id(%barrier3A)
    %eq3A_21 = arith.constant 0 : i32
    %eq3A_22 = arith.cmpi eq, %arg0, %eq3A_21 : i32
    %convert_element_type3A_23 = arith.extui %eq3A_22 : i1 to i32
    %cond3A_24 = arith.constant 0 : i32
    %cond3A_25 = arith.cmpi ne, %convert_element_type3A_23, %cond3A_24 : i32
    scf.if %cond3A_25 {
      %mul3A_32 = arith.constant 80 : i32
      %mul3A_33 = arith.muli %arg1, %mul3A_32 : i32
      %add3A_34 = arith.constant 0 : i32
      %add3A_35 = arith.addi %mul3A_33, %add3A_34 : i32
      "tpu.region"() ({
        %run_scoped3A = tpu.sem_alloc : memref<!tpu.dma_semaphore, #tpu.memory_space<semaphore_mem>>
        %dma_start3A_96 = arith.constant 0 : i32
        %dma_start3A_97 = arith.constant 0 : i32
        %dma_start3A_98 = tpu.memref_slice %arg6[%dma_start3A_96, %dma_start3A_97] : memref<80x128xi32, #tpu.memory_space<vmem>> -> memref<80x128xi32, #tpu.memory_space<vmem>>
        %dma_start3A_99 = arith.constant 0 : i32
        %dma_start3A_100 = tpu.memref_slice %arg3[%add3A_35, %dma_start3A_99] : memref<2560x128xi32, #tpu.memory_space<hbm>> -> memref<80x128xi32, #tpu.memory_space<hbm>>
        %dma_start3A_101 = arith.constant 0 : i32
        %dma_start3A_102 = arith.constant 0 : i32
        %dma_start3A_103 = tpu.memref_slice %arg6[%dma_start3A_101, %dma_start3A_102] : memref<80x128xi32, #tpu.memory_space<vmem>> -> memref<80x128xi32, #tpu.memory_space<vmem>>
        %dma_start3A_104 = arith.constant 0 : i32
        %dma_start3A_105 = tpu.memref_slice %arg3[%add3A_35, %dma_start3A_104] : memref<2560x128xi32, #tpu.memory_space<hbm>> -> memref<80x128xi32, #tpu.memory_space<hbm>>
        tpu.enqueue_dma source(%dma_start3A_105 : memref<80x128xi32, #tpu.memory_space<hbm>>) target(%dma_start3A_103 : memref<80x128xi32, #tpu.memory_space<vmem>>) target_semaphore(%run_scoped3A : memref<!tpu.dma_semaphore, #tpu.memory_space<semaphore_mem>>)
        %dma_wait3A_106 = arith.constant 0 : i32
        %dma_wait3A_107 = arith.constant 0 : i32
        %dma_wait3A_108 = tpu.memref_slice %arg6[%dma_wait3A_106, %dma_wait3A_107] : memref<80x128xi32, #tpu.memory_space<vmem>> -> memref<80x128xi32, #tpu.memory_space<vmem>>
        %dma_wait3A_109 = arith.constant 0 : i32
        %dma_wait3A_110 = tpu.memref_slice %arg3[%add3A_35, %dma_wait3A_109] : memref<2560x128xi32, #tpu.memory_space<hbm>> -> memref<80x128xi32, #tpu.memory_space<hbm>>
        %dma_wait3A_111 = arith.constant 0 : i32
        %dma_wait3A_112 = arith.constant 0 : i32
        %dma_wait3A_113 = tpu.memref_slice %arg6[%dma_wait3A_111, %dma_wait3A_112] : memref<80x128xi32, #tpu.memory_space<vmem>> -> memref<80x128xi32, #tpu.memory_space<vmem>>
        %dma_wait3A_114 = arith.constant 0 : i32
        %dma_wait3A_115 = tpu.memref_slice %arg3[%add3A_35, %dma_wait3A_114] : memref<2560x128xi32, #tpu.memory_space<hbm>> -> memref<80x128xi32, #tpu.memory_space<hbm>>
        tpu.wait_dma2 semaphore(%run_scoped3A : memref<!tpu.dma_semaphore, #tpu.memory_space<semaphore_mem>>) src(%dma_wait3A_115 : memref<80x128xi32, #tpu.memory_space<hbm>>) dst(%dma_wait3A_113 : memref<80x128xi32, #tpu.memory_space<vmem>>)
        tpu.yield
      }) : () -> ()
      "tpu.region"() ({
        %run_scoped3A = tpu.sem_alloc : memref<!tpu.dma_semaphore, #tpu.memory_space<semaphore_mem>>
        %dma_start3A_96 = arith.constant 0 : i32
        %dma_start3A_97 = arith.constant 0 : i32
        %dma_start3A_98 = tpu.memref_slice %arg7[%dma_start3A_96, %dma_start3A_97] : memref<80x128xi32, #tpu.memory_space<vmem>> -> memref<80x128xi32, #tpu.memory_space<vmem>>
        %dma_start3A_99 = arith.constant 0 : i32
        %dma_start3A_100 = tpu.memref_slice %arg4[%add3A_35, %dma_start3A_99] : memref<2560x128xi32, #tpu.memory_space<hbm>> -> memref<80x128xi32, #tpu.memory_space<hbm>>
        %dma_start3A_101 = arith.constant 0 : i32
        %dma_start3A_102 = arith.constant 0 : i32
        %dma_start3A_103 = tpu.memref_slice %arg7[%dma_start3A_101, %dma_start3A_102] : memref<80x128xi32, #tpu.memory_space<vmem>> -> memref<80x128xi32, #tpu.memory_space<vmem>>
        %dma_start3A_104 = arith.constant 0 : i32
        %dma_start3A_105 = tpu.memref_slice %arg4[%add3A_35, %dma_start3A_104] : memref<2560x128xi32, #tpu.memory_space<hbm>> -> memref<80x128xi32, #tpu.memory_space<hbm>>
        tpu.enqueue_dma source(%dma_start3A_105 : memref<80x128xi32, #tpu.memory_space<hbm>>) target(%dma_start3A_103 : memref<80x128xi32, #tpu.memory_space<vmem>>) target_semaphore(%run_scoped3A : memref<!tpu.dma_semaphore, #tpu.memory_space<semaphore_mem>>)
        %dma_wait3A_106 = arith.constant 0 : i32
        %dma_wait3A_107 = arith.constant 0 : i32
        %dma_wait3A_108 = tpu.memref_slice %arg7[%dma_wait3A_106, %dma_wait3A_107] : memref<80x128xi32, #tpu.memory_space<vmem>> -> memref<80x128xi32, #tpu.memory_space<vmem>>
        %dma_wait3A_109 = arith.constant 0 : i32
        %dma_wait3A_110 = tpu.memref_slice %arg4[%add3A_35, %dma_wait3A_109] : memref<2560x128xi32, #tpu.memory_space<hbm>> -> memref<80x128xi32, #tpu.memory_space<hbm>>
        %dma_wait3A_111 = arith.constant 0 : i32
        %dma_wait3A_112 = arith.constant 0 : i32
        %dma_wait3A_113 = tpu.memref_slice %arg7[%dma_wait3A_111, %dma_wait3A_112] : memref<80x128xi32, #tpu.memory_space<vmem>> -> memref<80x128xi32, #tpu.memory_space<vmem>>
        %dma_wait3A_114 = arith.constant 0 : i32
        %dma_wait3A_115 = tpu.memref_slice %arg4[%add3A_35, %dma_wait3A_114] : memref<2560x128xi32, #tpu.memory_space<hbm>> -> memref<80x128xi32, #tpu.memory_space<hbm>>
        tpu.wait_dma2 semaphore(%run_scoped3A : memref<!tpu.dma_semaphore, #tpu.memory_space<semaphore_mem>>) src(%dma_wait3A_115 : memref<80x128xi32, #tpu.memory_space<hbm>>) dst(%dma_wait3A_113 : memref<80x128xi32, #tpu.memory_space<vmem>>)
        tpu.yield
      }) : () -> ()
      %dma_start3A = arith.constant 0 : i32
      %dma_start3A_36 = arith.constant 0 : i32
      %dma_start3A_37 = tpu.memref_slice %arg6[%dma_start3A, %dma_start3A_36] : memref<80x128xi32, #tpu.memory_space<vmem>> -> memref<1x128xi32, #tpu.memory_space<vmem>>
      %dma_start3A_38 = tpu.memref_squeeze %dma_start3A_37 : memref<1x128xi32, #tpu.memory_space<vmem>> -> memref<128xi32, #tpu.memory_space<vmem>>
      %dma_start3A_39 = arith.constant 0 : i32
      %dma_start3A_40 = arith.constant 0 : i32
      %dma_start3A_41 = tpu.memref_slice %arg9[%dma_start3A_39, %dma_start3A_40] : memref<10112x64xbf16, #tpu.memory_space<vmem_shared>> -> memref<10112x64xbf16, #tpu.memory_space<vmem_shared>>
      tpu.enqueue_indirect_dma source(%dma_start3A_41 : memref<10112x64xbf16, #tpu.memory_space<vmem_shared>>) target(%arg10 : memref<128x64xbf16, #tpu.memory_space<vmem>>) offsets(%dma_start3A_38 : memref<128xi32, #tpu.memory_space<vmem>>) semaphore(%arg14 : memref<!tpu.dma_semaphore, #tpu.memory_space<semaphore_mem>>)
      %dma_start3A_42 = arith.constant 1 : i32
      %dma_start3A_43 = arith.constant 0 : i32
      %dma_start3A_44 = tpu.memref_slice %arg6[%dma_start3A_42, %dma_start3A_43] : memref<80x128xi32, #tpu.memory_space<vmem>> -> memref<1x128xi32, #tpu.memory_space<vmem>>
      %dma_start3A_45 = tpu.memref_squeeze %dma_start3A_44 : memref<1x128xi32, #tpu.memory_space<vmem>> -> memref<128xi32, #tpu.memory_space<vmem>>
      %dma_start3A_46 = arith.constant 0 : i32
      %dma_start3A_47 = arith.constant 0 : i32
      %dma_start3A_48 = tpu.memref_slice %arg9[%dma_start3A_46, %dma_start3A_47] : memref<10112x64xbf16, #tpu.memory_space<vmem_shared>> -> memref<10112x64xbf16, #tpu.memory_space<vmem_shared>>
      tpu.enqueue_indirect_dma source(%dma_start3A_48 : memref<10112x64xbf16, #tpu.memory_space<vmem_shared>>) target(%arg11 : memref<128x64xbf16, #tpu.memory_space<vmem>>) offsets(%dma_start3A_45 : memref<128xi32, #tpu.memory_space<vmem>>) semaphore(%arg15 : memref<!tpu.dma_semaphore, #tpu.memory_space<semaphore_mem>>)
      %dma_start3A_49 = arith.constant 2 : i32
      %dma_start3A_50 = arith.constant 0 : i32
      %dma_start3A_51 = tpu.memref_slice %arg6[%dma_start3A_49, %dma_start3A_50] : memref<80x128xi32, #tpu.memory_space<vmem>> -> memref<1x128xi32, #tpu.memory_space<vmem>>
      %dma_start3A_52 = tpu.memref_squeeze %dma_start3A_51 : memref<1x128xi32, #tpu.memory_space<vmem>> -> memref<128xi32, #tpu.memory_space<vmem>>
      %dma_start3A_53 = arith.constant 0 : i32
      %dma_start3A_54 = arith.constant 0 : i32
      %dma_start3A_55 = tpu.memref_slice %arg9[%dma_start3A_53, %dma_start3A_54] : memref<10112x64xbf16, #tpu.memory_space<vmem_shared>> -> memref<10112x64xbf16, #tpu.memory_space<vmem_shared>>
      tpu.enqueue_indirect_dma source(%dma_start3A_55 : memref<10112x64xbf16, #tpu.memory_space<vmem_shared>>) target(%arg12 : memref<128x64xbf16, #tpu.memory_space<vmem>>) offsets(%dma_start3A_52 : memref<128xi32, #tpu.memory_space<vmem>>) semaphore(%arg16 : memref<!tpu.dma_semaphore, #tpu.memory_space<semaphore_mem>>)
      %dma_start3A_56 = arith.constant 3 : i32
      %dma_start3A_57 = arith.constant 0 : i32
      %dma_start3A_58 = tpu.memref_slice %arg6[%dma_start3A_56, %dma_start3A_57] : memref<80x128xi32, #tpu.memory_space<vmem>> -> memref<1x128xi32, #tpu.memory_space<vmem>>
      %dma_start3A_59 = tpu.memref_squeeze %dma_start3A_58 : memref<1x128xi32, #tpu.memory_space<vmem>> -> memref<128xi32, #tpu.memory_space<vmem>>
      %dma_start3A_60 = arith.constant 0 : i32
      %dma_start3A_61 = arith.constant 0 : i32
      %dma_start3A_62 = tpu.memref_slice %arg9[%dma_start3A_60, %dma_start3A_61] : memref<10112x64xbf16, #tpu.memory_space<vmem_shared>> -> memref<10112x64xbf16, #tpu.memory_space<vmem_shared>>
      tpu.enqueue_indirect_dma source(%dma_start3A_62 : memref<10112x64xbf16, #tpu.memory_space<vmem_shared>>) target(%arg13 : memref<128x64xbf16, #tpu.memory_space<vmem>>) offsets(%dma_start3A_59 : memref<128xi32, #tpu.memory_space<vmem>>) semaphore(%arg17 : memref<!tpu.dma_semaphore, #tpu.memory_space<semaphore_mem>>)
      %scan3A_63 = arith.constant 0 : i32
      %scan3A_64 = arith.constant 0 : i32
      %scan3A_65 = arith.constant 20 : i32
      %scan3A_66 = arith.addi %scan3A_64, %scan3A_65 : i32
      %scan3A_67 = arith.constant 1 : i32
      scf.for %scan3A_96 = %scan3A_64 to %scan3A_66 step %scan3A_67  : i32 {
        %mul3A_97 = arith.constant 4 : i32
        %mul3A_98 = arith.muli %mul3A_97, %scan3A_96 : i32
        %add3A_99 = arith.constant 0 : i32
        %add3A_100 = arith.addi %mul3A_98, %add3A_99 : i32
        %dma_wait3A_101 = arith.constant 0 : i32
        %dma_wait3A_102 = tpu.memref_slice %arg6[%add3A_100, %dma_wait3A_101] : memref<80x128xi32, #tpu.memory_space<vmem>> -> memref<1x128xi32, #tpu.memory_space<vmem>>
        %dma_wait3A_103 = tpu.memref_squeeze %dma_wait3A_102 : memref<1x128xi32, #tpu.memory_space<vmem>> -> memref<128xi32, #tpu.memory_space<vmem>>
        %dma_wait3A_104 = arith.constant 0 : i32
        %dma_wait3A_105 = arith.constant 0 : i32
        %dma_wait3A_106 = tpu.memref_slice %arg9[%dma_wait3A_104, %dma_wait3A_105] : memref<10112x64xbf16, #tpu.memory_space<vmem_shared>> -> memref<10112x64xbf16, #tpu.memory_space<vmem_shared>>
        tpu.wait_indirect_dma semaphore(%arg14 : memref<!tpu.dma_semaphore, #tpu.memory_space<semaphore_mem>>) src(%dma_wait3A_106 : memref<10112x64xbf16, #tpu.memory_space<vmem_shared>>) dst(%arg10 : memref<128x64xbf16, #tpu.memory_space<vmem>>)
        %dma_start3A_107 = arith.constant 0 : i32
        %dma_start3A_108 = tpu.memref_slice %arg7[%add3A_100, %dma_start3A_107] : memref<80x128xi32, #tpu.memory_space<vmem>> -> memref<1x128xi32, #tpu.memory_space<vmem>>
        %dma_start3A_109 = tpu.memref_squeeze %dma_start3A_108 : memref<1x128xi32, #tpu.memory_space<vmem>> -> memref<128xi32, #tpu.memory_space<vmem>>
        %dma_start3A_110 = arith.constant 0 : i32
        %dma_start3A_111 = arith.constant 0 : i32
        %dma_start3A_112 = tpu.memref_slice %arg8[%dma_start3A_110, %dma_start3A_111] : memref<10112x64xbf16, #tpu.memory_space<vmem_shared>> -> memref<10112x64xbf16, #tpu.memory_space<vmem_shared>>
        tpu.enqueue_indirect_dma source(%arg10 : memref<128x64xbf16, #tpu.memory_space<vmem>>) target(%dma_start3A_112 : memref<10112x64xbf16, #tpu.memory_space<vmem_shared>>) offsets(%dma_start3A_109 : memref<128xi32, #tpu.memory_space<vmem>>) semaphore(%arg18 : memref<!tpu.dma_semaphore, #tpu.memory_space<semaphore_mem>>) {add = true}
        %mul3A_113 = arith.constant 4 : i32
        %mul3A_114 = arith.muli %mul3A_113, %scan3A_96 : i32
        %add3A_115 = arith.constant 1 : i32
        %add3A_116 = arith.addi %mul3A_114, %add3A_115 : i32
        %dma_wait3A_117 = arith.constant 0 : i32
        %dma_wait3A_118 = tpu.memref_slice %arg6[%add3A_116, %dma_wait3A_117] : memref<80x128xi32, #tpu.memory_space<vmem>> -> memref<1x128xi32, #tpu.memory_space<vmem>>
        %dma_wait3A_119 = tpu.memref_squeeze %dma_wait3A_118 : memref<1x128xi32, #tpu.memory_space<vmem>> -> memref<128xi32, #tpu.memory_space<vmem>>
        %dma_wait3A_120 = arith.constant 0 : i32
        %dma_wait3A_121 = arith.constant 0 : i32
        %dma_wait3A_122 = tpu.memref_slice %arg9[%dma_wait3A_120, %dma_wait3A_121] : memref<10112x64xbf16, #tpu.memory_space<vmem_shared>> -> memref<10112x64xbf16, #tpu.memory_space<vmem_shared>>
        tpu.wait_indirect_dma semaphore(%arg15 : memref<!tpu.dma_semaphore, #tpu.memory_space<semaphore_mem>>) src(%dma_wait3A_122 : memref<10112x64xbf16, #tpu.memory_space<vmem_shared>>) dst(%arg11 : memref<128x64xbf16, #tpu.memory_space<vmem>>)
        %dma_start3A_123 = arith.constant 0 : i32
        %dma_start3A_124 = tpu.memref_slice %arg7[%add3A_116, %dma_start3A_123] : memref<80x128xi32, #tpu.memory_space<vmem>> -> memref<1x128xi32, #tpu.memory_space<vmem>>
        %dma_start3A_125 = tpu.memref_squeeze %dma_start3A_124 : memref<1x128xi32, #tpu.memory_space<vmem>> -> memref<128xi32, #tpu.memory_space<vmem>>
        %dma_start3A_126 = arith.constant 0 : i32
        %dma_start3A_127 = arith.constant 0 : i32
        %dma_start3A_128 = tpu.memref_slice %arg8[%dma_start3A_126, %dma_start3A_127] : memref<10112x64xbf16, #tpu.memory_space<vmem_shared>> -> memref<10112x64xbf16, #tpu.memory_space<vmem_shared>>
        tpu.enqueue_indirect_dma source(%arg11 : memref<128x64xbf16, #tpu.memory_space<vmem>>) target(%dma_start3A_128 : memref<10112x64xbf16, #tpu.memory_space<vmem_shared>>) offsets(%dma_start3A_125 : memref<128xi32, #tpu.memory_space<vmem>>) semaphore(%arg19 : memref<!tpu.dma_semaphore, #tpu.memory_space<semaphore_mem>>) {add = true}
        %mul3A_129 = arith.constant 4 : i32
        %mul3A_130 = arith.muli %mul3A_129, %scan3A_96 : i32
        %add3A_131 = arith.constant 2 : i32
        %add3A_132 = arith.addi %mul3A_130, %add3A_131 : i32
        %dma_wait3A_133 = arith.constant 0 : i32
        %dma_wait3A_134 = tpu.memref_slice %arg6[%add3A_132, %dma_wait3A_133] : memref<80x128xi32, #tpu.memory_space<vmem>> -> memref<1x128xi32, #tpu.memory_space<vmem>>
        %dma_wait3A_135 = tpu.memref_squeeze %dma_wait3A_134 : memref<1x128xi32, #tpu.memory_space<vmem>> -> memref<128xi32, #tpu.memory_space<vmem>>
        %dma_wait3A_136 = arith.constant 0 : i32
        %dma_wait3A_137 = arith.constant 0 : i32
        %dma_wait3A_138 = tpu.memref_slice %arg9[%dma_wait3A_136, %dma_wait3A_137] : memref<10112x64xbf16, #tpu.memory_space<vmem_shared>> -> memref<10112x64xbf16, #tpu.memory_space<vmem_shared>>
        tpu.wait_indirect_dma semaphore(%arg16 : memref<!tpu.dma_semaphore, #tpu.memory_space<semaphore_mem>>) src(%dma_wait3A_138 : memref<10112x64xbf16, #tpu.memory_space<vmem_shared>>) dst(%arg12 : memref<128x64xbf16, #tpu.memory_space<vmem>>)
        %dma_start3A_139 = arith.constant 0 : i32
        %dma_start3A_140 = tpu.memref_slice %arg7[%add3A_132, %dma_start3A_139] : memref<80x128xi32, #tpu.memory_space<vmem>> -> memref<1x128xi32, #tpu.memory_space<vmem>>
        %dma_start3A_141 = tpu.memref_squeeze %dma_start3A_140 : memref<1x128xi32, #tpu.memory_space<vmem>> -> memref<128xi32, #tpu.memory_space<vmem>>
        %dma_start3A_142 = arith.constant 0 : i32
        %dma_start3A_143 = arith.constant 0 : i32
        %dma_start3A_144 = tpu.memref_slice %arg8[%dma_start3A_142, %dma_start3A_143] : memref<10112x64xbf16, #tpu.memory_space<vmem_shared>> -> memref<10112x64xbf16, #tpu.memory_space<vmem_shared>>
        tpu.enqueue_indirect_dma source(%arg12 : memref<128x64xbf16, #tpu.memory_space<vmem>>) target(%dma_start3A_144 : memref<10112x64xbf16, #tpu.memory_space<vmem_shared>>) offsets(%dma_start3A_141 : memref<128xi32, #tpu.memory_space<vmem>>) semaphore(%arg20 : memref<!tpu.dma_semaphore, #tpu.memory_space<semaphore_mem>>) {add = true}
        %mul3A_145 = arith.constant 4 : i32
        %mul3A_146 = arith.muli %mul3A_145, %scan3A_96 : i32
        %add3A_147 = arith.constant 3 : i32
        %add3A_148 = arith.addi %mul3A_146, %add3A_147 : i32
        %dma_wait3A_149 = arith.constant 0 : i32
        %dma_wait3A_150 = tpu.memref_slice %arg6[%add3A_148, %dma_wait3A_149] : memref<80x128xi32, #tpu.memory_space<vmem>> -> memref<1x128xi32, #tpu.memory_space<vmem>>
        %dma_wait3A_151 = tpu.memref_squeeze %dma_wait3A_150 : memref<1x128xi32, #tpu.memory_space<vmem>> -> memref<128xi32, #tpu.memory_space<vmem>>
        %dma_wait3A_152 = arith.constant 0 : i32
        %dma_wait3A_153 = arith.constant 0 : i32
        %dma_wait3A_154 = tpu.memref_slice %arg9[%dma_wait3A_152, %dma_wait3A_153] : memref<10112x64xbf16, #tpu.memory_space<vmem_shared>> -> memref<10112x64xbf16, #tpu.memory_space<vmem_shared>>
        tpu.wait_indirect_dma semaphore(%arg17 : memref<!tpu.dma_semaphore, #tpu.memory_space<semaphore_mem>>) src(%dma_wait3A_154 : memref<10112x64xbf16, #tpu.memory_space<vmem_shared>>) dst(%arg13 : memref<128x64xbf16, #tpu.memory_space<vmem>>)
        %dma_start3A_155 = arith.constant 0 : i32
        %dma_start3A_156 = tpu.memref_slice %arg7[%add3A_148, %dma_start3A_155] : memref<80x128xi32, #tpu.memory_space<vmem>> -> memref<1x128xi32, #tpu.memory_space<vmem>>
        %dma_start3A_157 = tpu.memref_squeeze %dma_start3A_156 : memref<1x128xi32, #tpu.memory_space<vmem>> -> memref<128xi32, #tpu.memory_space<vmem>>
        %dma_start3A_158 = arith.constant 0 : i32
        %dma_start3A_159 = arith.constant 0 : i32
        %dma_start3A_160 = tpu.memref_slice %arg8[%dma_start3A_158, %dma_start3A_159] : memref<10112x64xbf16, #tpu.memory_space<vmem_shared>> -> memref<10112x64xbf16, #tpu.memory_space<vmem_shared>>
        tpu.enqueue_indirect_dma source(%arg13 : memref<128x64xbf16, #tpu.memory_space<vmem>>) target(%dma_start3A_160 : memref<10112x64xbf16, #tpu.memory_space<vmem_shared>>) offsets(%dma_start3A_157 : memref<128xi32, #tpu.memory_space<vmem>>) semaphore(%arg21 : memref<!tpu.dma_semaphore, #tpu.memory_space<semaphore_mem>>) {add = true}
        %lt3A_161 = arith.constant 19 : i32
        %lt3A_162 = arith.cmpi slt, %scan3A_96, %lt3A_161 : i32
        %convert_element_type3A_163 = arith.extui %lt3A_162 : i1 to i32
        %cond3A_164 = arith.constant 0 : i32
        %cond3A_165 = arith.cmpi ne, %convert_element_type3A_163, %cond3A_164 : i32
        scf.if %cond3A_165 {
          %mul3A_166 = arith.constant 4 : i32
          %mul3A_167 = arith.muli %mul3A_166, %scan3A_96 : i32
          %add3A_168 = arith.constant 4 : i32
          %add3A_169 = arith.addi %mul3A_167, %add3A_168 : i32
          %add3A_170 = arith.constant 0 : i32
          %add3A_171 = arith.addi %add3A_169, %add3A_170 : i32
          %dma_wait3A_172 = arith.constant 0 : i32
          %dma_wait3A_173 = arith.constant 0 : i32
          %dma_wait3A_174 = tpu.memref_slice %arg7[%dma_wait3A_172, %dma_wait3A_173] : memref<80x128xi32, #tpu.memory_space<vmem>> -> memref<1x128xi32, #tpu.memory_space<vmem>>
          %dma_wait3A_175 = tpu.memref_squeeze %dma_wait3A_174 : memref<1x128xi32, #tpu.memory_space<vmem>> -> memref<128xi32, #tpu.memory_space<vmem>>
          %dma_wait3A_176 = arith.constant 0 : i32
          %dma_wait3A_177 = arith.constant 0 : i32
          %dma_wait3A_178 = tpu.memref_slice %arg8[%dma_wait3A_176, %dma_wait3A_177] : memref<10112x64xbf16, #tpu.memory_space<vmem_shared>> -> memref<10112x64xbf16, #tpu.memory_space<vmem_shared>>
          tpu.wait_indirect_dma semaphore(%arg18 : memref<!tpu.dma_semaphore, #tpu.memory_space<semaphore_mem>>) src(%arg10 : memref<128x64xbf16, #tpu.memory_space<vmem>>) dst(%dma_wait3A_178 : memref<10112x64xbf16, #tpu.memory_space<vmem_shared>>)
          %dma_start3A_179 = arith.constant 0 : i32
          %dma_start3A_180 = tpu.memref_slice %arg6[%add3A_171, %dma_start3A_179] : memref<80x128xi32, #tpu.memory_space<vmem>> -> memref<1x128xi32, #tpu.memory_space<vmem>>
          %dma_start3A_181 = tpu.memref_squeeze %dma_start3A_180 : memref<1x128xi32, #tpu.memory_space<vmem>> -> memref<128xi32, #tpu.memory_space<vmem>>
          %dma_start3A_182 = arith.constant 0 : i32
          %dma_start3A_183 = arith.constant 0 : i32
          %dma_start3A_184 = tpu.memref_slice %arg9[%dma_start3A_182, %dma_start3A_183] : memref<10112x64xbf16, #tpu.memory_space<vmem_shared>> -> memref<10112x64xbf16, #tpu.memory_space<vmem_shared>>
          tpu.enqueue_indirect_dma source(%dma_start3A_184 : memref<10112x64xbf16, #tpu.memory_space<vmem_shared>>) target(%arg10 : memref<128x64xbf16, #tpu.memory_space<vmem>>) offsets(%dma_start3A_181 : memref<128xi32, #tpu.memory_space<vmem>>) semaphore(%arg14 : memref<!tpu.dma_semaphore, #tpu.memory_space<semaphore_mem>>)
          %mul3A_185 = arith.constant 4 : i32
          %mul3A_186 = arith.muli %mul3A_185, %scan3A_96 : i32
          %add3A_187 = arith.constant 4 : i32
          %add3A_188 = arith.addi %mul3A_186, %add3A_187 : i32
          %add3A_189 = arith.constant 1 : i32
          %add3A_190 = arith.addi %add3A_188, %add3A_189 : i32
          %dma_wait3A_191 = arith.constant 0 : i32
          %dma_wait3A_192 = arith.constant 0 : i32
          %dma_wait3A_193 = tpu.memref_slice %arg7[%dma_wait3A_191, %dma_wait3A_192] : memref<80x128xi32, #tpu.memory_space<vmem>> -> memref<1x128xi32, #tpu.memory_space<vmem>>
          %dma_wait3A_194 = tpu.memref_squeeze %dma_wait3A_193 : memref<1x128xi32, #tpu.memory_space<vmem>> -> memref<128xi32, #tpu.memory_space<vmem>>
          %dma_wait3A_195 = arith.constant 0 : i32
          %dma_wait3A_196 = arith.constant 0 : i32
          %dma_wait3A_197 = tpu.memref_slice %arg8[%dma_wait3A_195, %dma_wait3A_196] : memref<10112x64xbf16, #tpu.memory_space<vmem_shared>> -> memref<10112x64xbf16, #tpu.memory_space<vmem_shared>>
          tpu.wait_indirect_dma semaphore(%arg19 : memref<!tpu.dma_semaphore, #tpu.memory_space<semaphore_mem>>) src(%arg11 : memref<128x64xbf16, #tpu.memory_space<vmem>>) dst(%dma_wait3A_197 : memref<10112x64xbf16, #tpu.memory_space<vmem_shared>>)
          %dma_start3A_198 = arith.constant 0 : i32
          %dma_start3A_199 = tpu.memref_slice %arg6[%add3A_190, %dma_start3A_198] : memref<80x128xi32, #tpu.memory_space<vmem>> -> memref<1x128xi32, #tpu.memory_space<vmem>>
          %dma_start3A_200 = tpu.memref_squeeze %dma_start3A_199 : memref<1x128xi32, #tpu.memory_space<vmem>> -> memref<128xi32, #tpu.memory_space<vmem>>
          %dma_start3A_201 = arith.constant 0 : i32
          %dma_start3A_202 = arith.constant 0 : i32
          %dma_start3A_203 = tpu.memref_slice %arg9[%dma_start3A_201, %dma_start3A_202] : memref<10112x64xbf16, #tpu.memory_space<vmem_shared>> -> memref<10112x64xbf16, #tpu.memory_space<vmem_shared>>
          tpu.enqueue_indirect_dma source(%dma_start3A_203 : memref<10112x64xbf16, #tpu.memory_space<vmem_shared>>) target(%arg11 : memref<128x64xbf16, #tpu.memory_space<vmem>>) offsets(%dma_start3A_200 : memref<128xi32, #tpu.memory_space<vmem>>) semaphore(%arg15 : memref<!tpu.dma_semaphore, #tpu.memory_space<semaphore_mem>>)
          %mul3A_204 = arith.constant 4 : i32
          %mul3A_205 = arith.muli %mul3A_204, %scan3A_96 : i32
          %add3A_206 = arith.constant 4 : i32
          %add3A_207 = arith.addi %mul3A_205, %add3A_206 : i32
          %add3A_208 = arith.constant 2 : i32
          %add3A_209 = arith.addi %add3A_207, %add3A_208 : i32
          %dma_wait3A_210 = arith.constant 0 : i32
          %dma_wait3A_211 = arith.constant 0 : i32
          %dma_wait3A_212 = tpu.memref_slice %arg7[%dma_wait3A_210, %dma_wait3A_211] : memref<80x128xi32, #tpu.memory_space<vmem>> -> memref<1x128xi32, #tpu.memory_space<vmem>>
          %dma_wait3A_213 = tpu.memref_squeeze %dma_wait3A_212 : memref<1x128xi32, #tpu.memory_space<vmem>> -> memref<128xi32, #tpu.memory_space<vmem>>
          %dma_wait3A_214 = arith.constant 0 : i32
          %dma_wait3A_215 = arith.constant 0 : i32
          %dma_wait3A_216 = tpu.memref_slice %arg8[%dma_wait3A_214, %dma_wait3A_215] : memref<10112x64xbf16, #tpu.memory_space<vmem_shared>> -> memref<10112x64xbf16, #tpu.memory_space<vmem_shared>>
          tpu.wait_indirect_dma semaphore(%arg20 : memref<!tpu.dma_semaphore, #tpu.memory_space<semaphore_mem>>) src(%arg12 : memref<128x64xbf16, #tpu.memory_space<vmem>>) dst(%dma_wait3A_216 : memref<10112x64xbf16, #tpu.memory_space<vmem_shared>>)
          %dma_start3A_217 = arith.constant 0 : i32
          %dma_start3A_218 = tpu.memref_slice %arg6[%add3A_209, %dma_start3A_217] : memref<80x128xi32, #tpu.memory_space<vmem>> -> memref<1x128xi32, #tpu.memory_space<vmem>>
          %dma_start3A_219 = tpu.memref_squeeze %dma_start3A_218 : memref<1x128xi32, #tpu.memory_space<vmem>> -> memref<128xi32, #tpu.memory_space<vmem>>
          %dma_start3A_220 = arith.constant 0 : i32
          %dma_start3A_221 = arith.constant 0 : i32
          %dma_start3A_222 = tpu.memref_slice %arg9[%dma_start3A_220, %dma_start3A_221] : memref<10112x64xbf16, #tpu.memory_space<vmem_shared>> -> memref<10112x64xbf16, #tpu.memory_space<vmem_shared>>
          tpu.enqueue_indirect_dma source(%dma_start3A_222 : memref<10112x64xbf16, #tpu.memory_space<vmem_shared>>) target(%arg12 : memref<128x64xbf16, #tpu.memory_space<vmem>>) offsets(%dma_start3A_219 : memref<128xi32, #tpu.memory_space<vmem>>) semaphore(%arg16 : memref<!tpu.dma_semaphore, #tpu.memory_space<semaphore_mem>>)
          %mul3A_223 = arith.constant 4 : i32
          %mul3A_224 = arith.muli %mul3A_223, %scan3A_96 : i32
          %add3A_225 = arith.constant 4 : i32
          %add3A_226 = arith.addi %mul3A_224, %add3A_225 : i32
          %add3A_227 = arith.constant 3 : i32
          %add3A_228 = arith.addi %add3A_226, %add3A_227 : i32
          %dma_wait3A_229 = arith.constant 0 : i32
          %dma_wait3A_230 = arith.constant 0 : i32
          %dma_wait3A_231 = tpu.memref_slice %arg7[%dma_wait3A_229, %dma_wait3A_230] : memref<80x128xi32, #tpu.memory_space<vmem>> -> memref<1x128xi32, #tpu.memory_space<vmem>>
          %dma_wait3A_232 = tpu.memref_squeeze %dma_wait3A_231 : memref<1x128xi32, #tpu.memory_space<vmem>> -> memref<128xi32, #tpu.memory_space<vmem>>
          %dma_wait3A_233 = arith.constant 0 : i32
          %dma_wait3A_234 = arith.constant 0 : i32
          %dma_wait3A_235 = tpu.memref_slice %arg8[%dma_wait3A_233, %dma_wait3A_234] : memref<10112x64xbf16, #tpu.memory_space<vmem_shared>> -> memref<10112x64xbf16, #tpu.memory_space<vmem_shared>>
          tpu.wait_indirect_dma semaphore(%arg21 : memref<!tpu.dma_semaphore, #tpu.memory_space<semaphore_mem>>) src(%arg13 : memref<128x64xbf16, #tpu.memory_space<vmem>>) dst(%dma_wait3A_235 : memref<10112x64xbf16, #tpu.memory_space<vmem_shared>>)
          %dma_start3A_236 = arith.constant 0 : i32
          %dma_start3A_237 = tpu.memref_slice %arg6[%add3A_228, %dma_start3A_236] : memref<80x128xi32, #tpu.memory_space<vmem>> -> memref<1x128xi32, #tpu.memory_space<vmem>>
          %dma_start3A_238 = tpu.memref_squeeze %dma_start3A_237 : memref<1x128xi32, #tpu.memory_space<vmem>> -> memref<128xi32, #tpu.memory_space<vmem>>
          %dma_start3A_239 = arith.constant 0 : i32
          %dma_start3A_240 = arith.constant 0 : i32
          %dma_start3A_241 = tpu.memref_slice %arg9[%dma_start3A_239, %dma_start3A_240] : memref<10112x64xbf16, #tpu.memory_space<vmem_shared>> -> memref<10112x64xbf16, #tpu.memory_space<vmem_shared>>
          tpu.enqueue_indirect_dma source(%dma_start3A_241 : memref<10112x64xbf16, #tpu.memory_space<vmem_shared>>) target(%arg13 : memref<128x64xbf16, #tpu.memory_space<vmem>>) offsets(%dma_start3A_238 : memref<128xi32, #tpu.memory_space<vmem>>) semaphore(%arg17 : memref<!tpu.dma_semaphore, #tpu.memory_space<semaphore_mem>>)
        } else {
        }
      }
      %scan3A_68 = arith.constant 20 : i32
      %dma_wait3A = arith.constant 0 : i32
      %dma_wait3A_69 = arith.constant 0 : i32
      %dma_wait3A_70 = tpu.memref_slice %arg7[%dma_wait3A, %dma_wait3A_69] : memref<80x128xi32, #tpu.memory_space<vmem>> -> memref<1x128xi32, #tpu.memory_space<vmem>>
      %dma_wait3A_71 = tpu.memref_squeeze %dma_wait3A_70 : memref<1x128xi32, #tpu.memory_space<vmem>> -> memref<128xi32, #tpu.memory_space<vmem>>
      %dma_wait3A_72 = arith.constant 0 : i32
      %dma_wait3A_73 = arith.constant 0 : i32
      %dma_wait3A_74 = tpu.memref_slice %arg8[%dma_wait3A_72, %dma_wait3A_73] : memref<10112x64xbf16, #tpu.memory_space<vmem_shared>> -> memref<10112x64xbf16, #tpu.memory_space<vmem_shared>>
      tpu.wait_indirect_dma semaphore(%arg18 : memref<!tpu.dma_semaphore, #tpu.memory_space<semaphore_mem>>) src(%arg10 : memref<128x64xbf16, #tpu.memory_space<vmem>>) dst(%dma_wait3A_74 : memref<10112x64xbf16, #tpu.memory_space<vmem_shared>>)
      %dma_wait3A_75 = arith.constant 0 : i32
      %dma_wait3A_76 = arith.constant 0 : i32
      %dma_wait3A_77 = tpu.memref_slice %arg7[%dma_wait3A_75, %dma_wait3A_76] : memref<80x128xi32, #tpu.memory_space<vmem>> -> memref<1x128xi32, #tpu.memory_space<vmem>>
      %dma_wait3A_78 = tpu.memref_squeeze %dma_wait3A_77 : memref<1x128xi32, #tpu.memory_space<vmem>> -> memref<128xi32, #tpu.memory_space<vmem>>
      %dma_wait3A_79 = arith.constant 0 : i32
      %dma_wait3A_80 = arith.constant 0 : i32
      %dma_wait3A_81 = tpu.memref_slice %arg8[%dma_wait3A_79, %dma_wait3A_80] : memref<10112x64xbf16, #tpu.memory_space<vmem_shared>> -> memref<10112x64xbf16, #tpu.memory_space<vmem_shared>>
      tpu.wait_indirect_dma semaphore(%arg19 : memref<!tpu.dma_semaphore, #tpu.memory_space<semaphore_mem>>) src(%arg10 : memref<128x64xbf16, #tpu.memory_space<vmem>>) dst(%dma_wait3A_81 : memref<10112x64xbf16, #tpu.memory_space<vmem_shared>>)
      %dma_wait3A_82 = arith.constant 0 : i32
      %dma_wait3A_83 = arith.constant 0 : i32
      %dma_wait3A_84 = tpu.memref_slice %arg7[%dma_wait3A_82, %dma_wait3A_83] : memref<80x128xi32, #tpu.memory_space<vmem>> -> memref<1x128xi32, #tpu.memory_space<vmem>>
      %dma_wait3A_85 = tpu.memref_squeeze %dma_wait3A_84 : memref<1x128xi32, #tpu.memory_space<vmem>> -> memref<128xi32, #tpu.memory_space<vmem>>
      %dma_wait3A_86 = arith.constant 0 : i32
      %dma_wait3A_87 = arith.constant 0 : i32
      %dma_wait3A_88 = tpu.memref_slice %arg8[%dma_wait3A_86, %dma_wait3A_87] : memref<10112x64xbf16, #tpu.memory_space<vmem_shared>> -> memref<10112x64xbf16, #tpu.memory_space<vmem_shared>>
      tpu.wait_indirect_dma semaphore(%arg20 : memref<!tpu.dma_semaphore, #tpu.memory_space<semaphore_mem>>) src(%arg10 : memref<128x64xbf16, #tpu.memory_space<vmem>>) dst(%dma_wait3A_88 : memref<10112x64xbf16, #tpu.memory_space<vmem_shared>>)
      %dma_wait3A_89 = arith.constant 0 : i32
      %dma_wait3A_90 = arith.constant 0 : i32
      %dma_wait3A_91 = tpu.memref_slice %arg7[%dma_wait3A_89, %dma_wait3A_90] : memref<80x128xi32, #tpu.memory_space<vmem>> -> memref<1x128xi32, #tpu.memory_space<vmem>>
      %dma_wait3A_92 = tpu.memref_squeeze %dma_wait3A_91 : memref<1x128xi32, #tpu.memory_space<vmem>> -> memref<128xi32, #tpu.memory_space<vmem>>
      %dma_wait3A_93 = arith.constant 0 : i32
      %dma_wait3A_94 = arith.constant 0 : i32
      %dma_wait3A_95 = tpu.memref_slice %arg8[%dma_wait3A_93, %dma_wait3A_94] : memref<10112x64xbf16, #tpu.memory_space<vmem_shared>> -> memref<10112x64xbf16, #tpu.memory_space<vmem_shared>>
      tpu.wait_indirect_dma semaphore(%arg21 : memref<!tpu.dma_semaphore, #tpu.memory_space<semaphore_mem>>) src(%arg10 : memref<128x64xbf16, #tpu.memory_space<vmem>>) dst(%dma_wait3A_95 : memref<10112x64xbf16, #tpu.memory_space<vmem_shared>>)
    } else {
    }
    %eq3A_26 = arith.constant 1 : i32
    %eq3A_27 = arith.cmpi eq, %arg0, %eq3A_26 : i32
    %convert_element_type3A_28 = arith.extui %eq3A_27 : i1 to i32
    %cond3A_29 = arith.constant 0 : i32
    %cond3A_30 = arith.cmpi ne, %convert_element_type3A_28, %cond3A_29 : i32
    scf.if %cond3A_30 {
      %mul3A_32 = arith.constant 80 : i32
      %mul3A_33 = arith.muli %arg1, %mul3A_32 : i32
      %add3A_34 = arith.constant 1280 : i32
      %add3A_35 = arith.addi %add3A_34, %mul3A_33 : i32
      %add3A_36 = arith.constant 0 : i32
      %add3A_37 = arith.addi %add3A_35, %add3A_36 : i32
      "tpu.region"() ({
        %run_scoped3A = tpu.sem_alloc : memref<!tpu.dma_semaphore, #tpu.memory_space<semaphore_mem>>
        %dma_start3A_98 = arith.constant 0 : i32
        %dma_start3A_99 = arith.constant 0 : i32
        %dma_start3A_100 = tpu.memref_slice %arg6[%dma_start3A_98, %dma_start3A_99] : memref<80x128xi32, #tpu.memory_space<vmem>> -> memref<80x128xi32, #tpu.memory_space<vmem>>
        %dma_start3A_101 = arith.constant 0 : i32
        %dma_start3A_102 = tpu.memref_slice %arg3[%add3A_37, %dma_start3A_101] : memref<2560x128xi32, #tpu.memory_space<hbm>> -> memref<80x128xi32, #tpu.memory_space<hbm>>
        %dma_start3A_103 = arith.constant 0 : i32
        %dma_start3A_104 = arith.constant 0 : i32
        %dma_start3A_105 = tpu.memref_slice %arg6[%dma_start3A_103, %dma_start3A_104] : memref<80x128xi32, #tpu.memory_space<vmem>> -> memref<80x128xi32, #tpu.memory_space<vmem>>
        %dma_start3A_106 = arith.constant 0 : i32
        %dma_start3A_107 = tpu.memref_slice %arg3[%add3A_37, %dma_start3A_106] : memref<2560x128xi32, #tpu.memory_space<hbm>> -> memref<80x128xi32, #tpu.memory_space<hbm>>
        tpu.enqueue_dma source(%dma_start3A_107 : memref<80x128xi32, #tpu.memory_space<hbm>>) target(%dma_start3A_105 : memref<80x128xi32, #tpu.memory_space<vmem>>) target_semaphore(%run_scoped3A : memref<!tpu.dma_semaphore, #tpu.memory_space<semaphore_mem>>)
        %dma_wait3A_108 = arith.constant 0 : i32
        %dma_wait3A_109 = arith.constant 0 : i32
        %dma_wait3A_110 = tpu.memref_slice %arg6[%dma_wait3A_108, %dma_wait3A_109] : memref<80x128xi32, #tpu.memory_space<vmem>> -> memref<80x128xi32, #tpu.memory_space<vmem>>
        %dma_wait3A_111 = arith.constant 0 : i32
        %dma_wait3A_112 = tpu.memref_slice %arg3[%add3A_37, %dma_wait3A_111] : memref<2560x128xi32, #tpu.memory_space<hbm>> -> memref<80x128xi32, #tpu.memory_space<hbm>>
        %dma_wait3A_113 = arith.constant 0 : i32
        %dma_wait3A_114 = arith.constant 0 : i32
        %dma_wait3A_115 = tpu.memref_slice %arg6[%dma_wait3A_113, %dma_wait3A_114] : memref<80x128xi32, #tpu.memory_space<vmem>> -> memref<80x128xi32, #tpu.memory_space<vmem>>
        %dma_wait3A_116 = arith.constant 0 : i32
        %dma_wait3A_117 = tpu.memref_slice %arg3[%add3A_37, %dma_wait3A_116] : memref<2560x128xi32, #tpu.memory_space<hbm>> -> memref<80x128xi32, #tpu.memory_space<hbm>>
        tpu.wait_dma2 semaphore(%run_scoped3A : memref<!tpu.dma_semaphore, #tpu.memory_space<semaphore_mem>>) src(%dma_wait3A_117 : memref<80x128xi32, #tpu.memory_space<hbm>>) dst(%dma_wait3A_115 : memref<80x128xi32, #tpu.memory_space<vmem>>)
        tpu.yield
      }) : () -> ()
      "tpu.region"() ({
        %run_scoped3A = tpu.sem_alloc : memref<!tpu.dma_semaphore, #tpu.memory_space<semaphore_mem>>
        %dma_start3A_98 = arith.constant 0 : i32
        %dma_start3A_99 = arith.constant 0 : i32
        %dma_start3A_100 = tpu.memref_slice %arg7[%dma_start3A_98, %dma_start3A_99] : memref<80x128xi32, #tpu.memory_space<vmem>> -> memref<80x128xi32, #tpu.memory_space<vmem>>
        %dma_start3A_101 = arith.constant 0 : i32
        %dma_start3A_102 = tpu.memref_slice %arg4[%add3A_37, %dma_start3A_101] : memref<2560x128xi32, #tpu.memory_space<hbm>> -> memref<80x128xi32, #tpu.memory_space<hbm>>
        %dma_start3A_103 = arith.constant 0 : i32
        %dma_start3A_104 = arith.constant 0 : i32
        %dma_start3A_105 = tpu.memref_slice %arg7[%dma_start3A_103, %dma_start3A_104] : memref<80x128xi32, #tpu.memory_space<vmem>> -> memref<80x128xi32, #tpu.memory_space<vmem>>
        %dma_start3A_106 = arith.constant 0 : i32
        %dma_start3A_107 = tpu.memref_slice %arg4[%add3A_37, %dma_start3A_106] : memref<2560x128xi32, #tpu.memory_space<hbm>> -> memref<80x128xi32, #tpu.memory_space<hbm>>
        tpu.enqueue_dma source(%dma_start3A_107 : memref<80x128xi32, #tpu.memory_space<hbm>>) target(%dma_start3A_105 : memref<80x128xi32, #tpu.memory_space<vmem>>) target_semaphore(%run_scoped3A : memref<!tpu.dma_semaphore, #tpu.memory_space<semaphore_mem>>)
        %dma_wait3A_108 = arith.constant 0 : i32
        %dma_wait3A_109 = arith.constant 0 : i32
        %dma_wait3A_110 = tpu.memref_slice %arg7[%dma_wait3A_108, %dma_wait3A_109] : memref<80x128xi32, #tpu.memory_space<vmem>> -> memref<80x128xi32, #tpu.memory_space<vmem>>
        %dma_wait3A_111 = arith.constant 0 : i32
        %dma_wait3A_112 = tpu.memref_slice %arg4[%add3A_37, %dma_wait3A_111] : memref<2560x128xi32, #tpu.memory_space<hbm>> -> memref<80x128xi32, #tpu.memory_space<hbm>>
        %dma_wait3A_113 = arith.constant 0 : i32
        %dma_wait3A_114 = arith.constant 0 : i32
        %dma_wait3A_115 = tpu.memref_slice %arg7[%dma_wait3A_113, %dma_wait3A_114] : memref<80x128xi32, #tpu.memory_space<vmem>> -> memref<80x128xi32, #tpu.memory_space<vmem>>
        %dma_wait3A_116 = arith.constant 0 : i32
        %dma_wait3A_117 = tpu.memref_slice %arg4[%add3A_37, %dma_wait3A_116] : memref<2560x128xi32, #tpu.memory_space<hbm>> -> memref<80x128xi32, #tpu.memory_space<hbm>>
        tpu.wait_dma2 semaphore(%run_scoped3A : memref<!tpu.dma_semaphore, #tpu.memory_space<semaphore_mem>>) src(%dma_wait3A_117 : memref<80x128xi32, #tpu.memory_space<hbm>>) dst(%dma_wait3A_115 : memref<80x128xi32, #tpu.memory_space<vmem>>)
        tpu.yield
      }) : () -> ()
      %dma_start3A = arith.constant 0 : i32
      %dma_start3A_38 = arith.constant 0 : i32
      %dma_start3A_39 = tpu.memref_slice %arg6[%dma_start3A, %dma_start3A_38] : memref<80x128xi32, #tpu.memory_space<vmem>> -> memref<1x128xi32, #tpu.memory_space<vmem>>
      %dma_start3A_40 = tpu.memref_squeeze %dma_start3A_39 : memref<1x128xi32, #tpu.memory_space<vmem>> -> memref<128xi32, #tpu.memory_space<vmem>>
      %dma_start3A_41 = arith.constant 0 : i32
      %dma_start3A_42 = arith.constant 0 : i32
      %dma_start3A_43 = tpu.memref_slice %arg9[%dma_start3A_41, %dma_start3A_42] : memref<10112x64xbf16, #tpu.memory_space<vmem_shared>> -> memref<10112x64xbf16, #tpu.memory_space<vmem_shared>>
      tpu.enqueue_indirect_dma source(%dma_start3A_43 : memref<10112x64xbf16, #tpu.memory_space<vmem_shared>>) target(%arg10 : memref<128x64xbf16, #tpu.memory_space<vmem>>) offsets(%dma_start3A_40 : memref<128xi32, #tpu.memory_space<vmem>>) semaphore(%arg14 : memref<!tpu.dma_semaphore, #tpu.memory_space<semaphore_mem>>)
      %dma_start3A_44 = arith.constant 1 : i32
      %dma_start3A_45 = arith.constant 0 : i32
      %dma_start3A_46 = tpu.memref_slice %arg6[%dma_start3A_44, %dma_start3A_45] : memref<80x128xi32, #tpu.memory_space<vmem>> -> memref<1x128xi32, #tpu.memory_space<vmem>>
      %dma_start3A_47 = tpu.memref_squeeze %dma_start3A_46 : memref<1x128xi32, #tpu.memory_space<vmem>> -> memref<128xi32, #tpu.memory_space<vmem>>
      %dma_start3A_48 = arith.constant 0 : i32
      %dma_start3A_49 = arith.constant 0 : i32
      %dma_start3A_50 = tpu.memref_slice %arg9[%dma_start3A_48, %dma_start3A_49] : memref<10112x64xbf16, #tpu.memory_space<vmem_shared>> -> memref<10112x64xbf16, #tpu.memory_space<vmem_shared>>
      tpu.enqueue_indirect_dma source(%dma_start3A_50 : memref<10112x64xbf16, #tpu.memory_space<vmem_shared>>) target(%arg11 : memref<128x64xbf16, #tpu.memory_space<vmem>>) offsets(%dma_start3A_47 : memref<128xi32, #tpu.memory_space<vmem>>) semaphore(%arg15 : memref<!tpu.dma_semaphore, #tpu.memory_space<semaphore_mem>>)
      %dma_start3A_51 = arith.constant 2 : i32
      %dma_start3A_52 = arith.constant 0 : i32
      %dma_start3A_53 = tpu.memref_slice %arg6[%dma_start3A_51, %dma_start3A_52] : memref<80x128xi32, #tpu.memory_space<vmem>> -> memref<1x128xi32, #tpu.memory_space<vmem>>
      %dma_start3A_54 = tpu.memref_squeeze %dma_start3A_53 : memref<1x128xi32, #tpu.memory_space<vmem>> -> memref<128xi32, #tpu.memory_space<vmem>>
      %dma_start3A_55 = arith.constant 0 : i32
      %dma_start3A_56 = arith.constant 0 : i32
      %dma_start3A_57 = tpu.memref_slice %arg9[%dma_start3A_55, %dma_start3A_56] : memref<10112x64xbf16, #tpu.memory_space<vmem_shared>> -> memref<10112x64xbf16, #tpu.memory_space<vmem_shared>>
      tpu.enqueue_indirect_dma source(%dma_start3A_57 : memref<10112x64xbf16, #tpu.memory_space<vmem_shared>>) target(%arg12 : memref<128x64xbf16, #tpu.memory_space<vmem>>) offsets(%dma_start3A_54 : memref<128xi32, #tpu.memory_space<vmem>>) semaphore(%arg16 : memref<!tpu.dma_semaphore, #tpu.memory_space<semaphore_mem>>)
      %dma_start3A_58 = arith.constant 3 : i32
      %dma_start3A_59 = arith.constant 0 : i32
      %dma_start3A_60 = tpu.memref_slice %arg6[%dma_start3A_58, %dma_start3A_59] : memref<80x128xi32, #tpu.memory_space<vmem>> -> memref<1x128xi32, #tpu.memory_space<vmem>>
      %dma_start3A_61 = tpu.memref_squeeze %dma_start3A_60 : memref<1x128xi32, #tpu.memory_space<vmem>> -> memref<128xi32, #tpu.memory_space<vmem>>
      %dma_start3A_62 = arith.constant 0 : i32
      %dma_start3A_63 = arith.constant 0 : i32
      %dma_start3A_64 = tpu.memref_slice %arg9[%dma_start3A_62, %dma_start3A_63] : memref<10112x64xbf16, #tpu.memory_space<vmem_shared>> -> memref<10112x64xbf16, #tpu.memory_space<vmem_shared>>
      tpu.enqueue_indirect_dma source(%dma_start3A_64 : memref<10112x64xbf16, #tpu.memory_space<vmem_shared>>) target(%arg13 : memref<128x64xbf16, #tpu.memory_space<vmem>>) offsets(%dma_start3A_61 : memref<128xi32, #tpu.memory_space<vmem>>) semaphore(%arg17 : memref<!tpu.dma_semaphore, #tpu.memory_space<semaphore_mem>>)
      %scan3A_65 = arith.constant 0 : i32
      %scan3A_66 = arith.constant 0 : i32
      %scan3A_67 = arith.constant 20 : i32
      %scan3A_68 = arith.addi %scan3A_66, %scan3A_67 : i32
      %scan3A_69 = arith.constant 1 : i32
      scf.for %scan3A_98 = %scan3A_66 to %scan3A_68 step %scan3A_69  : i32 {
        %mul3A_99 = arith.constant 4 : i32
        %mul3A_100 = arith.muli %mul3A_99, %scan3A_98 : i32
        %add3A_101 = arith.constant 0 : i32
        %add3A_102 = arith.addi %mul3A_100, %add3A_101 : i32
        %dma_wait3A_103 = arith.constant 0 : i32
        %dma_wait3A_104 = tpu.memref_slice %arg6[%add3A_102, %dma_wait3A_103] : memref<80x128xi32, #tpu.memory_space<vmem>> -> memref<1x128xi32, #tpu.memory_space<vmem>>
        %dma_wait3A_105 = tpu.memref_squeeze %dma_wait3A_104 : memref<1x128xi32, #tpu.memory_space<vmem>> -> memref<128xi32, #tpu.memory_space<vmem>>
        %dma_wait3A_106 = arith.constant 0 : i32
        %dma_wait3A_107 = arith.constant 0 : i32
        %dma_wait3A_108 = tpu.memref_slice %arg9[%dma_wait3A_106, %dma_wait3A_107] : memref<10112x64xbf16, #tpu.memory_space<vmem_shared>> -> memref<10112x64xbf16, #tpu.memory_space<vmem_shared>>
        tpu.wait_indirect_dma semaphore(%arg14 : memref<!tpu.dma_semaphore, #tpu.memory_space<semaphore_mem>>) src(%dma_wait3A_108 : memref<10112x64xbf16, #tpu.memory_space<vmem_shared>>) dst(%arg10 : memref<128x64xbf16, #tpu.memory_space<vmem>>)
        %dma_start3A_109 = arith.constant 0 : i32
        %dma_start3A_110 = tpu.memref_slice %arg7[%add3A_102, %dma_start3A_109] : memref<80x128xi32, #tpu.memory_space<vmem>> -> memref<1x128xi32, #tpu.memory_space<vmem>>
        %dma_start3A_111 = tpu.memref_squeeze %dma_start3A_110 : memref<1x128xi32, #tpu.memory_space<vmem>> -> memref<128xi32, #tpu.memory_space<vmem>>
        %dma_start3A_112 = arith.constant 0 : i32
        %dma_start3A_113 = arith.constant 0 : i32
        %dma_start3A_114 = tpu.memref_slice %arg8[%dma_start3A_112, %dma_start3A_113] : memref<10112x64xbf16, #tpu.memory_space<vmem_shared>> -> memref<10112x64xbf16, #tpu.memory_space<vmem_shared>>
        tpu.enqueue_indirect_dma source(%arg10 : memref<128x64xbf16, #tpu.memory_space<vmem>>) target(%dma_start3A_114 : memref<10112x64xbf16, #tpu.memory_space<vmem_shared>>) offsets(%dma_start3A_111 : memref<128xi32, #tpu.memory_space<vmem>>) semaphore(%arg18 : memref<!tpu.dma_semaphore, #tpu.memory_space<semaphore_mem>>) {add = true}
        %mul3A_115 = arith.constant 4 : i32
        %mul3A_116 = arith.muli %mul3A_115, %scan3A_98 : i32
        %add3A_117 = arith.constant 1 : i32
        %add3A_118 = arith.addi %mul3A_116, %add3A_117 : i32
        %dma_wait3A_119 = arith.constant 0 : i32
        %dma_wait3A_120 = tpu.memref_slice %arg6[%add3A_118, %dma_wait3A_119] : memref<80x128xi32, #tpu.memory_space<vmem>> -> memref<1x128xi32, #tpu.memory_space<vmem>>
        %dma_wait3A_121 = tpu.memref_squeeze %dma_wait3A_120 : memref<1x128xi32, #tpu.memory_space<vmem>> -> memref<128xi32, #tpu.memory_space<vmem>>
        %dma_wait3A_122 = arith.constant 0 : i32
        %dma_wait3A_123 = arith.constant 0 : i32
        %dma_wait3A_124 = tpu.memref_slice %arg9[%dma_wait3A_122, %dma_wait3A_123] : memref<10112x64xbf16, #tpu.memory_space<vmem_shared>> -> memref<10112x64xbf16, #tpu.memory_space<vmem_shared>>
        tpu.wait_indirect_dma semaphore(%arg15 : memref<!tpu.dma_semaphore, #tpu.memory_space<semaphore_mem>>) src(%dma_wait3A_124 : memref<10112x64xbf16, #tpu.memory_space<vmem_shared>>) dst(%arg11 : memref<128x64xbf16, #tpu.memory_space<vmem>>)
        %dma_start3A_125 = arith.constant 0 : i32
        %dma_start3A_126 = tpu.memref_slice %arg7[%add3A_118, %dma_start3A_125] : memref<80x128xi32, #tpu.memory_space<vmem>> -> memref<1x128xi32, #tpu.memory_space<vmem>>
        %dma_start3A_127 = tpu.memref_squeeze %dma_start3A_126 : memref<1x128xi32, #tpu.memory_space<vmem>> -> memref<128xi32, #tpu.memory_space<vmem>>
        %dma_start3A_128 = arith.constant 0 : i32
        %dma_start3A_129 = arith.constant 0 : i32
        %dma_start3A_130 = tpu.memref_slice %arg8[%dma_start3A_128, %dma_start3A_129] : memref<10112x64xbf16, #tpu.memory_space<vmem_shared>> -> memref<10112x64xbf16, #tpu.memory_space<vmem_shared>>
        tpu.enqueue_indirect_dma source(%arg11 : memref<128x64xbf16, #tpu.memory_space<vmem>>) target(%dma_start3A_130 : memref<10112x64xbf16, #tpu.memory_space<vmem_shared>>) offsets(%dma_start3A_127 : memref<128xi32, #tpu.memory_space<vmem>>) semaphore(%arg19 : memref<!tpu.dma_semaphore, #tpu.memory_space<semaphore_mem>>) {add = true}
        %mul3A_131 = arith.constant 4 : i32
        %mul3A_132 = arith.muli %mul3A_131, %scan3A_98 : i32
        %add3A_133 = arith.constant 2 : i32
        %add3A_134 = arith.addi %mul3A_132, %add3A_133 : i32
        %dma_wait3A_135 = arith.constant 0 : i32
        %dma_wait3A_136 = tpu.memref_slice %arg6[%add3A_134, %dma_wait3A_135] : memref<80x128xi32, #tpu.memory_space<vmem>> -> memref<1x128xi32, #tpu.memory_space<vmem>>
        %dma_wait3A_137 = tpu.memref_squeeze %dma_wait3A_136 : memref<1x128xi32, #tpu.memory_space<vmem>> -> memref<128xi32, #tpu.memory_space<vmem>>
        %dma_wait3A_138 = arith.constant 0 : i32
        %dma_wait3A_139 = arith.constant 0 : i32
        %dma_wait3A_140 = tpu.memref_slice %arg9[%dma_wait3A_138, %dma_wait3A_139] : memref<10112x64xbf16, #tpu.memory_space<vmem_shared>> -> memref<10112x64xbf16, #tpu.memory_space<vmem_shared>>
        tpu.wait_indirect_dma semaphore(%arg16 : memref<!tpu.dma_semaphore, #tpu.memory_space<semaphore_mem>>) src(%dma_wait3A_140 : memref<10112x64xbf16, #tpu.memory_space<vmem_shared>>) dst(%arg12 : memref<128x64xbf16, #tpu.memory_space<vmem>>)
        %dma_start3A_141 = arith.constant 0 : i32
        %dma_start3A_142 = tpu.memref_slice %arg7[%add3A_134, %dma_start3A_141] : memref<80x128xi32, #tpu.memory_space<vmem>> -> memref<1x128xi32, #tpu.memory_space<vmem>>
        %dma_start3A_143 = tpu.memref_squeeze %dma_start3A_142 : memref<1x128xi32, #tpu.memory_space<vmem>> -> memref<128xi32, #tpu.memory_space<vmem>>
        %dma_start3A_144 = arith.constant 0 : i32
        %dma_start3A_145 = arith.constant 0 : i32
        %dma_start3A_146 = tpu.memref_slice %arg8[%dma_start3A_144, %dma_start3A_145] : memref<10112x64xbf16, #tpu.memory_space<vmem_shared>> -> memref<10112x64xbf16, #tpu.memory_space<vmem_shared>>
        tpu.enqueue_indirect_dma source(%arg12 : memref<128x64xbf16, #tpu.memory_space<vmem>>) target(%dma_start3A_146 : memref<10112x64xbf16, #tpu.memory_space<vmem_shared>>) offsets(%dma_start3A_143 : memref<128xi32, #tpu.memory_space<vmem>>) semaphore(%arg20 : memref<!tpu.dma_semaphore, #tpu.memory_space<semaphore_mem>>) {add = true}
        %mul3A_147 = arith.constant 4 : i32
        %mul3A_148 = arith.muli %mul3A_147, %scan3A_98 : i32
        %add3A_149 = arith.constant 3 : i32
        %add3A_150 = arith.addi %mul3A_148, %add3A_149 : i32
        %dma_wait3A_151 = arith.constant 0 : i32
        %dma_wait3A_152 = tpu.memref_slice %arg6[%add3A_150, %dma_wait3A_151] : memref<80x128xi32, #tpu.memory_space<vmem>> -> memref<1x128xi32, #tpu.memory_space<vmem>>
        %dma_wait3A_153 = tpu.memref_squeeze %dma_wait3A_152 : memref<1x128xi32, #tpu.memory_space<vmem>> -> memref<128xi32, #tpu.memory_space<vmem>>
        %dma_wait3A_154 = arith.constant 0 : i32
        %dma_wait3A_155 = arith.constant 0 : i32
        %dma_wait3A_156 = tpu.memref_slice %arg9[%dma_wait3A_154, %dma_wait3A_155] : memref<10112x64xbf16, #tpu.memory_space<vmem_shared>> -> memref<10112x64xbf16, #tpu.memory_space<vmem_shared>>
        tpu.wait_indirect_dma semaphore(%arg17 : memref<!tpu.dma_semaphore, #tpu.memory_space<semaphore_mem>>) src(%dma_wait3A_156 : memref<10112x64xbf16, #tpu.memory_space<vmem_shared>>) dst(%arg13 : memref<128x64xbf16, #tpu.memory_space<vmem>>)
        %dma_start3A_157 = arith.constant 0 : i32
        %dma_start3A_158 = tpu.memref_slice %arg7[%add3A_150, %dma_start3A_157] : memref<80x128xi32, #tpu.memory_space<vmem>> -> memref<1x128xi32, #tpu.memory_space<vmem>>
        %dma_start3A_159 = tpu.memref_squeeze %dma_start3A_158 : memref<1x128xi32, #tpu.memory_space<vmem>> -> memref<128xi32, #tpu.memory_space<vmem>>
        %dma_start3A_160 = arith.constant 0 : i32
        %dma_start3A_161 = arith.constant 0 : i32
        %dma_start3A_162 = tpu.memref_slice %arg8[%dma_start3A_160, %dma_start3A_161] : memref<10112x64xbf16, #tpu.memory_space<vmem_shared>> -> memref<10112x64xbf16, #tpu.memory_space<vmem_shared>>
        tpu.enqueue_indirect_dma source(%arg13 : memref<128x64xbf16, #tpu.memory_space<vmem>>) target(%dma_start3A_162 : memref<10112x64xbf16, #tpu.memory_space<vmem_shared>>) offsets(%dma_start3A_159 : memref<128xi32, #tpu.memory_space<vmem>>) semaphore(%arg21 : memref<!tpu.dma_semaphore, #tpu.memory_space<semaphore_mem>>) {add = true}
        %lt3A_163 = arith.constant 19 : i32
        %lt3A_164 = arith.cmpi slt, %scan3A_98, %lt3A_163 : i32
        %convert_element_type3A_165 = arith.extui %lt3A_164 : i1 to i32
        %cond3A_166 = arith.constant 0 : i32
        %cond3A_167 = arith.cmpi ne, %convert_element_type3A_165, %cond3A_166 : i32
        scf.if %cond3A_167 {
          %mul3A_168 = arith.constant 4 : i32
          %mul3A_169 = arith.muli %mul3A_168, %scan3A_98 : i32
          %add3A_170 = arith.constant 4 : i32
          %add3A_171 = arith.addi %mul3A_169, %add3A_170 : i32
          %add3A_172 = arith.constant 0 : i32
          %add3A_173 = arith.addi %add3A_171, %add3A_172 : i32
          %dma_wait3A_174 = arith.constant 0 : i32
          %dma_wait3A_175 = arith.constant 0 : i32
          %dma_wait3A_176 = tpu.memref_slice %arg7[%dma_wait3A_174, %dma_wait3A_175] : memref<80x128xi32, #tpu.memory_space<vmem>> -> memref<1x128xi32, #tpu.memory_space<vmem>>
          %dma_wait3A_177 = tpu.memref_squeeze %dma_wait3A_176 : memref<1x128xi32, #tpu.memory_space<vmem>> -> memref<128xi32, #tpu.memory_space<vmem>>
          %dma_wait3A_178 = arith.constant 0 : i32
          %dma_wait3A_179 = arith.constant 0 : i32
          %dma_wait3A_180 = tpu.memref_slice %arg8[%dma_wait3A_178, %dma_wait3A_179] : memref<10112x64xbf16, #tpu.memory_space<vmem_shared>> -> memref<10112x64xbf16, #tpu.memory_space<vmem_shared>>
          tpu.wait_indirect_dma semaphore(%arg18 : memref<!tpu.dma_semaphore, #tpu.memory_space<semaphore_mem>>) src(%arg10 : memref<128x64xbf16, #tpu.memory_space<vmem>>) dst(%dma_wait3A_180 : memref<10112x64xbf16, #tpu.memory_space<vmem_shared>>)
          %dma_start3A_181 = arith.constant 0 : i32
          %dma_start3A_182 = tpu.memref_slice %arg6[%add3A_173, %dma_start3A_181] : memref<80x128xi32, #tpu.memory_space<vmem>> -> memref<1x128xi32, #tpu.memory_space<vmem>>
          %dma_start3A_183 = tpu.memref_squeeze %dma_start3A_182 : memref<1x128xi32, #tpu.memory_space<vmem>> -> memref<128xi32, #tpu.memory_space<vmem>>
          %dma_start3A_184 = arith.constant 0 : i32
          %dma_start3A_185 = arith.constant 0 : i32
          %dma_start3A_186 = tpu.memref_slice %arg9[%dma_start3A_184, %dma_start3A_185] : memref<10112x64xbf16, #tpu.memory_space<vmem_shared>> -> memref<10112x64xbf16, #tpu.memory_space<vmem_shared>>
          tpu.enqueue_indirect_dma source(%dma_start3A_186 : memref<10112x64xbf16, #tpu.memory_space<vmem_shared>>) target(%arg10 : memref<128x64xbf16, #tpu.memory_space<vmem>>) offsets(%dma_start3A_183 : memref<128xi32, #tpu.memory_space<vmem>>) semaphore(%arg14 : memref<!tpu.dma_semaphore, #tpu.memory_space<semaphore_mem>>)
          %mul3A_187 = arith.constant 4 : i32
          %mul3A_188 = arith.muli %mul3A_187, %scan3A_98 : i32
          %add3A_189 = arith.constant 4 : i32
          %add3A_190 = arith.addi %mul3A_188, %add3A_189 : i32
          %add3A_191 = arith.constant 1 : i32
          %add3A_192 = arith.addi %add3A_190, %add3A_191 : i32
          %dma_wait3A_193 = arith.constant 0 : i32
          %dma_wait3A_194 = arith.constant 0 : i32
          %dma_wait3A_195 = tpu.memref_slice %arg7[%dma_wait3A_193, %dma_wait3A_194] : memref<80x128xi32, #tpu.memory_space<vmem>> -> memref<1x128xi32, #tpu.memory_space<vmem>>
          %dma_wait3A_196 = tpu.memref_squeeze %dma_wait3A_195 : memref<1x128xi32, #tpu.memory_space<vmem>> -> memref<128xi32, #tpu.memory_space<vmem>>
          %dma_wait3A_197 = arith.constant 0 : i32
          %dma_wait3A_198 = arith.constant 0 : i32
          %dma_wait3A_199 = tpu.memref_slice %arg8[%dma_wait3A_197, %dma_wait3A_198] : memref<10112x64xbf16, #tpu.memory_space<vmem_shared>> -> memref<10112x64xbf16, #tpu.memory_space<vmem_shared>>
          tpu.wait_indirect_dma semaphore(%arg19 : memref<!tpu.dma_semaphore, #tpu.memory_space<semaphore_mem>>) src(%arg11 : memref<128x64xbf16, #tpu.memory_space<vmem>>) dst(%dma_wait3A_199 : memref<10112x64xbf16, #tpu.memory_space<vmem_shared>>)
          %dma_start3A_200 = arith.constant 0 : i32
          %dma_start3A_201 = tpu.memref_slice %arg6[%add3A_192, %dma_start3A_200] : memref<80x128xi32, #tpu.memory_space<vmem>> -> memref<1x128xi32, #tpu.memory_space<vmem>>
          %dma_start3A_202 = tpu.memref_squeeze %dma_start3A_201 : memref<1x128xi32, #tpu.memory_space<vmem>> -> memref<128xi32, #tpu.memory_space<vmem>>
          %dma_start3A_203 = arith.constant 0 : i32
          %dma_start3A_204 = arith.constant 0 : i32
          %dma_start3A_205 = tpu.memref_slice %arg9[%dma_start3A_203, %dma_start3A_204] : memref<10112x64xbf16, #tpu.memory_space<vmem_shared>> -> memref<10112x64xbf16, #tpu.memory_space<vmem_shared>>
          tpu.enqueue_indirect_dma source(%dma_start3A_205 : memref<10112x64xbf16, #tpu.memory_space<vmem_shared>>) target(%arg11 : memref<128x64xbf16, #tpu.memory_space<vmem>>) offsets(%dma_start3A_202 : memref<128xi32, #tpu.memory_space<vmem>>) semaphore(%arg15 : memref<!tpu.dma_semaphore, #tpu.memory_space<semaphore_mem>>)
          %mul3A_206 = arith.constant 4 : i32
          %mul3A_207 = arith.muli %mul3A_206, %scan3A_98 : i32
          %add3A_208 = arith.constant 4 : i32
          %add3A_209 = arith.addi %mul3A_207, %add3A_208 : i32
          %add3A_210 = arith.constant 2 : i32
          %add3A_211 = arith.addi %add3A_209, %add3A_210 : i32
          %dma_wait3A_212 = arith.constant 0 : i32
          %dma_wait3A_213 = arith.constant 0 : i32
          %dma_wait3A_214 = tpu.memref_slice %arg7[%dma_wait3A_212, %dma_wait3A_213] : memref<80x128xi32, #tpu.memory_space<vmem>> -> memref<1x128xi32, #tpu.memory_space<vmem>>
          %dma_wait3A_215 = tpu.memref_squeeze %dma_wait3A_214 : memref<1x128xi32, #tpu.memory_space<vmem>> -> memref<128xi32, #tpu.memory_space<vmem>>
          %dma_wait3A_216 = arith.constant 0 : i32
          %dma_wait3A_217 = arith.constant 0 : i32
          %dma_wait3A_218 = tpu.memref_slice %arg8[%dma_wait3A_216, %dma_wait3A_217] : memref<10112x64xbf16, #tpu.memory_space<vmem_shared>> -> memref<10112x64xbf16, #tpu.memory_space<vmem_shared>>
          tpu.wait_indirect_dma semaphore(%arg20 : memref<!tpu.dma_semaphore, #tpu.memory_space<semaphore_mem>>) src(%arg12 : memref<128x64xbf16, #tpu.memory_space<vmem>>) dst(%dma_wait3A_218 : memref<10112x64xbf16, #tpu.memory_space<vmem_shared>>)
          %dma_start3A_219 = arith.constant 0 : i32
          %dma_start3A_220 = tpu.memref_slice %arg6[%add3A_211, %dma_start3A_219] : memref<80x128xi32, #tpu.memory_space<vmem>> -> memref<1x128xi32, #tpu.memory_space<vmem>>
          %dma_start3A_221 = tpu.memref_squeeze %dma_start3A_220 : memref<1x128xi32, #tpu.memory_space<vmem>> -> memref<128xi32, #tpu.memory_space<vmem>>
          %dma_start3A_222 = arith.constant 0 : i32
          %dma_start3A_223 = arith.constant 0 : i32
          %dma_start3A_224 = tpu.memref_slice %arg9[%dma_start3A_222, %dma_start3A_223] : memref<10112x64xbf16, #tpu.memory_space<vmem_shared>> -> memref<10112x64xbf16, #tpu.memory_space<vmem_shared>>
          tpu.enqueue_indirect_dma source(%dma_start3A_224 : memref<10112x64xbf16, #tpu.memory_space<vmem_shared>>) target(%arg12 : memref<128x64xbf16, #tpu.memory_space<vmem>>) offsets(%dma_start3A_221 : memref<128xi32, #tpu.memory_space<vmem>>) semaphore(%arg16 : memref<!tpu.dma_semaphore, #tpu.memory_space<semaphore_mem>>)
          %mul3A_225 = arith.constant 4 : i32
          %mul3A_226 = arith.muli %mul3A_225, %scan3A_98 : i32
          %add3A_227 = arith.constant 4 : i32
          %add3A_228 = arith.addi %mul3A_226, %add3A_227 : i32
          %add3A_229 = arith.constant 3 : i32
          %add3A_230 = arith.addi %add3A_228, %add3A_229 : i32
          %dma_wait3A_231 = arith.constant 0 : i32
          %dma_wait3A_232 = arith.constant 0 : i32
          %dma_wait3A_233 = tpu.memref_slice %arg7[%dma_wait3A_231, %dma_wait3A_232] : memref<80x128xi32, #tpu.memory_space<vmem>> -> memref<1x128xi32, #tpu.memory_space<vmem>>
          %dma_wait3A_234 = tpu.memref_squeeze %dma_wait3A_233 : memref<1x128xi32, #tpu.memory_space<vmem>> -> memref<128xi32, #tpu.memory_space<vmem>>
          %dma_wait3A_235 = arith.constant 0 : i32
          %dma_wait3A_236 = arith.constant 0 : i32
          %dma_wait3A_237 = tpu.memref_slice %arg8[%dma_wait3A_235, %dma_wait3A_236] : memref<10112x64xbf16, #tpu.memory_space<vmem_shared>> -> memref<10112x64xbf16, #tpu.memory_space<vmem_shared>>
          tpu.wait_indirect_dma semaphore(%arg21 : memref<!tpu.dma_semaphore, #tpu.memory_space<semaphore_mem>>) src(%arg13 : memref<128x64xbf16, #tpu.memory_space<vmem>>) dst(%dma_wait3A_237 : memref<10112x64xbf16, #tpu.memory_space<vmem_shared>>)
          %dma_start3A_238 = arith.constant 0 : i32
          %dma_start3A_239 = tpu.memref_slice %arg6[%add3A_230, %dma_start3A_238] : memref<80x128xi32, #tpu.memory_space<vmem>> -> memref<1x128xi32, #tpu.memory_space<vmem>>
          %dma_start3A_240 = tpu.memref_squeeze %dma_start3A_239 : memref<1x128xi32, #tpu.memory_space<vmem>> -> memref<128xi32, #tpu.memory_space<vmem>>
          %dma_start3A_241 = arith.constant 0 : i32
          %dma_start3A_242 = arith.constant 0 : i32
          %dma_start3A_243 = tpu.memref_slice %arg9[%dma_start3A_241, %dma_start3A_242] : memref<10112x64xbf16, #tpu.memory_space<vmem_shared>> -> memref<10112x64xbf16, #tpu.memory_space<vmem_shared>>
          tpu.enqueue_indirect_dma source(%dma_start3A_243 : memref<10112x64xbf16, #tpu.memory_space<vmem_shared>>) target(%arg13 : memref<128x64xbf16, #tpu.memory_space<vmem>>) offsets(%dma_start3A_240 : memref<128xi32, #tpu.memory_space<vmem>>) semaphore(%arg17 : memref<!tpu.dma_semaphore, #tpu.memory_space<semaphore_mem>>)
        } else {
        }
      }
      %scan3A_70 = arith.constant 20 : i32
      %dma_wait3A = arith.constant 0 : i32
      %dma_wait3A_71 = arith.constant 0 : i32
      %dma_wait3A_72 = tpu.memref_slice %arg7[%dma_wait3A, %dma_wait3A_71] : memref<80x128xi32, #tpu.memory_space<vmem>> -> memref<1x128xi32, #tpu.memory_space<vmem>>
      %dma_wait3A_73 = tpu.memref_squeeze %dma_wait3A_72 : memref<1x128xi32, #tpu.memory_space<vmem>> -> memref<128xi32, #tpu.memory_space<vmem>>
      %dma_wait3A_74 = arith.constant 0 : i32
      %dma_wait3A_75 = arith.constant 0 : i32
      %dma_wait3A_76 = tpu.memref_slice %arg8[%dma_wait3A_74, %dma_wait3A_75] : memref<10112x64xbf16, #tpu.memory_space<vmem_shared>> -> memref<10112x64xbf16, #tpu.memory_space<vmem_shared>>
      tpu.wait_indirect_dma semaphore(%arg18 : memref<!tpu.dma_semaphore, #tpu.memory_space<semaphore_mem>>) src(%arg10 : memref<128x64xbf16, #tpu.memory_space<vmem>>) dst(%dma_wait3A_76 : memref<10112x64xbf16, #tpu.memory_space<vmem_shared>>)
      %dma_wait3A_77 = arith.constant 0 : i32
      %dma_wait3A_78 = arith.constant 0 : i32
      %dma_wait3A_79 = tpu.memref_slice %arg7[%dma_wait3A_77, %dma_wait3A_78] : memref<80x128xi32, #tpu.memory_space<vmem>> -> memref<1x128xi32, #tpu.memory_space<vmem>>
      %dma_wait3A_80 = tpu.memref_squeeze %dma_wait3A_79 : memref<1x128xi32, #tpu.memory_space<vmem>> -> memref<128xi32, #tpu.memory_space<vmem>>
      %dma_wait3A_81 = arith.constant 0 : i32
      %dma_wait3A_82 = arith.constant 0 : i32
      %dma_wait3A_83 = tpu.memref_slice %arg8[%dma_wait3A_81, %dma_wait3A_82] : memref<10112x64xbf16, #tpu.memory_space<vmem_shared>> -> memref<10112x64xbf16, #tpu.memory_space<vmem_shared>>
      tpu.wait_indirect_dma semaphore(%arg19 : memref<!tpu.dma_semaphore, #tpu.memory_space<semaphore_mem>>) src(%arg10 : memref<128x64xbf16, #tpu.memory_space<vmem>>) dst(%dma_wait3A_83 : memref<10112x64xbf16, #tpu.memory_space<vmem_shared>>)
      %dma_wait3A_84 = arith.constant 0 : i32
      %dma_wait3A_85 = arith.constant 0 : i32
      %dma_wait3A_86 = tpu.memref_slice %arg7[%dma_wait3A_84, %dma_wait3A_85] : memref<80x128xi32, #tpu.memory_space<vmem>> -> memref<1x128xi32, #tpu.memory_space<vmem>>
      %dma_wait3A_87 = tpu.memref_squeeze %dma_wait3A_86 : memref<1x128xi32, #tpu.memory_space<vmem>> -> memref<128xi32, #tpu.memory_space<vmem>>
      %dma_wait3A_88 = arith.constant 0 : i32
      %dma_wait3A_89 = arith.constant 0 : i32
      %dma_wait3A_90 = tpu.memref_slice %arg8[%dma_wait3A_88, %dma_wait3A_89] : memref<10112x64xbf16, #tpu.memory_space<vmem_shared>> -> memref<10112x64xbf16, #tpu.memory_space<vmem_shared>>
      tpu.wait_indirect_dma semaphore(%arg20 : memref<!tpu.dma_semaphore, #tpu.memory_space<semaphore_mem>>) src(%arg10 : memref<128x64xbf16, #tpu.memory_space<vmem>>) dst(%dma_wait3A_90 : memref<10112x64xbf16, #tpu.memory_space<vmem_shared>>)
      %dma_wait3A_91 = arith.constant 0 : i32
      %dma_wait3A_92 = arith.constant 0 : i32
      %dma_wait3A_93 = tpu.memref_slice %arg7[%dma_wait3A_91, %dma_wait3A_92] : memref<80x128xi32, #tpu.memory_space<vmem>> -> memref<1x128xi32, #tpu.memory_space<vmem>>
      %dma_wait3A_94 = tpu.memref_squeeze %dma_wait3A_93 : memref<1x128xi32, #tpu.memory_space<vmem>> -> memref<128xi32, #tpu.memory_space<vmem>>
      %dma_wait3A_95 = arith.constant 0 : i32
      %dma_wait3A_96 = arith.constant 0 : i32
      %dma_wait3A_97 = tpu.memref_slice %arg8[%dma_wait3A_95, %dma_wait3A_96] : memref<10112x64xbf16, #tpu.memory_space<vmem_shared>> -> memref<10112x64xbf16, #tpu.memory_space<vmem_shared>>
      tpu.wait_indirect_dma semaphore(%arg21 : memref<!tpu.dma_semaphore, #tpu.memory_space<semaphore_mem>>) src(%arg10 : memref<128x64xbf16, #tpu.memory_space<vmem>>) dst(%dma_wait3A_97 : memref<10112x64xbf16, #tpu.memory_space<vmem_shared>>)
    } else {
    }
    %barrier3A_31 = arith.constant 0 : index
    tpu.barrier barrier_id(%barrier3A_31)
    "tpu.region"() ({
      %run_scoped3A = tpu.sem_alloc : memref<!tpu.dma_semaphore, #tpu.memory_space<semaphore_mem>>
      %dma_start3A = arith.constant 0 : i32
      %dma_start3A_32 = tpu.memref_slice %arg5[%arg0, %mul3A_5, %dma_start3A] : memref<2x10112x64xbf16, #tpu.memory_space<hbm>> -> memref<1x632x64xbf16, #tpu.memory_space<hbm>>
      %dma_start3A_33 = tpu.memref_squeeze %dma_start3A_32 : memref<1x632x64xbf16, #tpu.memory_space<hbm>> -> memref<632x64xbf16, #tpu.memory_space<hbm>>
      %dma_start3A_34 = arith.constant 0 : i32
      %dma_start3A_35 = tpu.memref_slice %arg8[%mul3A_5, %dma_start3A_34] : memref<10112x64xbf16, #tpu.memory_space<vmem_shared>> -> memref<632x64xbf16, #tpu.memory_space<vmem_shared>>
      tpu.enqueue_dma source(%dma_start3A_35 : memref<632x64xbf16, #tpu.memory_space<vmem_shared>>) target(%dma_start3A_33 : memref<632x64xbf16, #tpu.memory_space<hbm>>) target_semaphore(%run_scoped3A : memref<!tpu.dma_semaphore, #tpu.memory_space<semaphore_mem>>)
      %dma_wait3A = arith.constant 0 : i32
      %dma_wait3A_36 = tpu.memref_slice %arg5[%arg0, %mul3A_5, %dma_wait3A] : memref<2x10112x64xbf16, #tpu.memory_space<hbm>> -> memref<1x632x64xbf16, #tpu.memory_space<hbm>>
      %dma_wait3A_37 = tpu.memref_squeeze %dma_wait3A_36 : memref<1x632x64xbf16, #tpu.memory_space<hbm>> -> memref<632x64xbf16, #tpu.memory_space<hbm>>
      %dma_wait3A_38 = arith.constant 0 : i32
      %dma_wait3A_39 = tpu.memref_slice %arg8[%mul3A_5, %dma_wait3A_38] : memref<10112x64xbf16, #tpu.memory_space<vmem_shared>> -> memref<632x64xbf16, #tpu.memory_space<vmem_shared>>
      tpu.wait_dma2 semaphore(%run_scoped3A : memref<!tpu.dma_semaphore, #tpu.memory_space<semaphore_mem>>) src(%dma_wait3A_39 : memref<632x64xbf16, #tpu.memory_space<vmem_shared>>) dst(%dma_wait3A_37 : memref<632x64xbf16, #tpu.memory_space<hbm>>)
      tpu.yield
    }) : () -> ()
    return
  }
}

module attributes {stable_mosaic.version = 14 : i64} {
  func.func @body(%arg0: i32, %arg1: memref<2x2000x16xf32, #tpu.memory_space<vmem>>, %arg2: memref<2000x128xf32, #tpu.memory_space<vmem>>, %arg3: memref<128x128xf32, #tpu.memory_space<vmem>>, %arg4: memref<2000x16xf32, #tpu.memory_space<vmem>>, %arg5: memref<2000x128xbf16, #tpu.memory_space<vmem>>) attributes {dimension_semantics = [#tpu.dimension_semantics<arbitrary>], iteration_bounds = array<i64: 5>, scalar_prefetch = 0 : i64, scratch_operands = 0 : i64, tpu.core_type = #tpu.core_type<tc>, window_params = [{transform_indices = @transform_0, window_bounds = array<i64: 2, 2000, 16>}, {transform_indices = @transform_1, window_bounds = array<i64: 2000, 128>}, {pipeline_mode = #tpu.pipeline_mode<synchronous>, transform_indices = @transform_2, window_bounds = array<i64: 128, 128>}, {transform_indices = @transform_3, window_bounds = array<i64: 2000, 16>}, {transform_indices = @transform_4, window_bounds = array<i64: 2000, 128>}]} {
    %get3A = arith.constant 0 : index
    %get3A_0 = arith.constant 0 : index
    %get3A_1 = arith.constant 0 : index
    %get3A_2 = vector.load %arg1[%get3A, %get3A_0, %get3A_1] : memref<2x2000x16xf32, #tpu.memory_space<vmem>>, vector<1x2000x16xf32>
    %get3A_3 = vector.shape_cast %get3A_2 : vector<1x2000x16xf32> to vector<2000x16xf32>
    %get3A_4 = arith.constant 1 : index
    %get3A_5 = arith.constant 0 : index
    %get3A_6 = arith.constant 0 : index
    %get3A_7 = vector.load %arg1[%get3A_4, %get3A_5, %get3A_6] : memref<2x2000x16xf32, #tpu.memory_space<vmem>>, vector<1x2000x16xf32>
    %get3A_8 = vector.shape_cast %get3A_7 : vector<1x2000x16xf32> to vector<2000x16xf32>
    %add3A = arith.addf %get3A_3, %get3A_8 : vector<2000x16xf32>
    %add3A_9 = arith.constant 1.000000e+00 : f32
    %add3A_10 = vector.broadcast %add3A_9 : f32 to vector<2000x16xf32>
    %add3A_11 = arith.addf %add3A, %add3A_10 : vector<2000x16xf32>
    %rsqrt3A = math.rsqrt %add3A_11 : vector<2000x16xf32>
    %swap3A = arith.constant 0 : index
    %swap3A_12 = arith.constant 0 : index
    %swap3A_13 = vector.load %arg4[%swap3A, %swap3A_12] : memref<2000x16xf32, #tpu.memory_space<vmem>>, vector<2000x16xf32>
    tpu.vector_store %arg4[%swap3A, %swap3A_12], %rsqrt3A {strides = array<i32>} : memref<2000x16xf32, #tpu.memory_space<vmem>>, vector<2000x16xf32>,
    %get3A_14 = arith.constant 0 : index
    %get3A_15 = arith.constant 0 : index
    %get3A_16 = vector.load %arg2[%get3A_14, %get3A_15] : memref<2000x128xf32, #tpu.memory_space<vmem>>, vector<2000x128xf32>
    %get3A_17 = arith.constant 0 : index
    %get3A_18 = arith.constant 0 : index
    %get3A_19 = vector.load %arg3[%get3A_17, %get3A_18] : memref<128x128xf32, #tpu.memory_space<vmem>>, vector<128x128xf32>
    %dot_general3A = arith.constant dense<0.000000e+00> : vector<2000x128xf32>
    %dot_general3A_20 = tpu.matmul %get3A_16, %get3A_19, %dot_general3A {dimension_numbers = #tpu.dot_dimension_numbers<[1], [0], [0], [1], [0, 0, 1, 1], [], []>, transpose_lhs_hint = false} : vector<2000x128xf32>, vector<128x128xf32>, vector<2000x128xf32> -> vector<2000x128xf32>
    %slice3A = vector.extract_strided_slice %rsqrt3A {offsets = [0, 0], sizes = [2000, 1], strides = [1, 1]} : vector<2000x16xf32> to vector<2000x1xf32>
    %mul3A = vector.broadcast %slice3A : vector<2000x1xf32> to vector<2000x128xf32>
    %mul3A_21 = arith.mulf %dot_general3A_20, %mul3A : vector<2000x128xf32>
    %convert_element_type3A = arith.truncf %mul3A_21 : vector<2000x128xf32> to vector<2000x128xbf16>
    %swap3A_22 = arith.constant 0 : index
    %swap3A_23 = arith.constant 0 : index
    %swap3A_24 = vector.load %arg5[%swap3A_22, %swap3A_23] : memref<2000x128xbf16, #tpu.memory_space<vmem>>, vector<2000x128xbf16>
    tpu.vector_store %arg5[%swap3A_22, %swap3A_23], %convert_element_type3A {strides = array<i32>} : memref<2000x128xbf16, #tpu.memory_space<vmem>>, vector<2000x128xbf16>,
    return
  }
  func.func @transform_0(%arg0: i32) -> (i32, i32, i32) {
    %c0_i32 = arith.constant 0 : i32
    %c0_i32_0 = arith.constant 0 : i32
    %c0_i32_1 = arith.constant 0 : i32
    return %c0_i32, %arg0, %c0_i32_0 : i32, i32, i32
  }
  func.func @transform_1(%arg0: i32) -> (i32, i32) {
    %c0_i32 = arith.constant 0 : i32
    %c0_i32_0 = arith.constant 0 : i32
    return %arg0, %c0_i32 : i32, i32
  }
  func.func @transform_2(%arg0: i32) -> (i32, i32) {
    %c0_i32 = arith.constant 0 : i32
    %c0_i32_0 = arith.constant 0 : i32
    %c0_i32_1 = arith.constant 0 : i32
    return %c0_i32, %c0_i32_0 : i32, i32
  }
  func.func @transform_3(%arg0: i32) -> (i32, i32) {
    %c0_i32 = arith.constant 0 : i32
    %c0_i32_0 = arith.constant 0 : i32
    return %arg0, %c0_i32 : i32, i32
  }
  func.func @transform_4(%arg0: i32) -> (i32, i32) {
    %c0_i32 = arith.constant 0 : i32
    %c0_i32_0 = arith.constant 0 : i32
    return %arg0, %c0_i32 : i32, i32
  }
}

module attributes {stable_mosaic.version = 14 : i64} {
  func.func @body(%arg0: i32, %arg1: memref<2x2000x128xbf16, #tpu.memory_space<vmem>>, %arg2: memref<2000x128xbf16, #tpu.memory_space<vmem>>, %arg3: memref<2000x16xf32, #tpu.memory_space<vmem>>, %arg4: memref<1x128xf32, #tpu.memory_space<vmem>>, %arg5: memref<128x64xf32, #tpu.memory_space<vmem>>, %arg6: memref<2000x64xbf16, #tpu.memory_space<vmem>>) attributes {dimension_semantics = [#tpu.dimension_semantics<arbitrary>], iteration_bounds = array<i64: 5>, scalar_prefetch = 0 : i64, scratch_operands = 0 : i64, tpu.core_type = #tpu.core_type<tc>, window_params = [{transform_indices = @transform_0, window_bounds = array<i64: 2, 2000, 128>}, {transform_indices = @transform_1, window_bounds = array<i64: 2000, 128>}, {transform_indices = @transform_2, window_bounds = array<i64: 2000, 16>}, {pipeline_mode = #tpu.pipeline_mode<synchronous>, transform_indices = @transform_3, window_bounds = array<i64: 1, 128>}, {pipeline_mode = #tpu.pipeline_mode<synchronous>, transform_indices = @transform_4, window_bounds = array<i64: 128, 64>}, {transform_indices = @transform_5, window_bounds = array<i64: 2000, 64>}]} {
    %get3A = arith.constant 0 : index
    %get3A_0 = arith.constant 0 : index
    %get3A_1 = vector.load %arg3[%get3A, %get3A_0] : memref<2000x16xf32, #tpu.memory_space<vmem>>, vector<2000x16xf32>
    %slice3A = vector.extract_strided_slice %get3A_1 {offsets = [0, 0], sizes = [2000, 1], strides = [1, 1]} : vector<2000x16xf32> to vector<2000x1xf32>
    %get3A_2 = arith.constant 0 : index
    %get3A_3 = arith.constant 0 : index
    %get3A_4 = arith.constant 0 : index
    %get3A_5 = vector.load %arg1[%get3A_2, %get3A_3, %get3A_4] : memref<2x2000x128xbf16, #tpu.memory_space<vmem>>, vector<1x2000x128xbf16>
    %get3A_6 = vector.shape_cast %get3A_5 : vector<1x2000x128xbf16> to vector<2000x128xbf16>
    %convert_element_type3A = arith.extf %get3A_6 : vector<2000x128xbf16> to vector<2000x128xf32>
    %get3A_7 = arith.constant 1 : index
    %get3A_8 = arith.constant 0 : index
    %get3A_9 = arith.constant 0 : index
    %get3A_10 = vector.load %arg1[%get3A_7, %get3A_8, %get3A_9] : memref<2x2000x128xbf16, #tpu.memory_space<vmem>>, vector<1x2000x128xbf16>
    %get3A_11 = vector.shape_cast %get3A_10 : vector<1x2000x128xbf16> to vector<2000x128xbf16>
    %convert_element_type3A_12 = arith.extf %get3A_11 : vector<2000x128xbf16> to vector<2000x128xf32>
    %add3A = arith.addf %convert_element_type3A, %convert_element_type3A_12 : vector<2000x128xf32>
    %get3A_13 = arith.constant 0 : index
    %get3A_14 = arith.constant 0 : index
    %get3A_15 = vector.load %arg2[%get3A_13, %get3A_14] : memref<2000x128xbf16, #tpu.memory_space<vmem>>, vector<2000x128xbf16>
    %convert_element_type3A_16 = arith.extf %get3A_15 : vector<2000x128xbf16> to vector<2000x128xf32>
    %add3A_17 = arith.addf %add3A, %convert_element_type3A_16 : vector<2000x128xf32>
    %mul3A = vector.broadcast %slice3A : vector<2000x1xf32> to vector<2000x128xf32>
    %mul3A_18 = arith.mulf %mul3A, %add3A_17 : vector<2000x128xf32>
    %get3A_19 = arith.constant 0 : index
    %get3A_20 = arith.constant 0 : index
    %get3A_21 = vector.load %arg4[%get3A_19, %get3A_20] : memref<1x128xf32, #tpu.memory_space<vmem>>, vector<1x128xf32>
    %add3A_22 = vector.broadcast %get3A_21 : vector<1x128xf32> to vector<2000x128xf32>
    %add3A_23 = arith.addf %mul3A_18, %add3A_22 : vector<2000x128xf32>
    %max3A = arith.constant 0.000000e+00 : f32
    %max3A_24 = vector.broadcast %max3A : f32 to vector<2000x128xf32>
    %max3A_25 = arith.maximumf %add3A_23, %max3A_24 : vector<2000x128xf32>
    %get3A_26 = arith.constant 0 : index
    %get3A_27 = arith.constant 0 : index
    %get3A_28 = vector.load %arg5[%get3A_26, %get3A_27] : memref<128x64xf32, #tpu.memory_space<vmem>>, vector<128x64xf32>
    %dot_general3A = arith.constant dense<0.000000e+00> : vector<2000x64xf32>
    %dot_general3A_29 = tpu.matmul %max3A_25, %get3A_28, %dot_general3A {dimension_numbers = #tpu.dot_dimension_numbers<[1], [0], [0], [1], [0, 0, 1, 1], [], []>, transpose_lhs_hint = false} : vector<2000x128xf32>, vector<128x64xf32>, vector<2000x64xf32> -> vector<2000x64xf32>
    %mul3A_30 = vector.broadcast %slice3A : vector<2000x1xf32> to vector<2000x64xf32>
    %mul3A_31 = arith.mulf %mul3A_30, %dot_general3A_29 : vector<2000x64xf32>
    %convert_element_type3A_32 = arith.truncf %mul3A_31 : vector<2000x64xf32> to vector<2000x64xbf16>
    %swap3A = arith.constant 0 : index
    %swap3A_33 = arith.constant 0 : index
    %swap3A_34 = vector.load %arg6[%swap3A, %swap3A_33] : memref<2000x64xbf16, #tpu.memory_space<vmem>>, vector<2000x64xbf16>
    tpu.vector_store %arg6[%swap3A, %swap3A_33], %convert_element_type3A_32 {strides = array<i32>} : memref<2000x64xbf16, #tpu.memory_space<vmem>>, vector<2000x64xbf16>,
    return
  }
  func.func @transform_0(%arg0: i32) -> (i32, i32, i32) {
    %c0_i32 = arith.constant 0 : i32
    %c0_i32_0 = arith.constant 0 : i32
    %c0_i32_1 = arith.constant 0 : i32
    return %c0_i32, %arg0, %c0_i32_0 : i32, i32, i32
  }
  func.func @transform_1(%arg0: i32) -> (i32, i32) {
    %c0_i32 = arith.constant 0 : i32
    %c0_i32_0 = arith.constant 0 : i32
    return %arg0, %c0_i32 : i32, i32
  }
  func.func @transform_2(%arg0: i32) -> (i32, i32) {
    %c0_i32 = arith.constant 0 : i32
    %c0_i32_0 = arith.constant 0 : i32
    return %arg0, %c0_i32 : i32, i32
  }
  func.func @transform_3(%arg0: i32) -> (i32, i32) {
    %c0_i32 = arith.constant 0 : i32
    %c0_i32_0 = arith.constant 0 : i32
    %c0_i32_1 = arith.constant 0 : i32
    return %c0_i32, %c0_i32_0 : i32, i32
  }
  func.func @transform_4(%arg0: i32) -> (i32, i32) {
    %c0_i32 = arith.constant 0 : i32
    %c0_i32_0 = arith.constant 0 : i32
    %c0_i32_1 = arith.constant 0 : i32
    return %c0_i32, %c0_i32_0 : i32, i32
  }
  func.func @transform_5(%arg0: i32) -> (i32, i32) {
    %c0_i32 = arith.constant 0 : i32
    %c0_i32_0 = arith.constant 0 : i32
    return %arg0, %c0_i32 : i32, i32
  }
}

module attributes {stable_mosaic.version = 14 : i64} {
  func.func @body(%arg0: i32, %arg1: memref<2x2000x64xbf16, #tpu.memory_space<vmem>>, %arg2: memref<2000x64xbf16, #tpu.memory_space<vmem>>, %arg3: memref<2000x16xf32, #tpu.memory_space<vmem>>, %arg4: memref<1x64xf32, #tpu.memory_space<vmem>>, %arg5: memref<64x32xf32, #tpu.memory_space<vmem>>, %arg6: memref<2000x32xbf16, #tpu.memory_space<vmem>>) attributes {dimension_semantics = [#tpu.dimension_semantics<arbitrary>], iteration_bounds = array<i64: 5>, scalar_prefetch = 0 : i64, scratch_operands = 0 : i64, tpu.core_type = #tpu.core_type<tc>, window_params = [{transform_indices = @transform_0, window_bounds = array<i64: 2, 2000, 64>}, {transform_indices = @transform_1, window_bounds = array<i64: 2000, 64>}, {transform_indices = @transform_2, window_bounds = array<i64: 2000, 16>}, {pipeline_mode = #tpu.pipeline_mode<synchronous>, transform_indices = @transform_3, window_bounds = array<i64: 1, 64>}, {pipeline_mode = #tpu.pipeline_mode<synchronous>, transform_indices = @transform_4, window_bounds = array<i64: 64, 32>}, {transform_indices = @transform_5, window_bounds = array<i64: 2000, 32>}]} {
    %get3A = arith.constant 0 : index
    %get3A_0 = arith.constant 0 : index
    %get3A_1 = vector.load %arg3[%get3A, %get3A_0] : memref<2000x16xf32, #tpu.memory_space<vmem>>, vector<2000x16xf32>
    %slice3A = vector.extract_strided_slice %get3A_1 {offsets = [0, 0], sizes = [2000, 1], strides = [1, 1]} : vector<2000x16xf32> to vector<2000x1xf32>
    %get3A_2 = arith.constant 0 : index
    %get3A_3 = arith.constant 0 : index
    %get3A_4 = arith.constant 0 : index
    %get3A_5 = vector.load %arg1[%get3A_2, %get3A_3, %get3A_4] : memref<2x2000x64xbf16, #tpu.memory_space<vmem>>, vector<1x2000x64xbf16>
    %get3A_6 = vector.shape_cast %get3A_5 : vector<1x2000x64xbf16> to vector<2000x64xbf16>
    %convert_element_type3A = arith.extf %get3A_6 : vector<2000x64xbf16> to vector<2000x64xf32>
    %get3A_7 = arith.constant 1 : index
    %get3A_8 = arith.constant 0 : index
    %get3A_9 = arith.constant 0 : index
    %get3A_10 = vector.load %arg1[%get3A_7, %get3A_8, %get3A_9] : memref<2x2000x64xbf16, #tpu.memory_space<vmem>>, vector<1x2000x64xbf16>
    %get3A_11 = vector.shape_cast %get3A_10 : vector<1x2000x64xbf16> to vector<2000x64xbf16>
    %convert_element_type3A_12 = arith.extf %get3A_11 : vector<2000x64xbf16> to vector<2000x64xf32>
    %add3A = arith.addf %convert_element_type3A, %convert_element_type3A_12 : vector<2000x64xf32>
    %get3A_13 = arith.constant 0 : index
    %get3A_14 = arith.constant 0 : index
    %get3A_15 = vector.load %arg2[%get3A_13, %get3A_14] : memref<2000x64xbf16, #tpu.memory_space<vmem>>, vector<2000x64xbf16>
    %convert_element_type3A_16 = arith.extf %get3A_15 : vector<2000x64xbf16> to vector<2000x64xf32>
    %add3A_17 = arith.addf %add3A, %convert_element_type3A_16 : vector<2000x64xf32>
    %mul3A = vector.broadcast %slice3A : vector<2000x1xf32> to vector<2000x64xf32>
    %mul3A_18 = arith.mulf %mul3A, %add3A_17 : vector<2000x64xf32>
    %get3A_19 = arith.constant 0 : index
    %get3A_20 = arith.constant 0 : index
    %get3A_21 = vector.load %arg4[%get3A_19, %get3A_20] : memref<1x64xf32, #tpu.memory_space<vmem>>, vector<1x64xf32>
    %add3A_22 = vector.broadcast %get3A_21 : vector<1x64xf32> to vector<2000x64xf32>
    %add3A_23 = arith.addf %mul3A_18, %add3A_22 : vector<2000x64xf32>
    %max3A = arith.constant 0.000000e+00 : f32
    %max3A_24 = vector.broadcast %max3A : f32 to vector<2000x64xf32>
    %max3A_25 = arith.maximumf %add3A_23, %max3A_24 : vector<2000x64xf32>
    %get3A_26 = arith.constant 0 : index
    %get3A_27 = arith.constant 0 : index
    %get3A_28 = vector.load %arg5[%get3A_26, %get3A_27] : memref<64x32xf32, #tpu.memory_space<vmem>>, vector<64x32xf32>
    %dot_general3A = arith.constant dense<0.000000e+00> : vector<2000x32xf32>
    %dot_general3A_29 = tpu.matmul %max3A_25, %get3A_28, %dot_general3A {dimension_numbers = #tpu.dot_dimension_numbers<[1], [0], [0], [1], [0, 0, 1, 1], [], []>, transpose_lhs_hint = false} : vector<2000x64xf32>, vector<64x32xf32>, vector<2000x32xf32> -> vector<2000x32xf32>
    %mul3A_30 = vector.broadcast %slice3A : vector<2000x1xf32> to vector<2000x32xf32>
    %mul3A_31 = arith.mulf %mul3A_30, %dot_general3A_29 : vector<2000x32xf32>
    %convert_element_type3A_32 = arith.truncf %mul3A_31 : vector<2000x32xf32> to vector<2000x32xbf16>
    %swap3A = arith.constant 0 : index
    %swap3A_33 = arith.constant 0 : index
    %swap3A_34 = vector.load %arg6[%swap3A, %swap3A_33] : memref<2000x32xbf16, #tpu.memory_space<vmem>>, vector<2000x32xbf16>
    tpu.vector_store %arg6[%swap3A, %swap3A_33], %convert_element_type3A_32 {strides = array<i32>} : memref<2000x32xbf16, #tpu.memory_space<vmem>>, vector<2000x32xbf16>,
    return
  }
  func.func @transform_0(%arg0: i32) -> (i32, i32, i32) {
    %c0_i32 = arith.constant 0 : i32
    %c0_i32_0 = arith.constant 0 : i32
    %c0_i32_1 = arith.constant 0 : i32
    return %c0_i32, %arg0, %c0_i32_0 : i32, i32, i32
  }
  func.func @transform_1(%arg0: i32) -> (i32, i32) {
    %c0_i32 = arith.constant 0 : i32
    %c0_i32_0 = arith.constant 0 : i32
    return %arg0, %c0_i32 : i32, i32
  }
  func.func @transform_2(%arg0: i32) -> (i32, i32) {
    %c0_i32 = arith.constant 0 : i32
    %c0_i32_0 = arith.constant 0 : i32
    return %arg0, %c0_i32 : i32, i32
  }
  func.func @transform_3(%arg0: i32) -> (i32, i32) {
    %c0_i32 = arith.constant 0 : i32
    %c0_i32_0 = arith.constant 0 : i32
    %c0_i32_1 = arith.constant 0 : i32
    return %c0_i32, %c0_i32_0 : i32, i32
  }
  func.func @transform_4(%arg0: i32) -> (i32, i32) {
    %c0_i32 = arith.constant 0 : i32
    %c0_i32_0 = arith.constant 0 : i32
    %c0_i32_1 = arith.constant 0 : i32
    return %c0_i32, %c0_i32_0 : i32, i32
  }
  func.func @transform_5(%arg0: i32) -> (i32, i32) {
    %c0_i32 = arith.constant 0 : i32
    %c0_i32_0 = arith.constant 0 : i32
    return %arg0, %c0_i32 : i32, i32
  }
}

module attributes {stable_mosaic.version = 14 : i64} {
  func.func @body(%arg0: memref<2x10000x32xbf16, #tpu.memory_space<vmem>>, %arg1: memref<10000x32xbf16, #tpu.memory_space<vmem>>, %arg2: memref<10000x16xf32, #tpu.memory_space<vmem>>, %arg3: memref<1x32xf32, #tpu.memory_space<vmem>>, %arg4: memref<32x32xf32, #tpu.memory_space<vmem>>, %arg5: memref<32x16xf32, #tpu.memory_space<vmem>>, %arg6: memref<1x16xf32, #tpu.memory_space<vmem>>, %arg7: memref<16x1xf32, #tpu.memory_space<vmem>>, %arg8: memref<1x1xf32, #tpu.memory_space<vmem>>, %arg9: memref<1x1xf32, #tpu.memory_space<vmem>>) attributes {dimension_semantics = [], scalar_prefetch = 0 : i64, scratch_operands = 0 : i64, tpu.core_type = #tpu.core_type<tc>} {
    %get3A = arith.constant 0 : index
    %get3A_0 = arith.constant 0 : index
    %get3A_1 = vector.load %arg2[%get3A, %get3A_0] : memref<10000x16xf32, #tpu.memory_space<vmem>>, vector<10000x16xf32>
    %slice3A = vector.extract_strided_slice %get3A_1 {offsets = [0, 0], sizes = [10000, 1], strides = [1, 1]} : vector<10000x16xf32> to vector<10000x1xf32>
    %get3A_2 = arith.constant 0 : index
    %get3A_3 = arith.constant 0 : index
    %get3A_4 = arith.constant 0 : index
    %get3A_5 = vector.load %arg0[%get3A_2, %get3A_3, %get3A_4] : memref<2x10000x32xbf16, #tpu.memory_space<vmem>>, vector<1x10000x32xbf16>
    %get3A_6 = vector.shape_cast %get3A_5 : vector<1x10000x32xbf16> to vector<10000x32xbf16>
    %convert_element_type3A = arith.extf %get3A_6 : vector<10000x32xbf16> to vector<10000x32xf32>
    %get3A_7 = arith.constant 1 : index
    %get3A_8 = arith.constant 0 : index
    %get3A_9 = arith.constant 0 : index
    %get3A_10 = vector.load %arg0[%get3A_7, %get3A_8, %get3A_9] : memref<2x10000x32xbf16, #tpu.memory_space<vmem>>, vector<1x10000x32xbf16>
    %get3A_11 = vector.shape_cast %get3A_10 : vector<1x10000x32xbf16> to vector<10000x32xbf16>
    %convert_element_type3A_12 = arith.extf %get3A_11 : vector<10000x32xbf16> to vector<10000x32xf32>
    %add3A = arith.addf %convert_element_type3A, %convert_element_type3A_12 : vector<10000x32xf32>
    %get3A_13 = arith.constant 0 : index
    %get3A_14 = arith.constant 0 : index
    %get3A_15 = vector.load %arg1[%get3A_13, %get3A_14] : memref<10000x32xbf16, #tpu.memory_space<vmem>>, vector<10000x32xbf16>
    %convert_element_type3A_16 = arith.extf %get3A_15 : vector<10000x32xbf16> to vector<10000x32xf32>
    %add3A_17 = arith.addf %add3A, %convert_element_type3A_16 : vector<10000x32xf32>
    %mul3A = vector.broadcast %slice3A : vector<10000x1xf32> to vector<10000x32xf32>
    %mul3A_18 = arith.mulf %mul3A, %add3A_17 : vector<10000x32xf32>
    %get3A_19 = arith.constant 0 : index
    %get3A_20 = arith.constant 0 : index
    %get3A_21 = vector.load %arg3[%get3A_19, %get3A_20] : memref<1x32xf32, #tpu.memory_space<vmem>>, vector<1x32xf32>
    %add3A_22 = vector.broadcast %get3A_21 : vector<1x32xf32> to vector<10000x32xf32>
    %add3A_23 = arith.addf %mul3A_18, %add3A_22 : vector<10000x32xf32>
    %reduce_sum3A = arith.constant dense<0.000000e+00> : vector<32xf32>
    %reduce_sum3A_24 = vector.multi_reduction <add>, %add3A_23, %reduce_sum3A [0] : vector<10000x32xf32> to vector<32xf32>
    %broadcast_in_dim3A = vector.shape_cast %reduce_sum3A_24 : vector<32xf32> to vector<1x32xf32>
    %div3A = arith.constant 1.000000e+04 : f32
    %div3A_25 = vector.broadcast %div3A : f32 to vector<1x32xf32>
    %div3A_26 = arith.divf %broadcast_in_dim3A, %div3A_25 : vector<1x32xf32>
    %get3A_27 = arith.constant 0 : index
    %get3A_28 = arith.constant 0 : index
    %get3A_29 = vector.load %arg4[%get3A_27, %get3A_28] : memref<32x32xf32, #tpu.memory_space<vmem>>, vector<32x32xf32>
    %dot_general3A = arith.constant dense<0.000000e+00> : vector<1x32xf32>
    %dot_general3A_30 = tpu.matmul %div3A_26, %get3A_29, %dot_general3A {dimension_numbers = #tpu.dot_dimension_numbers<[1], [0], [0], [1], [0, 0, 1, 1], [], []>, transpose_lhs_hint = false} : vector<1x32xf32>, vector<32x32xf32>, vector<1x32xf32> -> vector<1x32xf32>
    %tanh3A = math.tanh %dot_general3A_30 : vector<1x32xf32>
    %mul3A_31 = vector.broadcast %tanh3A : vector<1x32xf32> to vector<10000x32xf32>
    %mul3A_32 = arith.mulf %add3A_23, %mul3A_31 : vector<10000x32xf32>
    %reduce_sum3A_33 = arith.constant dense<0.000000e+00> : vector<10000xf32>
    %reduce_sum3A_34 = vector.multi_reduction <add>, %mul3A_32, %reduce_sum3A_33 [1] : vector<10000x32xf32> to vector<10000xf32>
    %broadcast_in_dim3A_35 = vector.shape_cast %reduce_sum3A_34 : vector<10000xf32> to vector<10000x1xf32>
    %neg3A = arith.constant 0.000000e+00 : f32
    %neg3A_36 = vector.broadcast %neg3A : f32 to vector<10000x1xf32>
    %neg3A_37 = arith.subf %neg3A_36, %broadcast_in_dim3A_35 : vector<10000x1xf32>
    %exp3A = math.exp %neg3A_37 : vector<10000x1xf32>
    %add3A_38 = arith.constant 1.000000e+00 : f32
    %add3A_39 = vector.broadcast %add3A_38 : f32 to vector<10000x1xf32>
    %add3A_40 = arith.addf %add3A_39, %exp3A : vector<10000x1xf32>
    %div3A_41 = arith.constant 1.000000e+00 : f32
    %div3A_42 = vector.broadcast %div3A_41 : f32 to vector<10000x1xf32>
    %div3A_43 = arith.divf %div3A_42, %add3A_40 : vector<10000x1xf32>
    %mul3A_44 = vector.broadcast %div3A_43 : vector<10000x1xf32> to vector<10000x32xf32>
    %mul3A_45 = arith.mulf %add3A_23, %mul3A_44 : vector<10000x32xf32>
    %reduce_sum3A_46 = arith.constant dense<0.000000e+00> : vector<32xf32>
    %reduce_sum3A_47 = vector.multi_reduction <add>, %mul3A_45, %reduce_sum3A_46 [0] : vector<10000x32xf32> to vector<32xf32>
    %broadcast_in_dim3A_48 = vector.shape_cast %reduce_sum3A_47 : vector<32xf32> to vector<1x32xf32>
    %get3A_49 = arith.constant 0 : index
    %get3A_50 = arith.constant 0 : index
    %get3A_51 = vector.load %arg5[%get3A_49, %get3A_50] : memref<32x16xf32, #tpu.memory_space<vmem>>, vector<32x16xf32>
    %dot_general3A_52 = arith.constant dense<0.000000e+00> : vector<1x16xf32>
    %dot_general3A_53 = tpu.matmul %broadcast_in_dim3A_48, %get3A_51, %dot_general3A_52 {dimension_numbers = #tpu.dot_dimension_numbers<[1], [0], [0], [1], [0, 0, 1, 1], [], []>, transpose_lhs_hint = false} : vector<1x32xf32>, vector<32x16xf32>, vector<1x16xf32> -> vector<1x16xf32>
    %get3A_54 = arith.constant 0 : index
    %get3A_55 = arith.constant 0 : index
    %get3A_56 = vector.load %arg6[%get3A_54, %get3A_55] : memref<1x16xf32, #tpu.memory_space<vmem>>, vector<1x16xf32>
    %add3A_57 = arith.addf %dot_general3A_53, %get3A_56 : vector<1x16xf32>
    %max3A = arith.constant 0.000000e+00 : f32
    %max3A_58 = vector.broadcast %max3A : f32 to vector<1x16xf32>
    %max3A_59 = arith.maximumf %add3A_57, %max3A_58 : vector<1x16xf32>
    %get3A_60 = arith.constant 0 : index
    %get3A_61 = arith.constant 0 : index
    %get3A_62 = vector.load %arg7[%get3A_60, %get3A_61] : memref<16x1xf32, #tpu.memory_space<vmem>>, vector<16x1xf32>
    %dot_general3A_63 = arith.constant dense<0.000000e+00> : vector<1x1xf32>
    %dot_general3A_64 = tpu.matmul %max3A_59, %get3A_62, %dot_general3A_63 {dimension_numbers = #tpu.dot_dimension_numbers<[1], [0], [0], [1], [0, 0, 1, 1], [], []>, transpose_lhs_hint = false} : vector<1x16xf32>, vector<16x1xf32>, vector<1x1xf32> -> vector<1x1xf32>
    %get3A_65 = arith.constant 0 : index
    %get3A_66 = arith.constant 0 : index
    %get3A_67 = vector.load %arg8[%get3A_65, %get3A_66] : memref<1x1xf32, #tpu.memory_space<vmem>>, vector<1x1xf32>
    %add3A_68 = arith.addf %dot_general3A_64, %get3A_67 : vector<1x1xf32>
    %neg3A_69 = arith.constant 0.000000e+00 : f32
    %neg3A_70 = vector.broadcast %neg3A_69 : f32 to vector<1x1xf32>
    %neg3A_71 = arith.subf %neg3A_70, %add3A_68 : vector<1x1xf32>
    %exp3A_72 = math.exp %neg3A_71 : vector<1x1xf32>
    %add3A_73 = arith.constant 1.000000e+00 : f32
    %add3A_74 = vector.broadcast %add3A_73 : f32 to vector<1x1xf32>
    %add3A_75 = arith.addf %add3A_74, %exp3A_72 : vector<1x1xf32>
    %div3A_76 = arith.constant 1.000000e+00 : f32
    %div3A_77 = vector.broadcast %div3A_76 : f32 to vector<1x1xf32>
    %div3A_78 = arith.divf %div3A_77, %add3A_75 : vector<1x1xf32>
    %swap3A = arith.constant 0 : index
    %swap3A_79 = arith.constant 0 : index
    %swap3A_80 = vector.load %arg9[%swap3A, %swap3A_79] : memref<1x1xf32, #tpu.memory_space<vmem>>, vector<1x1xf32>
    tpu.vector_store %arg9[%swap3A, %swap3A_79], %div3A_78 {strides = array<i32>} : memref<1x1xf32, #tpu.memory_space<vmem>>, vector<1x1xf32>,
    return
  }
}

</mosaic_0001>

<sc_bundles>
// kernel: kernel.10.cloned.1.call-start
scs
__scs_entry_jumppad:
0x0: {  	(pc) =	sbr.rel $0x88, $3  }
0x1: {  	(tag) =	ssettag $0x0;
	lr =	simm.s32 $0x1  }
0x2: {  	[smem:$0x3F94] =	sst lr;
	_ =	strace $0xD0000000  }
0x3: {  	_ = 	snop  }
0x4: {  	_ = 	snop  }
0x5: {  	_ = 	snop  }
0x6: {  	_ = 	snop  }
0x7: {  	_ = 	snop  }
__scs_overlays_trampoline_lowered:
0x8: {  	[smem:$0x3FA3] =	sst s0  }
0x9: {  	[smem:$0x3FA4] =	sst s1  }
0xa: {  	[smem:$0x3FA5] =	sst s2  }
0xb: {  	[smem:$0x3FA6] =	sst s3  }
0xc: {  	[smem:$0x3FA7] =	sst s4  }
0xd: {  	[smem:$0x3FA8] =	sst s5  }
0xe: {  	[smem:$0x3FA9] =	sst s6  }
0xf: {  	[smem:$0x3FAA] =	sst s7  }
0x10: {  	[smem:$0x3FAB] =	sst s8  }
0x11: {  	[smem:$0x3FAC] =	sst s9;
	s0 =	simm.s32 @!p0 $0x0  }
0x12: {  	s1 =	sld [smem:$0x3F92];
	s0 =	simm.s32 @p0 $0x1  }
0x13: {  	[smem:$0x3FAD] =	sst s0;
	s0 =	simm.s32 @!p1 $0x0  }
0x14: {  	s2 =	sld [smem:$0x3F91];
	s0 =	simm.s32 @p1 $0x1  }
0x15: {  	[smem:$0x3FAE] =	sst s0;
	s0 =	simm.s32 @!p2 $0x0  }
0x16: {  	s3 =	sld [smem:$0x3FDB];
	s0 =	simm.s32 @p2 $0x1  }
0x17: {  	s4 =	simm.s32 $0x1BF5;
	[smem:$0x3FB0] =	sst s0  }
0x18: {  	s0 =	sld [smem:$0x3F93];
	_ =	swait.ge [sflag:s4], $0x0  }
0x19: {  	s7 =	sld [smem:$0x3F94]  }
0x1a: {  	s8 =	sadd.s32 $0xFFFFE003, lr  }
0x1b: {  	s9 =	sadd.s32 $0xFFFFFEF7, lr;
	s5 =	simm.s32 $0xFFFFFFFF;
	p2 =	slt.u32 s8, $0xFFFFF086  }
0x1c: {  	p1 =	slt.u32 s9, $0xF7A;
	s5 =	simm.s32 @!p2 $0x0  }
0x1d: {  	s5 =	simm.s32 @p1 $0x1;
	p0 =	seq.s32 s7, s2  }
0x1e: {  	s7 =	smul.u32 @!p0 $0xF7A, s2;
	p2 =	seq.s32 @!p0 s5, $0x0  }
0x1f: {  	s9 =	smul.u32 $0xF7A, s1;
	s8 =	simm.s32 @!p0 $0x1BF5;
	p2 =	por !p2, p0  }
0x20: {  	[sflag:s8] =	ssyncset.s32 @!p0 $0xFFFFF086;
	s6 =	sadd.s32 @!p0 s3, s7;
	s7 =	simm.s32 @!p0 $0x108  }
0x21: {  	s3 =	sadd.s32 s3, s9;
	s6 =	sadd.s32 @!p0 $0x88, s6;
	s7 =	simm.s32 @p2 $0x1082  }
0x22: {  	[simem:s7], [sflag:s8] =	dma.local @!p0 [hbm:s6], $0xF7A  }
0x23: {  	s9 =	sor.u32 $0xD0000000, s2;
	s6 =	simm.s32 $0x108;
	_ =	swait.ge @!p0 [sflag:s8], $0x0  }
0x24: {  	s3 =	sadd.s32 $0x88, s3;
	s6 =	simm.s32 @!p1 $0x1082;
	[sflag:s4] =	ssyncset.s32 $0xFFFFF086  }
0x25: {  	[simem:s6], [sflag:s4] =	dma.local [hbm:s3], $0xF7A  }
0x26: {  	[smem:$0x3F94] =	sst s1;
	(tag) =	ssettag s2;
	_ =	strace s9  }
0x27: {  	s1 =	sld [smem:$0x3FA4]  }
0x28: {  	s2 =	sld [smem:$0x3FA5]  }
0x29: {  	s4 =	sld [smem:$0x3FA7]  }
0x2a: {  	p0 =	seq.s32 s5, $0x0;
	s5 =	sld [smem:$0x3FA8]  }
0x2b: {  	s6 =	sld [smem:$0x3FA9]  }
0x2c: {  	s7 =	sld [smem:$0x3FAA]  }
0x2d: {  	s3 =	simm.s32 $0x108;
	s8 =	sld [smem:$0x3FAB]  }
0x2e: {  	s3 =	simm.s32 @!p0 $0x1082;
	s9 =	sld [smem:$0x3FAC]  }
0x2f: {  	lr =	sadd.s32 s0, s3;
	s0 =	sld [smem:$0x3FA3]  }
0x30: {  	s3 =	sld [smem:$0x3FA6]  }
0x31: {  	[smem:$0x3FAF] =	sst s10  }
0x32: {  	s10 =	sld [smem:$0x3FAD];
	_ =	sdelay $0x3  }
0x33: {  	p0 =	seq.s32 s10, $0x1;
	s10 =	sld [smem:$0x3FAF];
	_ =	sdelay $0x3  }
0x34: {  	[smem:$0x3FAF] =	sst s10  }
0x35: {  	s10 =	sld [smem:$0x3FAE];
	_ =	sdelay $0x3  }
0x36: {  	p1 =	seq.s32 s10, $0x1;
	s10 =	sld [smem:$0x3FAF];
	_ =	sdelay $0x3  }
0x37: {  	[smem:$0x3FAF] =	sst s10  }
0x38: {  	s10 =	sld [smem:$0x3FB0]  }
0x39: {  	_ = 	snop;
	(pc) =	sbr.ind lr, $3  }
0x3a: {  	_ = 	snop  }
0x3b: {  	_ = 	snop  }
0x3c: {  	p2 =	seq.s32 s10, $0x1;
	s10 =	sld [smem:$0x3FAF]  }
0x3d: {  	_ =	shalt  }
0x3e: {  	_ =	shalt  }
0x3f: {  	_ =	shalt  }
0x40: {  	_ =	shalt  }
0x41: {  	_ =	shalt  }
0x42: {  	_ =	shalt  }
0x43: {  	_ =	shalt  }
0x44: {  	_ =	shalt  }
0x45: {  	_ =	shalt  }
0x46: {  	_ =	shalt  }
0x47: {  	_ =	shalt  }
0x48: {  	_ =	shalt  }
0x49: {  	_ =	shalt  }
0x4a: {  	_ =	shalt  }
0x4b: {  	_ =	shalt  }
0x4c: {  	_ =	shalt  }
0x4d: {  	_ =	shalt  }
0x4e: {  	_ =	shalt  }
0x4f: {  	_ =	shalt  }
0x50: {  	_ =	shalt  }
0x51: {  	_ =	shalt  }
0x52: {  	_ =	shalt  }
0x53: {  	_ =	shalt  }
0x54: {  	_ =	shalt  }
0x55: {  	_ =	shalt  }
0x56: {  	_ =	shalt  }
0x57: {  	_ =	shalt  }
0x58: {  	_ =	shalt  }
0x59: {  	_ =	shalt  }
0x5a: {  	_ =	shalt  }
0x5b: {  	_ =	shalt  }
0x5c: {  	_ =	shalt  }
0x5d: {  	_ =	shalt  }
0x5e: {  	_ =	shalt  }
0x5f: {  	_ =	shalt  }
0x60: {  	_ =	shalt  }
0x61: {  	_ =	shalt  }
0x62: {  	_ =	shalt  }
0x63: {  	_ =	shalt  }
0x64: {  	_ =	shalt  }
0x65: {  	_ =	shalt  }
0x66: {  	_ =	shalt  }
0x67: {  	_ =	shalt  }
0x68: {  	_ =	shalt  }
0x69: {  	_ =	shalt  }
0x6a: {  	_ =	shalt  }
0x6b: {  	_ =	shalt  }
0x6c: {  	_ =	shalt  }
0x6d: {  	_ =	shalt  }
0x6e: {  	_ =	shalt  }
0x6f: {  	_ =	shalt  }
0x70: {  	_ =	shalt  }
0x71: {  	_ =	shalt  }
0x72: {  	_ =	shalt  }
0x73: {  	_ =	shalt  }
0x74: {  	_ =	shalt  }
0x75: {  	_ =	shalt  }
0x76: {  	_ =	shalt  }
0x77: {  	_ =	shalt  }
0x78: {  	_ =	shalt  }
0x79: {  	_ =	shalt  }
0x7a: {  	_ =	shalt  }
0x7b: {  	_ =	shalt  }
0x7c: {  	_ =	shalt  }
0x7d: {  	_ =	shalt  }
0x7e: {  	_ =	shalt  }
0x7f: {  	_ =	shalt  }
0x80: {  	_ =	shalt  }
0x81: {  	_ =	shalt  }
0x82: {  	_ =	shalt  }
0x83: {  	_ =	shalt  }
0x84: {  	_ =	shalt  }
0x85: {  	_ =	shalt  }
0x86: {  	_ =	shalt  }
0x87: {  	_ =	shalt  }
.Lfunc_end0:
.L_simem_size_0:
called_computation_lowered:
.L_overlay_start_0:
0x88: {  	s2 =	sld [smem:$0x3FD9]  }
0x89: {  	s3 =	sld [smem:$0x3FFE];
	_ =	sdelay $0x1  }
0x8a: {  	s1 =	srdreg.scid  }
0x8b: {  	s0 =	sand.u32 $0x1, s1  }
0x8c: {  	s16 =	sshll.u32 s0, $0xA;
	s2 =	sadd.s32 s3, s2  }
0x8d: {  	s2 =	sadd.s32 s2, s16  }
0x8e: {  	[smem:$0x3FBB] =	sst s2  }
0x8f: {  	_ = 	snop  }
0x90: {  	(tm) =	ssettm $0x1  }
0x91: {  	s17 =	sld [smem:$0x3FFB];
	_ =	sdelay $0x3  }
0x92: {  	_ =	strace s17  }
0x93: {  	s2 =	sld [smem:$0x3FFC];
	_ =	sdelay $0x3  }
0x94: {  	_ =	strace s2  }
0x95: {  	s2 =	sld [smem:$0x3FFD];
	_ =	sdelay $0x3  }
0x96: {  	_ =	strace s2  }
0x97: {  	_ =	strace $0x8FFFFFFF  }
0x98: {  	s18 =	sld [smem:$0x3FDB];
	_ =	sdelay $0x1  }
0x99: {  	s19 =	simm.s32 $_scs_section_size  }
0x9a: {  	s4 =	simm.s32 $_size__tile_overlayer_lowered;
	s5 =	simm.s32 $_tile_overlayer_lowered  }
0x9b: {  	s22 =	simm.s32 $0x1BFF;
	s21 =	sshll.u32 s5, $0x1;
	s2 =	sadd.s32 s19, s18  }
0x9c: {  	s6 =	simm.s32 $0x0;
	s20 =	sshll.u32 s4, $0x1;
	s4 =	sadd.s32 s21, s2  }
0x9d: {  	[timem:s6], [sflag:s22] =	dma.local [hbm:s4], s20  }
0x9e: {  	_ =	swait.ge [sflag:s22], s20  }
0x9f: {  	s3 =	ssub.s32 $0x0, s20;
	[sflag:s22] =	ssyncset.done $0x0  }
0xa0: {  	[sflag:s22] =	ssyncadd.s32 s3;
	_ =	sdelay $0x1  }
0xa1: {  	s23 =	simm.s32 $0x1B8B  }
0xa2: {  	_ =	swait.ge [sflag:s23], $0x1  }
0xa3: {  	[sflag:s23] =	ssyncset.done $0x0  }
0xa4: {  	s25 =	simm.s32 $0x1B8E;
	s24 =	sld [smem:$0x3FFE];
	[sflag:s23] =	ssyncadd.s32 $0xFFFFFFFF  }
0xa5: {  	s26 =	simm.s32 $execute0_lowered;
	[smem:$0x3FD2] =	sst s25  }
0xa6: {  	s4 =	sshll.u32 s26, $0x1;
	_ =	strace $0x80000046;
	[dreg:$0x1] =	wrdreg $0xFFFFFFFF  }
0xa7: {  	s28 =	simm.s32 $_size_execute0_lowered;
	s2 =	sadd.s32 s2, s4;
	[dreg:$0x0] =	wrdreg $0x0  }
0xa8: {  	s4 =	sshll.u32 s28, $0x1;
	[dreg:$0x2] =	wrdreg s2  }
0xa9: {  	[dreg:$0x3] =	wrdreg s4  }
0xaa: {  	[dreg:$0x4] =	wrdreg $0xC0  }
0xab: {  	_ =	task [dreg:s6], $0x5FFFF  }
0xac: {  	[dreg:$0x1] =	wrdreg $0xFFFFFFFF  }
0xad: {  	[dreg:$0x0] =	wrdreg $0x60  }
0xae: {  	[dreg:$0x2] =	wrdreg s24  }
0xaf: {  	[dreg:$0x3] =	wrdreg $0x50000  }
0xb0: {  	[dreg:$0x4] =	wrdreg $0x9  }
0xb1: {  	_ =	task.clear_ibuf [dreg:s6], $0x5FFFF;
	_ =	strace $0x90000046  }
0xb2: {  	s29 =	simm.s32 $0x9;
	_ =	strace $0x80000048  }
0xb3: {  	_ =	swait.ge [sflag:s29], $0x1  }
0xb4: {  	[sflag:s29] =	ssyncadd.s32 $0xFFFFFFFF  }
0xb5: {  	_ =	strace $0x90000048  }
0xb6: {  	_ =	sfence  }
0xb7: {  	s30 =	sld [smem:$0x0];
	_ =	sdelay $0x2  }
0xb8: {  	s31 =	sshll.u32 s1, $0xD;
	s1 =	sshrl.u32 s1, $0x2  }
0xb9: {  	s3 =	sand.u32 $0x4000, s31;
	s1 =	sadd.s32 s1, s30  }
0xba: {  	s0 =	sor.u32 s3, s0;
	s1 =	sshll.u32 s1, $0x11  }
0xbb: {  	s0 =	sor.u32 s1, s0  }
0xbc: {  	s0 =	sadd.s32 $0x8F2B, s0  }
0xbd: {  	[sflag:s0] =	ssyncadd.remote.s32 $0x1  }
0xbe: {  	_ =	sfence.sel $0xFFFF  }
0xbf: {  	[dreg:$0x0] =	wrdreg $0xFFFFFFFF;
	(pc) =	sbr.abs _section_cstart, $3  }
0xc0: {  	[dreg:$0x1] =	wrdreg $0xFFFFFFFF  }
0xc1: {  	_ =	task.clear_ibuf [dreg:s6], $0x2FFFF;
	_ =	strace $0x9FFFFFFF  }
0xc2: {  	(tm) =	ssettm $0x7FFFFFFF  }
0xc3: {  	_ =	shalt  }
tec
execute0_lowered:
.L_overlay_start_1:
0x0: {  	(tag) =	ssettag $0x1  }
0x1: {  	s4 =	rddreg [dreg:$0x0]  }
0x2: {  	s2 =	rddreg [dreg:$0x1]  }
0x3: {  	s0 =	rddreg [dreg:$0x2];
	s5 =	srdreg.scid  }
0x4: {  	s1 =	stileid.u32;
	s3 =	simm.s32 $0x0;
	s17 =	simm.s32 $0x2800  }
0x5: {  	s18 =	simm.s32 $0x80;
	s19 =	simm.s32 $0x7780;
	s20 =	simm.s32 $0x2880  }
0x6: {  	s21 =	simm.s32 $0x2900;
	s22 =	simm.s32 $0x2980;
	s23 =	simm.s32 $0x1  }
0x7: {  	s24 =	simm.s32 $0x2;
	s25 =	simm.s32 $0x3;
	s29 =	smul.u32 $0x2780, s1  }
0x8: {  	s26 =	simm.s32 $0x4;
	s28 =	simm.s32 $0x0;
	s8 =	smul.u32 $0x9E00, s1  }
0x9: {  	s9 =	sand.u32 $0x1, s5;
	[smem:$0x7FF] =	sst s3;
	s31 =	smul.u32 $0x2800, s1  }
0xa: {  	s11 =	sadd.s32 $0xC600, s4;
	s12 =	sadd.s32 $0x2600, s4;
	s15 =	smul.u32 $0x500, s1  }
0xb: {  	s6 =	smul.u32 $0x27800, s9;
	_ =	strace $0x80000047;
	s7 =	ssub.s32 $0x2, s9  }
0xc: {  	p0 =	seq.s32 s9, $0x1;
	s10 =	sshrl.u32 s7, $0x1;
	s30 =	sshrl.u32 s8, $0x2  }
0xd: {  	s9 =	sadd.s32 s11, s15;
	s6 =	sadd.s32 s29, s6;
	s14 =	ssub.s32 s7, s10  }
0xe: {  	s8 =	sadd.s32 s30, s2;
	s10 =	sshrl.u32 s31, $0x3;
	s6 =	sshrl.u32 s6, $0x3  }
.Ltmp0:
0xf: {  	s5 =	sadd.s32 $0x800, s8;
	s7 =	sadd.s32 $0x1800, s8;
	(pc) =	sbr.rel .LBB2_1-.Ltmp0, $4  }
0x10: {  	s16 =	sadd.s32 $0x5000, s10;
	s10 =	sadd.s32 s12, s15;
	s14 =	smax.u32 s14, $0x1  }
0x11: {  	s15 =	simm.s32 $0x7F80;
	s13 =	sadd.s32 s6, s4;
	s4 =	sadd.s32 s29, s2  }
0x12: {  	s6 =	sadd.s32 $0x1000, s8;
	s8 =	sadd.s32 $0x2000, s8;
	s11 =	sadd.s32 s11, s16  }
0x13: {  	v0 =	vimm.f32 $1.000000000e+00;
	v1 =	vimm.f32 $0.0e+00;
	s12 =	sadd.s32 s12, s16;
	s16 =	simm.s32 $0x5;
	s13 =	sadd.s32 $0x1B600, s13  }
.LBB2_6:
0x14: {  	[spmem:s2] =	stream.indirect.scatter.add.f32 [tilespmem:s19], [sflag:$0x4], $0x10, s30, s18, $0xb8;
	[tilespmem:$0x8780] =	vst v63  }
.LBB2_10:
0x15: {  	_ =	swait.ge [sflag:s23], $0x800  }
0x16: {  	[sflag:s23] =	ssyncset.done $0x0  }
0x17: {  	[sflag:s23] =	ssyncadd.s32 $0xFFFFF800  }
0x18: {  	_ =	swait.ge [sflag:s24], $0x800  }
0x19: {  	[sflag:s24] =	ssyncset.done $0x0  }
0x1a: {  	[sflag:s24] =	ssyncadd.s32 $0xFFFFF800  }
0x1b: {  	_ =	swait.ge [sflag:s25], $0x800  }
0x1c: {  	[sflag:s25] =	ssyncset.done $0x0  }
0x1d: {  	[sflag:s25] =	ssyncadd.s32 $0xFFFFF800  }
0x1e: {  	_ =	swait.ge [sflag:s26], $0x800  }
0x1f: {  	s29 =	sshll.u32 s1, $0x6;
	s28 =	sadd.s32 $0x1, s28;
	[sflag:s26] =	ssyncset.done $0x0  }
0x20: {  	s30 =	sshrl.u32 s4, $0x3;
	p1 =	sne.s32 s28, s14;
	[sflag:s26] =	ssyncadd.s32 $0xFFFFF800  }
.Ltmp1:
0x21: {  	s29 =	sor.u32 $0x1C05, s29;
	[bflag:$0x0] =	sbarrier.arrive $0xFFFF;
	(pc) =	sbr.rel @!p1 .LBB2_11-.Ltmp1, $4  }
0x22: {  	[hbm:s13], [sflag:s29] =	dma.local [spmem:s30], $0x4F0  }
0x23: {  	_ =	swait.ge [sflag:s16], $0x4F0  }
0x24: {  	[sflag:s16] =	ssyncset.done $0x0  }
0x25: {  	[sflag:s16] =	ssyncadd.s32 $0xFFFFFB10  }
.LBB2_1:
0x26: {  	s29 =	simm.s32 $0x40;
	s30 =	simm.s32 $0x0  }
.LBB2_2:
0x27: {  	p1 =	sne.s32 s29, $0x1FC0;
	[tilespmem:s30+$0x7780] =	vst v0;
	s31 =	smov.u32 s29;
	s29 =	sadd.s32 $0x40, s29  }
.Ltmp2:
0x28: {  	[tilespmem:s30+$0x7F80] =	vst v1;
	(pc) =	sbr.rel @p1 .LBB2_2-.Ltmp2, $2  }
0x29: {  	_ =	sdelay $0x2  }
0x2a: {  	s30 =	sshra.s32 s31, $0x2  }
0x2b: {  	[tilespmem:s30+$0x7780] =	vst v0  }
0x2c: {  	[tilespmem:s30+$0x7F80] =	vst v1  }
0x2d: {  	[spmem:s4] =	stream.linear.scatter [tilespmem:s15], [sflag:$0x5], $0x800, $0x38;
	[tilespmem:$0x8780] =	vst v63  }
0x2e: {  	_ =	swait.ge [sflag:s16], $0x800  }
0x2f: {  	[sflag:s16] =	ssyncset.done $0x0  }
0x30: {  	[sflag:s16] =	ssyncadd.s32 $0xFFFFF800  }
0x31: {  	[spmem:s5] =	stream.linear.scatter [tilespmem:s15], [sflag:$0x5], $0x800, $0x38;
	[tilespmem:$0x8780] =	vst v63  }
0x32: {  	_ =	swait.ge [sflag:s16], $0x800  }
0x33: {  	[sflag:s16] =	ssyncset.done $0x0  }
0x34: {  	[sflag:s16] =	ssyncadd.s32 $0xFFFFF800  }
0x35: {  	[spmem:s6] =	stream.linear.scatter [tilespmem:s15], [sflag:$0x5], $0x800, $0x38;
	[tilespmem:$0x8780] =	vst v63  }
0x36: {  	_ =	swait.ge [sflag:s16], $0x800  }
0x37: {  	[sflag:s16] =	ssyncset.done $0x0  }
0x38: {  	[sflag:s16] =	ssyncadd.s32 $0xFFFFF800  }
0x39: {  	[spmem:s7] =	stream.linear.scatter [tilespmem:s15], [sflag:$0x5], $0x800, $0x38;
	[tilespmem:$0x8780] =	vst v63  }
0x3a: {  	_ =	swait.ge [sflag:s16], $0x800  }
0x3b: {  	[sflag:s16] =	ssyncset.done $0x0  }
0x3c: {  	[sflag:s16] =	ssyncadd.s32 $0xFFFFF800  }
0x3d: {  	[spmem:s8] =	stream.linear.scatter [tilespmem:s15], [sflag:$0x5], $0x780, $0x38;
	[tilespmem:$0x8780] =	vst v63  }
.Ltmp3:
0x3e: {  	_ =	swait.ge [sflag:s16], $0x780;
	(pc) =	sbr.rel @!p0 .LBB2_4-.Ltmp3, $3  }
0x3f: {  	[sflag:s16] =	ssyncset.done $0x0  }
0x40: {  	[sflag:s16] =	ssyncadd.s32 $0xFFFFF880  }
0x41: {  	[bflag:$0x0] =	sbarrier.arrive $0xFFFF;
	_ =	sdelay $0x1  }
0x42: {  	[tilespmem:s3], [sflag:$0x5] =	stream.linear.gather [hbm4b:s11+s3], $0x2800, $0x38;
	[tilespmem:$0x8780] =	vst v63  }
0x43: {  	_ =	swait.ge [sflag:s16], $0x2800  }
0x44: {  	[sflag:s16] =	ssyncset.done $0x0  }
0x45: {  	[sflag:s16] =	ssyncadd.s32 $0xFFFFD800  }
0x46: {  	[tilespmem:s17], [sflag:$0x5] =	stream.linear.gather [hbm4b:s12+s3], $0x2800, $0x38;
	[tilespmem:$0x8780] =	vst v63  }
0x47: {  	_ =	swait.ge [sflag:s16], $0x2800  }
0x48: {  	[sflag:s16] =	ssyncset.done $0x0  }
0x49: {  	[sflag:s16] =	ssyncadd.s32 $0xFFFFD800  }
0x4a: {  	[spmem:s2] =	stream.indirect.scatter.add.f32 [tilespmem:s19], [sflag:$0x1], $0x10, s17, s18, $0xb8;
	[tilespmem:$0x8780] =	vst v63  }
0x4b: {  	_ = 	snop  }
0x4c: {  	[spmem:s2] =	stream.indirect.scatter.add.f32 [tilespmem:s19], [sflag:$0x2], $0x10, s20, s18, $0xb8;
	[tilespmem:$0x8780] =	vst v63  }
0x4d: {  	_ = 	snop  }
0x4e: {  	[spmem:s2] =	stream.indirect.scatter.add.f32 [tilespmem:s19], [sflag:$0x3], $0x10, s21, s18, $0xb8;
	[tilespmem:$0x8780] =	vst v63  }
0x4f: {  	_ = 	snop  }
0x50: {  	[spmem:s2] =	stream.indirect.scatter.add.f32 [tilespmem:s19], [sflag:$0x4], $0x10, s22, s18, $0xb8;
	[tilespmem:$0x8780] =	vst v63  }
0x51: {  	_ =	swait.ge [sflag:s23], $0x800  }
0x52: {  	[sflag:s23] =	ssyncset.done $0x0  }
0x53: {  	s29 =	simm.s32 $0x2A00;
	[sflag:s23] =	ssyncadd.s32 $0xFFFFF800  }
0x54: {  	[spmem:s2] =	stream.indirect.scatter.add.f32 [tilespmem:s19], [sflag:$0x1], $0x10, s29, s18, $0xb8;
	[tilespmem:$0x8780] =	vst v63  }
0x55: {  	_ =	swait.ge [sflag:s24], $0x800  }
0x56: {  	[sflag:s24] =	ssyncset.done $0x0  }
0x57: {  	s29 =	simm.s32 $0x2A80;
	[sflag:s24] =	ssyncadd.s32 $0xFFFFF800  }
0x58: {  	[spmem:s2] =	stream.indirect.scatter.add.f32 [tilespmem:s19], [sflag:$0x2], $0x10, s29, s18, $0xb8;
	[tilespmem:$0x8780] =	vst v63  }
0x59: {  	_ =	swait.ge [sflag:s25], $0x800  }
0x5a: {  	[sflag:s25] =	ssyncset.done $0x0  }
0x5b: {  	s29 =	simm.s32 $0x2B00;
	[sflag:s25] =	ssyncadd.s32 $0xFFFFF800  }
0x5c: {  	[spmem:s2] =	stream.indirect.scatter.add.f32 [tilespmem:s19], [sflag:$0x3], $0x10, s29, s18, $0xb8;
	[tilespmem:$0x8780] =	vst v63  }
0x5d: {  	_ =	swait.ge [sflag:s26], $0x800  }
0x5e: {  	[sflag:s26] =	ssyncset.done $0x0  }
0x5f: {  	s30 =	simm.s32 $0x2B80;
	s29 =	simm.s32 $0xFFFF7000;
	[sflag:s26] =	ssyncadd.s32 $0xFFFFF800  }
.LBB2_8:
0x60: {  	[spmem:s2] =	stream.indirect.scatter.add.f32 [tilespmem:s19], [sflag:$0x4], $0x10, s30, s18, $0xb8;
	[tilespmem:$0x8780] =	vst v63  }
0x61: {  	s30 =	smov.u32 s29  }
0x62: {  	p1 =	sne.s32 s29, $0xFFFFF800;
	s29 =	sadd.s32 $0x800, s29;
	_ =	swait.ge [sflag:s23], $0x800  }
0x63: {  	s30 =	sshra.s32 s30, $0x2;
	[sflag:s23] =	ssyncset.done $0x0  }
0x64: {  	s31 =	sadd.s32 $0x5000, s30;
	[sflag:s23] =	ssyncadd.s32 $0xFFFFF800  }
0x65: {  	[spmem:s2] =	stream.indirect.scatter.add.f32 [tilespmem:s19], [sflag:$0x1], $0x10, s31, s18, $0xb8;
	[tilespmem:$0x8780] =	vst v63  }
0x66: {  	_ =	swait.ge [sflag:s24], $0x800  }
0x67: {  	[sflag:s24] =	ssyncset.done $0x0  }
0x68: {  	s31 =	sadd.s32 $0x5080, s30;
	[sflag:s24] =	ssyncadd.s32 $0xFFFFF800  }
0x69: {  	[spmem:s2] =	stream.indirect.scatter.add.f32 [tilespmem:s19], [sflag:$0x2], $0x10, s31, s18, $0xb8;
	[tilespmem:$0x8780] =	vst v63  }
0x6a: {  	_ =	swait.ge [sflag:s25], $0x800  }
0x6b: {  	[sflag:s25] =	ssyncset.done $0x0  }
.Ltmp4:
0x6c: {  	s31 =	sadd.s32 $0x5100, s30;
	[sflag:s25] =	ssyncadd.s32 $0xFFFFF800;
	(pc) =	sbr.rel @p1 .LBB2_8-.Ltmp4, $4  }
0x6d: {  	[spmem:s2] =	stream.indirect.scatter.add.f32 [tilespmem:s19], [sflag:$0x3], $0x10, s31, s18, $0xb8;
	[tilespmem:$0x8780] =	vst v63  }
0x6e: {  	_ =	swait.ge [sflag:s26], $0x800  }
0x6f: {  	[sflag:s26] =	ssyncset.done $0x0  }
0x70: {  	s30 =	sadd.s32 $0x5180, s30;
	[sflag:s26] =	ssyncadd.s32 $0xFFFFF800  }
.Ltmp5:
0x71: {  	(pc) =	sbr.rel .LBB2_10-.Ltmp5, $2  }
0x72: {  	_ =	sdelay $0x2  }
0x73: {  	[spmem:s2] =	stream.indirect.scatter.add.f32 [tilespmem:s19], [sflag:$0x4], $0x10, s30, s18, $0xb8;
	[tilespmem:$0x8780] =	vst v63  }
.LBB2_4:
0x74: {  	[tilespmem:s3], [sflag:$0x5] =	stream.linear.gather [hbm4b:s9+s3], $0x2800, $0x38;
	[tilespmem:$0x8780] =	vst v63  }
0x75: {  	_ =	swait.ge [sflag:s16], $0x2800  }
0x76: {  	[sflag:s16] =	ssyncset.done $0x0  }
0x77: {  	[sflag:s16] =	ssyncadd.s32 $0xFFFFD800  }
0x78: {  	[tilespmem:s17], [sflag:$0x5] =	stream.linear.gather [hbm4b:s10+s3], $0x2800, $0x38;
	[tilespmem:$0x8780] =	vst v63  }
0x79: {  	_ =	swait.ge [sflag:s16], $0x2800  }
0x7a: {  	[sflag:s16] =	ssyncset.done $0x0  }
0x7b: {  	[sflag:s16] =	ssyncadd.s32 $0xFFFFD800  }
0x7c: {  	[spmem:s2] =	stream.indirect.scatter.add.f32 [tilespmem:s19], [sflag:$0x1], $0x10, s17, s18, $0xb8;
	[tilespmem:$0x8780] =	vst v63  }
0x7d: {  	_ = 	snop  }
0x7e: {  	[spmem:s2] =	stream.indirect.scatter.add.f32 [tilespmem:s19], [sflag:$0x2], $0x10, s20, s18, $0xb8;
	[tilespmem:$0x8780] =	vst v63  }
0x7f: {  	_ = 	snop  }
0x80: {  	[spmem:s2] =	stream.indirect.scatter.add.f32 [tilespmem:s19], [sflag:$0x3], $0x10, s21, s18, $0xb8;
	[tilespmem:$0x8780] =	vst v63  }
0x81: {  	_ = 	snop  }
0x82: {  	[spmem:s2] =	stream.indirect.scatter.add.f32 [tilespmem:s19], [sflag:$0x4], $0x10, s22, s18, $0xb8;
	[tilespmem:$0x8780] =	vst v63  }
0x83: {  	_ =	swait.ge [sflag:s23], $0x800  }
0x84: {  	[sflag:s23] =	ssyncset.done $0x0  }
0x85: {  	s29 =	simm.s32 $0x2A00;
	[sflag:s23] =	ssyncadd.s32 $0xFFFFF800  }
0x86: {  	[spmem:s2] =	stream.indirect.scatter.add.f32 [tilespmem:s19], [sflag:$0x1], $0x10, s29, s18, $0xb8;
	[tilespmem:$0x8780] =	vst v63  }
0x87: {  	_ =	swait.ge [sflag:s24], $0x800  }
0x88: {  	[sflag:s24] =	ssyncset.done $0x0  }
0x89: {  	s29 =	simm.s32 $0x2A80;
	[sflag:s24] =	ssyncadd.s32 $0xFFFFF800  }
0x8a: {  	[spmem:s2] =	stream.indirect.scatter.add.f32 [tilespmem:s19], [sflag:$0x2], $0x10, s29, s18, $0xb8;
	[tilespmem:$0x8780] =	vst v63  }
0x8b: {  	_ =	swait.ge [sflag:s25], $0x800  }
0x8c: {  	[sflag:s25] =	ssyncset.done $0x0  }
0x8d: {  	s29 =	simm.s32 $0x2B00;
	[sflag:s25] =	ssyncadd.s32 $0xFFFFF800  }
0x8e: {  	[spmem:s2] =	stream.indirect.scatter.add.f32 [tilespmem:s19], [sflag:$0x3], $0x10, s29, s18, $0xb8;
	[tilespmem:$0x8780] =	vst v63  }
0x8f: {  	_ =	swait.ge [sflag:s26], $0x800  }
0x90: {  	[sflag:s26] =	ssyncset.done $0x0  }
0x91: {  	s30 =	simm.s32 $0x2B80;
	s29 =	simm.s32 $0xFFFF7000;
	[sflag:s26] =	ssyncadd.s32 $0xFFFFF800  }
.LBB2_5:
0x92: {  	[spmem:s2] =	stream.indirect.scatter.add.f32 [tilespmem:s19], [sflag:$0x4], $0x10, s30, s18, $0xb8;
	[tilespmem:$0x8780] =	vst v63  }
0x93: {  	s30 =	smov.u32 s29  }
0x94: {  	p1 =	seq.s32 s29, $0xFFFFF800;
	s29 =	sadd.s32 $0x800, s29;
	_ =	swait.ge [sflag:s23], $0x800  }
0x95: {  	s30 =	sshra.s32 s30, $0x2;
	[sflag:s23] =	ssyncset.done $0x0  }
0x96: {  	s31 =	sadd.s32 $0x5000, s30;
	[sflag:s23] =	ssyncadd.s32 $0xFFFFF800  }
0x97: {  	[spmem:s2] =	stream.indirect.scatter.add.f32 [tilespmem:s19], [sflag:$0x1], $0x10, s31, s18, $0xb8;
	[tilespmem:$0x8780] =	vst v63  }
0x98: {  	_ =	swait.ge [sflag:s24], $0x800  }
0x99: {  	[sflag:s24] =	ssyncset.done $0x0  }
0x9a: {  	s31 =	sadd.s32 $0x5080, s30;
	[sflag:s24] =	ssyncadd.s32 $0xFFFFF800  }
0x9b: {  	[spmem:s2] =	stream.indirect.scatter.add.f32 [tilespmem:s19], [sflag:$0x2], $0x10, s31, s18, $0xb8;
	[tilespmem:$0x8780] =	vst v63  }
0x9c: {  	_ =	swait.ge [sflag:s25], $0x800  }
0x9d: {  	[sflag:s25] =	ssyncset.done $0x0  }
.Ltmp6:
0x9e: {  	s31 =	sadd.s32 $0x5100, s30;
	[sflag:s25] =	ssyncadd.s32 $0xFFFFF800;
	(pc) =	sbr.rel @!p1 .LBB2_5-.Ltmp6, $4  }
0x9f: {  	[spmem:s2] =	stream.indirect.scatter.add.f32 [tilespmem:s19], [sflag:$0x3], $0x10, s31, s18, $0xb8;
	[tilespmem:$0x8780] =	vst v63  }
0xa0: {  	_ =	swait.ge [sflag:s26], $0x800  }
0xa1: {  	[sflag:s26] =	ssyncset.done $0x0  }
0xa2: {  	s30 =	sadd.s32 $0x5180, s30;
	[sflag:s26] =	ssyncadd.s32 $0xFFFFF800  }
.Ltmp7:
0xa3: {  	_ = 	snop;
	(pc) =	sbr.rel .LBB2_6-.Ltmp7, $1  }
0xa4: {  	_ =	sdelay $0x3  }
.LBB2_11:
0xa5: {  	_ =	sfence.sel $0x180000  }
0xa6: {  	[bflag:$0x0] =	sbarrier.arrive $0xFFFF  }
0xa7: {  	p0 =	sne.s32 s1, $0x0;
	_ =	strace $0x90000047  }
0xa8: {  	s0 =	sadd.s32 @!p0 $0x100000, s0;
	[bflag:$0x2] =	sbarrier.arrive $0xFFFF  }
0xa9: {  	[sflag:s0] =	ssyncadd.tile.s32 @!p0 $0x1;
	_ =	shalt  }
.Lfunc_end2:
_tile_overlayer_lowered:
.L_overlay_start_2:
0xaa: {  	(tag) =	ssettag $0x2  }
0xab: {  	s0 =	rddreg [dreg:$0x0];
	s2 =	stileid.u32  }
0xac: {  	s1 =	rddreg [dreg:$0x1];
	p0 =	sne.s32 s2, $0x0  }
0xad: {  	s3 =	rddreg [dreg:$0x2];
	[bflag:$0x3] =	sbarrier.arrive $0xFFFF;
	s2 =	simm.s32 @!p0 $0x1C05  }
0xae: {  	[timem:s3], [sflag:s2] =	dma.local @!p0 [hbm:s0], s1  }
0xaf: {  	s0 =	simm.s32 @!p0 $0x5  }
0xb0: {  	_ =	swait.ge @!p0 [sflag:s0], s1  }
0xb1: {  	s1 =	ssub.s32 @!p0 $0x0, s1;
	[sflag:s0] =	ssyncset.done @!p0 $0x0  }
0xb2: {  	[sflag:s0] =	ssyncadd.s32 @!p0 s1  }
0xb3: {  	[bflag:$0x3] =	sbarrier.arrive $0xFFFF  }
0xb4: {  	_ =	shalt  }

// kernel: kernel.13.cloned.1.call-start
scs
__scs_entry_jumppad:
0x0: {  	(pc) =	sbr.rel $0x88, $3  }
0x1: {  	(tag) =	ssettag $0x0;
	lr =	simm.s32 $0x1  }
0x2: {  	[smem:$0x3F94] =	sst lr;
	_ =	strace $0xD0000000  }
0x3: {  	_ = 	snop  }
0x4: {  	_ = 	snop  }
0x5: {  	_ = 	snop  }
0x6: {  	_ = 	snop  }
0x7: {  	_ = 	snop  }
__scs_overlays_trampoline_lowered:
0x8: {  	[smem:$0x3FA3] =	sst s0  }
0x9: {  	[smem:$0x3FA4] =	sst s1  }
0xa: {  	[smem:$0x3FA5] =	sst s2  }
0xb: {  	[smem:$0x3FA6] =	sst s3  }
0xc: {  	[smem:$0x3FA7] =	sst s4  }
0xd: {  	[smem:$0x3FA8] =	sst s5  }
0xe: {  	[smem:$0x3FA9] =	sst s6  }
0xf: {  	[smem:$0x3FAA] =	sst s7  }
0x10: {  	[smem:$0x3FAB] =	sst s8  }
0x11: {  	[smem:$0x3FAC] =	sst s9;
	s0 =	simm.s32 @!p0 $0x0  }
0x12: {  	s1 =	sld [smem:$0x3F92];
	s0 =	simm.s32 @p0 $0x1  }
0x13: {  	[smem:$0x3FAD] =	sst s0;
	s0 =	simm.s32 @!p1 $0x0  }
0x14: {  	s2 =	sld [smem:$0x3F91];
	s0 =	simm.s32 @p1 $0x1  }
0x15: {  	[smem:$0x3FAE] =	sst s0;
	s0 =	simm.s32 @!p2 $0x0  }
0x16: {  	s3 =	sld [smem:$0x3FDB];
	s0 =	simm.s32 @p2 $0x1  }
0x17: {  	s4 =	simm.s32 $0x1BF5;
	[smem:$0x3FB0] =	sst s0  }
0x18: {  	s0 =	sld [smem:$0x3F93];
	_ =	swait.ge [sflag:s4], $0x0  }
0x19: {  	s7 =	sld [smem:$0x3F94]  }
0x1a: {  	s8 =	sadd.s32 $0xFFFFE003, lr  }
0x1b: {  	s9 =	sadd.s32 $0xFFFFFEF7, lr;
	s5 =	simm.s32 $0xFFFFFFFF;
	p2 =	slt.u32 s8, $0xFFFFF086  }
0x1c: {  	p1 =	slt.u32 s9, $0xF7A;
	s5 =	simm.s32 @!p2 $0x0  }
0x1d: {  	s5 =	simm.s32 @p1 $0x1;
	p0 =	seq.s32 s7, s2  }
0x1e: {  	s7 =	smul.u32 @!p0 $0xF7A, s2;
	p2 =	seq.s32 @!p0 s5, $0x0  }
0x1f: {  	s9 =	smul.u32 $0xF7A, s1;
	s8 =	simm.s32 @!p0 $0x1BF5;
	p2 =	por !p2, p0  }
0x20: {  	[sflag:s8] =	ssyncset.s32 @!p0 $0xFFFFF086;
	s6 =	sadd.s32 @!p0 s3, s7;
	s7 =	simm.s32 @!p0 $0x108  }
0x21: {  	s3 =	sadd.s32 s3, s9;
	s6 =	sadd.s32 @!p0 $0x88, s6;
	s7 =	simm.s32 @p2 $0x1082  }
0x22: {  	[simem:s7], [sflag:s8] =	dma.local @!p0 [hbm:s6], $0xF7A  }
0x23: {  	s9 =	sor.u32 $0xD0000000, s2;
	s6 =	simm.s32 $0x108;
	_ =	swait.ge @!p0 [sflag:s8], $0x0  }
0x24: {  	s3 =	sadd.s32 $0x88, s3;
	s6 =	simm.s32 @!p1 $0x1082;
	[sflag:s4] =	ssyncset.s32 $0xFFFFF086  }
0x25: {  	[simem:s6], [sflag:s4] =	dma.local [hbm:s3], $0xF7A  }
0x26: {  	[smem:$0x3F94] =	sst s1;
	(tag) =	ssettag s2;
	_ =	strace s9  }
0x27: {  	s1 =	sld [smem:$0x3FA4]  }
0x28: {  	s2 =	sld [smem:$0x3FA5]  }
0x29: {  	s4 =	sld [smem:$0x3FA7]  }
0x2a: {  	p0 =	seq.s32 s5, $0x0;
	s5 =	sld [smem:$0x3FA8]  }
0x2b: {  	s6 =	sld [smem:$0x3FA9]  }
0x2c: {  	s7 =	sld [smem:$0x3FAA]  }
0x2d: {  	s3 =	simm.s32 $0x108;
	s8 =	sld [smem:$0x3FAB]  }
0x2e: {  	s3 =	simm.s32 @!p0 $0x1082;
	s9 =	sld [smem:$0x3FAC]  }
0x2f: {  	lr =	sadd.s32 s0, s3;
	s0 =	sld [smem:$0x3FA3]  }
0x30: {  	s3 =	sld [smem:$0x3FA6]  }
0x31: {  	[smem:$0x3FAF] =	sst s10  }
0x32: {  	s10 =	sld [smem:$0x3FAD];
	_ =	sdelay $0x3  }
0x33: {  	p0 =	seq.s32 s10, $0x1;
	s10 =	sld [smem:$0x3FAF];
	_ =	sdelay $0x3  }
0x34: {  	[smem:$0x3FAF] =	sst s10  }
0x35: {  	s10 =	sld [smem:$0x3FAE];
	_ =	sdelay $0x3  }
0x36: {  	p1 =	seq.s32 s10, $0x1;
	s10 =	sld [smem:$0x3FAF];
	_ =	sdelay $0x3  }
0x37: {  	[smem:$0x3FAF] =	sst s10  }
0x38: {  	s10 =	sld [smem:$0x3FB0]  }
0x39: {  	_ = 	snop;
	(pc) =	sbr.ind lr, $3  }
0x3a: {  	_ = 	snop  }
0x3b: {  	_ = 	snop  }
0x3c: {  	p2 =	seq.s32 s10, $0x1;
	s10 =	sld [smem:$0x3FAF]  }
0x3d: {  	_ =	shalt  }
0x3e: {  	_ =	shalt  }
0x3f: {  	_ =	shalt  }
0x40: {  	_ =	shalt  }
0x41: {  	_ =	shalt  }
0x42: {  	_ =	shalt  }
0x43: {  	_ =	shalt  }
0x44: {  	_ =	shalt  }
0x45: {  	_ =	shalt  }
0x46: {  	_ =	shalt  }
0x47: {  	_ =	shalt  }
0x48: {  	_ =	shalt  }
0x49: {  	_ =	shalt  }
0x4a: {  	_ =	shalt  }
0x4b: {  	_ =	shalt  }
0x4c: {  	_ =	shalt  }
0x4d: {  	_ =	shalt  }
0x4e: {  	_ =	shalt  }
0x4f: {  	_ =	shalt  }
0x50: {  	_ =	shalt  }
0x51: {  	_ =	shalt  }
0x52: {  	_ =	shalt  }
0x53: {  	_ =	shalt  }
0x54: {  	_ =	shalt  }
0x55: {  	_ =	shalt  }
0x56: {  	_ =	shalt  }
0x57: {  	_ =	shalt  }
0x58: {  	_ =	shalt  }
0x59: {  	_ =	shalt  }
0x5a: {  	_ =	shalt  }
0x5b: {  	_ =	shalt  }
0x5c: {  	_ =	shalt  }
0x5d: {  	_ =	shalt  }
0x5e: {  	_ =	shalt  }
0x5f: {  	_ =	shalt  }
0x60: {  	_ =	shalt  }
0x61: {  	_ =	shalt  }
0x62: {  	_ =	shalt  }
0x63: {  	_ =	shalt  }
0x64: {  	_ =	shalt  }
0x65: {  	_ =	shalt  }
0x66: {  	_ =	shalt  }
0x67: {  	_ =	shalt  }
0x68: {  	_ =	shalt  }
0x69: {  	_ =	shalt  }
0x6a: {  	_ =	shalt  }
0x6b: {  	_ =	shalt  }
0x6c: {  	_ =	shalt  }
0x6d: {  	_ =	shalt  }
0x6e: {  	_ =	shalt  }
0x6f: {  	_ =	shalt  }
0x70: {  	_ =	shalt  }
0x71: {  	_ =	shalt  }
0x72: {  	_ =	shalt  }
0x73: {  	_ =	shalt  }
0x74: {  	_ =	shalt  }
0x75: {  	_ =	shalt  }
0x76: {  	_ =	shalt  }
0x77: {  	_ =	shalt  }
0x78: {  	_ =	shalt  }
0x79: {  	_ =	shalt  }
0x7a: {  	_ =	shalt  }
0x7b: {  	_ =	shalt  }
0x7c: {  	_ =	shalt  }
0x7d: {  	_ =	shalt  }
0x7e: {  	_ =	shalt  }
0x7f: {  	_ =	shalt  }
0x80: {  	_ =	shalt  }
0x81: {  	_ =	shalt  }
0x82: {  	_ =	shalt  }
0x83: {  	_ =	shalt  }
0x84: {  	_ =	shalt  }
0x85: {  	_ =	shalt  }
0x86: {  	_ =	shalt  }
0x87: {  	_ =	shalt  }
.Lfunc_end0:
.L_simem_size_0:
called_computation.1_lowered:
.L_overlay_start_0:
0x88: {  	s2 =	sld [smem:$0x3FD9]  }
0x89: {  	s3 =	sld [smem:$0x3FFE];
	_ =	sdelay $0x1  }
0x8a: {  	s1 =	srdreg.scid  }
0x8b: {  	s0 =	sand.u32 $0x1, s1  }
0x8c: {  	s16 =	sshll.u32 s0, $0xA;
	s2 =	sadd.s32 s3, s2  }
0x8d: {  	s2 =	sadd.s32 s2, s16  }
0x8e: {  	[smem:$0x3FBB] =	sst s2  }
0x8f: {  	_ = 	snop  }
0x90: {  	(tm) =	ssettm $0x1  }
0x91: {  	s17 =	sld [smem:$0x3FFB];
	_ =	sdelay $0x3  }
0x92: {  	_ =	strace s17  }
0x93: {  	s2 =	sld [smem:$0x3FFC];
	_ =	sdelay $0x3  }
0x94: {  	_ =	strace s2  }
0x95: {  	s2 =	sld [smem:$0x3FFD];
	_ =	sdelay $0x3  }
0x96: {  	_ =	strace s2  }
0x97: {  	_ =	strace $0x8FFFFFFF  }
0x98: {  	s18 =	sld [smem:$0x3FDB];
	_ =	sdelay $0x1  }
0x99: {  	s19 =	simm.s32 $_scs_section_size  }
0x9a: {  	s4 =	simm.s32 $_size__tile_overlayer_lowered;
	s5 =	simm.s32 $_tile_overlayer_lowered  }
0x9b: {  	s22 =	simm.s32 $0x1BFF;
	s21 =	sshll.u32 s5, $0x1;
	s2 =	sadd.s32 s19, s18  }
0x9c: {  	s6 =	simm.s32 $0x0;
	s20 =	sshll.u32 s4, $0x1;
	s4 =	sadd.s32 s21, s2  }
0x9d: {  	[timem:s6], [sflag:s22] =	dma.local [hbm:s4], s20  }
0x9e: {  	_ =	swait.ge [sflag:s22], s20  }
0x9f: {  	s3 =	ssub.s32 $0x0, s20;
	[sflag:s22] =	ssyncset.done $0x0  }
0xa0: {  	[sflag:s22] =	ssyncadd.s32 s3;
	_ =	sdelay $0x1  }
0xa1: {  	s23 =	simm.s32 $0x1B8B  }
0xa2: {  	_ =	swait.ge [sflag:s23], $0x1  }
0xa3: {  	[sflag:s23] =	ssyncset.done $0x0  }
0xa4: {  	s25 =	simm.s32 $0x1B8E;
	s24 =	sld [smem:$0x3FFE];
	[sflag:s23] =	ssyncadd.s32 $0xFFFFFFFF  }
0xa5: {  	s26 =	simm.s32 $execute0_lowered;
	[smem:$0x3FD2] =	sst s25  }
0xa6: {  	s4 =	sshll.u32 s26, $0x1;
	_ =	strace $0x80000049;
	[dreg:$0x1] =	wrdreg $0xFFFFFFFF  }
0xa7: {  	s28 =	simm.s32 $_size_execute0_lowered;
	s2 =	sadd.s32 s2, s4;
	[dreg:$0x0] =	wrdreg $0x0  }
0xa8: {  	s4 =	sshll.u32 s28, $0x1;
	[dreg:$0x2] =	wrdreg s2  }
0xa9: {  	[dreg:$0x3] =	wrdreg s4  }
0xaa: {  	[dreg:$0x4] =	wrdreg $0xC0  }
0xab: {  	_ =	task [dreg:s6], $0x5FFFF  }
0xac: {  	[dreg:$0x1] =	wrdreg $0xFFFFFFFF  }
0xad: {  	[dreg:$0x0] =	wrdreg $0x60  }
0xae: {  	[dreg:$0x2] =	wrdreg s24  }
0xaf: {  	[dreg:$0x3] =	wrdreg $0x50000  }
0xb0: {  	[dreg:$0x4] =	wrdreg $0xEE000  }
0xb1: {  	[dreg:$0x5] =	wrdreg $0x9  }
0xb2: {  	_ =	task.clear_ibuf [dreg:s6], $0x6FFFF;
	_ =	strace $0x90000049  }
0xb3: {  	s29 =	simm.s32 $0x9;
	_ =	strace $0x8000004B  }
0xb4: {  	_ =	swait.ge [sflag:s29], $0x1  }
0xb5: {  	[sflag:s29] =	ssyncadd.s32 $0xFFFFFFFF  }
0xb6: {  	_ =	strace $0x9000004B  }
0xb7: {  	_ =	sfence  }
0xb8: {  	s30 =	sld [smem:$0x0];
	_ =	sdelay $0x2  }
0xb9: {  	s31 =	sshll.u32 s1, $0xD;
	s1 =	sshrl.u32 s1, $0x2  }
0xba: {  	s3 =	sand.u32 $0x4000, s31;
	s1 =	sadd.s32 s1, s30  }
0xbb: {  	s0 =	sor.u32 s3, s0;
	s1 =	sshll.u32 s1, $0x11  }
0xbc: {  	s0 =	sor.u32 s1, s0  }
0xbd: {  	s0 =	sadd.s32 $0x8F2B, s0  }
0xbe: {  	[sflag:s0] =	ssyncadd.remote.s32 $0x1  }
0xbf: {  	_ =	sfence.sel $0xFFFF  }
0xc0: {  	[dreg:$0x0] =	wrdreg $0xFFFFFFFF;
	(pc) =	sbr.abs _section_cstart, $3  }
0xc1: {  	[dreg:$0x1] =	wrdreg $0xFFFFFFFF  }
0xc2: {  	_ =	task.clear_ibuf [dreg:s6], $0x2FFFF;
	_ =	strace $0x9FFFFFFF  }
0xc3: {  	(tm) =	ssettm $0x7FFFFFFF  }
tec
execute0_lowered:
.L_overlay_start_1:
0x0: {  	(tag) =	ssettag $0x1  }
0x1: {  	s1 =	rddreg [dreg:$0x0]  }
0x2: {  	s2 =	rddreg [dreg:$0x1];
	s0 =	stileid.u32  }
0x3: {  	s4 =	srdreg.scid;
	s3 =	rddreg [dreg:$0x2]  }
0x4: {  	s19 =	simm.s32 $0x5;
	s28 =	simm.s32 $0x3;
	s29 =	simm.s32 $0x4  }
0x5: {  	s30 =	simm.s32 $0x4F00;
	s31 =	simm.s32 $0x4F80;
	s5 =	smul.u32 $0x13C00, s0  }
0x6: {  	s12 =	sand.u32 $0x1, s4;
	s4 =	simm.s32 $0x0;
	s22 =	smul.u32 $0x27800, s0  }
0x7: {  	s14 =	sadd.s32 $0xC600, s1;
	s15 =	sadd.s32 $0x2600, s1;
	s13 =	smul.u32 $0x2800, s0  }
0x8: {  	s20 =	sadd.s32 $0x94200, s3;
	s18 =	smul.u32 $0x500, s0;
	p1 =	seq.s32 s0, $0xF  }
0x9: {  	s6 =	smul.u32 $0x13C000, s12;
	[smem:$0x7FF] =	sst s4;
	s23 =	ssub.s32 $0x2, s12  }
0xa: {  	p0 =	seq.s32 s12, $0x1;
	s20 =	sshrl.u32 @p1 s20, $0x3;
	s7 =	sshrl.u32 s5, $0x4  }
0xb: {  	_ =	strace $0x8000004A;
	s8 =	sshrl.u32 s23, $0x1;
	s11 =	sshrl.u32 s5, $0x1  }
0xc: {  	s24 =	sshrl.u32 s13, $0x3;
	s25 =	sadd.s32 s14, s18;
	s26 =	sadd.s32 s15, s18  }
0xd: {  	s18 =	simm.s32 $0x18C00;
	s10 =	sadd.s32 s7, s1;
	s6 =	sadd.s32 s5, s6  }
0xe: {  	s7 =	sshrl.u32 s22, $0x2;
	s17 =	ssub.s32 s23, s8;
	s5 =	sadd.s32 s11, s2  }
0xf: {  	s21 =	sadd.s32 s11, s3;
	s11 =	sadd.s32 $0x28E40, s1;
	[dreg:$0x4] =	wrdreg s25  }
0x10: {  	[dreg:$0x5] =	wrdreg s26;
	s22 =	simm.s32 $0x2800;
	s23 =	simm.s32 $0x80  }
0x11: {  	s25 =	simm.s32 $0x1;
	s26 =	simm.s32 $0x2;
	s6 =	sshrl.u32 s6, $0x4  }
.Ltmp0:
0x12: {  	s9 =	sadd.s32 s7, s2;
	s10 =	sadd.s32 $0x16600, s10;
	(pc) =	sbr.rel .LBB2_1-.Ltmp0, $4  }
0x13: {  	s17 =	smax.u32 s17, $0x1;
	s21 =	sshrl.u32 @!p1 s21, $0x3;
	s16 =	sadd.s32 s6, s1  }
0x14: {  	s6 =	sadd.s32 $0x2000, s9;
	s7 =	sadd.s32 $0x4000, s9;
	s8 =	sadd.s32 $0x6000, s9  }
0x15: {  	s9 =	sadd.s32 $0x8000, s9;
	s1 =	sadd.s32 $0x5000, s24;
	s24 =	simm.s32 $0x1AC00  }
0x16: {  	v0 =	vimm.bf16 $0.0e+00;
	s14 =	sadd.s32 s14, s1;
	s15 =	sadd.s32 s15, s1;
	s16 =	sadd.s32 $0x2A000, s16  }
.LBB2_6:
0x17: {  	[tilespmem:s24], [sflag:$0x2] =	stream.indirect.gather [spmem:s3], $0x40, s12, s23, $0xb8;
	[tilespmem:$0x1CC00] =	vst v63  }
.LBB2_10:
0x18: {  	_ =	swait.ge [sflag:s25], $0x2000  }
0x19: {  	[sflag:s25] =	ssyncset.done $0x0  }
0x1a: {  	[sflag:s25] =	ssyncadd.s32 $0xFFFFE000  }
0x1b: {  	[spmem:s2] =	stream.indirect.scatter.add.bf16 [tilespmem:s18], [sflag:$0x3], $0x40, s30, s23, $0xb8;
	[tilespmem:$0x1CC00] =	vst v63  }
0x1c: {  	_ =	swait.ge [sflag:s26], $0x2000  }
0x1d: {  	[sflag:s26] =	ssyncset.done $0x0  }
0x1e: {  	[sflag:s26] =	ssyncadd.s32 $0xFFFFE000  }
0x1f: {  	[spmem:s2] =	stream.indirect.scatter.add.bf16 [tilespmem:s24], [sflag:$0x4], $0x40, s31, s23, $0xb8;
	[tilespmem:$0x1CC00] =	vst v63  }
0x20: {  	_ =	swait.ge [sflag:s28], $0x2000  }
0x21: {  	[sflag:s28] =	ssyncset.done $0x0  }
0x22: {  	[sflag:s28] =	ssyncadd.s32 $0xFFFFE000  }
0x23: {  	_ =	swait.ge [sflag:s29], $0x2000  }
0x24: {  	s1 =	sshll.u32 s0, $0x6;
	s4 =	sadd.s32 $0x1, s4;
	[sflag:s29] =	ssyncset.done $0x0  }
0x25: {  	s12 =	sshrl.u32 s5, $0x3;
	p2 =	sne.s32 s4, s17;
	[sflag:s29] =	ssyncadd.s32 $0xFFFFE000  }
.Ltmp1:
0x26: {  	s1 =	sor.u32 $0x1C05, s1;
	[bflag:$0x0] =	sbarrier.arrive $0xFFFF;
	(pc) =	sbr.rel @!p2 .LBB2_11-.Ltmp1, $4  }
0x27: {  	[hbm:s16], [sflag:s1] =	dma.local [spmem:s12], $0x13C0  }
0x28: {  	_ =	swait.ge [sflag:s19], $0x13C0  }
0x29: {  	[sflag:s19] =	ssyncset.done $0x0  }
0x2a: {  	[sflag:s19] =	ssyncadd.s32 $0xFFFFEC40  }
.LBB2_1:
0x2b: {  	s12 =	simm.s32 $0x100;
	s1 =	simm.s32 $0x0  }
.LBB2_2:
0x2c: {  	p2 =	sne.s32 s12, $0x7F00;
	[tilespmem:s1+$0x18C30] =	vst v0;
	s13 =	smov.u32 s12;
	s12 =	sadd.s32 $0x100, s12  }
.Ltmp2:
0x2d: {  	[tilespmem:s1+$0x18C20] =	vst v0;
	(pc) =	sbr.rel @p2 .LBB2_2-.Ltmp2, $3  }
0x2e: {  	[tilespmem:s1+$0x18C00] =	vst v0  }
0x2f: {  	[tilespmem:s1+$0x18C10] =	vst v0;
	_ =	sdelay $0x1  }
0x30: {  	s1 =	sshra.s32 s13, $0x2  }
0x31: {  	[tilespmem:s1+$0x18C30] =	vst v0  }
0x32: {  	[tilespmem:s1+$0x18C20] =	vst v0  }
0x33: {  	[tilespmem:s1+$0x18C00] =	vst v0  }
0x34: {  	[tilespmem:s1+$0x18C10] =	vst v0  }
0x35: {  	[spmem:s5] =	stream.linear.scatter [tilespmem:s18], [sflag:$0x5], $0x2000, $0x38;
	[tilespmem:$0x1CC00] =	vst v63  }
0x36: {  	_ =	swait.ge [sflag:s19], $0x2000  }
0x37: {  	[sflag:s19] =	ssyncset.done $0x0  }
0x38: {  	[sflag:s19] =	ssyncadd.s32 $0xFFFFE000  }
0x39: {  	[spmem:s6] =	stream.linear.scatter [tilespmem:s18], [sflag:$0x5], $0x2000, $0x38;
	[tilespmem:$0x1CC00] =	vst v63  }
0x3a: {  	_ =	swait.ge [sflag:s19], $0x2000  }
0x3b: {  	[sflag:s19] =	ssyncset.done $0x0  }
0x3c: {  	[sflag:s19] =	ssyncadd.s32 $0xFFFFE000  }
0x3d: {  	[spmem:s7] =	stream.linear.scatter [tilespmem:s18], [sflag:$0x5], $0x2000, $0x38;
	[tilespmem:$0x1CC00] =	vst v63  }
0x3e: {  	_ =	swait.ge [sflag:s19], $0x2000  }
0x3f: {  	[sflag:s19] =	ssyncset.done $0x0  }
0x40: {  	[sflag:s19] =	ssyncadd.s32 $0xFFFFE000  }
0x41: {  	[spmem:s8] =	stream.linear.scatter [tilespmem:s18], [sflag:$0x5], $0x2000, $0x38;
	[tilespmem:$0x1CC00] =	vst v63  }
0x42: {  	_ =	swait.ge [sflag:s19], $0x2000  }
0x43: {  	[sflag:s19] =	ssyncset.done $0x0  }
0x44: {  	[sflag:s19] =	ssyncadd.s32 $0xFFFFE000  }
0x45: {  	[spmem:s9] =	stream.linear.scatter [tilespmem:s18], [sflag:$0x5], $0x1E00, $0x38;
	[tilespmem:$0x1CC00] =	vst v63  }
0x46: {  	_ =	swait.ge [sflag:s19], $0x1E00  }
0x47: {  	[sflag:s19] =	ssyncset.done $0x0  }
0x48: {  	s1 =	simm.s32 @p1 $0x1FC5;
	[sflag:s19] =	ssyncadd.s32 $0xFFFFE200  }
0x49: {  	[spmem:s20], [sflag:s1] =	dma.local @p1 [hbm:s11], $0x1040  }
0x4a: {  	s1 =	simm.s32 @p1 $0x5  }
0x4b: {  	_ =	swait.ge @p1 [sflag:s1], $0x1040  }
0x4c: {  	s12 =	sshll.u32 @!p1 s0, $0x6;
	[sflag:s1] =	ssyncset.done @p1 $0x0  }
0x4d: {  	[sflag:s1] =	ssyncadd.s32 @p1 $0xFFFFEFC0;
	s1 =	sor.u32 @!p1 $0x1C05, s12  }
0x4e: {  	[spmem:s21], [sflag:s1] =	dma.local @!p1 [hbm:s10], $0x13C0  }
0x4f: {  	s1 =	simm.s32 @!p1 $0x5  }
.Ltmp3:
0x50: {  	_ =	swait.ge @!p1 [sflag:s1], $0x13C0;
	(pc) =	sbr.rel @!p0 .LBB2_4-.Ltmp3, $4  }
0x51: {  	[sflag:s1] =	ssyncset.done @!p1 $0x0  }
0x52: {  	[sflag:s1] =	ssyncadd.s32 @!p1 $0xFFFFEC40  }
0x53: {  	[bflag:$0x0] =	sbarrier.arrive $0xFFFF  }
0x54: {  	s1 =	simm.s32 $0x0  }
0x55: {  	[tilespmem:s1], [sflag:$0x5] =	stream.linear.gather [hbm4b:s14+s1], $0x2800, $0x38;
	[tilespmem:$0x1CC00] =	vst v63  }
0x56: {  	_ =	swait.ge [sflag:s19], $0x2800  }
0x57: {  	[sflag:s19] =	ssyncset.done $0x0  }
0x58: {  	[sflag:s19] =	ssyncadd.s32 $0xFFFFD800  }
0x59: {  	[tilespmem:s22], [sflag:$0x5] =	stream.linear.gather [hbm4b:s15+s1], $0x2800, $0x38;
	[tilespmem:$0x1CC00] =	vst v63  }
0x5a: {  	_ =	swait.ge [sflag:s19], $0x2800  }
0x5b: {  	[sflag:s19] =	ssyncset.done $0x0  }
0x5c: {  	[sflag:s19] =	ssyncadd.s32 $0xFFFFD800  }
0x5d: {  	[tilespmem:s18], [sflag:$0x1] =	stream.indirect.gather [spmem:s3], $0x40, s1, s23, $0xb8;
	[tilespmem:$0x1CC00] =	vst v63  }
0x5e: {  	_ = 	snop  }
0x5f: {  	[tilespmem:s24], [sflag:$0x2] =	stream.indirect.gather [spmem:s3], $0x40, s23, s23, $0xb8;
	[tilespmem:$0x1CC00] =	vst v63  }
0x60: {  	_ =	swait.ge [sflag:s25], $0x2000  }
0x61: {  	[sflag:s25] =	ssyncset.done $0x0  }
0x62: {  	s13 =	simm.s32 $0x2800;
	[sflag:s25] =	ssyncadd.s32 $0xFFFFE000  }
0x63: {  	[spmem:s2] =	stream.indirect.scatter.add.bf16 [tilespmem:s18], [sflag:$0x3], $0x40, s13, s23, $0xb8;
	[tilespmem:$0x1CC00] =	vst v63  }
0x64: {  	_ =	swait.ge [sflag:s26], $0x2000  }
0x65: {  	[sflag:s26] =	ssyncset.done $0x0  }
0x66: {  	s12 =	simm.s32 $0x2880;
	[sflag:s26] =	ssyncadd.s32 $0xFFFFE000  }
0x67: {  	[spmem:s2] =	stream.indirect.scatter.add.bf16 [tilespmem:s24], [sflag:$0x4], $0x40, s12, s23, $0xb8;
	[tilespmem:$0x1CC00] =	vst v63  }
0x68: {  	_ =	swait.ge [sflag:s28], $0x2000  }
0x69: {  	[sflag:s28] =	ssyncset.done $0x0  }
0x6a: {  	s13 =	simm.s32 $0x100;
	[sflag:s28] =	ssyncadd.s32 $0xFFFFE000  }
0x6b: {  	[tilespmem:s18], [sflag:$0x1] =	stream.indirect.gather [spmem:s3], $0x40, s13, s23, $0xb8;
	[tilespmem:$0x1CC00] =	vst v63  }
0x6c: {  	_ =	swait.ge [sflag:s29], $0x2000  }
0x6d: {  	[sflag:s29] =	ssyncset.done $0x0  }
0x6e: {  	s1 =	simm.s32 $0x400;
	s12 =	simm.s32 $0x180;
	[sflag:s29] =	ssyncadd.s32 $0xFFFFE000  }
.LBB2_8:
0x6f: {  	[tilespmem:s24], [sflag:$0x2] =	stream.indirect.gather [spmem:s3], $0x40, s12, s23, $0xb8;
	[tilespmem:$0x1CC00] =	vst v63  }
0x70: {  	s12 =	smov.u32 s1  }
0x71: {  	p2 =	sne.s32 s1, $0x9800;
	s1 =	sadd.s32 $0x400, s1;
	_ =	swait.ge [sflag:s25], $0x2000  }
0x72: {  	s12 =	sshra.s32 s12, $0x2;
	[sflag:s25] =	ssyncset.done $0x0  }
0x73: {  	s13 =	sadd.s32 $0x2800, s12;
	[sflag:s25] =	ssyncadd.s32 $0xFFFFE000  }
0x74: {  	[spmem:s2] =	stream.indirect.scatter.add.bf16 [tilespmem:s18], [sflag:$0x3], $0x40, s13, s23, $0xb8;
	[tilespmem:$0x1CC00] =	vst v63  }
0x75: {  	_ =	swait.ge [sflag:s26], $0x2000  }
0x76: {  	[sflag:s26] =	ssyncset.done $0x0  }
0x77: {  	s13 =	sadd.s32 $0x2880, s12;
	[sflag:s26] =	ssyncadd.s32 $0xFFFFE000  }
0x78: {  	[spmem:s2] =	stream.indirect.scatter.add.bf16 [tilespmem:s24], [sflag:$0x4], $0x40, s13, s23, $0xb8;
	[tilespmem:$0x1CC00] =	vst v63  }
0x79: {  	_ =	swait.ge [sflag:s28], $0x2000  }
0x7a: {  	[sflag:s28] =	ssyncset.done $0x0  }
.Ltmp4:
0x7b: {  	s13 =	sadd.s32 $0x100, s12;
	[sflag:s28] =	ssyncadd.s32 $0xFFFFE000;
	(pc) =	sbr.rel @p2 .LBB2_8-.Ltmp4, $4  }
0x7c: {  	[tilespmem:s18], [sflag:$0x1] =	stream.indirect.gather [spmem:s3], $0x40, s13, s23, $0xb8;
	[tilespmem:$0x1CC00] =	vst v63  }
0x7d: {  	_ =	swait.ge [sflag:s29], $0x2000  }
0x7e: {  	[sflag:s29] =	ssyncset.done $0x0  }
0x7f: {  	s12 =	sadd.s32 $0x180, s12;
	[sflag:s29] =	ssyncadd.s32 $0xFFFFE000  }
.Ltmp5:
0x80: {  	(pc) =	sbr.rel .LBB2_10-.Ltmp5, $2  }
0x81: {  	_ =	sdelay $0x2  }
0x82: {  	[tilespmem:s24], [sflag:$0x2] =	stream.indirect.gather [spmem:s3], $0x40, s12, s23, $0xb8;
	[tilespmem:$0x1CC00] =	vst v63  }
.LBB2_4:
0x83: {  	s12 =	rddreg [dreg:$0x4]  }
0x84: {  	[tilespmem:s1], [sflag:$0x5] =	stream.linear.gather [hbm4b:s12+s1], $0x2800, $0x38;
	[tilespmem:$0x1CC00] =	vst v63  }
0x85: {  	_ =	swait.ge [sflag:s19], $0x2800  }
0x86: {  	[sflag:s19] =	ssyncset.done $0x0  }
0x87: {  	s13 =	rddreg [dreg:$0x5];
	[sflag:s19] =	ssyncadd.s32 $0xFFFFD800  }
0x88: {  	[tilespmem:s22], [sflag:$0x5] =	stream.linear.gather [hbm4b:s13+s1], $0x2800, $0x38;
	[tilespmem:$0x1CC00] =	vst v63  }
0x89: {  	_ =	swait.ge [sflag:s19], $0x2800  }
0x8a: {  	[sflag:s19] =	ssyncset.done $0x0  }
0x8b: {  	[sflag:s19] =	ssyncadd.s32 $0xFFFFD800  }
0x8c: {  	[tilespmem:s18], [sflag:$0x1] =	stream.indirect.gather [spmem:s3], $0x40, s1, s23, $0xb8;
	[tilespmem:$0x1CC00] =	vst v63  }
0x8d: {  	_ = 	snop  }
0x8e: {  	[tilespmem:s24], [sflag:$0x2] =	stream.indirect.gather [spmem:s3], $0x40, s23, s23, $0xb8;
	[tilespmem:$0x1CC00] =	vst v63  }
0x8f: {  	_ =	swait.ge [sflag:s25], $0x2000  }
0x90: {  	[sflag:s25] =	ssyncset.done $0x0  }
0x91: {  	s13 =	simm.s32 $0x2800;
	[sflag:s25] =	ssyncadd.s32 $0xFFFFE000  }
0x92: {  	[spmem:s2] =	stream.indirect.scatter.add.bf16 [tilespmem:s18], [sflag:$0x3], $0x40, s13, s23, $0xb8;
	[tilespmem:$0x1CC00] =	vst v63  }
0x93: {  	_ =	swait.ge [sflag:s26], $0x2000  }
0x94: {  	[sflag:s26] =	ssyncset.done $0x0  }
0x95: {  	s12 =	simm.s32 $0x2880;
	[sflag:s26] =	ssyncadd.s32 $0xFFFFE000  }
0x96: {  	[spmem:s2] =	stream.indirect.scatter.add.bf16 [tilespmem:s24], [sflag:$0x4], $0x40, s12, s23, $0xb8;
	[tilespmem:$0x1CC00] =	vst v63  }
0x97: {  	_ =	swait.ge [sflag:s28], $0x2000  }
0x98: {  	[sflag:s28] =	ssyncset.done $0x0  }
0x99: {  	s13 =	simm.s32 $0x100;
	[sflag:s28] =	ssyncadd.s32 $0xFFFFE000  }
0x9a: {  	[tilespmem:s18], [sflag:$0x1] =	stream.indirect.gather [spmem:s3], $0x40, s13, s23, $0xb8;
	[tilespmem:$0x1CC00] =	vst v63  }
0x9b: {  	_ =	swait.ge [sflag:s29], $0x2000  }
0x9c: {  	[sflag:s29] =	ssyncset.done $0x0  }
0x9d: {  	s1 =	simm.s32 $0x400;
	s12 =	simm.s32 $0x180;
	[sflag:s29] =	ssyncadd.s32 $0xFFFFE000  }
.LBB2_5:
0x9e: {  	[tilespmem:s24], [sflag:$0x2] =	stream.indirect.gather [spmem:s3], $0x40, s12, s23, $0xb8;
	[tilespmem:$0x1CC00] =	vst v63  }
0x9f: {  	s12 =	smov.u32 s1  }
0xa0: {  	p2 =	seq.s32 s1, $0x9800;
	s1 =	sadd.s32 $0x400, s1;
	_ =	swait.ge [sflag:s25], $0x2000  }
0xa1: {  	s12 =	sshra.s32 s12, $0x2;
	[sflag:s25] =	ssyncset.done $0x0  }
0xa2: {  	s13 =	sadd.s32 $0x2800, s12;
	[sflag:s25] =	ssyncadd.s32 $0xFFFFE000  }
0xa3: {  	[spmem:s2] =	stream.indirect.scatter.add.bf16 [tilespmem:s18], [sflag:$0x3], $0x40, s13, s23, $0xb8;
	[tilespmem:$0x1CC00] =	vst v63  }
0xa4: {  	_ =	swait.ge [sflag:s26], $0x2000  }
0xa5: {  	[sflag:s26] =	ssyncset.done $0x0  }
0xa6: {  	s13 =	sadd.s32 $0x2880, s12;
	[sflag:s26] =	ssyncadd.s32 $0xFFFFE000  }
0xa7: {  	[spmem:s2] =	stream.indirect.scatter.add.bf16 [tilespmem:s24], [sflag:$0x4], $0x40, s13, s23, $0xb8;
	[tilespmem:$0x1CC00] =	vst v63  }
0xa8: {  	_ =	swait.ge [sflag:s28], $0x2000  }
0xa9: {  	[sflag:s28] =	ssyncset.done $0x0  }
.Ltmp6:
0xaa: {  	s13 =	sadd.s32 $0x100, s12;
	[sflag:s28] =	ssyncadd.s32 $0xFFFFE000;
	(pc) =	sbr.rel @!p2 .LBB2_5-.Ltmp6, $4  }
0xab: {  	[tilespmem:s18], [sflag:$0x1] =	stream.indirect.gather [spmem:s3], $0x40, s13, s23, $0xb8;
	[tilespmem:$0x1CC00] =	vst v63  }
0xac: {  	_ =	swait.ge [sflag:s29], $0x2000  }
0xad: {  	[sflag:s29] =	ssyncset.done $0x0  }
0xae: {  	s12 =	sadd.s32 $0x180, s12;
	[sflag:s29] =	ssyncadd.s32 $0xFFFFE000  }
.Ltmp7:
0xaf: {  	_ = 	snop;
	(pc) =	sbr.rel .LBB2_6-.Ltmp7, $1  }
0xb0: {  	_ =	sdelay $0x3  }
.LBB2_11:
0xb1: {  	_ =	sfence.sel $0x180000  }
0xb2: {  	[bflag:$0x0] =	sbarrier.arrive $0xFFFF  }
0xb3: {  	_ =	strace $0x9000004A  }
0xb4: {  	[bflag:$0x2] =	sbarrier.arrive $0xFFFF  }
0xb5: {  	p0 =	sne.s32 s0, $0x0;
	s0 =	rddreg [dreg:$0x3]  }
0xb6: {  	s0 =	sadd.s32 @!p0 $0x100000, s0  }
0xb7: {  	[sflag:s0] =	ssyncadd.tile.s32 @!p0 $0x1;
	_ =	shalt  }
.Lfunc_end2:
_tile_overlayer_lowered:
.L_overlay_start_2:
0xb8: {  	(tag) =	ssettag $0x2  }
0xb9: {  	s0 =	rddreg [dreg:$0x0];
	s2 =	stileid.u32  }
0xba: {  	s1 =	rddreg [dreg:$0x1];
	p0 =	sne.s32 s2, $0x0  }
0xbb: {  	s3 =	rddreg [dreg:$0x2];
	[bflag:$0x3] =	sbarrier.arrive $0xFFFF;
	s2 =	simm.s32 @!p0 $0x1C05  }
0xbc: {  	[timem:s3], [sflag:s2] =	dma.local @!p0 [hbm:s0], s1  }
0xbd: {  	s0 =	simm.s32 @!p0 $0x5  }
0xbe: {  	_ =	swait.ge @!p0 [sflag:s0], s1  }
0xbf: {  	s1 =	ssub.s32 @!p0 $0x0, s1;
	[sflag:s0] =	ssyncset.done @!p0 $0x0  }
0xc0: {  	[sflag:s0] =	ssyncadd.s32 @!p0 s1  }
0xc1: {  	[bflag:$0x3] =	sbarrier.arrive $0xFFFF  }
0xc2: {  	_ =	shalt  }

// kernel: kernel.16.cloned.1.call-start
scs
__scs_entry_jumppad:
0x0: {  	(pc) =	sbr.rel $0x88, $3  }
0x1: {  	(tag) =	ssettag $0x0;
	lr =	simm.s32 $0x1  }
0x2: {  	[smem:$0x3F94] =	sst lr;
	_ =	strace $0xD0000000  }
0x3: {  	_ = 	snop  }
0x4: {  	_ = 	snop  }
0x5: {  	_ = 	snop  }
0x6: {  	_ = 	snop  }
0x7: {  	_ = 	snop  }
__scs_overlays_trampoline_lowered:
0x8: {  	[smem:$0x3FA3] =	sst s0  }
0x9: {  	[smem:$0x3FA4] =	sst s1  }
0xa: {  	[smem:$0x3FA5] =	sst s2  }
0xb: {  	[smem:$0x3FA6] =	sst s3  }
0xc: {  	[smem:$0x3FA7] =	sst s4  }
0xd: {  	[smem:$0x3FA8] =	sst s5  }
0xe: {  	[smem:$0x3FA9] =	sst s6  }
0xf: {  	[smem:$0x3FAA] =	sst s7  }
0x10: {  	[smem:$0x3FAB] =	sst s8  }
0x11: {  	[smem:$0x3FAC] =	sst s9;
	s0 =	simm.s32 @!p0 $0x0  }
0x12: {  	s1 =	sld [smem:$0x3F92];
	s0 =	simm.s32 @p0 $0x1  }
0x13: {  	[smem:$0x3FAD] =	sst s0;
	s0 =	simm.s32 @!p1 $0x0  }
0x14: {  	s2 =	sld [smem:$0x3F91];
	s0 =	simm.s32 @p1 $0x1  }
0x15: {  	[smem:$0x3FAE] =	sst s0;
	s0 =	simm.s32 @!p2 $0x0  }
0x16: {  	s3 =	sld [smem:$0x3FDB];
	s0 =	simm.s32 @p2 $0x1  }
0x17: {  	s4 =	simm.s32 $0x1BF5;
	[smem:$0x3FB0] =	sst s0  }
0x18: {  	s0 =	sld [smem:$0x3F93];
	_ =	swait.ge [sflag:s4], $0x0  }
0x19: {  	s7 =	sld [smem:$0x3F94]  }
0x1a: {  	s8 =	sadd.s32 $0xFFFFE003, lr  }
0x1b: {  	s9 =	sadd.s32 $0xFFFFFEF7, lr;
	s5 =	simm.s32 $0xFFFFFFFF;
	p2 =	slt.u32 s8, $0xFFFFF086  }
0x1c: {  	p1 =	slt.u32 s9, $0xF7A;
	s5 =	simm.s32 @!p2 $0x0  }
0x1d: {  	s5 =	simm.s32 @p1 $0x1;
	p0 =	seq.s32 s7, s2  }
0x1e: {  	s7 =	smul.u32 @!p0 $0xF7A, s2;
	p2 =	seq.s32 @!p0 s5, $0x0  }
0x1f: {  	s9 =	smul.u32 $0xF7A, s1;
	s8 =	simm.s32 @!p0 $0x1BF5;
	p2 =	por !p2, p0  }
0x20: {  	[sflag:s8] =	ssyncset.s32 @!p0 $0xFFFFF086;
	s6 =	sadd.s32 @!p0 s3, s7;
	s7 =	simm.s32 @!p0 $0x108  }
0x21: {  	s3 =	sadd.s32 s3, s9;
	s6 =	sadd.s32 @!p0 $0x88, s6;
	s7 =	simm.s32 @p2 $0x1082  }
0x22: {  	[simem:s7], [sflag:s8] =	dma.local @!p0 [hbm:s6], $0xF7A  }
0x23: {  	s9 =	sor.u32 $0xD0000000, s2;
	s6 =	simm.s32 $0x108;
	_ =	swait.ge @!p0 [sflag:s8], $0x0  }
0x24: {  	s3 =	sadd.s32 $0x88, s3;
	s6 =	simm.s32 @!p1 $0x1082;
	[sflag:s4] =	ssyncset.s32 $0xFFFFF086  }
0x25: {  	[simem:s6], [sflag:s4] =	dma.local [hbm:s3], $0xF7A  }
0x26: {  	[smem:$0x3F94] =	sst s1;
	(tag) =	ssettag s2;
	_ =	strace s9  }
0x27: {  	s1 =	sld [smem:$0x3FA4]  }
0x28: {  	s2 =	sld [smem:$0x3FA5]  }
0x29: {  	s4 =	sld [smem:$0x3FA7]  }
0x2a: {  	p0 =	seq.s32 s5, $0x0;
	s5 =	sld [smem:$0x3FA8]  }
0x2b: {  	s6 =	sld [smem:$0x3FA9]  }
0x2c: {  	s7 =	sld [smem:$0x3FAA]  }
0x2d: {  	s3 =	simm.s32 $0x108;
	s8 =	sld [smem:$0x3FAB]  }
0x2e: {  	s3 =	simm.s32 @!p0 $0x1082;
	s9 =	sld [smem:$0x3FAC]  }
0x2f: {  	lr =	sadd.s32 s0, s3;
	s0 =	sld [smem:$0x3FA3]  }
0x30: {  	s3 =	sld [smem:$0x3FA6]  }
0x31: {  	[smem:$0x3FAF] =	sst s10  }
0x32: {  	s10 =	sld [smem:$0x3FAD];
	_ =	sdelay $0x3  }
0x33: {  	p0 =	seq.s32 s10, $0x1;
	s10 =	sld [smem:$0x3FAF];
	_ =	sdelay $0x3  }
0x34: {  	[smem:$0x3FAF] =	sst s10  }
0x35: {  	s10 =	sld [smem:$0x3FAE];
	_ =	sdelay $0x3  }
0x36: {  	p1 =	seq.s32 s10, $0x1;
	s10 =	sld [smem:$0x3FAF];
	_ =	sdelay $0x3  }
0x37: {  	[smem:$0x3FAF] =	sst s10  }
0x38: {  	s10 =	sld [smem:$0x3FB0]  }
0x39: {  	_ = 	snop;
	(pc) =	sbr.ind lr, $3  }
0x3a: {  	_ = 	snop  }
0x3b: {  	_ = 	snop  }
0x3c: {  	p2 =	seq.s32 s10, $0x1;
	s10 =	sld [smem:$0x3FAF]  }
0x3d: {  	_ =	shalt  }
0x3e: {  	_ =	shalt  }
0x3f: {  	_ =	shalt  }
0x40: {  	_ =	shalt  }
0x41: {  	_ =	shalt  }
0x42: {  	_ =	shalt  }
0x43: {  	_ =	shalt  }
0x44: {  	_ =	shalt  }
0x45: {  	_ =	shalt  }
0x46: {  	_ =	shalt  }
0x47: {  	_ =	shalt  }
0x48: {  	_ =	shalt  }
0x49: {  	_ =	shalt  }
0x4a: {  	_ =	shalt  }
0x4b: {  	_ =	shalt  }
0x4c: {  	_ =	shalt  }
0x4d: {  	_ =	shalt  }
0x4e: {  	_ =	shalt  }
0x4f: {  	_ =	shalt  }
0x50: {  	_ =	shalt  }
0x51: {  	_ =	shalt  }
0x52: {  	_ =	shalt  }
0x53: {  	_ =	shalt  }
0x54: {  	_ =	shalt  }
0x55: {  	_ =	shalt  }
0x56: {  	_ =	shalt  }
0x57: {  	_ =	shalt  }
0x58: {  	_ =	shalt  }
0x59: {  	_ =	shalt  }
0x5a: {  	_ =	shalt  }
0x5b: {  	_ =	shalt  }
0x5c: {  	_ =	shalt  }
0x5d: {  	_ =	shalt  }
0x5e: {  	_ =	shalt  }
0x5f: {  	_ =	shalt  }
0x60: {  	_ =	shalt  }
0x61: {  	_ =	shalt  }
0x62: {  	_ =	shalt  }
0x63: {  	_ =	shalt  }
0x64: {  	_ =	shalt  }
0x65: {  	_ =	shalt  }
0x66: {  	_ =	shalt  }
0x67: {  	_ =	shalt  }
0x68: {  	_ =	shalt  }
0x69: {  	_ =	shalt  }
0x6a: {  	_ =	shalt  }
0x6b: {  	_ =	shalt  }
0x6c: {  	_ =	shalt  }
0x6d: {  	_ =	shalt  }
0x6e: {  	_ =	shalt  }
0x6f: {  	_ =	shalt  }
0x70: {  	_ =	shalt  }
0x71: {  	_ =	shalt  }
0x72: {  	_ =	shalt  }
0x73: {  	_ =	shalt  }
0x74: {  	_ =	shalt  }
0x75: {  	_ =	shalt  }
0x76: {  	_ =	shalt  }
0x77: {  	_ =	shalt  }
0x78: {  	_ =	shalt  }
0x79: {  	_ =	shalt  }
0x7a: {  	_ =	shalt  }
0x7b: {  	_ =	shalt  }
0x7c: {  	_ =	shalt  }
0x7d: {  	_ =	shalt  }
0x7e: {  	_ =	shalt  }
0x7f: {  	_ =	shalt  }
0x80: {  	_ =	shalt  }
0x81: {  	_ =	shalt  }
0x82: {  	_ =	shalt  }
0x83: {  	_ =	shalt  }
0x84: {  	_ =	shalt  }
0x85: {  	_ =	shalt  }
0x86: {  	_ =	shalt  }
0x87: {  	_ =	shalt  }
.Lfunc_end0:
.L_simem_size_0:
called_computation.2_lowered:
.L_overlay_start_0:
0x88: {  	s2 =	sld [smem:$0x3FD9]  }
0x89: {  	s3 =	sld [smem:$0x3FFE];
	_ =	sdelay $0x1  }
0x8a: {  	s1 =	srdreg.scid  }
0x8b: {  	s0 =	sand.u32 $0x1, s1  }
0x8c: {  	s16 =	sshll.u32 s0, $0xA;
	s2 =	sadd.s32 s3, s2  }
0x8d: {  	s2 =	sadd.s32 s2, s16  }
0x8e: {  	[smem:$0x3FBB] =	sst s2  }
0x8f: {  	_ = 	snop  }
0x90: {  	(tm) =	ssettm $0x1  }
0x91: {  	s17 =	sld [smem:$0x3FFB];
	_ =	sdelay $0x3  }
0x92: {  	_ =	strace s17  }
0x93: {  	s2 =	sld [smem:$0x3FFC];
	_ =	sdelay $0x3  }
0x94: {  	_ =	strace s2  }
0x95: {  	s2 =	sld [smem:$0x3FFD];
	_ =	sdelay $0x3  }
0x96: {  	_ =	strace s2  }
0x97: {  	_ =	strace $0x8FFFFFFF  }
0x98: {  	s18 =	sld [smem:$0x3FDB];
	_ =	sdelay $0x1  }
0x99: {  	s19 =	simm.s32 $_scs_section_size  }
0x9a: {  	s4 =	simm.s32 $_size__tile_overlayer_lowered;
	s5 =	simm.s32 $_tile_overlayer_lowered  }
0x9b: {  	s22 =	simm.s32 $0x1BFF;
	s21 =	sshll.u32 s5, $0x1;
	s2 =	sadd.s32 s19, s18  }
0x9c: {  	s6 =	simm.s32 $0x0;
	s20 =	sshll.u32 s4, $0x1;
	s4 =	sadd.s32 s21, s2  }
0x9d: {  	[timem:s6], [sflag:s22] =	dma.local [hbm:s4], s20  }
0x9e: {  	_ =	swait.ge [sflag:s22], s20  }
0x9f: {  	s3 =	ssub.s32 $0x0, s20;
	[sflag:s22] =	ssyncset.done $0x0  }
0xa0: {  	[sflag:s22] =	ssyncadd.s32 s3;
	_ =	sdelay $0x1  }
0xa1: {  	s23 =	simm.s32 $0x1B8B  }
0xa2: {  	_ =	swait.ge [sflag:s23], $0x1  }
0xa3: {  	[sflag:s23] =	ssyncset.done $0x0  }
0xa4: {  	s25 =	simm.s32 $0x1B8E;
	s24 =	sld [smem:$0x3FFE];
	[sflag:s23] =	ssyncadd.s32 $0xFFFFFFFF  }
0xa5: {  	s26 =	simm.s32 $execute0_lowered;
	[smem:$0x3FD2] =	sst s25  }
0xa6: {  	s4 =	sshll.u32 s26, $0x1;
	_ =	strace $0x8000004C;
	[dreg:$0x1] =	wrdreg $0xFFFFFFFF  }
0xa7: {  	s28 =	simm.s32 $_size_execute0_lowered;
	s2 =	sadd.s32 s2, s4;
	[dreg:$0x0] =	wrdreg $0x0  }
0xa8: {  	s4 =	sshll.u32 s28, $0x1;
	[dreg:$0x2] =	wrdreg s2  }
0xa9: {  	[dreg:$0x3] =	wrdreg s4  }
0xaa: {  	[dreg:$0x4] =	wrdreg $0xC0  }
0xab: {  	_ =	task [dreg:s6], $0x5FFFF  }
0xac: {  	[dreg:$0x1] =	wrdreg $0xFFFFFFFF  }
0xad: {  	[dreg:$0x0] =	wrdreg $0x60  }
0xae: {  	[dreg:$0x2] =	wrdreg s24  }
0xaf: {  	[dreg:$0x3] =	wrdreg $0x50000  }
0xb0: {  	[dreg:$0x4] =	wrdreg $0x9F000  }
0xb1: {  	[dreg:$0x5] =	wrdreg $0x9  }
0xb2: {  	_ =	task.clear_ibuf [dreg:s6], $0x6FFFF;
	_ =	strace $0x9000004C  }
0xb3: {  	s29 =	simm.s32 $0x9;
	_ =	strace $0x8000004E  }
0xb4: {  	_ =	swait.ge [sflag:s29], $0x1  }
0xb5: {  	[sflag:s29] =	ssyncadd.s32 $0xFFFFFFFF  }
0xb6: {  	_ =	strace $0x9000004E  }
0xb7: {  	_ =	sfence  }
0xb8: {  	s30 =	sld [smem:$0x0];
	_ =	sdelay $0x2  }
0xb9: {  	s31 =	sshll.u32 s1, $0xD;
	s1 =	sshrl.u32 s1, $0x2  }
0xba: {  	s3 =	sand.u32 $0x4000, s31;
	s1 =	sadd.s32 s1, s30  }
0xbb: {  	s0 =	sor.u32 s3, s0;
	s1 =	sshll.u32 s1, $0x11  }
0xbc: {  	s0 =	sor.u32 s1, s0  }
0xbd: {  	s0 =	sadd.s32 $0x8F2B, s0  }
0xbe: {  	[sflag:s0] =	ssyncadd.remote.s32 $0x1  }
0xbf: {  	_ =	sfence.sel $0xFFFF  }
0xc0: {  	[dreg:$0x0] =	wrdreg $0xFFFFFFFF;
	(pc) =	sbr.abs _section_cstart, $3  }
0xc1: {  	[dreg:$0x1] =	wrdreg $0xFFFFFFFF  }
0xc2: {  	_ =	task.clear_ibuf [dreg:s6], $0x2FFFF;
	_ =	strace $0x9FFFFFFF  }
0xc3: {  	(tm) =	ssettm $0x7FFFFFFF  }
tec
execute0_lowered:
.L_overlay_start_1:
0x0: {  	(tag) =	ssettag $0x1  }
0x1: {  	s0 =	rddreg [dreg:$0x0]  }
0x2: {  	s2 =	rddreg [dreg:$0x1]  }
0x3: {  	s3 =	rddreg [dreg:$0x2]  }
0x4: {  	s1 =	stileid.u32;
	s5 =	srdreg.scid  }
0x5: {  	s4 =	simm.s32 $0x0;
	s19 =	simm.s32 $0x9;
	s29 =	simm.s32 $0x11E00  }
0x6: {  	s30 =	simm.s32 $0x1;
	s31 =	simm.s32 $0x2;
	s6 =	smul.u32 $0x9E00, s1  }
0x7: {  	s12 =	sand.u32 $0x1, s5;
	[smem:$0x7FF] =	sst s4;
	s21 =	smul.u32 $0x13C00, s1  }
0x8: {  	s13 =	sadd.s32 $0xC600, s0;
	s14 =	sadd.s32 $0x2600, s0;
	s16 =	smul.u32 $0x2800, s1  }
0x9: {  	s20 =	sadd.s32 $0x4A100, s3;
	s18 =	smul.u32 $0x500, s1;
	p1 =	seq.s32 s1, $0xF  }
0xa: {  	s5 =	smul.u32 $0x9E000, s12;
	_ =	strace $0x8000004D;
	s22 =	ssub.s32 $0x2, s12  }
0xb: {  	p0 =	seq.s32 s12, $0x1;
	s20 =	sshrl.u32 @p1 s20, $0x3;
	s12 =	simm.s32 $0x5  }
0xc: {  	s7 =	sshrl.u32 s6, $0x4;
	s8 =	sshrl.u32 s22, $0x1;
	s11 =	sshrl.u32 s6, $0x1  }
0xd: {  	s16 =	sshrl.u32 s16, $0x3;
	s25 =	sadd.s32 s13, s18;
	s26 =	sadd.s32 s14, s18  }
0xe: {  	s18 =	simm.s32 $0xEE00;
	s10 =	sadd.s32 s7, s0;
	s5 =	sadd.s32 s6, s5  }
0xf: {  	s7 =	sshrl.u32 s21, $0x2;
	s17 =	ssub.s32 s22, s8;
	[dreg:$0x5] =	wrdreg s25  }
0x10: {  	s21 =	sadd.s32 s11, s3;
	s24 =	sadd.s32 $0x5000, s16;
	[dreg:$0x6] =	wrdreg s26  }
0x11: {  	s26 =	simm.s32 $0x10E00;
	s22 =	simm.s32 $0x4;
	s25 =	simm.s32 $0x7  }
0x12: {  	s5 =	sshrl.u32 s5, $0x4;
	s9 =	sadd.s32 s7, s2;
	s10 =	sadd.s32 $0x16600, s10  }
0x13: {  	s28 =	sadd.s32 s13, s24;
	s17 =	smax.u32 s17, $0x1;
	s21 =	sshrl.u32 @!p1 s21, $0x3  }
0x14: {  	s13 =	simm.s32 $0x6;
	s15 =	sadd.s32 s5, s0;
	s5 =	sadd.s32 s11, s2  }
.Ltmp0:
0x15: {  	s23 =	sadd.s32 $0x1000, s9;
	s7 =	sadd.s32 $0x2000, s9;
	(pc) =	sbr.rel .LBB2_1-.Ltmp0, $4  }
0x16: {  	s8 =	sadd.s32 $0x3000, s9;
	s9 =	sadd.s32 $0x4000, s9;
	[dreg:$0x7] =	wrdreg s28  }
0x17: {  	s11 =	sadd.s32 $0x1FA20, s0;
	s0 =	sadd.s32 s14, s24;
	[dreg:$0x4] =	wrdreg s23  }
0x18: {  	s24 =	simm.s32 $0xFE00;
	s14 =	simm.s32 $0x8;
	[dreg:$0x8] =	wrdreg s0  }
0x19: {  	v0 =	vimm.bf16 $0.0e+00;
	s16 =	sadd.s32 $0x20400, s15;
	s23 =	simm.s32 $0x80;
	s0 =	simm.s32 $0x3  }
.LBB2_6:
0x1a: {  	[tilespmem:s29], [sflag:$0x4] =	stream.indirect.gather [spmem:s3], $0x20, s28, s23, $0xb8;
	[tilespmem:$0x12E00] =	vst v63  }
.LBB2_10:
0x1b: {  	_ =	swait.ge [sflag:s30], $0x1000  }
0x1c: {  	[sflag:s30] =	ssyncset.done $0x0  }
0x1d: {  	s6 =	simm.s32 $0x4E00;
	[sflag:s30] =	ssyncadd.s32 $0xFFFFF000  }
0x1e: {  	[spmem:s2] =	stream.indirect.scatter.add.bf16 [tilespmem:s18], [sflag:$0x5], $0x20, s6, s23, $0xb8;
	[tilespmem:$0x12E00] =	vst v63  }
0x1f: {  	_ =	swait.ge [sflag:s31], $0x1000  }
0x20: {  	[sflag:s31] =	ssyncset.done $0x0  }
0x21: {  	s15 =	simm.s32 $0x4E80;
	[sflag:s31] =	ssyncadd.s32 $0xFFFFF000  }
0x22: {  	[spmem:s2] =	stream.indirect.scatter.add.bf16 [tilespmem:s24], [sflag:$0x6], $0x20, s15, s23, $0xb8;
	[tilespmem:$0x12E00] =	vst v63  }
0x23: {  	_ =	swait.ge [sflag:s0], $0x1000  }
0x24: {  	[sflag:s0] =	ssyncset.done $0x0  }
0x25: {  	s28 =	simm.s32 $0x4F00;
	[sflag:s0] =	ssyncadd.s32 $0xFFFFF000  }
0x26: {  	[spmem:s2] =	stream.indirect.scatter.add.bf16 [tilespmem:s26], [sflag:$0x7], $0x20, s28, s23, $0xb8;
	[tilespmem:$0x12E00] =	vst v63  }
0x27: {  	_ =	swait.ge [sflag:s22], $0x1000  }
0x28: {  	[sflag:s22] =	ssyncset.done $0x0  }
0x29: {  	s15 =	simm.s32 $0x4F80;
	[sflag:s22] =	ssyncadd.s32 $0xFFFFF000  }
0x2a: {  	[spmem:s2] =	stream.indirect.scatter.add.bf16 [tilespmem:s29], [sflag:$0x8], $0x20, s15, s23, $0xb8;
	[tilespmem:$0x12E00] =	vst v63  }
0x2b: {  	_ =	swait.ge [sflag:s12], $0x1000  }
0x2c: {  	[sflag:s12] =	ssyncset.done $0x0  }
0x2d: {  	[sflag:s12] =	ssyncadd.s32 $0xFFFFF000  }
0x2e: {  	_ =	swait.ge [sflag:s13], $0x1000  }
0x2f: {  	[sflag:s13] =	ssyncset.done $0x0  }
0x30: {  	[sflag:s13] =	ssyncadd.s32 $0xFFFFF000  }
0x31: {  	_ =	swait.ge [sflag:s25], $0x1000  }
0x32: {  	[sflag:s25] =	ssyncset.done $0x0  }
0x33: {  	[sflag:s25] =	ssyncadd.s32 $0xFFFFF000  }
0x34: {  	_ =	swait.ge [sflag:s14], $0x1000  }
0x35: {  	s4 =	sadd.s32 $0x1, s4;
	s28 =	sshll.u32 s1, $0x6;
	[sflag:s14] =	ssyncset.done $0x0  }
0x36: {  	p2 =	sne.s32 s4, s17;
	s6 =	sor.u32 $0x1C09, s28;
	[sflag:s14] =	ssyncadd.s32 $0xFFFFF000  }
.Ltmp1:
0x37: {  	s15 =	sshrl.u32 s5, $0x3;
	[bflag:$0x0] =	sbarrier.arrive $0xFFFF;
	(pc) =	sbr.rel @!p2 .LBB2_11-.Ltmp1, $4  }
0x38: {  	[hbm:s16], [sflag:s6] =	dma.local [spmem:s15], $0x9E0  }
0x39: {  	_ =	swait.ge [sflag:s19], $0x9E0  }
0x3a: {  	[sflag:s19] =	ssyncset.done $0x0  }
0x3b: {  	[sflag:s19] =	ssyncadd.s32 $0xFFFFF620  }
.LBB2_1:
0x3c: {  	s15 =	simm.s32 $0x80;
	s28 =	simm.s32 $0x0  }
.LBB2_2:
0x3d: {  	p2 =	sne.s32 s15, $0x3F80;
	[tilespmem:s28+$0xEE00] =	vst v0;
	s6 =	smov.u32 s15;
	s15 =	sadd.s32 $0x80, s15  }
.Ltmp2:
0x3e: {  	[tilespmem:s28+$0xEE10] =	vst v0;
	(pc) =	sbr.rel @p2 .LBB2_2-.Ltmp2, $2  }
0x3f: {  	_ =	sdelay $0x2  }
0x40: {  	s28 =	sshra.s32 s6, $0x2  }
0x41: {  	[tilespmem:s28+$0xEE00] =	vst v0  }
0x42: {  	[tilespmem:s28+$0xEE10] =	vst v0  }
0x43: {  	[spmem:s5] =	stream.linear.scatter [tilespmem:s18], [sflag:$0x9], $0x1000, $0x38;
	[tilespmem:$0x12E00] =	vst v63  }
0x44: {  	_ =	swait.ge [sflag:s19], $0x1000  }
0x45: {  	[sflag:s19] =	ssyncset.done $0x0  }
0x46: {  	s6 =	rddreg [dreg:$0x4];
	[sflag:s19] =	ssyncadd.s32 $0xFFFFF000  }
0x47: {  	[spmem:s6] =	stream.linear.scatter [tilespmem:s18], [sflag:$0x9], $0x1000, $0x38;
	[tilespmem:$0x12E00] =	vst v63  }
0x48: {  	_ =	swait.ge [sflag:s19], $0x1000  }
0x49: {  	[sflag:s19] =	ssyncset.done $0x0  }
0x4a: {  	[sflag:s19] =	ssyncadd.s32 $0xFFFFF000  }
0x4b: {  	[spmem:s7] =	stream.linear.scatter [tilespmem:s18], [sflag:$0x9], $0x1000, $0x38;
	[tilespmem:$0x12E00] =	vst v63  }
0x4c: {  	_ =	swait.ge [sflag:s19], $0x1000  }
0x4d: {  	[sflag:s19] =	ssyncset.done $0x0  }
0x4e: {  	[sflag:s19] =	ssyncadd.s32 $0xFFFFF000  }
0x4f: {  	[spmem:s8] =	stream.linear.scatter [tilespmem:s18], [sflag:$0x9], $0x1000, $0x38;
	[tilespmem:$0x12E00] =	vst v63  }
0x50: {  	_ =	swait.ge [sflag:s19], $0x1000  }
0x51: {  	[sflag:s19] =	ssyncset.done $0x0  }
0x52: {  	[sflag:s19] =	ssyncadd.s32 $0xFFFFF000  }
0x53: {  	[spmem:s9] =	stream.linear.scatter [tilespmem:s18], [sflag:$0x9], $0xF00, $0x38;
	[tilespmem:$0x12E00] =	vst v63  }
0x54: {  	_ =	swait.ge [sflag:s19], $0xF00  }
0x55: {  	[sflag:s19] =	ssyncset.done $0x0  }
0x56: {  	s6 =	simm.s32 @p1 $0x1FC9;
	[sflag:s19] =	ssyncadd.s32 $0xFFFFF100  }
0x57: {  	[spmem:s20], [sflag:s6] =	dma.local @p1 [hbm:s11], $0x820  }
0x58: {  	s6 =	simm.s32 @p1 $0x9  }
0x59: {  	_ =	swait.ge @p1 [sflag:s6], $0x820  }
0x5a: {  	s15 =	sshll.u32 @!p1 s1, $0x6;
	[sflag:s6] =	ssyncset.done @p1 $0x0  }
0x5b: {  	[sflag:s6] =	ssyncadd.s32 @p1 $0xFFFFF7E0;
	s6 =	sor.u32 @!p1 $0x1C09, s15  }
0x5c: {  	[spmem:s21], [sflag:s6] =	dma.local @!p1 [hbm:s10], $0x9E0  }
0x5d: {  	s6 =	simm.s32 @!p1 $0x9  }
.Ltmp3:
0x5e: {  	_ =	swait.ge @!p1 [sflag:s6], $0x9E0;
	(pc) =	sbr.rel @!p0 .LBB2_4-.Ltmp3, $4  }
0x5f: {  	[sflag:s6] =	ssyncset.done @!p1 $0x0  }
0x60: {  	[sflag:s6] =	ssyncadd.s32 @!p1 $0xFFFFF620  }
0x61: {  	[bflag:$0x0] =	sbarrier.arrive $0xFFFF  }
0x62: {  	s6 =	simm.s32 $0x0  }
0x63: {  	s15 =	rddreg [dreg:$0x7]  }
0x64: {  	[tilespmem:s6], [sflag:$0x9] =	stream.linear.gather [hbm4b:s15+s6], $0x2800, $0x38;
	[tilespmem:$0x12E00] =	vst v63  }
0x65: {  	_ =	swait.ge [sflag:s19], $0x2800  }
0x66: {  	[sflag:s19] =	ssyncset.done $0x0  }
0x67: {  	s28 =	simm.s32 $0x2800;
	s15 =	rddreg [dreg:$0x8];
	[sflag:s19] =	ssyncadd.s32 $0xFFFFD800  }
0x68: {  	[tilespmem:s28], [sflag:$0x9] =	stream.linear.gather [hbm4b:s15+s6], $0x2800, $0x38;
	[tilespmem:$0x12E00] =	vst v63  }
0x69: {  	_ =	swait.ge [sflag:s19], $0x2800  }
0x6a: {  	[sflag:s19] =	ssyncset.done $0x0  }
0x6b: {  	[sflag:s19] =	ssyncadd.s32 $0xFFFFD800  }
0x6c: {  	[tilespmem:s18], [sflag:$0x1] =	stream.indirect.gather [spmem:s3], $0x20, s6, s23, $0xb8;
	[tilespmem:$0x12E00] =	vst v63  }
0x6d: {  	_ = 	snop  }
0x6e: {  	[tilespmem:s24], [sflag:$0x2] =	stream.indirect.gather [spmem:s3], $0x20, s23, s23, $0xb8;
	[tilespmem:$0x12E00] =	vst v63  }
0x6f: {  	s15 =	simm.s32 $0x100  }
0x70: {  	[tilespmem:s26], [sflag:$0x3] =	stream.indirect.gather [spmem:s3], $0x20, s15, s23, $0xb8;
	[tilespmem:$0x12E00] =	vst v63  }
0x71: {  	s15 =	simm.s32 $0x180  }
0x72: {  	[tilespmem:s29], [sflag:$0x4] =	stream.indirect.gather [spmem:s3], $0x20, s15, s23, $0xb8;
	[tilespmem:$0x12E00] =	vst v63  }
0x73: {  	_ =	swait.ge [sflag:s30], $0x1000  }
0x74: {  	[sflag:s30] =	ssyncset.done $0x0  }
0x75: {  	s15 =	simm.s32 $0x2800;
	[sflag:s30] =	ssyncadd.s32 $0xFFFFF000  }
0x76: {  	[spmem:s2] =	stream.indirect.scatter.add.bf16 [tilespmem:s18], [sflag:$0x5], $0x20, s15, s23, $0xb8;
	[tilespmem:$0x12E00] =	vst v63  }
0x77: {  	_ =	swait.ge [sflag:s31], $0x1000  }
0x78: {  	[sflag:s31] =	ssyncset.done $0x0  }
0x79: {  	s15 =	simm.s32 $0x2880;
	[sflag:s31] =	ssyncadd.s32 $0xFFFFF000  }
0x7a: {  	[spmem:s2] =	stream.indirect.scatter.add.bf16 [tilespmem:s24], [sflag:$0x6], $0x20, s15, s23, $0xb8;
	[tilespmem:$0x12E00] =	vst v63  }
0x7b: {  	_ =	swait.ge [sflag:s0], $0x1000  }
0x7c: {  	[sflag:s0] =	ssyncset.done $0x0  }
0x7d: {  	s15 =	simm.s32 $0x2900;
	[sflag:s0] =	ssyncadd.s32 $0xFFFFF000  }
0x7e: {  	[spmem:s2] =	stream.indirect.scatter.add.bf16 [tilespmem:s26], [sflag:$0x7], $0x20, s15, s23, $0xb8;
	[tilespmem:$0x12E00] =	vst v63  }
0x7f: {  	_ =	swait.ge [sflag:s22], $0x1000  }
0x80: {  	[sflag:s22] =	ssyncset.done $0x0  }
0x81: {  	s15 =	simm.s32 $0x2980;
	[sflag:s22] =	ssyncadd.s32 $0xFFFFF000  }
0x82: {  	[spmem:s2] =	stream.indirect.scatter.add.bf16 [tilespmem:s29], [sflag:$0x8], $0x20, s15, s23, $0xb8;
	[tilespmem:$0x12E00] =	vst v63  }
0x83: {  	_ =	swait.ge [sflag:s12], $0x1000  }
0x84: {  	[sflag:s12] =	ssyncset.done $0x0  }
0x85: {  	s15 =	simm.s32 $0x200;
	[sflag:s12] =	ssyncadd.s32 $0xFFFFF000  }
0x86: {  	[tilespmem:s18], [sflag:$0x1] =	stream.indirect.gather [spmem:s3], $0x20, s15, s23, $0xb8;
	[tilespmem:$0x12E00] =	vst v63  }
0x87: {  	_ =	swait.ge [sflag:s13], $0x1000  }
0x88: {  	[sflag:s13] =	ssyncset.done $0x0  }
0x89: {  	s15 =	simm.s32 $0x280;
	[sflag:s13] =	ssyncadd.s32 $0xFFFFF000  }
0x8a: {  	[tilespmem:s24], [sflag:$0x2] =	stream.indirect.gather [spmem:s3], $0x20, s15, s23, $0xb8;
	[tilespmem:$0x12E00] =	vst v63  }
0x8b: {  	_ =	swait.ge [sflag:s25], $0x1000  }
0x8c: {  	[sflag:s25] =	ssyncset.done $0x0  }
0x8d: {  	s15 =	simm.s32 $0x300;
	[sflag:s25] =	ssyncadd.s32 $0xFFFFF000  }
0x8e: {  	[tilespmem:s26], [sflag:$0x3] =	stream.indirect.gather [spmem:s3], $0x20, s15, s23, $0xb8;
	[tilespmem:$0x12E00] =	vst v63  }
0x8f: {  	_ =	swait.ge [sflag:s14], $0x1000  }
0x90: {  	[sflag:s14] =	ssyncset.done $0x0  }
0x91: {  	s28 =	simm.s32 $0x380;
	s15 =	simm.s32 $0x800;
	[sflag:s14] =	ssyncadd.s32 $0xFFFFF000  }
.LBB2_8:
0x92: {  	[tilespmem:s29], [sflag:$0x4] =	stream.indirect.gather [spmem:s3], $0x20, s28, s23, $0xb8;
	[tilespmem:$0x12E00] =	vst v63  }
0x93: {  	s6 =	smov.u32 s15  }
0x94: {  	p2 =	sne.s32 s15, $0x9000;
	s15 =	sadd.s32 $0x800, s15;
	_ =	swait.ge [sflag:s30], $0x1000  }
0x95: {  	s28 =	sshra.s32 s6, $0x2;
	[sflag:s30] =	ssyncset.done $0x0  }
0x96: {  	s6 =	sadd.s32 $0x2800, s28;
	[sflag:s30] =	ssyncadd.s32 $0xFFFFF000  }
0x97: {  	[spmem:s2] =	stream.indirect.scatter.add.bf16 [tilespmem:s18], [sflag:$0x5], $0x20, s6, s23, $0xb8;
	[tilespmem:$0x12E00] =	vst v63  }
0x98: {  	_ =	swait.ge [sflag:s31], $0x1000  }
0x99: {  	[sflag:s31] =	ssyncset.done $0x0  }
0x9a: {  	s6 =	sadd.s32 $0x2880, s28;
	[sflag:s31] =	ssyncadd.s32 $0xFFFFF000  }
0x9b: {  	[spmem:s2] =	stream.indirect.scatter.add.bf16 [tilespmem:s24], [sflag:$0x6], $0x20, s6, s23, $0xb8;
	[tilespmem:$0x12E00] =	vst v63  }
0x9c: {  	_ =	swait.ge [sflag:s0], $0x1000  }
0x9d: {  	[sflag:s0] =	ssyncset.done $0x0  }
0x9e: {  	s6 =	sadd.s32 $0x2900, s28;
	[sflag:s0] =	ssyncadd.s32 $0xFFFFF000  }
0x9f: {  	[spmem:s2] =	stream.indirect.scatter.add.bf16 [tilespmem:s26], [sflag:$0x7], $0x20, s6, s23, $0xb8;
	[tilespmem:$0x12E00] =	vst v63  }
0xa0: {  	_ =	swait.ge [sflag:s22], $0x1000  }
0xa1: {  	[sflag:s22] =	ssyncset.done $0x0  }
0xa2: {  	s6 =	sadd.s32 $0x2980, s28;
	[sflag:s22] =	ssyncadd.s32 $0xFFFFF000  }
0xa3: {  	[spmem:s2] =	stream.indirect.scatter.add.bf16 [tilespmem:s29], [sflag:$0x8], $0x20, s6, s23, $0xb8;
	[tilespmem:$0x12E00] =	vst v63  }
0xa4: {  	_ =	swait.ge [sflag:s12], $0x1000  }
0xa5: {  	[sflag:s12] =	ssyncset.done $0x0  }
0xa6: {  	s6 =	sadd.s32 $0x200, s28;
	[sflag:s12] =	ssyncadd.s32 $0xFFFFF000  }
0xa7: {  	[tilespmem:s18], [sflag:$0x1] =	stream.indirect.gather [spmem:s3], $0x20, s6, s23, $0xb8;
	[tilespmem:$0x12E00] =	vst v63  }
0xa8: {  	_ =	swait.ge [sflag:s13], $0x1000  }
0xa9: {  	[sflag:s13] =	ssyncset.done $0x0  }
0xaa: {  	s6 =	sadd.s32 $0x280, s28;
	[sflag:s13] =	ssyncadd.s32 $0xFFFFF000  }
0xab: {  	[tilespmem:s24], [sflag:$0x2] =	stream.indirect.gather [spmem:s3], $0x20, s6, s23, $0xb8;
	[tilespmem:$0x12E00] =	vst v63  }
0xac: {  	_ =	swait.ge [sflag:s25], $0x1000  }
0xad: {  	[sflag:s25] =	ssyncset.done $0x0  }
.Ltmp4:
0xae: {  	s6 =	sadd.s32 $0x300, s28;
	[sflag:s25] =	ssyncadd.s32 $0xFFFFF000;
	(pc) =	sbr.rel @p2 .LBB2_8-.Ltmp4, $4  }
0xaf: {  	[tilespmem:s26], [sflag:$0x3] =	stream.indirect.gather [spmem:s3], $0x20, s6, s23, $0xb8;
	[tilespmem:$0x12E00] =	vst v63  }
0xb0: {  	_ =	swait.ge [sflag:s14], $0x1000  }
0xb1: {  	[sflag:s14] =	ssyncset.done $0x0  }
0xb2: {  	s28 =	sadd.s32 $0x380, s28;
	[sflag:s14] =	ssyncadd.s32 $0xFFFFF000  }
.Ltmp5:
0xb3: {  	(pc) =	sbr.rel .LBB2_10-.Ltmp5, $2  }
0xb4: {  	_ =	sdelay $0x2  }
0xb5: {  	[tilespmem:s29], [sflag:$0x4] =	stream.indirect.gather [spmem:s3], $0x20, s28, s23, $0xb8;
	[tilespmem:$0x12E00] =	vst v63  }
.LBB2_4:
0xb6: {  	s15 =	rddreg [dreg:$0x5]  }
0xb7: {  	[tilespmem:s6], [sflag:$0x9] =	stream.linear.gather [hbm4b:s15+s6], $0x2800, $0x38;
	[tilespmem:$0x12E00] =	vst v63  }
0xb8: {  	_ =	swait.ge [sflag:s19], $0x2800  }
0xb9: {  	[sflag:s19] =	ssyncset.done $0x0  }
0xba: {  	s28 =	simm.s32 $0x2800;
	s15 =	rddreg [dreg:$0x6];
	[sflag:s19] =	ssyncadd.s32 $0xFFFFD800  }
0xbb: {  	[tilespmem:s28], [sflag:$0x9] =	stream.linear.gather [hbm4b:s15+s6], $0x2800, $0x38;
	[tilespmem:$0x12E00] =	vst v63  }
0xbc: {  	_ =	swait.ge [sflag:s19], $0x2800  }
0xbd: {  	[sflag:s19] =	ssyncset.done $0x0  }
0xbe: {  	[sflag:s19] =	ssyncadd.s32 $0xFFFFD800  }
0xbf: {  	[tilespmem:s18], [sflag:$0x1] =	stream.indirect.gather [spmem:s3], $0x20, s6, s23, $0xb8;
	[tilespmem:$0x12E00] =	vst v63  }
0xc0: {  	_ = 	snop  }
0xc1: {  	[tilespmem:s24], [sflag:$0x2] =	stream.indirect.gather [spmem:s3], $0x20, s23, s23, $0xb8;
	[tilespmem:$0x12E00] =	vst v63  }
0xc2: {  	s15 =	simm.s32 $0x100  }
0xc3: {  	[tilespmem:s26], [sflag:$0x3] =	stream.indirect.gather [spmem:s3], $0x20, s15, s23, $0xb8;
	[tilespmem:$0x12E00] =	vst v63  }
0xc4: {  	s15 =	simm.s32 $0x180  }
0xc5: {  	[tilespmem:s29], [sflag:$0x4] =	stream.indirect.gather [spmem:s3], $0x20, s15, s23, $0xb8;
	[tilespmem:$0x12E00] =	vst v63  }
0xc6: {  	_ =	swait.ge [sflag:s30], $0x1000  }
0xc7: {  	[sflag:s30] =	ssyncset.done $0x0  }
0xc8: {  	s15 =	simm.s32 $0x2800;
	[sflag:s30] =	ssyncadd.s32 $0xFFFFF000  }
0xc9: {  	[spmem:s2] =	stream.indirect.scatter.add.bf16 [tilespmem:s18], [sflag:$0x5], $0x20, s15, s23, $0xb8;
	[tilespmem:$0x12E00] =	vst v63  }
0xca: {  	_ =	swait.ge [sflag:s31], $0x1000  }
0xcb: {  	[sflag:s31] =	ssyncset.done $0x0  }
0xcc: {  	s15 =	simm.s32 $0x2880;
	[sflag:s31] =	ssyncadd.s32 $0xFFFFF000  }
0xcd: {  	[spmem:s2] =	stream.indirect.scatter.add.bf16 [tilespmem:s24], [sflag:$0x6], $0x20, s15, s23, $0xb8;
	[tilespmem:$0x12E00] =	vst v63  }
0xce: {  	_ =	swait.ge [sflag:s0], $0x1000  }
0xcf: {  	[sflag:s0] =	ssyncset.done $0x0  }
0xd0: {  	s15 =	simm.s32 $0x2900;
	[sflag:s0] =	ssyncadd.s32 $0xFFFFF000  }
0xd1: {  	[spmem:s2] =	stream.indirect.scatter.add.bf16 [tilespmem:s26], [sflag:$0x7], $0x20, s15, s23, $0xb8;
	[tilespmem:$0x12E00] =	vst v63  }
0xd2: {  	_ =	swait.ge [sflag:s22], $0x1000  }
0xd3: {  	[sflag:s22] =	ssyncset.done $0x0  }
0xd4: {  	s15 =	simm.s32 $0x2980;
	[sflag:s22] =	ssyncadd.s32 $0xFFFFF000  }
0xd5: {  	[spmem:s2] =	stream.indirect.scatter.add.bf16 [tilespmem:s29], [sflag:$0x8], $0x20, s15, s23, $0xb8;
	[tilespmem:$0x12E00] =	vst v63  }
0xd6: {  	_ =	swait.ge [sflag:s12], $0x1000  }
0xd7: {  	[sflag:s12] =	ssyncset.done $0x0  }
0xd8: {  	s15 =	simm.s32 $0x200;
	[sflag:s12] =	ssyncadd.s32 $0xFFFFF000  }
0xd9: {  	[tilespmem:s18], [sflag:$0x1] =	stream.indirect.gather [spmem:s3], $0x20, s15, s23, $0xb8;
	[tilespmem:$0x12E00] =	vst v63  }
0xda: {  	_ =	swait.ge [sflag:s13], $0x1000  }
0xdb: {  	[sflag:s13] =	ssyncset.done $0x0  }
0xdc: {  	s15 =	simm.s32 $0x280;
	[sflag:s13] =	ssyncadd.s32 $0xFFFFF000  }
0xdd: {  	[tilespmem:s24], [sflag:$0x2] =	stream.indirect.gather [spmem:s3], $0x20, s15, s23, $0xb8;
	[tilespmem:$0x12E00] =	vst v63  }
0xde: {  	_ =	swait.ge [sflag:s25], $0x1000  }
0xdf: {  	[sflag:s25] =	ssyncset.done $0x0  }
0xe0: {  	s15 =	simm.s32 $0x300;
	[sflag:s25] =	ssyncadd.s32 $0xFFFFF000  }
0xe1: {  	[tilespmem:s26], [sflag:$0x3] =	stream.indirect.gather [spmem:s3], $0x20, s15, s23, $0xb8;
	[tilespmem:$0x12E00] =	vst v63  }
0xe2: {  	_ =	swait.ge [sflag:s14], $0x1000  }
0xe3: {  	[sflag:s14] =	ssyncset.done $0x0  }
0xe4: {  	s28 =	simm.s32 $0x380;
	s15 =	simm.s32 $0x800;
	[sflag:s14] =	ssyncadd.s32 $0xFFFFF000  }
.LBB2_5:
0xe5: {  	[tilespmem:s29], [sflag:$0x4] =	stream.indirect.gather [spmem:s3], $0x20, s28, s23, $0xb8;
	[tilespmem:$0x12E00] =	vst v63  }
0xe6: {  	s6 =	smov.u32 s15  }
0xe7: {  	p2 =	seq.s32 s15, $0x9000;
	s15 =	sadd.s32 $0x800, s15;
	_ =	swait.ge [sflag:s30], $0x1000  }
0xe8: {  	s28 =	sshra.s32 s6, $0x2;
	[sflag:s30] =	ssyncset.done $0x0  }
0xe9: {  	s6 =	sadd.s32 $0x2800, s28;
	[sflag:s30] =	ssyncadd.s32 $0xFFFFF000  }
0xea: {  	[spmem:s2] =	stream.indirect.scatter.add.bf16 [tilespmem:s18], [sflag:$0x5], $0x20, s6, s23, $0xb8;
	[tilespmem:$0x12E00] =	vst v63  }
0xeb: {  	_ =	swait.ge [sflag:s31], $0x1000  }
0xec: {  	[sflag:s31] =	ssyncset.done $0x0  }
0xed: {  	s6 =	sadd.s32 $0x2880, s28;
	[sflag:s31] =	ssyncadd.s32 $0xFFFFF000  }
0xee: {  	[spmem:s2] =	stream.indirect.scatter.add.bf16 [tilespmem:s24], [sflag:$0x6], $0x20, s6, s23, $0xb8;
	[tilespmem:$0x12E00] =	vst v63  }
0xef: {  	_ =	swait.ge [sflag:s0], $0x1000  }
0xf0: {  	[sflag:s0] =	ssyncset.done $0x0  }
0xf1: {  	s6 =	sadd.s32 $0x2900, s28;
	[sflag:s0] =	ssyncadd.s32 $0xFFFFF000  }
0xf2: {  	[spmem:s2] =	stream.indirect.scatter.add.bf16 [tilespmem:s26], [sflag:$0x7], $0x20, s6, s23, $0xb8;
	[tilespmem:$0x12E00] =	vst v63  }
0xf3: {  	_ =	swait.ge [sflag:s22], $0x1000  }
0xf4: {  	[sflag:s22] =	ssyncset.done $0x0  }
0xf5: {  	s6 =	sadd.s32 $0x2980, s28;
	[sflag:s22] =	ssyncadd.s32 $0xFFFFF000  }
0xf6: {  	[spmem:s2] =	stream.indirect.scatter.add.bf16 [tilespmem:s29], [sflag:$0x8], $0x20, s6, s23, $0xb8;
	[tilespmem:$0x12E00] =	vst v63  }
0xf7: {  	_ =	swait.ge [sflag:s12], $0x1000  }
0xf8: {  	[sflag:s12] =	ssyncset.done $0x0  }
0xf9: {  	s6 =	sadd.s32 $0x200, s28;
	[sflag:s12] =	ssyncadd.s32 $0xFFFFF000  }
0xfa: {  	[tilespmem:s18], [sflag:$0x1] =	stream.indirect.gather [spmem:s3], $0x20, s6, s23, $0xb8;
	[tilespmem:$0x12E00] =	vst v63  }
0xfb: {  	_ =	swait.ge [sflag:s13], $0x1000  }
0xfc: {  	[sflag:s13] =	ssyncset.done $0x0  }
0xfd: {  	s6 =	sadd.s32 $0x280, s28;
	[sflag:s13] =	ssyncadd.s32 $0xFFFFF000  }
0xfe: {  	[tilespmem:s24], [sflag:$0x2] =	stream.indirect.gather [spmem:s3], $0x20, s6, s23, $0xb8;
	[tilespmem:$0x12E00] =	vst v63  }
0xff: {  	_ =	swait.ge [sflag:s25], $0x1000  }
0x100: {  	[sflag:s25] =	ssyncset.done $0x0  }
.Ltmp6:
0x101: {  	s6 =	sadd.s32 $0x300, s28;
	[sflag:s25] =	ssyncadd.s32 $0xFFFFF000;
	(pc) =	sbr.rel @!p2 .LBB2_5-.Ltmp6, $4  }
0x102: {  	[tilespmem:s26], [sflag:$0x3] =	stream.indirect.gather [spmem:s3], $0x20, s6, s23, $0xb8;
	[tilespmem:$0x12E00] =	vst v63  }
0x103: {  	_ =	swait.ge [sflag:s14], $0x1000  }
0x104: {  	[sflag:s14] =	ssyncset.done $0x0  }
0x105: {  	s28 =	sadd.s32 $0x380, s28;
	[sflag:s14] =	ssyncadd.s32 $0xFFFFF000  }
.Ltmp7:
0x106: {  	_ = 	snop;
	(pc) =	sbr.rel .LBB2_6-.Ltmp7, $1  }
0x107: {  	_ =	sdelay $0x3  }
.LBB2_11:
0x108: {  	_ =	sfence.sel $0x180000  }
0x109: {  	[bflag:$0x0] =	sbarrier.arrive $0xFFFF  }
0x10a: {  	_ =	strace $0x9000004D  }
0x10b: {  	[bflag:$0x2] =	sbarrier.arrive $0xFFFF  }
0x10c: {  	p0 =	sne.s32 s1, $0x0;
	s0 =	rddreg [dreg:$0x3]  }
0x10d: {  	s0 =	sadd.s32 @!p0 $0x100000, s0  }
0x10e: {  	[sflag:s0] =	ssyncadd.tile.s32 @!p0 $0x1;
	_ =	shalt  }
.Lfunc_end2:
_tile_overlayer_lowered:
.L_overlay_start_2:
0x10f: {  	(tag) =	ssettag $0x2  }
0x110: {  	s0 =	rddreg [dreg:$0x0];
	s2 =	stileid.u32  }
0x111: {  	s1 =	rddreg [dreg:$0x1];
	p0 =	sne.s32 s2, $0x0  }
0x112: {  	s3 =	rddreg [dreg:$0x2];
	[bflag:$0x3] =	sbarrier.arrive $0xFFFF;
	s2 =	simm.s32 @!p0 $0x1C09  }
0x113: {  	[timem:s3], [sflag:s2] =	dma.local @!p0 [hbm:s0], s1  }
0x114: {  	s0 =	simm.s32 @!p0 $0x9  }
0x115: {  	_ =	swait.ge @!p0 [sflag:s0], s1  }
0x116: {  	s1 =	ssub.s32 @!p0 $0x0, s1;
	[sflag:s0] =	ssyncset.done @!p0 $0x0  }
0x117: {  	[sflag:s0] =	ssyncadd.s32 @!p0 s1  }
0x118: {  	[bflag:$0x3] =	sbarrier.arrive $0xFFFF  }
0x119: {  	_ =	shalt  }

// kernel: kernel.19.cloned.1.call-start
scs
__scs_entry_jumppad:
0x0: {  	(pc) =	sbr.rel $0x88, $3  }
0x1: {  	(tag) =	ssettag $0x0;
	lr =	simm.s32 $0x1  }
0x2: {  	[smem:$0x3F94] =	sst lr;
	_ =	strace $0xD0000000  }
0x3: {  	_ = 	snop  }
0x4: {  	_ = 	snop  }
0x5: {  	_ = 	snop  }
0x6: {  	_ = 	snop  }
0x7: {  	_ = 	snop  }
__scs_overlays_trampoline_lowered:
0x8: {  	[smem:$0x3FA3] =	sst s0  }
0x9: {  	[smem:$0x3FA4] =	sst s1  }
0xa: {  	[smem:$0x3FA5] =	sst s2  }
0xb: {  	[smem:$0x3FA6] =	sst s3  }
0xc: {  	[smem:$0x3FA7] =	sst s4  }
0xd: {  	[smem:$0x3FA8] =	sst s5  }
0xe: {  	[smem:$0x3FA9] =	sst s6  }
0xf: {  	[smem:$0x3FAA] =	sst s7  }
0x10: {  	[smem:$0x3FAB] =	sst s8  }
0x11: {  	[smem:$0x3FAC] =	sst s9;
	s0 =	simm.s32 @!p0 $0x0  }
0x12: {  	s1 =	sld [smem:$0x3F92];
	s0 =	simm.s32 @p0 $0x1  }
0x13: {  	[smem:$0x3FAD] =	sst s0;
	s0 =	simm.s32 @!p1 $0x0  }
0x14: {  	s2 =	sld [smem:$0x3F91];
	s0 =	simm.s32 @p1 $0x1  }
0x15: {  	[smem:$0x3FAE] =	sst s0;
	s0 =	simm.s32 @!p2 $0x0  }
0x16: {  	s3 =	sld [smem:$0x3FDB];
	s0 =	simm.s32 @p2 $0x1  }
0x17: {  	s4 =	simm.s32 $0x1BF5;
	[smem:$0x3FB0] =	sst s0  }
0x18: {  	s0 =	sld [smem:$0x3F93];
	_ =	swait.ge [sflag:s4], $0x0  }
0x19: {  	s7 =	sld [smem:$0x3F94]  }
0x1a: {  	s8 =	sadd.s32 $0xFFFFE003, lr  }
0x1b: {  	s9 =	sadd.s32 $0xFFFFFEF7, lr;
	s5 =	simm.s32 $0xFFFFFFFF;
	p2 =	slt.u32 s8, $0xFFFFF086  }
0x1c: {  	p1 =	slt.u32 s9, $0xF7A;
	s5 =	simm.s32 @!p2 $0x0  }
0x1d: {  	s5 =	simm.s32 @p1 $0x1;
	p0 =	seq.s32 s7, s2  }
0x1e: {  	s7 =	smul.u32 @!p0 $0xF7A, s2;
	p2 =	seq.s32 @!p0 s5, $0x0  }
0x1f: {  	s9 =	smul.u32 $0xF7A, s1;
	s8 =	simm.s32 @!p0 $0x1BF5;
	p2 =	por !p2, p0  }
0x20: {  	[sflag:s8] =	ssyncset.s32 @!p0 $0xFFFFF086;
	s6 =	sadd.s32 @!p0 s3, s7;
	s7 =	simm.s32 @!p0 $0x108  }
0x21: {  	s3 =	sadd.s32 s3, s9;
	s6 =	sadd.s32 @!p0 $0x88, s6;
	s7 =	simm.s32 @p2 $0x1082  }
0x22: {  	[simem:s7], [sflag:s8] =	dma.local @!p0 [hbm:s6], $0xF7A  }
0x23: {  	s9 =	sor.u32 $0xD0000000, s2;
	s6 =	simm.s32 $0x108;
	_ =	swait.ge @!p0 [sflag:s8], $0x0  }
0x24: {  	s3 =	sadd.s32 $0x88, s3;
	s6 =	simm.s32 @!p1 $0x1082;
	[sflag:s4] =	ssyncset.s32 $0xFFFFF086  }
0x25: {  	[simem:s6], [sflag:s4] =	dma.local [hbm:s3], $0xF7A  }
0x26: {  	[smem:$0x3F94] =	sst s1;
	(tag) =	ssettag s2;
	_ =	strace s9  }
0x27: {  	s1 =	sld [smem:$0x3FA4]  }
0x28: {  	s2 =	sld [smem:$0x3FA5]  }
0x29: {  	s4 =	sld [smem:$0x3FA7]  }
0x2a: {  	p0 =	seq.s32 s5, $0x0;
	s5 =	sld [smem:$0x3FA8]  }
0x2b: {  	s6 =	sld [smem:$0x3FA9]  }
0x2c: {  	s7 =	sld [smem:$0x3FAA]  }
0x2d: {  	s3 =	simm.s32 $0x108;
	s8 =	sld [smem:$0x3FAB]  }
0x2e: {  	s3 =	simm.s32 @!p0 $0x1082;
	s9 =	sld [smem:$0x3FAC]  }
0x2f: {  	lr =	sadd.s32 s0, s3;
	s0 =	sld [smem:$0x3FA3]  }
0x30: {  	s3 =	sld [smem:$0x3FA6]  }
0x31: {  	[smem:$0x3FAF] =	sst s10  }
0x32: {  	s10 =	sld [smem:$0x3FAD];
	_ =	sdelay $0x3  }
0x33: {  	p0 =	seq.s32 s10, $0x1;
	s10 =	sld [smem:$0x3FAF];
	_ =	sdelay $0x3  }
0x34: {  	[smem:$0x3FAF] =	sst s10  }
0x35: {  	s10 =	sld [smem:$0x3FAE];
	_ =	sdelay $0x3  }
0x36: {  	p1 =	seq.s32 s10, $0x1;
	s10 =	sld [smem:$0x3FAF];
	_ =	sdelay $0x3  }
0x37: {  	[smem:$0x3FAF] =	sst s10  }
0x38: {  	s10 =	sld [smem:$0x3FB0]  }
0x39: {  	_ = 	snop;
	(pc) =	sbr.ind lr, $3  }
0x3a: {  	_ = 	snop  }
0x3b: {  	_ = 	snop  }
0x3c: {  	p2 =	seq.s32 s10, $0x1;
	s10 =	sld [smem:$0x3FAF]  }
0x3d: {  	_ =	shalt  }
0x3e: {  	_ =	shalt  }
0x3f: {  	_ =	shalt  }
0x40: {  	_ =	shalt  }
0x41: {  	_ =	shalt  }
0x42: {  	_ =	shalt  }
0x43: {  	_ =	shalt  }
0x44: {  	_ =	shalt  }
0x45: {  	_ =	shalt  }
0x46: {  	_ =	shalt  }
0x47: {  	_ =	shalt  }
0x48: {  	_ =	shalt  }
0x49: {  	_ =	shalt  }
0x4a: {  	_ =	shalt  }
0x4b: {  	_ =	shalt  }
0x4c: {  	_ =	shalt  }
0x4d: {  	_ =	shalt  }
0x4e: {  	_ =	shalt  }
0x4f: {  	_ =	shalt  }
0x50: {  	_ =	shalt  }
0x51: {  	_ =	shalt  }
0x52: {  	_ =	shalt  }
0x53: {  	_ =	shalt  }
0x54: {  	_ =	shalt  }
0x55: {  	_ =	shalt  }
0x56: {  	_ =	shalt  }
0x57: {  	_ =	shalt  }
0x58: {  	_ =	shalt  }
0x59: {  	_ =	shalt  }
0x5a: {  	_ =	shalt  }
0x5b: {  	_ =	shalt  }
0x5c: {  	_ =	shalt  }
0x5d: {  	_ =	shalt  }
0x5e: {  	_ =	shalt  }
0x5f: {  	_ =	shalt  }
0x60: {  	_ =	shalt  }
0x61: {  	_ =	shalt  }
0x62: {  	_ =	shalt  }
0x63: {  	_ =	shalt  }
0x64: {  	_ =	shalt  }
0x65: {  	_ =	shalt  }
0x66: {  	_ =	shalt  }
0x67: {  	_ =	shalt  }
0x68: {  	_ =	shalt  }
0x69: {  	_ =	shalt  }
0x6a: {  	_ =	shalt  }
0x6b: {  	_ =	shalt  }
0x6c: {  	_ =	shalt  }
0x6d: {  	_ =	shalt  }
0x6e: {  	_ =	shalt  }
0x6f: {  	_ =	shalt  }
0x70: {  	_ =	shalt  }
0x71: {  	_ =	shalt  }
0x72: {  	_ =	shalt  }
0x73: {  	_ =	shalt  }
0x74: {  	_ =	shalt  }
0x75: {  	_ =	shalt  }
0x76: {  	_ =	shalt  }
0x77: {  	_ =	shalt  }
0x78: {  	_ =	shalt  }
0x79: {  	_ =	shalt  }
0x7a: {  	_ =	shalt  }
0x7b: {  	_ =	shalt  }
0x7c: {  	_ =	shalt  }
0x7d: {  	_ =	shalt  }
0x7e: {  	_ =	shalt  }
0x7f: {  	_ =	shalt  }
0x80: {  	_ =	shalt  }
0x81: {  	_ =	shalt  }
0x82: {  	_ =	shalt  }
0x83: {  	_ =	shalt  }
0x84: {  	_ =	shalt  }
0x85: {  	_ =	shalt  }
0x86: {  	_ =	shalt  }
0x87: {  	_ =	shalt  }
.Lfunc_end0:
.L_simem_size_0:
called_computation.3_lowered:
.L_overlay_start_0:
0x88: {  	s2 =	sld [smem:$0x3FD9]  }
0x89: {  	s3 =	sld [smem:$0x3FFE];
	_ =	sdelay $0x1  }
0x8a: {  	s1 =	srdreg.scid  }
0x8b: {  	s0 =	sand.u32 $0x1, s1  }
0x8c: {  	s16 =	sshll.u32 s0, $0xA;
	s2 =	sadd.s32 s3, s2  }
0x8d: {  	s2 =	sadd.s32 s2, s16  }
0x8e: {  	[smem:$0x3FBB] =	sst s2  }
0x8f: {  	_ = 	snop  }
0x90: {  	(tm) =	ssettm $0x1  }
0x91: {  	s17 =	sld [smem:$0x3FFB];
	_ =	sdelay $0x3  }
0x92: {  	_ =	strace s17  }
0x93: {  	s2 =	sld [smem:$0x3FFC];
	_ =	sdelay $0x3  }
0x94: {  	_ =	strace s2  }
0x95: {  	s2 =	sld [smem:$0x3FFD];
	_ =	sdelay $0x3  }
0x96: {  	_ =	strace s2  }
0x97: {  	_ =	strace $0x8FFFFFFF  }
0x98: {  	s18 =	sld [smem:$0x3FDB];
	_ =	sdelay $0x1  }
0x99: {  	s19 =	simm.s32 $_scs_section_size  }
0x9a: {  	s4 =	simm.s32 $_size__tile_overlayer_lowered;
	s5 =	simm.s32 $_tile_overlayer_lowered  }
0x9b: {  	s22 =	simm.s32 $0x1BFF;
	s21 =	sshll.u32 s5, $0x1;
	s2 =	sadd.s32 s19, s18  }
0x9c: {  	s6 =	simm.s32 $0x0;
	s20 =	sshll.u32 s4, $0x1;
	s4 =	sadd.s32 s21, s2  }
0x9d: {  	[timem:s6], [sflag:s22] =	dma.local [hbm:s4], s20  }
0x9e: {  	_ =	swait.ge [sflag:s22], s20  }
0x9f: {  	s3 =	ssub.s32 $0x0, s20;
	[sflag:s22] =	ssyncset.done $0x0  }
0xa0: {  	[sflag:s22] =	ssyncadd.s32 s3;
	_ =	sdelay $0x1  }
0xa1: {  	s23 =	simm.s32 $0x1B8B  }
0xa2: {  	_ =	swait.ge [sflag:s23], $0x1  }
0xa3: {  	[sflag:s23] =	ssyncset.done $0x0  }
0xa4: {  	s25 =	simm.s32 $0x1B8E;
	s24 =	sld [smem:$0x3FFE];
	[sflag:s23] =	ssyncadd.s32 $0xFFFFFFFF  }
0xa5: {  	s26 =	simm.s32 $execute0_lowered;
	[smem:$0x3FD2] =	sst s25  }
0xa6: {  	s4 =	sshll.u32 s26, $0x1;
	_ =	strace $0x8000004F;
	[dreg:$0x1] =	wrdreg $0xFFFFFFFF  }
0xa7: {  	s28 =	simm.s32 $_size_execute0_lowered;
	s2 =	sadd.s32 s2, s4;
	[dreg:$0x0] =	wrdreg $0x0  }
0xa8: {  	s4 =	sshll.u32 s28, $0x1;
	[dreg:$0x2] =	wrdreg s2  }
0xa9: {  	[dreg:$0x3] =	wrdreg s4  }
0xaa: {  	[dreg:$0x4] =	wrdreg $0xC0  }
0xab: {  	_ =	task [dreg:s6], $0x5FFFF  }
0xac: {  	[dreg:$0x1] =	wrdreg $0xFFFFFFFF  }
0xad: {  	[dreg:$0x0] =	wrdreg $0x60  }
0xae: {  	[dreg:$0x2] =	wrdreg s24  }
0xaf: {  	[dreg:$0x3] =	wrdreg $0x50000  }
0xb0: {  	[dreg:$0x4] =	wrdreg $0x77800  }
0xb1: {  	[dreg:$0x5] =	wrdreg $0x9  }
0xb2: {  	_ =	task.clear_ibuf [dreg:s6], $0x6FFFF;
	_ =	strace $0x9000004F  }
0xb3: {  	s29 =	simm.s32 $0x9;
	_ =	strace $0x80000051  }
0xb4: {  	_ =	swait.ge [sflag:s29], $0x1  }
0xb5: {  	[sflag:s29] =	ssyncadd.s32 $0xFFFFFFFF  }
0xb6: {  	_ =	strace $0x90000051  }
0xb7: {  	_ =	sfence  }
0xb8: {  	s30 =	sld [smem:$0x0];
	_ =	sdelay $0x2  }
0xb9: {  	s31 =	sshll.u32 s1, $0xD;
	s1 =	sshrl.u32 s1, $0x2  }
0xba: {  	s3 =	sand.u32 $0x4000, s31;
	s1 =	sadd.s32 s1, s30  }
0xbb: {  	s0 =	sor.u32 s3, s0;
	s1 =	sshll.u32 s1, $0x11  }
0xbc: {  	s0 =	sor.u32 s1, s0  }
0xbd: {  	s0 =	sadd.s32 $0x8F2B, s0  }
0xbe: {  	[sflag:s0] =	ssyncadd.remote.s32 $0x1  }
0xbf: {  	_ =	sfence.sel $0xFFFF  }
0xc0: {  	[dreg:$0x0] =	wrdreg $0xFFFFFFFF;
	(pc) =	sbr.abs _section_cstart, $3  }
0xc1: {  	[dreg:$0x1] =	wrdreg $0xFFFFFFFF  }
0xc2: {  	_ =	task.clear_ibuf [dreg:s6], $0x2FFFF;
	_ =	strace $0x9FFFFFFF  }
0xc3: {  	(tm) =	ssettm $0x7FFFFFFF  }
tec
execute0_lowered:
.L_overlay_start_1:
0x0: {  	(tag) =	ssettag $0x1  }
0x1: {  	s0 =	rddreg [dreg:$0x0]  }
0x2: {  	s2 =	rddreg [dreg:$0x1]  }
0x3: {  	s3 =	rddreg [dreg:$0x2]  }
0x4: {  	s1 =	stileid.u32;
	s5 =	srdreg.scid  }
0x5: {  	s4 =	simm.s32 $0x0;
	s19 =	simm.s32 $0x9;
	s29 =	simm.s32 $0xB700  }
0x6: {  	s30 =	simm.s32 $0x1;
	s31 =	simm.s32 $0x2;
	s6 =	smul.u32 $0x4F00, s1  }
0x7: {  	s12 =	sand.u32 $0x1, s5;
	[smem:$0x7FF] =	sst s4;
	s21 =	smul.u32 $0x9E00, s1  }
0x8: {  	s13 =	sadd.s32 $0xC600, s0;
	s14 =	sadd.s32 $0x2600, s0;
	s16 =	smul.u32 $0x2800, s1  }
0x9: {  	s20 =	sadd.s32 $0x25080, s3;
	s18 =	smul.u32 $0x500, s1;
	p1 =	seq.s32 s1, $0xF  }
0xa: {  	s5 =	smul.u32 $0x4F000, s12;
	_ =	strace $0x80000050;
	s22 =	ssub.s32 $0x2, s12  }
0xb: {  	p0 =	seq.s32 s12, $0x1;
	s20 =	sshrl.u32 @p1 s20, $0x3;
	s12 =	simm.s32 $0x5  }
0xc: {  	s7 =	sshrl.u32 s6, $0x4;
	s8 =	sshrl.u32 s22, $0x1;
	s11 =	sshrl.u32 s6, $0x1  }
0xd: {  	s16 =	sshrl.u32 s16, $0x3;
	s25 =	sadd.s32 s13, s18;
	s26 =	sadd.s32 s14, s18  }
0xe: {  	s18 =	simm.s32 $0x9F00;
	s10 =	sadd.s32 s7, s0;
	s5 =	sadd.s32 s6, s5  }
0xf: {  	s7 =	sshrl.u32 s21, $0x2;
	s17 =	ssub.s32 s22, s8;
	[dreg:$0x5] =	wrdreg s25  }
0x10: {  	s21 =	sadd.s32 s11, s3;
	s24 =	sadd.s32 $0x5000, s16;
	[dreg:$0x6] =	wrdreg s26  }
0x11: {  	s26 =	simm.s32 $0xAF00;
	s22 =	simm.s32 $0x4;
	s25 =	simm.s32 $0x7  }
0x12: {  	s5 =	sshrl.u32 s5, $0x4;
	s9 =	sadd.s32 s7, s2;
	s10 =	sadd.s32 $0x16600, s10  }
0x13: {  	s28 =	sadd.s32 s13, s24;
	s17 =	smax.u32 s17, $0x1;
	s21 =	sshrl.u32 @!p1 s21, $0x3  }
0x14: {  	s13 =	simm.s32 $0x6;
	s15 =	sadd.s32 s5, s0;
	s5 =	sadd.s32 s11, s2  }
.Ltmp0:
0x15: {  	s23 =	sadd.s32 $0x800, s9;
	s7 =	sadd.s32 $0x1000, s9;
	(pc) =	sbr.rel .LBB2_1-.Ltmp0, $4  }
0x16: {  	s8 =	sadd.s32 $0x1800, s9;
	s9 =	sadd.s32 $0x2000, s9;
	[dreg:$0x7] =	wrdreg s28  }
0x17: {  	s11 =	sadd.s32 $0x1B010, s0;
	s0 =	sadd.s32 s14, s24;
	[dreg:$0x4] =	wrdreg s23  }
0x18: {  	s24 =	simm.s32 $0xA700;
	s14 =	simm.s32 $0x8;
	[dreg:$0x8] =	wrdreg s0  }
0x19: {  	v0 =	vimm.bf16 $0.0e+00;
	s16 =	sadd.s32 $0x1B600, s15;
	s23 =	simm.s32 $0x80;
	s0 =	simm.s32 $0x3  }
.LBB2_6:
0x1a: {  	[tilespmem:s29], [sflag:$0x4] =	stream.indirect.gather [spmem:s3], $0x10, s28, s23, $0xb8;
	[tilespmem:$0xBF00] =	vst v63  }
.LBB2_10:
0x1b: {  	_ =	swait.ge [sflag:s30], $0x800  }
0x1c: {  	[sflag:s30] =	ssyncset.done $0x0  }
0x1d: {  	s6 =	simm.s32 $0x4E00;
	[sflag:s30] =	ssyncadd.s32 $0xFFFFF800  }
0x1e: {  	[spmem:s2] =	stream.indirect.scatter.add.bf16 [tilespmem:s18], [sflag:$0x5], $0x10, s6, s23, $0xb8;
	[tilespmem:$0xBF00] =	vst v63  }
0x1f: {  	_ =	swait.ge [sflag:s31], $0x800  }
0x20: {  	[sflag:s31] =	ssyncset.done $0x0  }
0x21: {  	s15 =	simm.s32 $0x4E80;
	[sflag:s31] =	ssyncadd.s32 $0xFFFFF800  }
0x22: {  	[spmem:s2] =	stream.indirect.scatter.add.bf16 [tilespmem:s24], [sflag:$0x6], $0x10, s15, s23, $0xb8;
	[tilespmem:$0xBF00] =	vst v63  }
0x23: {  	_ =	swait.ge [sflag:s0], $0x800  }
0x24: {  	[sflag:s0] =	ssyncset.done $0x0  }
0x25: {  	s28 =	simm.s32 $0x4F00;
	[sflag:s0] =	ssyncadd.s32 $0xFFFFF800  }
0x26: {  	[spmem:s2] =	stream.indirect.scatter.add.bf16 [tilespmem:s26], [sflag:$0x7], $0x10, s28, s23, $0xb8;
	[tilespmem:$0xBF00] =	vst v63  }
0x27: {  	_ =	swait.ge [sflag:s22], $0x800  }
0x28: {  	[sflag:s22] =	ssyncset.done $0x0  }
0x29: {  	s15 =	simm.s32 $0x4F80;
	[sflag:s22] =	ssyncadd.s32 $0xFFFFF800  }
0x2a: {  	[spmem:s2] =	stream.indirect.scatter.add.bf16 [tilespmem:s29], [sflag:$0x8], $0x10, s15, s23, $0xb8;
	[tilespmem:$0xBF00] =	vst v63  }
0x2b: {  	_ =	swait.ge [sflag:s12], $0x800  }
0x2c: {  	[sflag:s12] =	ssyncset.done $0x0  }
0x2d: {  	[sflag:s12] =	ssyncadd.s32 $0xFFFFF800  }
0x2e: {  	_ =	swait.ge [sflag:s13], $0x800  }
0x2f: {  	[sflag:s13] =	ssyncset.done $0x0  }
0x30: {  	[sflag:s13] =	ssyncadd.s32 $0xFFFFF800  }
0x31: {  	_ =	swait.ge [sflag:s25], $0x800  }
0x32: {  	[sflag:s25] =	ssyncset.done $0x0  }
0x33: {  	[sflag:s25] =	ssyncadd.s32 $0xFFFFF800  }
0x34: {  	_ =	swait.ge [sflag:s14], $0x800  }
0x35: {  	s4 =	sadd.s32 $0x1, s4;
	s28 =	sshll.u32 s1, $0x6;
	[sflag:s14] =	ssyncset.done $0x0  }
0x36: {  	p2 =	sne.s32 s4, s17;
	s6 =	sor.u32 $0x1C09, s28;
	[sflag:s14] =	ssyncadd.s32 $0xFFFFF800  }
.Ltmp1:
0x37: {  	s15 =	sshrl.u32 s5, $0x3;
	[bflag:$0x0] =	sbarrier.arrive $0xFFFF;
	(pc) =	sbr.rel @!p2 .LBB2_11-.Ltmp1, $4  }
0x38: {  	[hbm:s16], [sflag:s6] =	dma.local [spmem:s15], $0x4F0  }
0x39: {  	_ =	swait.ge [sflag:s19], $0x4F0  }
0x3a: {  	[sflag:s19] =	ssyncset.done $0x0  }
0x3b: {  	[sflag:s19] =	ssyncadd.s32 $0xFFFFFB10  }
.LBB2_1:
0x3c: {  	s15 =	simm.s32 $0x40;
	s28 =	simm.s32 $0x0  }
.LBB2_2:
0x3d: {  	p2 =	sne.s32 s15, $0x1FC0;
	[tilespmem:s28+$0x9F00] =	vst v0;
	s28 =	smov.u32 s15;
	s15 =	sadd.s32 $0x40, s15  }
.Ltmp2:
0x3e: {  	(pc) =	sbr.rel @p2 .LBB2_2-.Ltmp2, $2  }
0x3f: {  	_ =	sdelay $0x2  }
0x40: {  	s28 =	sshra.s32 s28, $0x2  }
0x41: {  	[tilespmem:s28+$0x9F00] =	vst v0  }
0x42: {  	[spmem:s5] =	stream.linear.scatter [tilespmem:s18], [sflag:$0x9], $0x800, $0x38;
	[tilespmem:$0xBF00] =	vst v63  }
0x43: {  	_ =	swait.ge [sflag:s19], $0x800  }
0x44: {  	[sflag:s19] =	ssyncset.done $0x0  }
0x45: {  	s6 =	rddreg [dreg:$0x4];
	[sflag:s19] =	ssyncadd.s32 $0xFFFFF800  }
0x46: {  	[spmem:s6] =	stream.linear.scatter [tilespmem:s18], [sflag:$0x9], $0x800, $0x38;
	[tilespmem:$0xBF00] =	vst v63  }
0x47: {  	_ =	swait.ge [sflag:s19], $0x800  }
0x48: {  	[sflag:s19] =	ssyncset.done $0x0  }
0x49: {  	[sflag:s19] =	ssyncadd.s32 $0xFFFFF800  }
0x4a: {  	[spmem:s7] =	stream.linear.scatter [tilespmem:s18], [sflag:$0x9], $0x800, $0x38;
	[tilespmem:$0xBF00] =	vst v63  }
0x4b: {  	_ =	swait.ge [sflag:s19], $0x800  }
0x4c: {  	[sflag:s19] =	ssyncset.done $0x0  }
0x4d: {  	[sflag:s19] =	ssyncadd.s32 $0xFFFFF800  }
0x4e: {  	[spmem:s8] =	stream.linear.scatter [tilespmem:s18], [sflag:$0x9], $0x800, $0x38;
	[tilespmem:$0xBF00] =	vst v63  }
0x4f: {  	_ =	swait.ge [sflag:s19], $0x800  }
0x50: {  	[sflag:s19] =	ssyncset.done $0x0  }
0x51: {  	[sflag:s19] =	ssyncadd.s32 $0xFFFFF800  }
0x52: {  	[spmem:s9] =	stream.linear.scatter [tilespmem:s18], [sflag:$0x9], $0x780, $0x38;
	[tilespmem:$0xBF00] =	vst v63  }
0x53: {  	_ =	swait.ge [sflag:s19], $0x780  }
0x54: {  	[sflag:s19] =	ssyncset.done $0x0  }
0x55: {  	s15 =	simm.s32 @p1 $0x1FC9;
	[sflag:s19] =	ssyncadd.s32 $0xFFFFF880  }
0x56: {  	[spmem:s20], [sflag:s15] =	dma.local @p1 [hbm:s11], $0x410  }
0x57: {  	s15 =	simm.s32 @p1 $0x9  }
0x58: {  	_ =	swait.ge @p1 [sflag:s15], $0x410  }
0x59: {  	s28 =	sshll.u32 @!p1 s1, $0x6;
	[sflag:s15] =	ssyncset.done @p1 $0x0  }
0x5a: {  	[sflag:s15] =	ssyncadd.s32 @p1 $0xFFFFFBF0;
	s15 =	sor.u32 @!p1 $0x1C09, s28  }
0x5b: {  	[spmem:s21], [sflag:s15] =	dma.local @!p1 [hbm:s10], $0x4F0  }
0x5c: {  	s15 =	simm.s32 @!p1 $0x9  }
.Ltmp3:
0x5d: {  	_ =	swait.ge @!p1 [sflag:s15], $0x4F0;
	(pc) =	sbr.rel @!p0 .LBB2_4-.Ltmp3, $3  }
0x5e: {  	[sflag:s15] =	ssyncset.done @!p1 $0x0  }
0x5f: {  	[sflag:s15] =	ssyncadd.s32 @!p1 $0xFFFFFB10  }
0x60: {  	[bflag:$0x0] =	sbarrier.arrive $0xFFFF;
	_ =	sdelay $0x1  }
0x61: {  	s6 =	simm.s32 $0x0;
	s15 =	rddreg [dreg:$0x7]  }
0x62: {  	[tilespmem:s6], [sflag:$0x9] =	stream.linear.gather [hbm4b:s15+s6], $0x2800, $0x38;
	[tilespmem:$0xBF00] =	vst v63  }
0x63: {  	_ =	swait.ge [sflag:s19], $0x2800  }
0x64: {  	[sflag:s19] =	ssyncset.done $0x0  }
0x65: {  	s28 =	simm.s32 $0x2800;
	s15 =	rddreg [dreg:$0x8];
	[sflag:s19] =	ssyncadd.s32 $0xFFFFD800  }
0x66: {  	[tilespmem:s28], [sflag:$0x9] =	stream.linear.gather [hbm4b:s15+s6], $0x2800, $0x38;
	[tilespmem:$0xBF00] =	vst v63  }
0x67: {  	_ =	swait.ge [sflag:s19], $0x2800  }
0x68: {  	[sflag:s19] =	ssyncset.done $0x0  }
0x69: {  	[sflag:s19] =	ssyncadd.s32 $0xFFFFD800  }
0x6a: {  	[tilespmem:s18], [sflag:$0x1] =	stream.indirect.gather [spmem:s3], $0x10, s6, s23, $0xb8;
	[tilespmem:$0xBF00] =	vst v63  }
0x6b: {  	_ = 	snop  }
0x6c: {  	[tilespmem:s24], [sflag:$0x2] =	stream.indirect.gather [spmem:s3], $0x10, s23, s23, $0xb8;
	[tilespmem:$0xBF00] =	vst v63  }
0x6d: {  	s15 =	simm.s32 $0x100  }
0x6e: {  	[tilespmem:s26], [sflag:$0x3] =	stream.indirect.gather [spmem:s3], $0x10, s15, s23, $0xb8;
	[tilespmem:$0xBF00] =	vst v63  }
0x6f: {  	s15 =	simm.s32 $0x180  }
0x70: {  	[tilespmem:s29], [sflag:$0x4] =	stream.indirect.gather [spmem:s3], $0x10, s15, s23, $0xb8;
	[tilespmem:$0xBF00] =	vst v63  }
0x71: {  	_ =	swait.ge [sflag:s30], $0x800  }
0x72: {  	[sflag:s30] =	ssyncset.done $0x0  }
0x73: {  	s15 =	simm.s32 $0x2800;
	[sflag:s30] =	ssyncadd.s32 $0xFFFFF800  }
0x74: {  	[spmem:s2] =	stream.indirect.scatter.add.bf16 [tilespmem:s18], [sflag:$0x5], $0x10, s15, s23, $0xb8;
	[tilespmem:$0xBF00] =	vst v63  }
0x75: {  	_ =	swait.ge [sflag:s31], $0x800  }
0x76: {  	[sflag:s31] =	ssyncset.done $0x0  }
0x77: {  	s15 =	simm.s32 $0x2880;
	[sflag:s31] =	ssyncadd.s32 $0xFFFFF800  }
0x78: {  	[spmem:s2] =	stream.indirect.scatter.add.bf16 [tilespmem:s24], [sflag:$0x6], $0x10, s15, s23, $0xb8;
	[tilespmem:$0xBF00] =	vst v63  }
0x79: {  	_ =	swait.ge [sflag:s0], $0x800  }
0x7a: {  	[sflag:s0] =	ssyncset.done $0x0  }
0x7b: {  	s15 =	simm.s32 $0x2900;
	[sflag:s0] =	ssyncadd.s32 $0xFFFFF800  }
0x7c: {  	[spmem:s2] =	stream.indirect.scatter.add.bf16 [tilespmem:s26], [sflag:$0x7], $0x10, s15, s23, $0xb8;
	[tilespmem:$0xBF00] =	vst v63  }
0x7d: {  	_ =	swait.ge [sflag:s22], $0x800  }
0x7e: {  	[sflag:s22] =	ssyncset.done $0x0  }
0x7f: {  	s15 =	simm.s32 $0x2980;
	[sflag:s22] =	ssyncadd.s32 $0xFFFFF800  }
0x80: {  	[spmem:s2] =	stream.indirect.scatter.add.bf16 [tilespmem:s29], [sflag:$0x8], $0x10, s15, s23, $0xb8;
	[tilespmem:$0xBF00] =	vst v63  }
0x81: {  	_ =	swait.ge [sflag:s12], $0x800  }
0x82: {  	[sflag:s12] =	ssyncset.done $0x0  }
0x83: {  	s15 =	simm.s32 $0x200;
	[sflag:s12] =	ssyncadd.s32 $0xFFFFF800  }
0x84: {  	[tilespmem:s18], [sflag:$0x1] =	stream.indirect.gather [spmem:s3], $0x10, s15, s23, $0xb8;
	[tilespmem:$0xBF00] =	vst v63  }
0x85: {  	_ =	swait.ge [sflag:s13], $0x800  }
0x86: {  	[sflag:s13] =	ssyncset.done $0x0  }
0x87: {  	s15 =	simm.s32 $0x280;
	[sflag:s13] =	ssyncadd.s32 $0xFFFFF800  }
0x88: {  	[tilespmem:s24], [sflag:$0x2] =	stream.indirect.gather [spmem:s3], $0x10, s15, s23, $0xb8;
	[tilespmem:$0xBF00] =	vst v63  }
0x89: {  	_ =	swait.ge [sflag:s25], $0x800  }
0x8a: {  	[sflag:s25] =	ssyncset.done $0x0  }
0x8b: {  	s15 =	simm.s32 $0x300;
	[sflag:s25] =	ssyncadd.s32 $0xFFFFF800  }
0x8c: {  	[tilespmem:s26], [sflag:$0x3] =	stream.indirect.gather [spmem:s3], $0x10, s15, s23, $0xb8;
	[tilespmem:$0xBF00] =	vst v63  }
0x8d: {  	_ =	swait.ge [sflag:s14], $0x800  }
0x8e: {  	[sflag:s14] =	ssyncset.done $0x0  }
0x8f: {  	s28 =	simm.s32 $0x380;
	s15 =	simm.s32 $0x800;
	[sflag:s14] =	ssyncadd.s32 $0xFFFFF800  }
.LBB2_8:
0x90: {  	[tilespmem:s29], [sflag:$0x4] =	stream.indirect.gather [spmem:s3], $0x10, s28, s23, $0xb8;
	[tilespmem:$0xBF00] =	vst v63  }
0x91: {  	s6 =	smov.u32 s15  }
0x92: {  	p2 =	sne.s32 s15, $0x9000;
	s15 =	sadd.s32 $0x800, s15;
	_ =	swait.ge [sflag:s30], $0x800  }
0x93: {  	s28 =	sshra.s32 s6, $0x2;
	[sflag:s30] =	ssyncset.done $0x0  }
0x94: {  	s6 =	sadd.s32 $0x2800, s28;
	[sflag:s30] =	ssyncadd.s32 $0xFFFFF800  }
0x95: {  	[spmem:s2] =	stream.indirect.scatter.add.bf16 [tilespmem:s18], [sflag:$0x5], $0x10, s6, s23, $0xb8;
	[tilespmem:$0xBF00] =	vst v63  }
0x96: {  	_ =	swait.ge [sflag:s31], $0x800  }
0x97: {  	[sflag:s31] =	ssyncset.done $0x0  }
0x98: {  	s6 =	sadd.s32 $0x2880, s28;
	[sflag:s31] =	ssyncadd.s32 $0xFFFFF800  }
0x99: {  	[spmem:s2] =	stream.indirect.scatter.add.bf16 [tilespmem:s24], [sflag:$0x6], $0x10, s6, s23, $0xb8;
	[tilespmem:$0xBF00] =	vst v63  }
0x9a: {  	_ =	swait.ge [sflag:s0], $0x800  }
0x9b: {  	[sflag:s0] =	ssyncset.done $0x0  }
0x9c: {  	s6 =	sadd.s32 $0x2900, s28;
	[sflag:s0] =	ssyncadd.s32 $0xFFFFF800  }
0x9d: {  	[spmem:s2] =	stream.indirect.scatter.add.bf16 [tilespmem:s26], [sflag:$0x7], $0x10, s6, s23, $0xb8;
	[tilespmem:$0xBF00] =	vst v63  }
0x9e: {  	_ =	swait.ge [sflag:s22], $0x800  }
0x9f: {  	[sflag:s22] =	ssyncset.done $0x0  }
0xa0: {  	s6 =	sadd.s32 $0x2980, s28;
	[sflag:s22] =	ssyncadd.s32 $0xFFFFF800  }
0xa1: {  	[spmem:s2] =	stream.indirect.scatter.add.bf16 [tilespmem:s29], [sflag:$0x8], $0x10, s6, s23, $0xb8;
	[tilespmem:$0xBF00] =	vst v63  }
0xa2: {  	_ =	swait.ge [sflag:s12], $0x800  }
0xa3: {  	[sflag:s12] =	ssyncset.done $0x0  }
0xa4: {  	s6 =	sadd.s32 $0x200, s28;
	[sflag:s12] =	ssyncadd.s32 $0xFFFFF800  }
0xa5: {  	[tilespmem:s18], [sflag:$0x1] =	stream.indirect.gather [spmem:s3], $0x10, s6, s23, $0xb8;
	[tilespmem:$0xBF00] =	vst v63  }
0xa6: {  	_ =	swait.ge [sflag:s13], $0x800  }
0xa7: {  	[sflag:s13] =	ssyncset.done $0x0  }
0xa8: {  	s6 =	sadd.s32 $0x280, s28;
	[sflag:s13] =	ssyncadd.s32 $0xFFFFF800  }
0xa9: {  	[tilespmem:s24], [sflag:$0x2] =	stream.indirect.gather [spmem:s3], $0x10, s6, s23, $0xb8;
	[tilespmem:$0xBF00] =	vst v63  }
0xaa: {  	_ =	swait.ge [sflag:s25], $0x800  }
0xab: {  	[sflag:s25] =	ssyncset.done $0x0  }
.Ltmp4:
0xac: {  	s6 =	sadd.s32 $0x300, s28;
	[sflag:s25] =	ssyncadd.s32 $0xFFFFF800;
	(pc) =	sbr.rel @p2 .LBB2_8-.Ltmp4, $4  }
0xad: {  	[tilespmem:s26], [sflag:$0x3] =	stream.indirect.gather [spmem:s3], $0x10, s6, s23, $0xb8;
	[tilespmem:$0xBF00] =	vst v63  }
0xae: {  	_ =	swait.ge [sflag:s14], $0x800  }
0xaf: {  	[sflag:s14] =	ssyncset.done $0x0  }
0xb0: {  	s28 =	sadd.s32 $0x380, s28;
	[sflag:s14] =	ssyncadd.s32 $0xFFFFF800  }
.Ltmp5:
0xb1: {  	(pc) =	sbr.rel .LBB2_10-.Ltmp5, $2  }
0xb2: {  	_ =	sdelay $0x2  }
0xb3: {  	[tilespmem:s29], [sflag:$0x4] =	stream.indirect.gather [spmem:s3], $0x10, s28, s23, $0xb8;
	[tilespmem:$0xBF00] =	vst v63  }
.LBB2_4:
0xb4: {  	s15 =	simm.s32 $0x0;
	s6 =	rddreg [dreg:$0x5]  }
0xb5: {  	[tilespmem:s15], [sflag:$0x9] =	stream.linear.gather [hbm4b:s6+s15], $0x2800, $0x38;
	[tilespmem:$0xBF00] =	vst v63  }
0xb6: {  	_ =	swait.ge [sflag:s19], $0x2800  }
0xb7: {  	[sflag:s19] =	ssyncset.done $0x0  }
0xb8: {  	s28 =	simm.s32 $0x2800;
	s6 =	rddreg [dreg:$0x6];
	[sflag:s19] =	ssyncadd.s32 $0xFFFFD800  }
0xb9: {  	[tilespmem:s28], [sflag:$0x9] =	stream.linear.gather [hbm4b:s6+s15], $0x2800, $0x38;
	[tilespmem:$0xBF00] =	vst v63  }
0xba: {  	_ =	swait.ge [sflag:s19], $0x2800  }
0xbb: {  	[sflag:s19] =	ssyncset.done $0x0  }
0xbc: {  	[sflag:s19] =	ssyncadd.s32 $0xFFFFD800  }
0xbd: {  	[tilespmem:s18], [sflag:$0x1] =	stream.indirect.gather [spmem:s3], $0x10, s15, s23, $0xb8;
	[tilespmem:$0xBF00] =	vst v63  }
0xbe: {  	_ = 	snop  }
0xbf: {  	[tilespmem:s24], [sflag:$0x2] =	stream.indirect.gather [spmem:s3], $0x10, s23, s23, $0xb8;
	[tilespmem:$0xBF00] =	vst v63  }
0xc0: {  	s15 =	simm.s32 $0x100  }
0xc1: {  	[tilespmem:s26], [sflag:$0x3] =	stream.indirect.gather [spmem:s3], $0x10, s15, s23, $0xb8;
	[tilespmem:$0xBF00] =	vst v63  }
0xc2: {  	s15 =	simm.s32 $0x180  }
0xc3: {  	[tilespmem:s29], [sflag:$0x4] =	stream.indirect.gather [spmem:s3], $0x10, s15, s23, $0xb8;
	[tilespmem:$0xBF00] =	vst v63  }
0xc4: {  	_ =	swait.ge [sflag:s30], $0x800  }
0xc5: {  	[sflag:s30] =	ssyncset.done $0x0  }
0xc6: {  	s6 =	simm.s32 $0x2800;
	[sflag:s30] =	ssyncadd.s32 $0xFFFFF800  }
0xc7: {  	[spmem:s2] =	stream.indirect.scatter.add.bf16 [tilespmem:s18], [sflag:$0x5], $0x10, s6, s23, $0xb8;
	[tilespmem:$0xBF00] =	vst v63  }
0xc8: {  	_ =	swait.ge [sflag:s31], $0x800  }
0xc9: {  	[sflag:s31] =	ssyncset.done $0x0  }
0xca: {  	s6 =	simm.s32 $0x2880;
	[sflag:s31] =	ssyncadd.s32 $0xFFFFF800  }
0xcb: {  	[spmem:s2] =	stream.indirect.scatter.add.bf16 [tilespmem:s24], [sflag:$0x6], $0x10, s6, s23, $0xb8;
	[tilespmem:$0xBF00] =	vst v63  }
0xcc: {  	_ =	swait.ge [sflag:s0], $0x800  }
0xcd: {  	[sflag:s0] =	ssyncset.done $0x0  }
0xce: {  	s6 =	simm.s32 $0x2900;
	[sflag:s0] =	ssyncadd.s32 $0xFFFFF800  }
0xcf: {  	[spmem:s2] =	stream.indirect.scatter.add.bf16 [tilespmem:s26], [sflag:$0x7], $0x10, s6, s23, $0xb8;
	[tilespmem:$0xBF00] =	vst v63  }
0xd0: {  	_ =	swait.ge [sflag:s22], $0x800  }
0xd1: {  	[sflag:s22] =	ssyncset.done $0x0  }
0xd2: {  	s6 =	simm.s32 $0x2980;
	[sflag:s22] =	ssyncadd.s32 $0xFFFFF800  }
0xd3: {  	[spmem:s2] =	stream.indirect.scatter.add.bf16 [tilespmem:s29], [sflag:$0x8], $0x10, s6, s23, $0xb8;
	[tilespmem:$0xBF00] =	vst v63  }
0xd4: {  	_ =	swait.ge [sflag:s12], $0x800  }
0xd5: {  	[sflag:s12] =	ssyncset.done $0x0  }
0xd6: {  	s6 =	simm.s32 $0x200;
	[sflag:s12] =	ssyncadd.s32 $0xFFFFF800  }
0xd7: {  	[tilespmem:s18], [sflag:$0x1] =	stream.indirect.gather [spmem:s3], $0x10, s6, s23, $0xb8;
	[tilespmem:$0xBF00] =	vst v63  }
0xd8: {  	_ =	swait.ge [sflag:s13], $0x800  }
0xd9: {  	[sflag:s13] =	ssyncset.done $0x0  }
0xda: {  	s6 =	simm.s32 $0x280;
	[sflag:s13] =	ssyncadd.s32 $0xFFFFF800  }
0xdb: {  	[tilespmem:s24], [sflag:$0x2] =	stream.indirect.gather [spmem:s3], $0x10, s6, s23, $0xb8;
	[tilespmem:$0xBF00] =	vst v63  }
0xdc: {  	_ =	swait.ge [sflag:s25], $0x800  }
0xdd: {  	[sflag:s25] =	ssyncset.done $0x0  }
0xde: {  	s6 =	simm.s32 $0x300;
	[sflag:s25] =	ssyncadd.s32 $0xFFFFF800  }
0xdf: {  	[tilespmem:s26], [sflag:$0x3] =	stream.indirect.gather [spmem:s3], $0x10, s6, s23, $0xb8;
	[tilespmem:$0xBF00] =	vst v63  }
0xe0: {  	_ =	swait.ge [sflag:s14], $0x800  }
0xe1: {  	[sflag:s14] =	ssyncset.done $0x0  }
0xe2: {  	s28 =	simm.s32 $0x380;
	s15 =	simm.s32 $0x800;
	[sflag:s14] =	ssyncadd.s32 $0xFFFFF800  }
.LBB2_5:
0xe3: {  	[tilespmem:s29], [sflag:$0x4] =	stream.indirect.gather [spmem:s3], $0x10, s28, s23, $0xb8;
	[tilespmem:$0xBF00] =	vst v63  }
0xe4: {  	s28 =	smov.u32 s15  }
0xe5: {  	p2 =	seq.s32 s15, $0x9000;
	s15 =	sadd.s32 $0x800, s15;
	_ =	swait.ge [sflag:s30], $0x800  }
0xe6: {  	s28 =	sshra.s32 s28, $0x2;
	[sflag:s30] =	ssyncset.done $0x0  }
0xe7: {  	s6 =	sadd.s32 $0x2800, s28;
	[sflag:s30] =	ssyncadd.s32 $0xFFFFF800  }
0xe8: {  	[spmem:s2] =	stream.indirect.scatter.add.bf16 [tilespmem:s18], [sflag:$0x5], $0x10, s6, s23, $0xb8;
	[tilespmem:$0xBF00] =	vst v63  }
0xe9: {  	_ =	swait.ge [sflag:s31], $0x800  }
0xea: {  	[sflag:s31] =	ssyncset.done $0x0  }
0xeb: {  	s6 =	sadd.s32 $0x2880, s28;
	[sflag:s31] =	ssyncadd.s32 $0xFFFFF800  }
0xec: {  	[spmem:s2] =	stream.indirect.scatter.add.bf16 [tilespmem:s24], [sflag:$0x6], $0x10, s6, s23, $0xb8;
	[tilespmem:$0xBF00] =	vst v63  }
0xed: {  	_ =	swait.ge [sflag:s0], $0x800  }
0xee: {  	[sflag:s0] =	ssyncset.done $0x0  }
0xef: {  	s6 =	sadd.s32 $0x2900, s28;
	[sflag:s0] =	ssyncadd.s32 $0xFFFFF800  }
0xf0: {  	[spmem:s2] =	stream.indirect.scatter.add.bf16 [tilespmem:s26], [sflag:$0x7], $0x10, s6, s23, $0xb8;
	[tilespmem:$0xBF00] =	vst v63  }
0xf1: {  	_ =	swait.ge [sflag:s22], $0x800  }
0xf2: {  	[sflag:s22] =	ssyncset.done $0x0  }
0xf3: {  	s6 =	sadd.s32 $0x2980, s28;
	[sflag:s22] =	ssyncadd.s32 $0xFFFFF800  }
0xf4: {  	[spmem:s2] =	stream.indirect.scatter.add.bf16 [tilespmem:s29], [sflag:$0x8], $0x10, s6, s23, $0xb8;
	[tilespmem:$0xBF00] =	vst v63  }
0xf5: {  	_ =	swait.ge [sflag:s12], $0x800  }
0xf6: {  	[sflag:s12] =	ssyncset.done $0x0  }
0xf7: {  	s6 =	sadd.s32 $0x200, s28;
	[sflag:s12] =	ssyncadd.s32 $0xFFFFF800  }
0xf8: {  	[tilespmem:s18], [sflag:$0x1] =	stream.indirect.gather [spmem:s3], $0x10, s6, s23, $0xb8;
	[tilespmem:$0xBF00] =	vst v63  }
0xf9: {  	_ =	swait.ge [sflag:s13], $0x800  }
0xfa: {  	[sflag:s13] =	ssyncset.done $0x0  }
0xfb: {  	s6 =	sadd.s32 $0x280, s28;
	[sflag:s13] =	ssyncadd.s32 $0xFFFFF800  }
0xfc: {  	[tilespmem:s24], [sflag:$0x2] =	stream.indirect.gather [spmem:s3], $0x10, s6, s23, $0xb8;
	[tilespmem:$0xBF00] =	vst v63  }
0xfd: {  	_ =	swait.ge [sflag:s25], $0x800  }
0xfe: {  	[sflag:s25] =	ssyncset.done $0x0  }
.Ltmp6:
0xff: {  	s6 =	sadd.s32 $0x300, s28;
	[sflag:s25] =	ssyncadd.s32 $0xFFFFF800;
	(pc) =	sbr.rel @!p2 .LBB2_5-.Ltmp6, $4  }
0x100: {  	[tilespmem:s26], [sflag:$0x3] =	stream.indirect.gather [spmem:s3], $0x10, s6, s23, $0xb8;
	[tilespmem:$0xBF00] =	vst v63  }
0x101: {  	_ =	swait.ge [sflag:s14], $0x800  }
0x102: {  	[sflag:s14] =	ssyncset.done $0x0  }
0x103: {  	s28 =	sadd.s32 $0x380, s28;
	[sflag:s14] =	ssyncadd.s32 $0xFFFFF800  }
.Ltmp7:
0x104: {  	_ = 	snop;
	(pc) =	sbr.rel .LBB2_6-.Ltmp7, $1  }
0x105: {  	_ =	sdelay $0x3  }
.LBB2_11:
0x106: {  	_ =	sfence.sel $0x180000  }
0x107: {  	[bflag:$0x0] =	sbarrier.arrive $0xFFFF  }
0x108: {  	_ =	strace $0x90000050  }
0x109: {  	[bflag:$0x2] =	sbarrier.arrive $0xFFFF  }
0x10a: {  	p0 =	sne.s32 s1, $0x0;
	s0 =	rddreg [dreg:$0x3]  }
0x10b: {  	s0 =	sadd.s32 @!p0 $0x100000, s0  }
0x10c: {  	[sflag:s0] =	ssyncadd.tile.s32 @!p0 $0x1;
	_ =	shalt  }
.Lfunc_end2:
_tile_overlayer_lowered:
.L_overlay_start_2:
0x10d: {  	(tag) =	ssettag $0x2  }
0x10e: {  	s0 =	rddreg [dreg:$0x0];
	s2 =	stileid.u32  }
0x10f: {  	s1 =	rddreg [dreg:$0x1];
	p0 =	sne.s32 s2, $0x0  }
0x110: {  	s3 =	rddreg [dreg:$0x2];
	[bflag:$0x3] =	sbarrier.arrive $0xFFFF;
	s2 =	simm.s32 @!p0 $0x1C09  }
0x111: {  	[timem:s3], [sflag:s2] =	dma.local @!p0 [hbm:s0], s1  }
0x112: {  	s0 =	simm.s32 @!p0 $0x9  }
0x113: {  	_ =	swait.ge @!p0 [sflag:s0], s1  }
0x114: {  	s1 =	ssub.s32 @!p0 $0x0, s1;
	[sflag:s0] =	ssyncset.done @!p0 $0x0  }
0x115: {  	[sflag:s0] =	ssyncadd.s32 @!p0 s1  }
0x116: {  	[bflag:$0x3] =	sbarrier.arrive $0xFFFF  }
0x117: {  	_ =	shalt  }

</sc_bundles>
